<compile_context>
chip_gen: v7x
topology: tpu7x:2x2x1
jax: 0.10.2.dev20260603
libtpu: 0.0.44.dev20260713+nightly
codegen_flags: <defaults>
</compile_context>

<pallas_src>
import functools

import jax
import jax.numpy as jnp
from jax import lax
from jax.experimental import pallas as pl
from jax.experimental.pallas import tpu as pltpu
from jax.experimental.pallas import tpu_sc as plsc

N = 50000
E = 1600000
G = 1000

NC = 2
NS = 16
CE = 128
NPAD = 50176
EP = 1605632
ROWS_PER_TILE = NPAD // NS
DUMMY_DST = 50100

_BN_SCALE = 1.0 / (1.0 + 1e-5) ** 0.5


def _tanh_vreg(z):
    ez = jnp.exp(z + z)
    return 1.0 - 2.0 / (ez + 1.0)


def _make_sc_conv(D, chunks_per_tile, edge_split):
    mesh = plsc.VectorSubcoreMesh(core_axis_name="c", subcore_axis_name="s",
                                  num_cores=NC, num_subcores=NS)
    assert chunks_per_tile % 2 == 0
    stage_rows = 112
    stage_chunks = ROWS_PER_TILE // stage_rows

    def body(tables, eap, src_h, dst_h, init_h, out_h,
             src0, src1, dst0, dst1, eap0, eap1, rows0, rows1, acc,
             isem0, isem1, dsem0, dsem1):
        c = lax.axis_index("c")
        s = lax.axis_index("s")
        srcb = (src0, src1)
        dstb = (dst0, dst1)
        eapb = (eap0, eap1)
        rowsb = (rows0, rows1)
        isems = (isem0, isem1)
        dsems = (dsem0, dsem1)

        def tbl_at(idx_ref):
            return (tables if edge_split else tables.at[c]).at[idx_ref]

        def eap_at(chunk):
            sl = pl.ds(chunk * CE, CE)
            return eap.at[sl] if edge_split else eap.at[c].at[sl]

        def init_chunk(i, carry):
            r = s * ROWS_PER_TILE + i * stage_rows
            pltpu.sync_copy(init_h.at[c].at[pl.ds(r, stage_rows)],
                            rows0.at[pl.ds(0, stage_rows)])
            pltpu.sync_copy(rows0.at[pl.ds(0, stage_rows)],
                            acc.at[pl.ds(r, stage_rows)])
            return carry
        lax.fori_loop(0, stage_chunks, init_chunk, 0)
        plsc.subcore_barrier()

        base0 = (c * NS + s if edge_split else s) * chunks_per_tile

        def fetch_idx(chunk, b):
            row = base0 + chunk
            pltpu.async_copy(src_h.at[row], srcb[b], isems[b])
            pltpu.async_copy(dst_h.at[row], dstb[b], isems[b])

        def drain_isem(b):
            pltpu.make_async_copy(src_h.at[0], srcb[b], isems[b]).wait()
            pltpu.make_async_copy(dst_h.at[0], dstb[b], isems[b]).wait()

        def fetch_data(chunk, b):
            pltpu.async_copy(eap_at(base0 + chunk), eapb[b], dsems[b])
            pltpu.async_copy(tbl_at(srcb[b]), rowsb[b], dsems[b])

        def drain_dsem(b):
            pltpu.make_async_copy(eap_at(0), eapb[b], dsems[b]).wait()
            pltpu.make_async_copy(eap_at(0), rowsb[b], dsems[b]).wait()

        def compute_scatter(b):
            rows_v = rowsb[b]
            eap_v = eapb[b]

            def cbody(i, carry):
                for r in range(8):
                    e = i * 8 + r
                    for dd in range(D // 16):
                        sl = pl.ds(dd * 16, 16)
                        rows_v[e, sl] = _tanh_vreg(rows_v[e, sl] + eap_v[e, sl])
                return carry
            lax.fori_loop(0, CE // 8, cbody, 0)
            pltpu.sync_copy(rows_v, acc.at[dstb[b]], add=True)

        fetch_idx(0, 0)
        fetch_idx(1, 1)
        drain_isem(0)
        fetch_data(0, 0)

        def step(kk, carry):
            c0 = 2 * kk
            drain_isem(1)
            fetch_data(c0 + 1, 1)
            drain_dsem(0)
            compute_scatter(0)

            @pl.when(c0 + 2 < chunks_per_tile)
            def _():
                fetch_idx(c0 + 2, 0)

            @pl.when(c0 + 2 < chunks_per_tile)
            def _():
                drain_isem(0)
                fetch_data(c0 + 2, 0)
            drain_dsem(1)
            compute_scatter(1)

            @pl.when(c0 + 3 < chunks_per_tile)
            def _():
                fetch_idx(c0 + 3, 1)
            return carry
        lax.fori_loop(0, chunks_per_tile // 2, step, 0)

        plsc.subcore_barrier()

        def out_chunk(i, carry):
            r = s * ROWS_PER_TILE + i * stage_rows
            pltpu.sync_copy(acc.at[pl.ds(r, stage_rows)],
                            rows0.at[pl.ds(0, stage_rows)])
            pltpu.sync_copy(rows0.at[pl.ds(0, stage_rows)],
                            out_h.at[c].at[pl.ds(r, stage_rows)])
            return carry
        lax.fori_loop(0, stage_chunks, out_chunk, 0)

    return pl.kernel(
        body,
        out_type=jax.ShapeDtypeStruct((NC, NPAD, D), jnp.float32),
        mesh=mesh,
        compiler_params=pltpu.CompilerParams(use_tc_tiling_on_sc=False),
        scratch_types=[
            pltpu.VMEM((CE,), jnp.int32),
            pltpu.VMEM((CE,), jnp.int32),
            pltpu.VMEM((CE,), jnp.int32),
            pltpu.VMEM((CE,), jnp.int32),
            pltpu.VMEM((CE, D), jnp.float32),
            pltpu.VMEM((CE, D), jnp.float32),
            pltpu.VMEM((CE, D), jnp.float32),
            pltpu.VMEM((CE, D), jnp.float32),
            pltpu.VMEM_SHARED((NPAD, D), jnp.float32),
            pltpu.SemaphoreType.DMA,
            pltpu.SemaphoreType.DMA,
            pltpu.SemaphoreType.DMA,
            pltpu.SemaphoreType.DMA,
        ],
    )


_sc_conv1 = _make_sc_conv(32, EP // (NS * CE), edge_split=False)
_sc_conv2 = _make_sc_conv(16, EP // (NC * NS * CE), edge_split=True)

GP = 1024
RC = 112
NPT = NPAD // NS


def _readout_body(gsh_h, bat_h, h2_h, emb_h, att_h,
                  bat_v, g_v, gex_v, h2_v, valn_v, vald_v, att_v,
                  dbuf, nbuf, numer_sh, den_sh):
    c = lax.axis_index("c")
    s = lax.axis_index("s")
    zero16 = jnp.zeros((16,), jnp.float32)
    zidx = jnp.zeros((16,), jnp.int32)

    def z_row(r, carry):
        valn_v[r, pl.ds(0, 16)] = zero16
        return carry
    lax.fori_loop(0, GP // NS, z_row, 0)
    pltpu.sync_copy(valn_v.at[pl.ds(0, GP // NS)],
                    numer_sh.at[pl.ds(s * (GP // NS), GP // NS)])
    pltpu.sync_copy(valn_v.at[pl.ds(0, GP // NS)],
                    den_sh.at[pl.ds(s * (GP // NS), GP // NS)])
    plsc.subcore_barrier()

    def acc_chunk(i, carry):
        base = s * NPT + i * RC
        pltpu.sync_copy(gsh_h.at[pl.ds(base, RC)], g_v)
        pltpu.sync_copy(bat_h.at[pl.ds(base, RC)], bat_v)
        pltpu.sync_copy(h2_h.at[pl.ds(base, RC)], h2_v)

        def vexp(j, carry2):
            gex_v[pl.ds(j * 16, 16)] = jnp.exp(g_v[pl.ds(j * 16, 16)])
            return carry2
        lax.fori_loop(0, RC // 16, vexp, 0)

        def rowfill(j, carry2):
            ge = gex_v[pl.ds(j * 16, 16)]
            for r in range(16):
                e = j * 16 + r
                z = ge[r]
                valn_v[e, pl.ds(0, 16)] = h2_v[e, pl.ds(0, 16)] * z
                vald_v[e, pl.ds(0, 16)] = jnp.full((16,), z, jnp.float32)
            return carry2
        lax.fori_loop(0, RC // 16, rowfill, 0)

        pltpu.sync_copy(valn_v, numer_sh.at[bat_v], add=True)
        pltpu.sync_copy(vald_v, den_sh.at[bat_v], add=True)
        return carry
    lax.fori_loop(0, NPT // RC, acc_chunk, 0)
    plsc.subcore_barrier()

    pltpu.sync_copy(den_sh, dbuf)

    def att_chunk(i, carry):
        base = c * (NPAD // 2) + s * (NPAD // 2 // NS) + i * RC
        pltpu.sync_copy(gsh_h.at[pl.ds(base, RC)], g_v)
        pltpu.sync_copy(bat_h.at[pl.ds(base, RC)], bat_v)

        def vatt(j, carry2):
            sl = pl.ds(j * 16, 16)
            ge = jnp.exp(g_v[sl])
            den = plsc.load_gather(dbuf, [bat_v[sl], zidx])
            att_v[sl] = ge / (den + 1e-16)
            return carry2
        lax.fori_loop(0, RC // 16, vatt, 0)
        pltpu.sync_copy(att_v, att_h.at[pl.ds(base, RC)])
        return carry
    lax.fori_loop(0, NPAD // 2 // NS // RC, att_chunk, 0)

    @pl.when(c == 0)
    def _():
        r0 = s * (GP // NS)
        pltpu.sync_copy(numer_sh.at[pl.ds(r0, GP // NS)], nbuf)

        def erow(r, carry):
            dvec = dbuf[r0 + r, pl.ds(0, 16)]
            dv = jnp.full((16,), dvec[0], jnp.float32)
            nbuf[r, pl.ds(0, 16)] = nbuf[r, pl.ds(0, 16)] / (dv + 1e-16)
            return carry
        lax.fori_loop(0, GP // NS, erow, 0)
        pltpu.sync_copy(nbuf, emb_h.at[pl.ds(r0, GP // NS)])


_sc_readout = pl.kernel(
    _readout_body,
    out_type=(jax.ShapeDtypeStruct((GP, 16), jnp.float32),
              jax.ShapeDtypeStruct((NPAD,), jnp.float32)),
    mesh=plsc.VectorSubcoreMesh(core_axis_name="c", subcore_axis_name="s",
                                num_cores=NC, num_subcores=NS),
    compiler_params=pltpu.CompilerParams(use_tc_tiling_on_sc=False,
                                         needs_layout_passes=False),
    scratch_types=[
        pltpu.VMEM((RC,), jnp.int32),
        pltpu.VMEM((RC,), jnp.float32),
        pltpu.VMEM((RC,), jnp.float32),
        pltpu.VMEM((RC, 16), jnp.float32),
        pltpu.VMEM((RC, 16), jnp.float32),
        pltpu.VMEM((RC, 16), jnp.float32),
        pltpu.VMEM((RC,), jnp.float32),
        pltpu.VMEM((GP, 16), jnp.float32),
        pltpu.VMEM((GP // NS, 16), jnp.float32),
        pltpu.VMEM_SHARED((GP, 16), jnp.float32),
        pltpu.VMEM_SHARED((GP, 16), jnp.float32),
    ],
)


NB = 1024
NBLK = NPAD // NB


def _prep1_body(x_ref, wx_ref, bx_ref, wr_ref, br_ref, xps_ref, init_ref):
    xb = x_ref[...]
    xps_ref[0] = xb @ wx_ref[0] + bx_ref[0]
    init_ref[0] = jnp.tanh(xb @ wr_ref[0] + br_ref[0])


def _prep1(xp40, Wx_s, bx_s, Wr_s, br_s):
    return pl.pallas_call(
        _prep1_body,
        grid=(2, NBLK),
        in_specs=[
            pl.BlockSpec((NB, 40), lambda h, i: (i, 0)),
            pl.BlockSpec((1, 40, 32), lambda h, i: (h, 0, 0)),
            pl.BlockSpec((1, 1, 32), lambda h, i: (h, 0, 0)),
            pl.BlockSpec((1, 40, 32), lambda h, i: (h, 0, 0)),
            pl.BlockSpec((1, 1, 32), lambda h, i: (h, 0, 0)),
        ],
        out_specs=[
            pl.BlockSpec((1, NB, 32), lambda h, i: (h, i, 0)),
            pl.BlockSpec((1, NB, 32), lambda h, i: (h, i, 0)),
        ],
        out_shape=[
            jax.ShapeDtypeStruct((2, NPAD, 32), jnp.float32),
            jax.ShapeDtypeStruct((2, NPAD, 32), jnp.float32),
        ],
    )(xp40, Wx_s, bx_s, Wr_s, br_s)


def _eap_body(ea_ref, w_ref, out_ref):
    out_ref[0] = ea_ref[...] @ w_ref[0]


def _eap(eap8, W_s, nhalf, dout):
    BE = 16384
    return pl.pallas_call(
        _eap_body,
        grid=(nhalf, EP // BE),
        in_specs=[
            pl.BlockSpec((BE, 8), lambda h, i: (i, 0)),
            pl.BlockSpec((1, 8, dout), lambda h, i: (h, 0, 0)),
        ],
        out_specs=pl.BlockSpec((1, BE, dout), lambda h, i: (h, i, 0)),
        out_shape=jax.ShapeDtypeStruct((nhalf, EP, dout), jnp.float32),
    )(eap8, W_s)


def _prep2_body(h_ref, wh_ref, bh_ref, wr_ref, br_ref, xp2_ref, root2_ref):
    hb = h_ref[...]
    xp2_ref[...] = hb @ wh_ref[...] + bh_ref[...]
    root2_ref[...] = jnp.tanh(hb @ wr_ref[...] + br_ref[...])


def _prep2(h1p, W2h, b2, Wr2, br2):
    return pl.pallas_call(
        _prep2_body,
        grid=(NBLK,),
        in_specs=[
            pl.BlockSpec((NB, 64), lambda i: (i, 0)),
            pl.BlockSpec((64, 16), lambda i: (0, 0)),
            pl.BlockSpec((1, 16), lambda i: (0, 0)),
            pl.BlockSpec((64, 16), lambda i: (0, 0)),
            pl.BlockSpec((1, 16), lambda i: (0, 0)),
        ],
        out_specs=[
            pl.BlockSpec((NB, 16), lambda i: (i, 0)),
            pl.BlockSpec((NB, 16), lambda i: (i, 0)),
        ],
        out_shape=[
            jax.ShapeDtypeStruct((NPAD, 16), jnp.float32),
            jax.ShapeDtypeStruct((NPAD, 16), jnp.float32),
        ],
    )(h1p, W2h, b2[None, :], Wr2, br2[None, :])


def _gate_body(h_ref, w1_ref, b1_ref, w2_ref, b2_ref, w3_ref, b3_ref,
               gate_ref, bmax_ref):
    g = jnp.maximum(h_ref[...] @ w1_ref[...] + b1_ref[...], 0.0)
    g = jnp.maximum(g @ w2_ref[...] + b2_ref[...], 0.0)
    g = g @ w3_ref[...] + b3_ref[...]
    gate_ref[...] = g
    rid = lax.broadcasted_iota(jnp.int32, (NB, 1), 0) + pl.program_id(0) * NB
    m = jnp.max(jnp.where(rid < N, g[:, :1], -jnp.inf))
    bmax_ref[...] = jnp.broadcast_to(m, (1, 1, 128))


def _gate(h2p, Wg1, bg1, Wg2, bg2, Wg3, bg3):
    return pl.pallas_call(
        _gate_body,
        grid=(NBLK,),
        in_specs=[
            pl.BlockSpec((NB, 16), lambda i: (i, 0)),
            pl.BlockSpec((16, 64), lambda i: (0, 0)),
            pl.BlockSpec((1, 64), lambda i: (0, 0)),
            pl.BlockSpec((64, 32), lambda i: (0, 0)),
            pl.BlockSpec((1, 32), lambda i: (0, 0)),
            pl.BlockSpec((32, 128), lambda i: (0, 0)),
            pl.BlockSpec((1, 128), lambda i: (0, 0)),
        ],
        out_specs=[
            pl.BlockSpec((NB, 128), lambda i: (i, 0)),
            pl.BlockSpec((1, 1, 128), lambda i: (i, 0, 0)),
        ],
        out_shape=[
            jax.ShapeDtypeStruct((NPAD, 128), jnp.float32),
            jax.ShapeDtypeStruct((NBLK, 1, 128), jnp.float32),
        ],
    )(h2p, Wg1, bg1[None, :], Wg2, bg2[None, :], Wg3, bg3[None, :])


def _head_body(emb_ref, W1_ref, b1_ref, W2_ref, b2_ref, W3_ref, b3_ref,
               Wo_ref, bo_ref, s1_ref, t1_ref, s2_ref, t2_ref, s3_ref, t3_ref,
               out_ref):
    o = jnp.maximum(emb_ref[...] @ W1_ref[...] + b1_ref[...], 0.0)
    o = o * s1_ref[...] + t1_ref[...]
    o = jnp.maximum(o @ W2_ref[...] + b2_ref[...], 0.0)
    o = o * s2_ref[...] + t2_ref[...]
    o = jnp.maximum(o @ W3_ref[...] + b3_ref[...], 0.0)
    o = o * s3_ref[...] + t3_ref[...]
    out_ref[...] = o @ Wo_ref[...] + bo_ref[...]


def _mlp_head(emb, W1, b1, W2, b2, W3, b3, Wo, bo, g1, be1, g2, be2, g3, be3):
    Gp = 1024
    embp = jnp.zeros((Gp, 16), jnp.float32).at[:G].set(emb)
    out = pl.pallas_call(
        _head_body,
        out_shape=jax.ShapeDtypeStruct((Gp, 1), jnp.float32),
    )(embp, W1, b1[None, :], W2, b2[None, :], W3, b3[None, :], Wo, bo[None, :],
      (g1 * _BN_SCALE)[None, :], be1[None, :],
      (g2 * _BN_SCALE)[None, :], be2[None, :],
      (g3 * _BN_SCALE)[None, :], be3[None, :])
    return out[:G, 0]


def kernel(x, edge_index, edge_attr, batch, W_neg1, b_neg1, W_root1, b_root1,
           W_neg2, b_neg2, W_root2, b_root2, Wg1, bg1, Wg2, bg2, Wg3, bg3,
           W1, b1, W2, b2, W3, b3, Wo, bo, g1, be1, g2, be2, g3, be3):
    src = edge_index[1]
    dst = edge_index[0]
    srcp = jnp.pad(src, (0, EP - E)).reshape(EP // 128, 128)
    dstp = jnp.pad(dst, (0, EP - E), constant_values=DUMMY_DST).reshape(EP // 128, 128)
    eap8 = jnp.pad(edge_attr, ((0, EP - E), (0, 2)))

    W1x = W_neg1[:39]
    W1e = W_neg1[39:]
    xpad = jnp.pad(x, ((0, NPAD - N), (0, 1)))
    Wx_s = jnp.pad(jnp.stack([W1x[:, :32], W1x[:, 32:]]), ((0, 0), (0, 1), (0, 0)))
    bx_s = jnp.stack([b_neg1[None, :32], b_neg1[None, 32:]])
    Wr_s = jnp.pad(jnp.stack([W_root1[:, :32], W_root1[:, 32:]]),
                   ((0, 0), (0, 1), (0, 0)))
    br_s = jnp.stack([b_root1[None, :32], b_root1[None, 32:]])
    xps, init1 = _prep1(xpad, Wx_s, bx_s, Wr_s, br_s)
    W1e_s = jnp.pad(jnp.stack([W1e[:, :32], W1e[:, 32:]]), ((0, 0), (0, 2), (0, 0)))
    eaps1 = jnp.einsum('ek,hkd->hed', eap8, W1e_s)
    out1 = _sc_conv1(xps, eaps1, srcp, dstp, init1)
    h1p = jnp.concatenate([out1[0], out1[1]], axis=1)

    xp2, root2p = _prep2(h1p, W_neg2[:64], b_neg2, W_root2, b_root2)
    W2e_s = jnp.pad(W_neg2[64:], ((0, 2), (0, 0)))
    eap2 = eap8 @ W2e_s
    init2 = jnp.stack([root2p, jnp.zeros_like(root2p)])
    out2 = _sc_conv2(xp2, eap2, srcp, dstp, init2)
    h2p = out2[0] + out2[1]

    Wg3p = jnp.pad(Wg3, ((0, 0), (0, 127)))
    bg3p = jnp.pad(bg3, (0, 127))
    gate_full, bmax = _gate(h2p, Wg1, bg1, Wg2, bg2, Wg3p, bg3p)
    gsh = gate_full[:, 0] - jnp.max(bmax)
    batp = jnp.pad(batch, (0, NPAD - N), constant_values=G)
    embf, attf = _sc_readout(gsh, batp, h2p)
    emb = embf[:G]
    att = attf[:N, None]

    o = _mlp_head(emb, W1, b1, W2, b2, W3, b3, Wo, bo,
                  g1, be1, g2, be2, g3, be3)
    return (o, att)

# --- scband reference (transcript-rebuilt; emitter-appended) ---
"""Pipeline reference for scband-ccpgraph-65257733096005 (READ-ONLY COPY).

The authoritative reference and input builder live on the scoring server;
editing this copy changes nothing except your own understanding.
"""

import jax, jax.numpy as jnp
import numpy as np

N = 50000
E = 1600000
G = 1000


def _lin_params(key, din, dout):
    k1, k2 = jax.random.split(key)
    lim = 1.0 / np.sqrt(din)
    W = jax.random.uniform(k1, (din, dout), jnp.float32, -lim, lim)
    b = jax.random.uniform(k2, (dout,), jnp.float32, -lim, lim)
    return W, b


def setup_inputs(seed: int = 0):
    key = jax.random.key(seed)
    ks = jax.random.split(key, 20)
    x = jax.random.normal(ks[0], (N, 39), jnp.float32)
    edge_index = jax.random.randint(ks[1], (2, E), 0, N, jnp.int32)
    edge_attr = jax.random.normal(ks[2], (E, 6), jnp.float32)
    # sorted graph-assignment vector; guarantee every graph id appears so size == G
    batch = jnp.sort(jnp.concatenate([jnp.arange(G, dtype=jnp.int32), jax.random.randint(ks[3], (N - G,), 0, G, jnp.int32)]))
    inp = {"x": x, "edge_index": edge_index, "edge_attr": edge_attr, "batch": batch}
    dims = [("W_neg1", "b_neg1", 45, 64), ("W_root1", "b_root1", 39, 64), ("W_neg2", "b_neg2", 70, 16), ("W_root2", "b_root2", 64, 16), ("Wg1", "bg1", 16, 64), ("Wg2", "bg2", 64, 32), ("Wg3", "bg3", 32, 1), ("W1", "b1", 16, 512), ("W2", "b2", 512, 512), ("W3", "b3", 512, 128), ("Wo", "bo", 128, 1)]
    for i, (wn, bn, din, dout) in enumerate(dims):
        W, b = _lin_params(ks[4 + i], din, dout)
        inp[wn] = W
        inp[bn] = b
    for nm, d in [("g1", 512), ("be1", 512), ("g2", 512), ("be2", 512), ("g3", 128), ("be3", 128)]:
        inp[nm] = jnp.ones((d,), jnp.float32) if nm.startswith("g") else jnp.zeros((d,), jnp.float32)
    return inp


def _bn_eval(a, g, be):
    # BatchNorm1d in eval mode with fresh running stats (mean=0, var=1), eps=1e-5
    return a / jnp.sqrt(1.0 + 1e-5) * g + be


def _conv(x, ei, ea, Wn, bn, Wr, br):
    # message: tanh(Linear([x_src, edge_attr])) then scatter-add to dst (edge_index[0])
    m = jnp.tanh(jnp.concatenate([x[ei[1]], ea], axis=1) @ Wn + bn)
    agg = jax.ops.segment_sum(m, ei[0], num_segments=x.shape[0])
    return jnp.tanh(x @ Wr + br) + agg


def reference(x, edge_index, edge_attr, batch, W_neg1, b_neg1, W_root1, b_root1, W_neg2, b_neg2, W_root2, b_root2, Wg1, bg1, Wg2, bg2, Wg3, bg3, W1, b1, W2, b2, W3, b3, Wo, bo, g1, be1, g2, be2, g3, be3):
    size = G
    h = _conv(x, edge_index, edge_attr, W_neg1, b_neg1, W_root1, b_root1)
    h = _conv(h, edge_index, edge_attr, W_neg2, b_neg2, W_root2, b_root2)
    # GlobalAttention readout: gate_nn MLP -> segment softmax -> weighted scatter-add
    gate = jax.nn.relu(h @ Wg1 + bg1)
    gate = jax.nn.relu(gate @ Wg2 + bg2)
    gate = gate @ Wg3 + bg3
    gmax = jax.ops.segment_max(gate, batch, num_segments=size)
    gexp = jnp.exp(gate - gmax[batch])
    gden = jax.ops.segment_sum(gexp, batch, num_segments=size)
    att = gexp / (gden[batch] + 1e-16)
    emb = jax.ops.segment_sum(att * h, batch, num_segments=size)
    # MLP head (dropout = identity in eval)
    o = _bn_eval(jax.nn.relu(emb @ W1 + b1), g1, be1)
    o = _bn_eval(jax.nn.relu(o @ W2 + b2), g2, be2)
    o = _bn_eval(jax.nn.relu(o @ W3 + b3), g3, be3)
    o = o @ Wo + bo
    return (o.reshape(-1), att)

if __name__ == "__main__":
    import jax
    _d = setup_inputs()
    print(jax.jit(kernel)(*tuple(_d.values())))

</pallas_src>

<mosaic_0001>
#map = affine_map<(d0, d1) -> (0)>
#map1 = affine_map<(d0, d1) -> (0, 0)>
module attributes {stable_mosaic.version = 14 : i64} {
  func.func @_readout_body(%arg0: i32, %arg1: i32, %arg2: memref<50176xf32, #tpu.memory_space<hbm>>, %arg3: memref<50176xi32, #tpu.memory_space<hbm>>, %arg4: memref<50176x16xf32, #tpu.memory_space<hbm>>, %arg5: memref<1024x16xf32, #tpu.memory_space<hbm>>, %arg6: memref<50176xf32, #tpu.memory_space<hbm>>, %arg7: memref<112xi32, #tpu.memory_space<vmem>>, %arg8: memref<112xf32, #tpu.memory_space<vmem>>, %arg9: memref<112xf32, #tpu.memory_space<vmem>>, %arg10: memref<112x16xf32, #tpu.memory_space<vmem>>, %arg11: memref<112x16xf32, #tpu.memory_space<vmem>>, %arg12: memref<112x16xf32, #tpu.memory_space<vmem>>, %arg13: memref<112xf32, #tpu.memory_space<vmem>>, %arg14: memref<1024x16xf32, #tpu.memory_space<vmem>>, %arg15: memref<64x16xf32, #tpu.memory_space<vmem>>, %arg16: memref<1024x16xf32, #tpu.memory_space<vmem_shared>>, %arg17: memref<1024x16xf32, #tpu.memory_space<vmem_shared>>) attributes {dimension_semantics = [#tpu.dimension_semantics<core_parallel>, #tpu.dimension_semantics<subcore_parallel>], iteration_bounds = array<i64: 2, 16>, scalar_prefetch = 0 : i64, scratch_operands = 11 : i64, tpu.core_type = #tpu.core_type<sc_vector_subcore>, window_params = [{transform_indices = #map}, {transform_indices = #map}, {transform_indices = #map1}, {transform_indices = #map1}, {transform_indices = #map}]} {
    %broadcast_in_dim3A = arith.constant 0.000000e+00 : f32
    %broadcast_in_dim3A_0 = vector.broadcast %broadcast_in_dim3A : f32 to vector<16xf32>
    %broadcast_in_dim3A_1 = arith.constant 0 : i32
    %broadcast_in_dim3A_2 = vector.broadcast %broadcast_in_dim3A_1 : i32 to vector<16xi32>
    %scan3A = arith.constant 0 : i32
    %scan3A_3 = arith.constant 0 : i32
    %scan3A_4 = arith.constant 64 : i32
    %scan3A_5 = arith.addi %scan3A_3, %scan3A_4 : i32
    %scan3A_6 = arith.constant 1 : i32
    scf.for %scan3A_26 = %scan3A_3 to %scan3A_5 step %scan3A_6  : i32 {
      %swap3A = arith.index_cast %scan3A_26 : i32 to index
      %swap3A_27 = arith.constant 0 : index
      %swap3A_28 = tpu.vector_load %arg11[%swap3A, %swap3A_27] {strides = array<i32>} : memref<112x16xf32, #tpu.memory_space<vmem>>, vector<16xf32>,
      tpu.vector_store %arg11[%swap3A, %swap3A_27], %broadcast_in_dim3A_0 {strides = array<i32>} : memref<112x16xf32, #tpu.memory_space<vmem>>, vector<16xf32>,
    }
    %scan3A_7 = arith.constant 64 : i32
    %mul3A = arith.constant 64 : i32
    %mul3A_8 = arith.muli %arg1, %mul3A : i32
    "tpu.region"() ({
      %run_scoped3A = tpu.sem_alloc : memref<!tpu.dma_semaphore, #tpu.memory_space<semaphore_mem>>
      %dma_start3A = arith.constant 0 : i32
      %dma_start3A_26 = arith.constant 0 : i32
      %dma_start3A_27 = tpu.memref_slice %arg11[%dma_start3A, %dma_start3A_26] : memref<112x16xf32, #tpu.memory_space<vmem>> -> memref<64x16xf32, #tpu.memory_space<vmem>>
      %dma_start3A_28 = arith.constant 0 : i32
      %dma_start3A_29 = tpu.memref_slice %arg16[%mul3A_8, %dma_start3A_28] : memref<1024x16xf32, #tpu.memory_space<vmem_shared>> -> memref<64x16xf32, #tpu.memory_space<vmem_shared>>
      %dma_start3A_30 = arith.constant 0 : i32
      %dma_start3A_31 = tpu.memref_slice %arg16[%mul3A_8, %dma_start3A_30] : memref<1024x16xf32, #tpu.memory_space<vmem_shared>> -> memref<64x16xf32, #tpu.memory_space<vmem_shared>>
      %dma_start3A_32 = arith.constant 0 : i32
      %dma_start3A_33 = arith.constant 0 : i32
      %dma_start3A_34 = tpu.memref_slice %arg11[%dma_start3A_32, %dma_start3A_33] : memref<112x16xf32, #tpu.memory_space<vmem>> -> memref<64x16xf32, #tpu.memory_space<vmem>>
      tpu.enqueue_dma source(%dma_start3A_34 : memref<64x16xf32, #tpu.memory_space<vmem>>) target(%dma_start3A_31 : memref<64x16xf32, #tpu.memory_space<vmem_shared>>) target_semaphore(%run_scoped3A : memref<!tpu.dma_semaphore, #tpu.memory_space<semaphore_mem>>)
      %dma_wait3A = arith.constant 0 : i32
      %dma_wait3A_35 = arith.constant 0 : i32
      %dma_wait3A_36 = tpu.memref_slice %arg11[%dma_wait3A, %dma_wait3A_35] : memref<112x16xf32, #tpu.memory_space<vmem>> -> memref<64x16xf32, #tpu.memory_space<vmem>>
      %dma_wait3A_37 = arith.constant 0 : i32
      %dma_wait3A_38 = tpu.memref_slice %arg16[%mul3A_8, %dma_wait3A_37] : memref<1024x16xf32, #tpu.memory_space<vmem_shared>> -> memref<64x16xf32, #tpu.memory_space<vmem_shared>>
      %dma_wait3A_39 = arith.constant 0 : i32
      %dma_wait3A_40 = tpu.memref_slice %arg16[%mul3A_8, %dma_wait3A_39] : memref<1024x16xf32, #tpu.memory_space<vmem_shared>> -> memref<64x16xf32, #tpu.memory_space<vmem_shared>>
      %dma_wait3A_41 = arith.constant 0 : i32
      %dma_wait3A_42 = arith.constant 0 : i32
      %dma_wait3A_43 = tpu.memref_slice %arg11[%dma_wait3A_41, %dma_wait3A_42] : memref<112x16xf32, #tpu.memory_space<vmem>> -> memref<64x16xf32, #tpu.memory_space<vmem>>
      tpu.wait_dma2 semaphore(%run_scoped3A : memref<!tpu.dma_semaphore, #tpu.memory_space<semaphore_mem>>) src(%dma_wait3A_43 : memref<64x16xf32, #tpu.memory_space<vmem>>) dst(%dma_wait3A_40 : memref<64x16xf32, #tpu.memory_space<vmem_shared>>)
      tpu.yield
    }) : () -> ()
    %mul3A_9 = arith.constant 64 : i32
    %mul3A_10 = arith.muli %arg1, %mul3A_9 : i32
    "tpu.region"() ({
      %run_scoped3A = tpu.sem_alloc : memref<!tpu.dma_semaphore, #tpu.memory_space<semaphore_mem>>
      %dma_start3A = arith.constant 0 : i32
      %dma_start3A_26 = arith.constant 0 : i32
      %dma_start3A_27 = tpu.memref_slice %arg11[%dma_start3A, %dma_start3A_26] : memref<112x16xf32, #tpu.memory_space<vmem>> -> memref<64x16xf32, #tpu.memory_space<vmem>>
      %dma_start3A_28 = arith.constant 0 : i32
      %dma_start3A_29 = tpu.memref_slice %arg17[%mul3A_10, %dma_start3A_28] : memref<1024x16xf32, #tpu.memory_space<vmem_shared>> -> memref<64x16xf32, #tpu.memory_space<vmem_shared>>
      %dma_start3A_30 = arith.constant 0 : i32
      %dma_start3A_31 = tpu.memref_slice %arg17[%mul3A_10, %dma_start3A_30] : memref<1024x16xf32, #tpu.memory_space<vmem_shared>> -> memref<64x16xf32, #tpu.memory_space<vmem_shared>>
      %dma_start3A_32 = arith.constant 0 : i32
      %dma_start3A_33 = arith.constant 0 : i32
      %dma_start3A_34 = tpu.memref_slice %arg11[%dma_start3A_32, %dma_start3A_33] : memref<112x16xf32, #tpu.memory_space<vmem>> -> memref<64x16xf32, #tpu.memory_space<vmem>>
      tpu.enqueue_dma source(%dma_start3A_34 : memref<64x16xf32, #tpu.memory_space<vmem>>) target(%dma_start3A_31 : memref<64x16xf32, #tpu.memory_space<vmem_shared>>) target_semaphore(%run_scoped3A : memref<!tpu.dma_semaphore, #tpu.memory_space<semaphore_mem>>)
      %dma_wait3A = arith.constant 0 : i32
      %dma_wait3A_35 = arith.constant 0 : i32
      %dma_wait3A_36 = tpu.memref_slice %arg11[%dma_wait3A, %dma_wait3A_35] : memref<112x16xf32, #tpu.memory_space<vmem>> -> memref<64x16xf32, #tpu.memory_space<vmem>>
      %dma_wait3A_37 = arith.constant 0 : i32
      %dma_wait3A_38 = tpu.memref_slice %arg17[%mul3A_10, %dma_wait3A_37] : memref<1024x16xf32, #tpu.memory_space<vmem_shared>> -> memref<64x16xf32, #tpu.memory_space<vmem_shared>>
      %dma_wait3A_39 = arith.constant 0 : i32
      %dma_wait3A_40 = tpu.memref_slice %arg17[%mul3A_10, %dma_wait3A_39] : memref<1024x16xf32, #tpu.memory_space<vmem_shared>> -> memref<64x16xf32, #tpu.memory_space<vmem_shared>>
      %dma_wait3A_41 = arith.constant 0 : i32
      %dma_wait3A_42 = arith.constant 0 : i32
      %dma_wait3A_43 = tpu.memref_slice %arg11[%dma_wait3A_41, %dma_wait3A_42] : memref<112x16xf32, #tpu.memory_space<vmem>> -> memref<64x16xf32, #tpu.memory_space<vmem>>
      tpu.wait_dma2 semaphore(%run_scoped3A : memref<!tpu.dma_semaphore, #tpu.memory_space<semaphore_mem>>) src(%dma_wait3A_43 : memref<64x16xf32, #tpu.memory_space<vmem>>) dst(%dma_wait3A_40 : memref<64x16xf32, #tpu.memory_space<vmem_shared>>)
      tpu.yield
    }) : () -> ()
    %barrier3A = arith.constant 0 : index
    tpu.barrier barrier_id(%barrier3A)
    %scan3A_11 = arith.constant 0 : i32
    %scan3A_12 = arith.constant 0 : i32
    %scan3A_13 = arith.constant 28 : i32
    %scan3A_14 = arith.addi %scan3A_12, %scan3A_13 : i32
    %scan3A_15 = arith.constant 1 : i32
    scf.for %scan3A_26 = %scan3A_12 to %scan3A_14 step %scan3A_15  : i32 {
      %mul3A_27 = arith.constant 3136 : i32
      %mul3A_28 = arith.muli %arg1, %mul3A_27 : i32
      %mul3A_29 = arith.constant 112 : i32
      %mul3A_30 = arith.muli %scan3A_26, %mul3A_29 : i32
      %add3A = arith.addi %mul3A_28, %mul3A_30 : i32
      "tpu.region"() ({
        %run_scoped3A = tpu.sem_alloc : memref<!tpu.dma_semaphore, #tpu.memory_space<semaphore_mem>>
        %dma_start3A = tpu.memref_slice %arg2[%add3A] : memref<50176xf32, #tpu.memory_space<hbm>> -> memref<112xf32, #tpu.memory_space<hbm>>
        %dma_start3A_43 = tpu.memref_slice %arg2[%add3A] : memref<50176xf32, #tpu.memory_space<hbm>> -> memref<112xf32, #tpu.memory_space<hbm>>
        tpu.enqueue_dma source(%dma_start3A_43 : memref<112xf32, #tpu.memory_space<hbm>>) target(%arg8 : memref<112xf32, #tpu.memory_space<vmem>>) target_semaphore(%run_scoped3A : memref<!tpu.dma_semaphore, #tpu.memory_space<semaphore_mem>>)
        %dma_wait3A = tpu.memref_slice %arg2[%add3A] : memref<50176xf32, #tpu.memory_space<hbm>> -> memref<112xf32, #tpu.memory_space<hbm>>
        %dma_wait3A_44 = tpu.memref_slice %arg2[%add3A] : memref<50176xf32, #tpu.memory_space<hbm>> -> memref<112xf32, #tpu.memory_space<hbm>>
        tpu.wait_dma2 semaphore(%run_scoped3A : memref<!tpu.dma_semaphore, #tpu.memory_space<semaphore_mem>>) src(%dma_wait3A_44 : memref<112xf32, #tpu.memory_space<hbm>>) dst(%arg8 : memref<112xf32, #tpu.memory_space<vmem>>)
        tpu.yield
      }) : () -> ()
      "tpu.region"() ({
        %run_scoped3A = tpu.sem_alloc : memref<!tpu.dma_semaphore, #tpu.memory_space<semaphore_mem>>
        %dma_start3A = tpu.memref_slice %arg3[%add3A] : memref<50176xi32, #tpu.memory_space<hbm>> -> memref<112xi32, #tpu.memory_space<hbm>>
        %dma_start3A_43 = tpu.memref_slice %arg3[%add3A] : memref<50176xi32, #tpu.memory_space<hbm>> -> memref<112xi32, #tpu.memory_space<hbm>>
        tpu.enqueue_dma source(%dma_start3A_43 : memref<112xi32, #tpu.memory_space<hbm>>) target(%arg7 : memref<112xi32, #tpu.memory_space<vmem>>) target_semaphore(%run_scoped3A : memref<!tpu.dma_semaphore, #tpu.memory_space<semaphore_mem>>)
        %dma_wait3A = tpu.memref_slice %arg3[%add3A] : memref<50176xi32, #tpu.memory_space<hbm>> -> memref<112xi32, #tpu.memory_space<hbm>>
        %dma_wait3A_44 = tpu.memref_slice %arg3[%add3A] : memref<50176xi32, #tpu.memory_space<hbm>> -> memref<112xi32, #tpu.memory_space<hbm>>
        tpu.wait_dma2 semaphore(%run_scoped3A : memref<!tpu.dma_semaphore, #tpu.memory_space<semaphore_mem>>) src(%dma_wait3A_44 : memref<112xi32, #tpu.memory_space<hbm>>) dst(%arg7 : memref<112xi32, #tpu.memory_space<vmem>>)
        tpu.yield
      }) : () -> ()
      "tpu.region"() ({
        %run_scoped3A = tpu.sem_alloc : memref<!tpu.dma_semaphore, #tpu.memory_space<semaphore_mem>>
        %dma_start3A = arith.constant 0 : i32
        %dma_start3A_43 = tpu.memref_slice %arg4[%add3A, %dma_start3A] : memref<50176x16xf32, #tpu.memory_space<hbm>> -> memref<112x16xf32, #tpu.memory_space<hbm>>
        %dma_start3A_44 = arith.constant 0 : i32
        %dma_start3A_45 = tpu.memref_slice %arg4[%add3A, %dma_start3A_44] : memref<50176x16xf32, #tpu.memory_space<hbm>> -> memref<112x16xf32, #tpu.memory_space<hbm>>
        tpu.enqueue_dma source(%dma_start3A_45 : memref<112x16xf32, #tpu.memory_space<hbm>>) target(%arg10 : memref<112x16xf32, #tpu.memory_space<vmem>>) target_semaphore(%run_scoped3A : memref<!tpu.dma_semaphore, #tpu.memory_space<semaphore_mem>>)
        %dma_wait3A = arith.constant 0 : i32
        %dma_wait3A_46 = tpu.memref_slice %arg4[%add3A, %dma_wait3A] : memref<50176x16xf32, #tpu.memory_space<hbm>> -> memref<112x16xf32, #tpu.memory_space<hbm>>
        %dma_wait3A_47 = arith.constant 0 : i32
        %dma_wait3A_48 = tpu.memref_slice %arg4[%add3A, %dma_wait3A_47] : memref<50176x16xf32, #tpu.memory_space<hbm>> -> memref<112x16xf32, #tpu.memory_space<hbm>>
        tpu.wait_dma2 semaphore(%run_scoped3A : memref<!tpu.dma_semaphore, #tpu.memory_space<semaphore_mem>>) src(%dma_wait3A_48 : memref<112x16xf32, #tpu.memory_space<hbm>>) dst(%arg10 : memref<112x16xf32, #tpu.memory_space<vmem>>)
        tpu.yield
      }) : () -> ()
      %scan3A_31 = arith.constant 0 : i32
      %scan3A_32 = arith.constant 0 : i32
      %scan3A_33 = arith.constant 7 : i32
      %scan3A_34 = arith.addi %scan3A_32, %scan3A_33 : i32
      %scan3A_35 = arith.constant 1 : i32
      scf.for %scan3A_43 = %scan3A_32 to %scan3A_34 step %scan3A_35  : i32 {
        %mul3A_44 = arith.constant 16 : i32
        %mul3A_45 = arith.muli %scan3A_43, %mul3A_44 : i32
        %get3A = arith.index_cast %mul3A_45 : i32 to index
        %get3A_46 = tpu.vector_load %arg8[%get3A] {strides = array<i32>} : memref<112xf32, #tpu.memory_space<vmem>>, vector<16xf32>,
        %exp3A = math.exp %get3A_46 : vector<16xf32>
        %mul3A_47 = arith.constant 16 : i32
        %mul3A_48 = arith.muli %scan3A_43, %mul3A_47 : i32
        %swap3A = arith.index_cast %mul3A_48 : i32 to index
        %swap3A_49 = tpu.vector_load %arg9[%swap3A] {strides = array<i32>} : memref<112xf32, #tpu.memory_space<vmem>>, vector<16xf32>,
        tpu.vector_store %arg9[%swap3A], %exp3A {strides = array<i32>} : memref<112xf32, #tpu.memory_space<vmem>>, vector<16xf32>,
      }
      %scan3A_36 = arith.constant 7 : i32
      %scan3A_37 = arith.constant 0 : i32
      %scan3A_38 = arith.constant 0 : i32
      %scan3A_39 = arith.constant 7 : i32
      %scan3A_40 = arith.addi %scan3A_38, %scan3A_39 : i32
      %scan3A_41 = arith.constant 1 : i32
      scf.for %scan3A_43 = %scan3A_38 to %scan3A_40 step %scan3A_41  : i32 {
        %mul3A_44 = arith.constant 16 : i32
        %mul3A_45 = arith.muli %scan3A_43, %mul3A_44 : i32
        %get3A = arith.index_cast %mul3A_45 : i32 to index
        %get3A_46 = tpu.vector_load %arg9[%get3A] {strides = array<i32>} : memref<112xf32, #tpu.memory_space<vmem>>, vector<16xf32>,
        %mul3A_47 = arith.constant 16 : i32
        %mul3A_48 = arith.muli %scan3A_43, %mul3A_47 : i32
        %add3A_49 = arith.constant 0 : i32
        %add3A_50 = arith.addi %mul3A_48, %add3A_49 : i32
        %slice3A = vector.extract_strided_slice %get3A_46 {offsets = [0], sizes = [1], strides = [1]} : vector<16xf32> to vector<1xf32>
        %squeeze3A = vector.extract %slice3A[0] : f32 from vector<1xf32>
        %get3A_51 = arith.index_cast %add3A_50 : i32 to index
        %get3A_52 = arith.constant 0 : index
        %get3A_53 = tpu.vector_load %arg10[%get3A_51, %get3A_52] {strides = array<i32>} : memref<112x16xf32, #tpu.memory_space<vmem>>, vector<16xf32>,
        %mul3A_54 = vector.broadcast %squeeze3A : f32 to vector<16xf32>
        %mul3A_55 = arith.mulf %get3A_53, %mul3A_54 : vector<16xf32>
        %swap3A = arith.index_cast %add3A_50 : i32 to index
        %swap3A_56 = arith.constant 0 : index
        %swap3A_57 = tpu.vector_load %arg11[%swap3A, %swap3A_56] {strides = array<i32>} : memref<112x16xf32, #tpu.memory_space<vmem>>, vector<16xf32>,
        tpu.vector_store %arg11[%swap3A, %swap3A_56], %mul3A_55 {strides = array<i32>} : memref<112x16xf32, #tpu.memory_space<vmem>>, vector<16xf32>,
        %broadcast_in_dim3A_58 = vector.broadcast %squeeze3A : f32 to vector<16xf32>
        %swap3A_59 = arith.index_cast %add3A_50 : i32 to index
        %swap3A_60 = arith.constant 0 : index
        %swap3A_61 = tpu.vector_load %arg12[%swap3A_59, %swap3A_60] {strides = array<i32>} : memref<112x16xf32, #tpu.memory_space<vmem>>, vector<16xf32>,
        tpu.vector_store %arg12[%swap3A_59, %swap3A_60], %broadcast_in_dim3A_58 {strides = array<i32>} : memref<112x16xf32, #tpu.memory_space<vmem>>, vector<16xf32>,
        %mul3A_62 = arith.constant 16 : i32
        %mul3A_63 = arith.muli %scan3A_43, %mul3A_62 : i32
        %add3A_64 = arith.constant 1 : i32
        %add3A_65 = arith.addi %mul3A_63, %add3A_64 : i32
        %slice3A_66 = vector.extract_strided_slice %get3A_46 {offsets = [1], sizes = [1], strides = [1]} : vector<16xf32> to vector<1xf32>
        %squeeze3A_67 = vector.extract %slice3A_66[0] : f32 from vector<1xf32>
        %get3A_68 = arith.index_cast %add3A_65 : i32 to index
        %get3A_69 = arith.constant 0 : index
        %get3A_70 = tpu.vector_load %arg10[%get3A_68, %get3A_69] {strides = array<i32>} : memref<112x16xf32, #tpu.memory_space<vmem>>, vector<16xf32>,
        %mul3A_71 = vector.broadcast %squeeze3A_67 : f32 to vector<16xf32>
        %mul3A_72 = arith.mulf %get3A_70, %mul3A_71 : vector<16xf32>
        %swap3A_73 = arith.index_cast %add3A_65 : i32 to index
        %swap3A_74 = arith.constant 0 : index
        %swap3A_75 = tpu.vector_load %arg11[%swap3A_73, %swap3A_74] {strides = array<i32>} : memref<112x16xf32, #tpu.memory_space<vmem>>, vector<16xf32>,
        tpu.vector_store %arg11[%swap3A_73, %swap3A_74], %mul3A_72 {strides = array<i32>} : memref<112x16xf32, #tpu.memory_space<vmem>>, vector<16xf32>,
        %broadcast_in_dim3A_76 = vector.broadcast %squeeze3A_67 : f32 to vector<16xf32>
        %swap3A_77 = arith.index_cast %add3A_65 : i32 to index
        %swap3A_78 = arith.constant 0 : index
        %swap3A_79 = tpu.vector_load %arg12[%swap3A_77, %swap3A_78] {strides = array<i32>} : memref<112x16xf32, #tpu.memory_space<vmem>>, vector<16xf32>,
        tpu.vector_store %arg12[%swap3A_77, %swap3A_78], %broadcast_in_dim3A_76 {strides = array<i32>} : memref<112x16xf32, #tpu.memory_space<vmem>>, vector<16xf32>,
        %mul3A_80 = arith.constant 16 : i32
        %mul3A_81 = arith.muli %scan3A_43, %mul3A_80 : i32
        %add3A_82 = arith.constant 2 : i32
        %add3A_83 = arith.addi %mul3A_81, %add3A_82 : i32
        %slice3A_84 = vector.extract_strided_slice %get3A_46 {offsets = [2], sizes = [1], strides = [1]} : vector<16xf32> to vector<1xf32>
        %squeeze3A_85 = vector.extract %slice3A_84[0] : f32 from vector<1xf32>
        %get3A_86 = arith.index_cast %add3A_83 : i32 to index
        %get3A_87 = arith.constant 0 : index
        %get3A_88 = tpu.vector_load %arg10[%get3A_86, %get3A_87] {strides = array<i32>} : memref<112x16xf32, #tpu.memory_space<vmem>>, vector<16xf32>,
        %mul3A_89 = vector.broadcast %squeeze3A_85 : f32 to vector<16xf32>
        %mul3A_90 = arith.mulf %get3A_88, %mul3A_89 : vector<16xf32>
        %swap3A_91 = arith.index_cast %add3A_83 : i32 to index
        %swap3A_92 = arith.constant 0 : index
        %swap3A_93 = tpu.vector_load %arg11[%swap3A_91, %swap3A_92] {strides = array<i32>} : memref<112x16xf32, #tpu.memory_space<vmem>>, vector<16xf32>,
        tpu.vector_store %arg11[%swap3A_91, %swap3A_92], %mul3A_90 {strides = array<i32>} : memref<112x16xf32, #tpu.memory_space<vmem>>, vector<16xf32>,
        %broadcast_in_dim3A_94 = vector.broadcast %squeeze3A_85 : f32 to vector<16xf32>
        %swap3A_95 = arith.index_cast %add3A_83 : i32 to index
        %swap3A_96 = arith.constant 0 : index
        %swap3A_97 = tpu.vector_load %arg12[%swap3A_95, %swap3A_96] {strides = array<i32>} : memref<112x16xf32, #tpu.memory_space<vmem>>, vector<16xf32>,
        tpu.vector_store %arg12[%swap3A_95, %swap3A_96], %broadcast_in_dim3A_94 {strides = array<i32>} : memref<112x16xf32, #tpu.memory_space<vmem>>, vector<16xf32>,
        %mul3A_98 = arith.constant 16 : i32
        %mul3A_99 = arith.muli %scan3A_43, %mul3A_98 : i32
        %add3A_100 = arith.constant 3 : i32
        %add3A_101 = arith.addi %mul3A_99, %add3A_100 : i32
        %slice3A_102 = vector.extract_strided_slice %get3A_46 {offsets = [3], sizes = [1], strides = [1]} : vector<16xf32> to vector<1xf32>
        %squeeze3A_103 = vector.extract %slice3A_102[0] : f32 from vector<1xf32>
        %get3A_104 = arith.index_cast %add3A_101 : i32 to index
        %get3A_105 = arith.constant 0 : index
        %get3A_106 = tpu.vector_load %arg10[%get3A_104, %get3A_105] {strides = array<i32>} : memref<112x16xf32, #tpu.memory_space<vmem>>, vector<16xf32>,
        %mul3A_107 = vector.broadcast %squeeze3A_103 : f32 to vector<16xf32>
        %mul3A_108 = arith.mulf %get3A_106, %mul3A_107 : vector<16xf32>
        %swap3A_109 = arith.index_cast %add3A_101 : i32 to index
        %swap3A_110 = arith.constant 0 : index
        %swap3A_111 = tpu.vector_load %arg11[%swap3A_109, %swap3A_110] {strides = array<i32>} : memref<112x16xf32, #tpu.memory_space<vmem>>, vector<16xf32>,
        tpu.vector_store %arg11[%swap3A_109, %swap3A_110], %mul3A_108 {strides = array<i32>} : memref<112x16xf32, #tpu.memory_space<vmem>>, vector<16xf32>,
        %broadcast_in_dim3A_112 = vector.broadcast %squeeze3A_103 : f32 to vector<16xf32>
        %swap3A_113 = arith.index_cast %add3A_101 : i32 to index
        %swap3A_114 = arith.constant 0 : index
        %swap3A_115 = tpu.vector_load %arg12[%swap3A_113, %swap3A_114] {strides = array<i32>} : memref<112x16xf32, #tpu.memory_space<vmem>>, vector<16xf32>,
        tpu.vector_store %arg12[%swap3A_113, %swap3A_114], %broadcast_in_dim3A_112 {strides = array<i32>} : memref<112x16xf32, #tpu.memory_space<vmem>>, vector<16xf32>,
        %mul3A_116 = arith.constant 16 : i32
        %mul3A_117 = arith.muli %scan3A_43, %mul3A_116 : i32
        %add3A_118 = arith.constant 4 : i32
        %add3A_119 = arith.addi %mul3A_117, %add3A_118 : i32
        %slice3A_120 = vector.extract_strided_slice %get3A_46 {offsets = [4], sizes = [1], strides = [1]} : vector<16xf32> to vector<1xf32>
        %squeeze3A_121 = vector.extract %slice3A_120[0] : f32 from vector<1xf32>
        %get3A_122 = arith.index_cast %add3A_119 : i32 to index
        %get3A_123 = arith.constant 0 : index
        %get3A_124 = tpu.vector_load %arg10[%get3A_122, %get3A_123] {strides = array<i32>} : memref<112x16xf32, #tpu.memory_space<vmem>>, vector<16xf32>,
        %mul3A_125 = vector.broadcast %squeeze3A_121 : f32 to vector<16xf32>
        %mul3A_126 = arith.mulf %get3A_124, %mul3A_125 : vector<16xf32>
        %swap3A_127 = arith.index_cast %add3A_119 : i32 to index
        %swap3A_128 = arith.constant 0 : index
        %swap3A_129 = tpu.vector_load %arg11[%swap3A_127, %swap3A_128] {strides = array<i32>} : memref<112x16xf32, #tpu.memory_space<vmem>>, vector<16xf32>,
        tpu.vector_store %arg11[%swap3A_127, %swap3A_128], %mul3A_126 {strides = array<i32>} : memref<112x16xf32, #tpu.memory_space<vmem>>, vector<16xf32>,
        %broadcast_in_dim3A_130 = vector.broadcast %squeeze3A_121 : f32 to vector<16xf32>
        %swap3A_131 = arith.index_cast %add3A_119 : i32 to index
        %swap3A_132 = arith.constant 0 : index
        %swap3A_133 = tpu.vector_load %arg12[%swap3A_131, %swap3A_132] {strides = array<i32>} : memref<112x16xf32, #tpu.memory_space<vmem>>, vector<16xf32>,
        tpu.vector_store %arg12[%swap3A_131, %swap3A_132], %broadcast_in_dim3A_130 {strides = array<i32>} : memref<112x16xf32, #tpu.memory_space<vmem>>, vector<16xf32>,
        %mul3A_134 = arith.constant 16 : i32
        %mul3A_135 = arith.muli %scan3A_43, %mul3A_134 : i32
        %add3A_136 = arith.constant 5 : i32
        %add3A_137 = arith.addi %mul3A_135, %add3A_136 : i32
        %slice3A_138 = vector.extract_strided_slice %get3A_46 {offsets = [5], sizes = [1], strides = [1]} : vector<16xf32> to vector<1xf32>
        %squeeze3A_139 = vector.extract %slice3A_138[0] : f32 from vector<1xf32>
        %get3A_140 = arith.index_cast %add3A_137 : i32 to index
        %get3A_141 = arith.constant 0 : index
        %get3A_142 = tpu.vector_load %arg10[%get3A_140, %get3A_141] {strides = array<i32>} : memref<112x16xf32, #tpu.memory_space<vmem>>, vector<16xf32>,
        %mul3A_143 = vector.broadcast %squeeze3A_139 : f32 to vector<16xf32>
        %mul3A_144 = arith.mulf %get3A_142, %mul3A_143 : vector<16xf32>
        %swap3A_145 = arith.index_cast %add3A_137 : i32 to index
        %swap3A_146 = arith.constant 0 : index
        %swap3A_147 = tpu.vector_load %arg11[%swap3A_145, %swap3A_146] {strides = array<i32>} : memref<112x16xf32, #tpu.memory_space<vmem>>, vector<16xf32>,
        tpu.vector_store %arg11[%swap3A_145, %swap3A_146], %mul3A_144 {strides = array<i32>} : memref<112x16xf32, #tpu.memory_space<vmem>>, vector<16xf32>,
        %broadcast_in_dim3A_148 = vector.broadcast %squeeze3A_139 : f32 to vector<16xf32>
        %swap3A_149 = arith.index_cast %add3A_137 : i32 to index
        %swap3A_150 = arith.constant 0 : index
        %swap3A_151 = tpu.vector_load %arg12[%swap3A_149, %swap3A_150] {strides = array<i32>} : memref<112x16xf32, #tpu.memory_space<vmem>>, vector<16xf32>,
        tpu.vector_store %arg12[%swap3A_149, %swap3A_150], %broadcast_in_dim3A_148 {strides = array<i32>} : memref<112x16xf32, #tpu.memory_space<vmem>>, vector<16xf32>,
        %mul3A_152 = arith.constant 16 : i32
        %mul3A_153 = arith.muli %scan3A_43, %mul3A_152 : i32
        %add3A_154 = arith.constant 6 : i32
        %add3A_155 = arith.addi %mul3A_153, %add3A_154 : i32
        %slice3A_156 = vector.extract_strided_slice %get3A_46 {offsets = [6], sizes = [1], strides = [1]} : vector<16xf32> to vector<1xf32>
        %squeeze3A_157 = vector.extract %slice3A_156[0] : f32 from vector<1xf32>
        %get3A_158 = arith.index_cast %add3A_155 : i32 to index
        %get3A_159 = arith.constant 0 : index
        %get3A_160 = tpu.vector_load %arg10[%get3A_158, %get3A_159] {strides = array<i32>} : memref<112x16xf32, #tpu.memory_space<vmem>>, vector<16xf32>,
        %mul3A_161 = vector.broadcast %squeeze3A_157 : f32 to vector<16xf32>
        %mul3A_162 = arith.mulf %get3A_160, %mul3A_161 : vector<16xf32>
        %swap3A_163 = arith.index_cast %add3A_155 : i32 to index
        %swap3A_164 = arith.constant 0 : index
        %swap3A_165 = tpu.vector_load %arg11[%swap3A_163, %swap3A_164] {strides = array<i32>} : memref<112x16xf32, #tpu.memory_space<vmem>>, vector<16xf32>,
        tpu.vector_store %arg11[%swap3A_163, %swap3A_164], %mul3A_162 {strides = array<i32>} : memref<112x16xf32, #tpu.memory_space<vmem>>, vector<16xf32>,
        %broadcast_in_dim3A_166 = vector.broadcast %squeeze3A_157 : f32 to vector<16xf32>
        %swap3A_167 = arith.index_cast %add3A_155 : i32 to index
        %swap3A_168 = arith.constant 0 : index
        %swap3A_169 = tpu.vector_load %arg12[%swap3A_167, %swap3A_168] {strides = array<i32>} : memref<112x16xf32, #tpu.memory_space<vmem>>, vector<16xf32>,
        tpu.vector_store %arg12[%swap3A_167, %swap3A_168], %broadcast_in_dim3A_166 {strides = array<i32>} : memref<112x16xf32, #tpu.memory_space<vmem>>, vector<16xf32>,
        %mul3A_170 = arith.constant 16 : i32
        %mul3A_171 = arith.muli %scan3A_43, %mul3A_170 : i32
        %add3A_172 = arith.constant 7 : i32
        %add3A_173 = arith.addi %mul3A_171, %add3A_172 : i32
        %slice3A_174 = vector.extract_strided_slice %get3A_46 {offsets = [7], sizes = [1], strides = [1]} : vector<16xf32> to vector<1xf32>
        %squeeze3A_175 = vector.extract %slice3A_174[0] : f32 from vector<1xf32>
        %get3A_176 = arith.index_cast %add3A_173 : i32 to index
        %get3A_177 = arith.constant 0 : index
        %get3A_178 = tpu.vector_load %arg10[%get3A_176, %get3A_177] {strides = array<i32>} : memref<112x16xf32, #tpu.memory_space<vmem>>, vector<16xf32>,
        %mul3A_179 = vector.broadcast %squeeze3A_175 : f32 to vector<16xf32>
        %mul3A_180 = arith.mulf %get3A_178, %mul3A_179 : vector<16xf32>
        %swap3A_181 = arith.index_cast %add3A_173 : i32 to index
        %swap3A_182 = arith.constant 0 : index
        %swap3A_183 = tpu.vector_load %arg11[%swap3A_181, %swap3A_182] {strides = array<i32>} : memref<112x16xf32, #tpu.memory_space<vmem>>, vector<16xf32>,
        tpu.vector_store %arg11[%swap3A_181, %swap3A_182], %mul3A_180 {strides = array<i32>} : memref<112x16xf32, #tpu.memory_space<vmem>>, vector<16xf32>,
        %broadcast_in_dim3A_184 = vector.broadcast %squeeze3A_175 : f32 to vector<16xf32>
        %swap3A_185 = arith.index_cast %add3A_173 : i32 to index
        %swap3A_186 = arith.constant 0 : index
        %swap3A_187 = tpu.vector_load %arg12[%swap3A_185, %swap3A_186] {strides = array<i32>} : memref<112x16xf32, #tpu.memory_space<vmem>>, vector<16xf32>,
        tpu.vector_store %arg12[%swap3A_185, %swap3A_186], %broadcast_in_dim3A_184 {strides = array<i32>} : memref<112x16xf32, #tpu.memory_space<vmem>>, vector<16xf32>,
        %mul3A_188 = arith.constant 16 : i32
        %mul3A_189 = arith.muli %scan3A_43, %mul3A_188 : i32
        %add3A_190 = arith.constant 8 : i32
        %add3A_191 = arith.addi %mul3A_189, %add3A_190 : i32
        %slice3A_192 = vector.extract_strided_slice %get3A_46 {offsets = [8], sizes = [1], strides = [1]} : vector<16xf32> to vector<1xf32>
        %squeeze3A_193 = vector.extract %slice3A_192[0] : f32 from vector<1xf32>
        %get3A_194 = arith.index_cast %add3A_191 : i32 to index
        %get3A_195 = arith.constant 0 : index
        %get3A_196 = tpu.vector_load %arg10[%get3A_194, %get3A_195] {strides = array<i32>} : memref<112x16xf32, #tpu.memory_space<vmem>>, vector<16xf32>,
        %mul3A_197 = vector.broadcast %squeeze3A_193 : f32 to vector<16xf32>
        %mul3A_198 = arith.mulf %get3A_196, %mul3A_197 : vector<16xf32>
        %swap3A_199 = arith.index_cast %add3A_191 : i32 to index
        %swap3A_200 = arith.constant 0 : index
        %swap3A_201 = tpu.vector_load %arg11[%swap3A_199, %swap3A_200] {strides = array<i32>} : memref<112x16xf32, #tpu.memory_space<vmem>>, vector<16xf32>,
        tpu.vector_store %arg11[%swap3A_199, %swap3A_200], %mul3A_198 {strides = array<i32>} : memref<112x16xf32, #tpu.memory_space<vmem>>, vector<16xf32>,
        %broadcast_in_dim3A_202 = vector.broadcast %squeeze3A_193 : f32 to vector<16xf32>
        %swap3A_203 = arith.index_cast %add3A_191 : i32 to index
        %swap3A_204 = arith.constant 0 : index
        %swap3A_205 = tpu.vector_load %arg12[%swap3A_203, %swap3A_204] {strides = array<i32>} : memref<112x16xf32, #tpu.memory_space<vmem>>, vector<16xf32>,
        tpu.vector_store %arg12[%swap3A_203, %swap3A_204], %broadcast_in_dim3A_202 {strides = array<i32>} : memref<112x16xf32, #tpu.memory_space<vmem>>, vector<16xf32>,
        %mul3A_206 = arith.constant 16 : i32
        %mul3A_207 = arith.muli %scan3A_43, %mul3A_206 : i32
        %add3A_208 = arith.constant 9 : i32
        %add3A_209 = arith.addi %mul3A_207, %add3A_208 : i32
        %slice3A_210 = vector.extract_strided_slice %get3A_46 {offsets = [9], sizes = [1], strides = [1]} : vector<16xf32> to vector<1xf32>
        %squeeze3A_211 = vector.extract %slice3A_210[0] : f32 from vector<1xf32>
        %get3A_212 = arith.index_cast %add3A_209 : i32 to index
        %get3A_213 = arith.constant 0 : index
        %get3A_214 = tpu.vector_load %arg10[%get3A_212, %get3A_213] {strides = array<i32>} : memref<112x16xf32, #tpu.memory_space<vmem>>, vector<16xf32>,
        %mul3A_215 = vector.broadcast %squeeze3A_211 : f32 to vector<16xf32>
        %mul3A_216 = arith.mulf %get3A_214, %mul3A_215 : vector<16xf32>
        %swap3A_217 = arith.index_cast %add3A_209 : i32 to index
        %swap3A_218 = arith.constant 0 : index
        %swap3A_219 = tpu.vector_load %arg11[%swap3A_217, %swap3A_218] {strides = array<i32>} : memref<112x16xf32, #tpu.memory_space<vmem>>, vector<16xf32>,
        tpu.vector_store %arg11[%swap3A_217, %swap3A_218], %mul3A_216 {strides = array<i32>} : memref<112x16xf32, #tpu.memory_space<vmem>>, vector<16xf32>,
        %broadcast_in_dim3A_220 = vector.broadcast %squeeze3A_211 : f32 to vector<16xf32>
        %swap3A_221 = arith.index_cast %add3A_209 : i32 to index
        %swap3A_222 = arith.constant 0 : index
        %swap3A_223 = tpu.vector_load %arg12[%swap3A_221, %swap3A_222] {strides = array<i32>} : memref<112x16xf32, #tpu.memory_space<vmem>>, vector<16xf32>,
        tpu.vector_store %arg12[%swap3A_221, %swap3A_222], %broadcast_in_dim3A_220 {strides = array<i32>} : memref<112x16xf32, #tpu.memory_space<vmem>>, vector<16xf32>,
        %mul3A_224 = arith.constant 16 : i32
        %mul3A_225 = arith.muli %scan3A_43, %mul3A_224 : i32
        %add3A_226 = arith.constant 10 : i32
        %add3A_227 = arith.addi %mul3A_225, %add3A_226 : i32
        %slice3A_228 = vector.extract_strided_slice %get3A_46 {offsets = [10], sizes = [1], strides = [1]} : vector<16xf32> to vector<1xf32>
        %squeeze3A_229 = vector.extract %slice3A_228[0] : f32 from vector<1xf32>
        %get3A_230 = arith.index_cast %add3A_227 : i32 to index
        %get3A_231 = arith.constant 0 : index
        %get3A_232 = tpu.vector_load %arg10[%get3A_230, %get3A_231] {strides = array<i32>} : memref<112x16xf32, #tpu.memory_space<vmem>>, vector<16xf32>,
        %mul3A_233 = vector.broadcast %squeeze3A_229 : f32 to vector<16xf32>
        %mul3A_234 = arith.mulf %get3A_232, %mul3A_233 : vector<16xf32>
        %swap3A_235 = arith.index_cast %add3A_227 : i32 to index
        %swap3A_236 = arith.constant 0 : index
        %swap3A_237 = tpu.vector_load %arg11[%swap3A_235, %swap3A_236] {strides = array<i32>} : memref<112x16xf32, #tpu.memory_space<vmem>>, vector<16xf32>,
        tpu.vector_store %arg11[%swap3A_235, %swap3A_236], %mul3A_234 {strides = array<i32>} : memref<112x16xf32, #tpu.memory_space<vmem>>, vector<16xf32>,
        %broadcast_in_dim3A_238 = vector.broadcast %squeeze3A_229 : f32 to vector<16xf32>
        %swap3A_239 = arith.index_cast %add3A_227 : i32 to index
        %swap3A_240 = arith.constant 0 : index
        %swap3A_241 = tpu.vector_load %arg12[%swap3A_239, %swap3A_240] {strides = array<i32>} : memref<112x16xf32, #tpu.memory_space<vmem>>, vector<16xf32>,
        tpu.vector_store %arg12[%swap3A_239, %swap3A_240], %broadcast_in_dim3A_238 {strides = array<i32>} : memref<112x16xf32, #tpu.memory_space<vmem>>, vector<16xf32>,
        %mul3A_242 = arith.constant 16 : i32
        %mul3A_243 = arith.muli %scan3A_43, %mul3A_242 : i32
        %add3A_244 = arith.constant 11 : i32
        %add3A_245 = arith.addi %mul3A_243, %add3A_244 : i32
        %slice3A_246 = vector.extract_strided_slice %get3A_46 {offsets = [11], sizes = [1], strides = [1]} : vector<16xf32> to vector<1xf32>
        %squeeze3A_247 = vector.extract %slice3A_246[0] : f32 from vector<1xf32>
        %get3A_248 = arith.index_cast %add3A_245 : i32 to index
        %get3A_249 = arith.constant 0 : index
        %get3A_250 = tpu.vector_load %arg10[%get3A_248, %get3A_249] {strides = array<i32>} : memref<112x16xf32, #tpu.memory_space<vmem>>, vector<16xf32>,
        %mul3A_251 = vector.broadcast %squeeze3A_247 : f32 to vector<16xf32>
        %mul3A_252 = arith.mulf %get3A_250, %mul3A_251 : vector<16xf32>
        %swap3A_253 = arith.index_cast %add3A_245 : i32 to index
        %swap3A_254 = arith.constant 0 : index
        %swap3A_255 = tpu.vector_load %arg11[%swap3A_253, %swap3A_254] {strides = array<i32>} : memref<112x16xf32, #tpu.memory_space<vmem>>, vector<16xf32>,
        tpu.vector_store %arg11[%swap3A_253, %swap3A_254], %mul3A_252 {strides = array<i32>} : memref<112x16xf32, #tpu.memory_space<vmem>>, vector<16xf32>,
        %broadcast_in_dim3A_256 = vector.broadcast %squeeze3A_247 : f32 to vector<16xf32>
        %swap3A_257 = arith.index_cast %add3A_245 : i32 to index
        %swap3A_258 = arith.constant 0 : index
        %swap3A_259 = tpu.vector_load %arg12[%swap3A_257, %swap3A_258] {strides = array<i32>} : memref<112x16xf32, #tpu.memory_space<vmem>>, vector<16xf32>,
        tpu.vector_store %arg12[%swap3A_257, %swap3A_258], %broadcast_in_dim3A_256 {strides = array<i32>} : memref<112x16xf32, #tpu.memory_space<vmem>>, vector<16xf32>,
        %mul3A_260 = arith.constant 16 : i32
        %mul3A_261 = arith.muli %scan3A_43, %mul3A_260 : i32
        %add3A_262 = arith.constant 12 : i32
        %add3A_263 = arith.addi %mul3A_261, %add3A_262 : i32
        %slice3A_264 = vector.extract_strided_slice %get3A_46 {offsets = [12], sizes = [1], strides = [1]} : vector<16xf32> to vector<1xf32>
        %squeeze3A_265 = vector.extract %slice3A_264[0] : f32 from vector<1xf32>
        %get3A_266 = arith.index_cast %add3A_263 : i32 to index
        %get3A_267 = arith.constant 0 : index
        %get3A_268 = tpu.vector_load %arg10[%get3A_266, %get3A_267] {strides = array<i32>} : memref<112x16xf32, #tpu.memory_space<vmem>>, vector<16xf32>,
        %mul3A_269 = vector.broadcast %squeeze3A_265 : f32 to vector<16xf32>
        %mul3A_270 = arith.mulf %get3A_268, %mul3A_269 : vector<16xf32>
        %swap3A_271 = arith.index_cast %add3A_263 : i32 to index
        %swap3A_272 = arith.constant 0 : index
        %swap3A_273 = tpu.vector_load %arg11[%swap3A_271, %swap3A_272] {strides = array<i32>} : memref<112x16xf32, #tpu.memory_space<vmem>>, vector<16xf32>,
        tpu.vector_store %arg11[%swap3A_271, %swap3A_272], %mul3A_270 {strides = array<i32>} : memref<112x16xf32, #tpu.memory_space<vmem>>, vector<16xf32>,
        %broadcast_in_dim3A_274 = vector.broadcast %squeeze3A_265 : f32 to vector<16xf32>
        %swap3A_275 = arith.index_cast %add3A_263 : i32 to index
        %swap3A_276 = arith.constant 0 : index
        %swap3A_277 = tpu.vector_load %arg12[%swap3A_275, %swap3A_276] {strides = array<i32>} : memref<112x16xf32, #tpu.memory_space<vmem>>, vector<16xf32>,
        tpu.vector_store %arg12[%swap3A_275, %swap3A_276], %broadcast_in_dim3A_274 {strides = array<i32>} : memref<112x16xf32, #tpu.memory_space<vmem>>, vector<16xf32>,
        %mul3A_278 = arith.constant 16 : i32
        %mul3A_279 = arith.muli %scan3A_43, %mul3A_278 : i32
        %add3A_280 = arith.constant 13 : i32
        %add3A_281 = arith.addi %mul3A_279, %add3A_280 : i32
        %slice3A_282 = vector.extract_strided_slice %get3A_46 {offsets = [13], sizes = [1], strides = [1]} : vector<16xf32> to vector<1xf32>
        %squeeze3A_283 = vector.extract %slice3A_282[0] : f32 from vector<1xf32>
        %get3A_284 = arith.index_cast %add3A_281 : i32 to index
        %get3A_285 = arith.constant 0 : index
        %get3A_286 = tpu.vector_load %arg10[%get3A_284, %get3A_285] {strides = array<i32>} : memref<112x16xf32, #tpu.memory_space<vmem>>, vector<16xf32>,
        %mul3A_287 = vector.broadcast %squeeze3A_283 : f32 to vector<16xf32>
        %mul3A_288 = arith.mulf %get3A_286, %mul3A_287 : vector<16xf32>
        %swap3A_289 = arith.index_cast %add3A_281 : i32 to index
        %swap3A_290 = arith.constant 0 : index
        %swap3A_291 = tpu.vector_load %arg11[%swap3A_289, %swap3A_290] {strides = array<i32>} : memref<112x16xf32, #tpu.memory_space<vmem>>, vector<16xf32>,
        tpu.vector_store %arg11[%swap3A_289, %swap3A_290], %mul3A_288 {strides = array<i32>} : memref<112x16xf32, #tpu.memory_space<vmem>>, vector<16xf32>,
        %broadcast_in_dim3A_292 = vector.broadcast %squeeze3A_283 : f32 to vector<16xf32>
        %swap3A_293 = arith.index_cast %add3A_281 : i32 to index
        %swap3A_294 = arith.constant 0 : index
        %swap3A_295 = tpu.vector_load %arg12[%swap3A_293, %swap3A_294] {strides = array<i32>} : memref<112x16xf32, #tpu.memory_space<vmem>>, vector<16xf32>,
        tpu.vector_store %arg12[%swap3A_293, %swap3A_294], %broadcast_in_dim3A_292 {strides = array<i32>} : memref<112x16xf32, #tpu.memory_space<vmem>>, vector<16xf32>,
        %mul3A_296 = arith.constant 16 : i32
        %mul3A_297 = arith.muli %scan3A_43, %mul3A_296 : i32
        %add3A_298 = arith.constant 14 : i32
        %add3A_299 = arith.addi %mul3A_297, %add3A_298 : i32
        %slice3A_300 = vector.extract_strided_slice %get3A_46 {offsets = [14], sizes = [1], strides = [1]} : vector<16xf32> to vector<1xf32>
        %squeeze3A_301 = vector.extract %slice3A_300[0] : f32 from vector<1xf32>
        %get3A_302 = arith.index_cast %add3A_299 : i32 to index
        %get3A_303 = arith.constant 0 : index
        %get3A_304 = tpu.vector_load %arg10[%get3A_302, %get3A_303] {strides = array<i32>} : memref<112x16xf32, #tpu.memory_space<vmem>>, vector<16xf32>,
        %mul3A_305 = vector.broadcast %squeeze3A_301 : f32 to vector<16xf32>
        %mul3A_306 = arith.mulf %get3A_304, %mul3A_305 : vector<16xf32>
        %swap3A_307 = arith.index_cast %add3A_299 : i32 to index
        %swap3A_308 = arith.constant 0 : index
        %swap3A_309 = tpu.vector_load %arg11[%swap3A_307, %swap3A_308] {strides = array<i32>} : memref<112x16xf32, #tpu.memory_space<vmem>>, vector<16xf32>,
        tpu.vector_store %arg11[%swap3A_307, %swap3A_308], %mul3A_306 {strides = array<i32>} : memref<112x16xf32, #tpu.memory_space<vmem>>, vector<16xf32>,
        %broadcast_in_dim3A_310 = vector.broadcast %squeeze3A_301 : f32 to vector<16xf32>
        %swap3A_311 = arith.index_cast %add3A_299 : i32 to index
        %swap3A_312 = arith.constant 0 : index
        %swap3A_313 = tpu.vector_load %arg12[%swap3A_311, %swap3A_312] {strides = array<i32>} : memref<112x16xf32, #tpu.memory_space<vmem>>, vector<16xf32>,
        tpu.vector_store %arg12[%swap3A_311, %swap3A_312], %broadcast_in_dim3A_310 {strides = array<i32>} : memref<112x16xf32, #tpu.memory_space<vmem>>, vector<16xf32>,
        %mul3A_314 = arith.constant 16 : i32
        %mul3A_315 = arith.muli %scan3A_43, %mul3A_314 : i32
        %add3A_316 = arith.constant 15 : i32
        %add3A_317 = arith.addi %mul3A_315, %add3A_316 : i32
        %slice3A_318 = vector.extract_strided_slice %get3A_46 {offsets = [15], sizes = [1], strides = [1]} : vector<16xf32> to vector<1xf32>
        %squeeze3A_319 = vector.extract %slice3A_318[0] : f32 from vector<1xf32>
        %get3A_320 = arith.index_cast %add3A_317 : i32 to index
        %get3A_321 = arith.constant 0 : index
        %get3A_322 = tpu.vector_load %arg10[%get3A_320, %get3A_321] {strides = array<i32>} : memref<112x16xf32, #tpu.memory_space<vmem>>, vector<16xf32>,
        %mul3A_323 = vector.broadcast %squeeze3A_319 : f32 to vector<16xf32>
        %mul3A_324 = arith.mulf %get3A_322, %mul3A_323 : vector<16xf32>
        %swap3A_325 = arith.index_cast %add3A_317 : i32 to index
        %swap3A_326 = arith.constant 0 : index
        %swap3A_327 = tpu.vector_load %arg11[%swap3A_325, %swap3A_326] {strides = array<i32>} : memref<112x16xf32, #tpu.memory_space<vmem>>, vector<16xf32>,
        tpu.vector_store %arg11[%swap3A_325, %swap3A_326], %mul3A_324 {strides = array<i32>} : memref<112x16xf32, #tpu.memory_space<vmem>>, vector<16xf32>,
        %broadcast_in_dim3A_328 = vector.broadcast %squeeze3A_319 : f32 to vector<16xf32>
        %swap3A_329 = arith.index_cast %add3A_317 : i32 to index
        %swap3A_330 = arith.constant 0 : index
        %swap3A_331 = tpu.vector_load %arg12[%swap3A_329, %swap3A_330] {strides = array<i32>} : memref<112x16xf32, #tpu.memory_space<vmem>>, vector<16xf32>,
        tpu.vector_store %arg12[%swap3A_329, %swap3A_330], %broadcast_in_dim3A_328 {strides = array<i32>} : memref<112x16xf32, #tpu.memory_space<vmem>>, vector<16xf32>,
      }
      %scan3A_42 = arith.constant 7 : i32
      "tpu.region"() ({
        %run_scoped3A = tpu.sem_alloc : memref<!tpu.dma_semaphore, #tpu.memory_space<semaphore_mem>>
        %dma_start3A = arith.constant 0 : i32
        %dma_start3A_43 = arith.constant 0 : i32
        %dma_start3A_44 = tpu.memref_slice %arg16[%dma_start3A, %dma_start3A_43] : memref<1024x16xf32, #tpu.memory_space<vmem_shared>> -> memref<1024x16xf32, #tpu.memory_space<vmem_shared>>
        tpu.enqueue_indirect_dma source(%arg11 : memref<112x16xf32, #tpu.memory_space<vmem>>) target(%dma_start3A_44 : memref<1024x16xf32, #tpu.memory_space<vmem_shared>>) offsets(%arg7 : memref<112xi32, #tpu.memory_space<vmem>>) semaphore(%run_scoped3A : memref<!tpu.dma_semaphore, #tpu.memory_space<semaphore_mem>>) {add = true}
        %dma_wait3A = arith.constant 0 : i32
        %dma_wait3A_45 = arith.constant 0 : i32
        %dma_wait3A_46 = tpu.memref_slice %arg16[%dma_wait3A, %dma_wait3A_45] : memref<1024x16xf32, #tpu.memory_space<vmem_shared>> -> memref<1024x16xf32, #tpu.memory_space<vmem_shared>>
        tpu.wait_indirect_dma semaphore(%run_scoped3A : memref<!tpu.dma_semaphore, #tpu.memory_space<semaphore_mem>>) src(%arg11 : memref<112x16xf32, #tpu.memory_space<vmem>>) dst(%dma_wait3A_46 : memref<1024x16xf32, #tpu.memory_space<vmem_shared>>)
        tpu.yield
      }) : () -> ()
      "tpu.region"() ({
        %run_scoped3A = tpu.sem_alloc : memref<!tpu.dma_semaphore, #tpu.memory_space<semaphore_mem>>
        %dma_start3A = arith.constant 0 : i32
        %dma_start3A_43 = arith.constant 0 : i32
        %dma_start3A_44 = tpu.memref_slice %arg17[%dma_start3A, %dma_start3A_43] : memref<1024x16xf32, #tpu.memory_space<vmem_shared>> -> memref<1024x16xf32, #tpu.memory_space<vmem_shared>>
        tpu.enqueue_indirect_dma source(%arg12 : memref<112x16xf32, #tpu.memory_space<vmem>>) target(%dma_start3A_44 : memref<1024x16xf32, #tpu.memory_space<vmem_shared>>) offsets(%arg7 : memref<112xi32, #tpu.memory_space<vmem>>) semaphore(%run_scoped3A : memref<!tpu.dma_semaphore, #tpu.memory_space<semaphore_mem>>) {add = true}
        %dma_wait3A = arith.constant 0 : i32
        %dma_wait3A_45 = arith.constant 0 : i32
        %dma_wait3A_46 = tpu.memref_slice %arg17[%dma_wait3A, %dma_wait3A_45] : memref<1024x16xf32, #tpu.memory_space<vmem_shared>> -> memref<1024x16xf32, #tpu.memory_space<vmem_shared>>
        tpu.wait_indirect_dma semaphore(%run_scoped3A : memref<!tpu.dma_semaphore, #tpu.memory_space<semaphore_mem>>) src(%arg12 : memref<112x16xf32, #tpu.memory_space<vmem>>) dst(%dma_wait3A_46 : memref<1024x16xf32, #tpu.memory_space<vmem_shared>>)
        tpu.yield
      }) : () -> ()
    }
    %scan3A_16 = arith.constant 28 : i32
    %barrier3A_17 = arith.constant 0 : index
    tpu.barrier barrier_id(%barrier3A_17)
    "tpu.region"() ({
      %run_scoped3A = tpu.sem_alloc : memref<!tpu.dma_semaphore, #tpu.memory_space<semaphore_mem>>
      tpu.enqueue_dma source(%arg17 : memref<1024x16xf32, #tpu.memory_space<vmem_shared>>) target(%arg14 : memref<1024x16xf32, #tpu.memory_space<vmem>>) target_semaphore(%run_scoped3A : memref<!tpu.dma_semaphore, #tpu.memory_space<semaphore_mem>>)
      tpu.wait_dma2 semaphore(%run_scoped3A : memref<!tpu.dma_semaphore, #tpu.memory_space<semaphore_mem>>) src(%arg17 : memref<1024x16xf32, #tpu.memory_space<vmem_shared>>) dst(%arg14 : memref<1024x16xf32, #tpu.memory_space<vmem>>)
      tpu.yield
    }) : () -> ()
    %scan3A_18 = arith.constant 0 : i32
    %scan3A_19 = arith.constant 0 : i32
    %scan3A_20 = arith.constant 14 : i32
    %scan3A_21 = arith.addi %scan3A_19, %scan3A_20 : i32
    %scan3A_22 = arith.constant 1 : i32
    scf.for %scan3A_26 = %scan3A_19 to %scan3A_21 step %scan3A_22  : i32 {
      %mul3A_27 = arith.constant 25088 : i32
      %mul3A_28 = arith.muli %arg0, %mul3A_27 : i32
      %mul3A_29 = arith.constant 1568 : i32
      %mul3A_30 = arith.muli %arg1, %mul3A_29 : i32
      %add3A = arith.addi %mul3A_28, %mul3A_30 : i32
      %mul3A_31 = arith.constant 112 : i32
      %mul3A_32 = arith.muli %scan3A_26, %mul3A_31 : i32
      %add3A_33 = arith.addi %add3A, %mul3A_32 : i32
      "tpu.region"() ({
        %run_scoped3A = tpu.sem_alloc : memref<!tpu.dma_semaphore, #tpu.memory_space<semaphore_mem>>
        %dma_start3A = tpu.memref_slice %arg2[%add3A_33] : memref<50176xf32, #tpu.memory_space<hbm>> -> memref<112xf32, #tpu.memory_space<hbm>>
        %dma_start3A_40 = tpu.memref_slice %arg2[%add3A_33] : memref<50176xf32, #tpu.memory_space<hbm>> -> memref<112xf32, #tpu.memory_space<hbm>>
        tpu.enqueue_dma source(%dma_start3A_40 : memref<112xf32, #tpu.memory_space<hbm>>) target(%arg8 : memref<112xf32, #tpu.memory_space<vmem>>) target_semaphore(%run_scoped3A : memref<!tpu.dma_semaphore, #tpu.memory_space<semaphore_mem>>)
        %dma_wait3A = tpu.memref_slice %arg2[%add3A_33] : memref<50176xf32, #tpu.memory_space<hbm>> -> memref<112xf32, #tpu.memory_space<hbm>>
        %dma_wait3A_41 = tpu.memref_slice %arg2[%add3A_33] : memref<50176xf32, #tpu.memory_space<hbm>> -> memref<112xf32, #tpu.memory_space<hbm>>
        tpu.wait_dma2 semaphore(%run_scoped3A : memref<!tpu.dma_semaphore, #tpu.memory_space<semaphore_mem>>) src(%dma_wait3A_41 : memref<112xf32, #tpu.memory_space<hbm>>) dst(%arg8 : memref<112xf32, #tpu.memory_space<vmem>>)
        tpu.yield
      }) : () -> ()
      "tpu.region"() ({
        %run_scoped3A = tpu.sem_alloc : memref<!tpu.dma_semaphore, #tpu.memory_space<semaphore_mem>>
        %dma_start3A = tpu.memref_slice %arg3[%add3A_33] : memref<50176xi32, #tpu.memory_space<hbm>> -> memref<112xi32, #tpu.memory_space<hbm>>
        %dma_start3A_40 = tpu.memref_slice %arg3[%add3A_33] : memref<50176xi32, #tpu.memory_space<hbm>> -> memref<112xi32, #tpu.memory_space<hbm>>
        tpu.enqueue_dma source(%dma_start3A_40 : memref<112xi32, #tpu.memory_space<hbm>>) target(%arg7 : memref<112xi32, #tpu.memory_space<vmem>>) target_semaphore(%run_scoped3A : memref<!tpu.dma_semaphore, #tpu.memory_space<semaphore_mem>>)
        %dma_wait3A = tpu.memref_slice %arg3[%add3A_33] : memref<50176xi32, #tpu.memory_space<hbm>> -> memref<112xi32, #tpu.memory_space<hbm>>
        %dma_wait3A_41 = tpu.memref_slice %arg3[%add3A_33] : memref<50176xi32, #tpu.memory_space<hbm>> -> memref<112xi32, #tpu.memory_space<hbm>>
        tpu.wait_dma2 semaphore(%run_scoped3A : memref<!tpu.dma_semaphore, #tpu.memory_space<semaphore_mem>>) src(%dma_wait3A_41 : memref<112xi32, #tpu.memory_space<hbm>>) dst(%arg7 : memref<112xi32, #tpu.memory_space<vmem>>)
        tpu.yield
      }) : () -> ()
      %scan3A_34 = arith.constant 0 : i32
      %scan3A_35 = arith.constant 0 : i32
      %scan3A_36 = arith.constant 7 : i32
      %scan3A_37 = arith.addi %scan3A_35, %scan3A_36 : i32
      %scan3A_38 = arith.constant 1 : i32
      scf.for %scan3A_40 = %scan3A_35 to %scan3A_37 step %scan3A_38  : i32 {
        %mul3A_41 = arith.constant 16 : i32
        %mul3A_42 = arith.muli %scan3A_40, %mul3A_41 : i32
        %get3A = arith.index_cast %mul3A_42 : i32 to index
        %get3A_43 = tpu.vector_load %arg8[%get3A] {strides = array<i32>} : memref<112xf32, #tpu.memory_space<vmem>>, vector<16xf32>,
        %exp3A = math.exp %get3A_43 : vector<16xf32>
        %get3A_44 = arith.index_cast %mul3A_42 : i32 to index
        %get3A_45 = tpu.vector_load %arg7[%get3A_44] {strides = array<i32>} : memref<112xi32, #tpu.memory_space<vmem>>, vector<16xi32>,
        %gather3A = tpu.vector_load_idx %arg14[%get3A_45, %broadcast_in_dim3A_2] : memref<1024x16xf32, #tpu.memory_space<vmem>>[vector<16xi32>, vector<16xi32>], vector<16xf32>,
        %add3A_46 = arith.constant 1.000000e-16 : f32
        %add3A_47 = vector.broadcast %add3A_46 : f32 to vector<16xf32>
        %add3A_48 = arith.addf %gather3A, %add3A_47 : vector<16xf32>
        %div3A = arith.divf %exp3A, %add3A_48 : vector<16xf32>
        %swap3A = arith.index_cast %mul3A_42 : i32 to index
        %swap3A_49 = tpu.vector_load %arg13[%swap3A] {strides = array<i32>} : memref<112xf32, #tpu.memory_space<vmem>>, vector<16xf32>,
        tpu.vector_store %arg13[%swap3A], %div3A {strides = array<i32>} : memref<112xf32, #tpu.memory_space<vmem>>, vector<16xf32>,
      }
      %scan3A_39 = arith.constant 7 : i32
      "tpu.region"() ({
        %run_scoped3A = tpu.sem_alloc : memref<!tpu.dma_semaphore, #tpu.memory_space<semaphore_mem>>
        %dma_start3A = tpu.memref_slice %arg6[%add3A_33] : memref<50176xf32, #tpu.memory_space<hbm>> -> memref<112xf32, #tpu.memory_space<hbm>>
        %dma_start3A_40 = tpu.memref_slice %arg6[%add3A_33] : memref<50176xf32, #tpu.memory_space<hbm>> -> memref<112xf32, #tpu.memory_space<hbm>>
        tpu.enqueue_dma source(%arg13 : memref<112xf32, #tpu.memory_space<vmem>>) target(%dma_start3A_40 : memref<112xf32, #tpu.memory_space<hbm>>) target_semaphore(%run_scoped3A : memref<!tpu.dma_semaphore, #tpu.memory_space<semaphore_mem>>)
        %dma_wait3A = tpu.memref_slice %arg6[%add3A_33] : memref<50176xf32, #tpu.memory_space<hbm>> -> memref<112xf32, #tpu.memory_space<hbm>>
        %dma_wait3A_41 = tpu.memref_slice %arg6[%add3A_33] : memref<50176xf32, #tpu.memory_space<hbm>> -> memref<112xf32, #tpu.memory_space<hbm>>
        tpu.wait_dma2 semaphore(%run_scoped3A : memref<!tpu.dma_semaphore, #tpu.memory_space<semaphore_mem>>) src(%arg13 : memref<112xf32, #tpu.memory_space<vmem>>) dst(%dma_wait3A_41 : memref<112xf32, #tpu.memory_space<hbm>>)
        tpu.yield
      }) : () -> ()
    }
    %scan3A_23 = arith.constant 14 : i32
    %eq3A = arith.constant 0 : i32
    %eq3A_24 = arith.cmpi eq, %arg0, %eq3A : i32
    %convert_element_type3A = arith.extui %eq3A_24 : i1 to i32
    %cond3A = arith.constant 0 : i32
    %cond3A_25 = arith.cmpi ne, %convert_element_type3A, %cond3A : i32
    scf.if %cond3A_25 {
      %mul3A_26 = arith.constant 64 : i32
      %mul3A_27 = arith.muli %arg1, %mul3A_26 : i32
      "tpu.region"() ({
        %run_scoped3A = tpu.sem_alloc : memref<!tpu.dma_semaphore, #tpu.memory_space<semaphore_mem>>
        %dma_start3A = arith.constant 0 : i32
        %dma_start3A_34 = tpu.memref_slice %arg16[%mul3A_27, %dma_start3A] : memref<1024x16xf32, #tpu.memory_space<vmem_shared>> -> memref<64x16xf32, #tpu.memory_space<vmem_shared>>
        %dma_start3A_35 = arith.constant 0 : i32
        %dma_start3A_36 = tpu.memref_slice %arg16[%mul3A_27, %dma_start3A_35] : memref<1024x16xf32, #tpu.memory_space<vmem_shared>> -> memref<64x16xf32, #tpu.memory_space<vmem_shared>>
        tpu.enqueue_dma source(%dma_start3A_36 : memref<64x16xf32, #tpu.memory_space<vmem_shared>>) target(%arg15 : memref<64x16xf32, #tpu.memory_space<vmem>>) target_semaphore(%run_scoped3A : memref<!tpu.dma_semaphore, #tpu.memory_space<semaphore_mem>>)
        %dma_wait3A = arith.constant 0 : i32
        %dma_wait3A_37 = tpu.memref_slice %arg16[%mul3A_27, %dma_wait3A] : memref<1024x16xf32, #tpu.memory_space<vmem_shared>> -> memref<64x16xf32, #tpu.memory_space<vmem_shared>>
        %dma_wait3A_38 = arith.constant 0 : i32
        %dma_wait3A_39 = tpu.memref_slice %arg16[%mul3A_27, %dma_wait3A_38] : memref<1024x16xf32, #tpu.memory_space<vmem_shared>> -> memref<64x16xf32, #tpu.memory_space<vmem_shared>>
        tpu.wait_dma2 semaphore(%run_scoped3A : memref<!tpu.dma_semaphore, #tpu.memory_space<semaphore_mem>>) src(%dma_wait3A_39 : memref<64x16xf32, #tpu.memory_space<vmem_shared>>) dst(%arg15 : memref<64x16xf32, #tpu.memory_space<vmem>>)
        tpu.yield
      }) : () -> ()
      %scan3A_28 = arith.constant 0 : i32
      %scan3A_29 = arith.constant 0 : i32
      %scan3A_30 = arith.constant 64 : i32
      %scan3A_31 = arith.addi %scan3A_29, %scan3A_30 : i32
      %scan3A_32 = arith.constant 1 : i32
      scf.for %scan3A_34 = %scan3A_29 to %scan3A_31 step %scan3A_32  : i32 {
        %add3A = arith.addi %mul3A_27, %scan3A_34 : i32
        %get3A = arith.index_cast %add3A : i32 to index
        %get3A_35 = arith.constant 0 : index
        %get3A_36 = tpu.vector_load %arg14[%get3A, %get3A_35] {strides = array<i32>} : memref<1024x16xf32, #tpu.memory_space<vmem>>, vector<16xf32>,
        %slice3A = vector.extract_strided_slice %get3A_36 {offsets = [0], sizes = [1], strides = [1]} : vector<16xf32> to vector<1xf32>
        %squeeze3A = vector.extract %slice3A[0] : f32 from vector<1xf32>
        %broadcast_in_dim3A_37 = vector.broadcast %squeeze3A : f32 to vector<16xf32>
        %get3A_38 = arith.index_cast %scan3A_34 : i32 to index
        %get3A_39 = arith.constant 0 : index
        %get3A_40 = tpu.vector_load %arg15[%get3A_38, %get3A_39] {strides = array<i32>} : memref<64x16xf32, #tpu.memory_space<vmem>>, vector<16xf32>,
        %add3A_41 = arith.constant 1.000000e-16 : f32
        %add3A_42 = vector.broadcast %add3A_41 : f32 to vector<16xf32>
        %add3A_43 = arith.addf %broadcast_in_dim3A_37, %add3A_42 : vector<16xf32>
        %div3A = arith.divf %get3A_40, %add3A_43 : vector<16xf32>
        %swap3A = arith.index_cast %scan3A_34 : i32 to index
        %swap3A_44 = arith.constant 0 : index
        %swap3A_45 = tpu.vector_load %arg15[%swap3A, %swap3A_44] {strides = array<i32>} : memref<64x16xf32, #tpu.memory_space<vmem>>, vector<16xf32>,
        tpu.vector_store %arg15[%swap3A, %swap3A_44], %div3A {strides = array<i32>} : memref<64x16xf32, #tpu.memory_space<vmem>>, vector<16xf32>,
      }
      %scan3A_33 = arith.constant 64 : i32
      "tpu.region"() ({
        %run_scoped3A = tpu.sem_alloc : memref<!tpu.dma_semaphore, #tpu.memory_space<semaphore_mem>>
        %dma_start3A = arith.constant 0 : i32
        %dma_start3A_34 = tpu.memref_slice %arg5[%mul3A_27, %dma_start3A] : memref<1024x16xf32, #tpu.memory_space<hbm>> -> memref<64x16xf32, #tpu.memory_space<hbm>>
        %dma_start3A_35 = arith.constant 0 : i32
        %dma_start3A_36 = tpu.memref_slice %arg5[%mul3A_27, %dma_start3A_35] : memref<1024x16xf32, #tpu.memory_space<hbm>> -> memref<64x16xf32, #tpu.memory_space<hbm>>
        tpu.enqueue_dma source(%arg15 : memref<64x16xf32, #tpu.memory_space<vmem>>) target(%dma_start3A_36 : memref<64x16xf32, #tpu.memory_space<hbm>>) target_semaphore(%run_scoped3A : memref<!tpu.dma_semaphore, #tpu.memory_space<semaphore_mem>>)
        %dma_wait3A = arith.constant 0 : i32
        %dma_wait3A_37 = tpu.memref_slice %arg5[%mul3A_27, %dma_wait3A] : memref<1024x16xf32, #tpu.memory_space<hbm>> -> memref<64x16xf32, #tpu.memory_space<hbm>>
        %dma_wait3A_38 = arith.constant 0 : i32
        %dma_wait3A_39 = tpu.memref_slice %arg5[%mul3A_27, %dma_wait3A_38] : memref<1024x16xf32, #tpu.memory_space<hbm>> -> memref<64x16xf32, #tpu.memory_space<hbm>>
        tpu.wait_dma2 semaphore(%run_scoped3A : memref<!tpu.dma_semaphore, #tpu.memory_space<semaphore_mem>>) src(%arg15 : memref<64x16xf32, #tpu.memory_space<vmem>>) dst(%dma_wait3A_39 : memref<64x16xf32, #tpu.memory_space<hbm>>)
        tpu.yield
      }) : () -> ()
    } else {
    }
    return
  }
}

#map = affine_map<(d0, d1) -> (0, 0, 0)>
#map1 = affine_map<(d0, d1) -> (0, 0)>
module attributes {stable_mosaic.version = 14 : i64} {
  func.func @body(%arg0: i32, %arg1: i32, %arg2: memref<2x50176x32xf32, #tpu.memory_space<hbm>>, %arg3: memref<2x1605632x32xf32, #tpu.memory_space<hbm>>, %arg4: memref<12544x128xi32, #tpu.memory_space<hbm>>, %arg5: memref<12544x128xi32, #tpu.memory_space<hbm>>, %arg6: memref<2x50176x32xf32, #tpu.memory_space<hbm>>, %arg7: memref<2x50176x32xf32, #tpu.memory_space<hbm>>, %arg8: memref<128xi32, #tpu.memory_space<vmem>>, %arg9: memref<128xi32, #tpu.memory_space<vmem>>, %arg10: memref<128xi32, #tpu.memory_space<vmem>>, %arg11: memref<128xi32, #tpu.memory_space<vmem>>, %arg12: memref<128x32xf32, #tpu.memory_space<vmem>>, %arg13: memref<128x32xf32, #tpu.memory_space<vmem>>, %arg14: memref<128x32xf32, #tpu.memory_space<vmem>>, %arg15: memref<128x32xf32, #tpu.memory_space<vmem>>, %arg16: memref<50176x32xf32, #tpu.memory_space<vmem_shared>>, %arg17: memref<!tpu.dma_semaphore, #tpu.memory_space<semaphore_mem>>, %arg18: memref<!tpu.dma_semaphore, #tpu.memory_space<semaphore_mem>>, %arg19: memref<!tpu.dma_semaphore, #tpu.memory_space<semaphore_mem>>, %arg20: memref<!tpu.dma_semaphore, #tpu.memory_space<semaphore_mem>>) attributes {dimension_semantics = [#tpu.dimension_semantics<core_parallel>, #tpu.dimension_semantics<subcore_parallel>], iteration_bounds = array<i64: 2, 16>, scalar_prefetch = 0 : i64, scratch_operands = 13 : i64, tpu.core_type = #tpu.core_type<sc_vector_subcore>, window_params = [{transform_indices = #map}, {transform_indices = #map}, {transform_indices = #map1}, {transform_indices = #map1}, {transform_indices = #map}, {transform_indices = #map}]} {
    %scan3A = arith.constant 0 : i32
    %scan3A_0 = arith.constant 0 : i32
    %scan3A_1 = arith.constant 28 : i32
    %scan3A_2 = arith.addi %scan3A_0, %scan3A_1 : i32
    %scan3A_3 = arith.constant 1 : i32
    scf.for %scan3A_81 = %scan3A_0 to %scan3A_2 step %scan3A_3  : i32 {
      %mul3A_82 = arith.constant 3136 : i32
      %mul3A_83 = arith.muli %arg1, %mul3A_82 : i32
      %mul3A_84 = arith.constant 112 : i32
      %mul3A_85 = arith.muli %scan3A_81, %mul3A_84 : i32
      %add3A_86 = arith.addi %mul3A_83, %mul3A_85 : i32
      "tpu.region"() ({
        %run_scoped3A = tpu.sem_alloc : memref<!tpu.dma_semaphore, #tpu.memory_space<semaphore_mem>>
        %dma_start3A_87 = arith.constant 0 : i32
        %dma_start3A_88 = arith.constant 0 : i32
        %dma_start3A_89 = tpu.memref_slice %arg14[%dma_start3A_87, %dma_start3A_88] : memref<128x32xf32, #tpu.memory_space<vmem>> -> memref<112x32xf32, #tpu.memory_space<vmem>>
        %dma_start3A_90 = arith.constant 0 : i32
        %dma_start3A_91 = arith.constant 0 : i32
        %dma_start3A_92 = tpu.memref_slice %arg6[%arg0, %dma_start3A_90, %dma_start3A_91] : memref<2x50176x32xf32, #tpu.memory_space<hbm>> -> memref<1x50176x32xf32, #tpu.memory_space<hbm>>
        %dma_start3A_93 = tpu.memref_squeeze %dma_start3A_92 : memref<1x50176x32xf32, #tpu.memory_space<hbm>> -> memref<50176x32xf32, #tpu.memory_space<hbm>>
        %dma_start3A_94 = arith.constant 0 : i32
        %dma_start3A_95 = tpu.memref_slice %dma_start3A_93[%add3A_86, %dma_start3A_94] : memref<50176x32xf32, #tpu.memory_space<hbm>> -> memref<112x32xf32, #tpu.memory_space<hbm>>
        %dma_start3A_96 = arith.constant 0 : i32
        %dma_start3A_97 = arith.constant 0 : i32
        %dma_start3A_98 = tpu.memref_slice %arg14[%dma_start3A_96, %dma_start3A_97] : memref<128x32xf32, #tpu.memory_space<vmem>> -> memref<112x32xf32, #tpu.memory_space<vmem>>
        %dma_start3A_99 = arith.constant 0 : i32
        %dma_start3A_100 = arith.constant 0 : i32
        %dma_start3A_101 = tpu.memref_slice %arg6[%arg0, %dma_start3A_99, %dma_start3A_100] : memref<2x50176x32xf32, #tpu.memory_space<hbm>> -> memref<1x50176x32xf32, #tpu.memory_space<hbm>>
        %dma_start3A_102 = tpu.memref_squeeze %dma_start3A_101 : memref<1x50176x32xf32, #tpu.memory_space<hbm>> -> memref<50176x32xf32, #tpu.memory_space<hbm>>
        %dma_start3A_103 = arith.constant 0 : i32
        %dma_start3A_104 = tpu.memref_slice %dma_start3A_102[%add3A_86, %dma_start3A_103] : memref<50176x32xf32, #tpu.memory_space<hbm>> -> memref<112x32xf32, #tpu.memory_space<hbm>>
        tpu.enqueue_dma source(%dma_start3A_104 : memref<112x32xf32, #tpu.memory_space<hbm>>) target(%dma_start3A_98 : memref<112x32xf32, #tpu.memory_space<vmem>>) target_semaphore(%run_scoped3A : memref<!tpu.dma_semaphore, #tpu.memory_space<semaphore_mem>>)
        %dma_wait3A_105 = arith.constant 0 : i32
        %dma_wait3A_106 = arith.constant 0 : i32
        %dma_wait3A_107 = tpu.memref_slice %arg14[%dma_wait3A_105, %dma_wait3A_106] : memref<128x32xf32, #tpu.memory_space<vmem>> -> memref<112x32xf32, #tpu.memory_space<vmem>>
        %dma_wait3A_108 = arith.constant 0 : i32
        %dma_wait3A_109 = arith.constant 0 : i32
        %dma_wait3A_110 = tpu.memref_slice %arg6[%arg0, %dma_wait3A_108, %dma_wait3A_109] : memref<2x50176x32xf32, #tpu.memory_space<hbm>> -> memref<1x50176x32xf32, #tpu.memory_space<hbm>>
        %dma_wait3A_111 = tpu.memref_squeeze %dma_wait3A_110 : memref<1x50176x32xf32, #tpu.memory_space<hbm>> -> memref<50176x32xf32, #tpu.memory_space<hbm>>
        %dma_wait3A_112 = arith.constant 0 : i32
        %dma_wait3A_113 = tpu.memref_slice %dma_wait3A_111[%add3A_86, %dma_wait3A_112] : memref<50176x32xf32, #tpu.memory_space<hbm>> -> memref<112x32xf32, #tpu.memory_space<hbm>>
        %dma_wait3A_114 = arith.constant 0 : i32
        %dma_wait3A_115 = arith.constant 0 : i32
        %dma_wait3A_116 = tpu.memref_slice %arg14[%dma_wait3A_114, %dma_wait3A_115] : memref<128x32xf32, #tpu.memory_space<vmem>> -> memref<112x32xf32, #tpu.memory_space<vmem>>
        %dma_wait3A_117 = arith.constant 0 : i32
        %dma_wait3A_118 = arith.constant 0 : i32
        %dma_wait3A_119 = tpu.memref_slice %arg6[%arg0, %dma_wait3A_117, %dma_wait3A_118] : memref<2x50176x32xf32, #tpu.memory_space<hbm>> -> memref<1x50176x32xf32, #tpu.memory_space<hbm>>
        %dma_wait3A_120 = tpu.memref_squeeze %dma_wait3A_119 : memref<1x50176x32xf32, #tpu.memory_space<hbm>> -> memref<50176x32xf32, #tpu.memory_space<hbm>>
        %dma_wait3A_121 = arith.constant 0 : i32
        %dma_wait3A_122 = tpu.memref_slice %dma_wait3A_120[%add3A_86, %dma_wait3A_121] : memref<50176x32xf32, #tpu.memory_space<hbm>> -> memref<112x32xf32, #tpu.memory_space<hbm>>
        tpu.wait_dma2 semaphore(%run_scoped3A : memref<!tpu.dma_semaphore, #tpu.memory_space<semaphore_mem>>) src(%dma_wait3A_122 : memref<112x32xf32, #tpu.memory_space<hbm>>) dst(%dma_wait3A_116 : memref<112x32xf32, #tpu.memory_space<vmem>>)
        tpu.yield
      }) : () -> ()
      "tpu.region"() ({
        %run_scoped3A = tpu.sem_alloc : memref<!tpu.dma_semaphore, #tpu.memory_space<semaphore_mem>>
        %dma_start3A_87 = arith.constant 0 : i32
        %dma_start3A_88 = arith.constant 0 : i32
        %dma_start3A_89 = tpu.memref_slice %arg14[%dma_start3A_87, %dma_start3A_88] : memref<128x32xf32, #tpu.memory_space<vmem>> -> memref<112x32xf32, #tpu.memory_space<vmem>>
        %dma_start3A_90 = arith.constant 0 : i32
        %dma_start3A_91 = tpu.memref_slice %arg16[%add3A_86, %dma_start3A_90] : memref<50176x32xf32, #tpu.memory_space<vmem_shared>> -> memref<112x32xf32, #tpu.memory_space<vmem_shared>>
        %dma_start3A_92 = arith.constant 0 : i32
        %dma_start3A_93 = tpu.memref_slice %arg16[%add3A_86, %dma_start3A_92] : memref<50176x32xf32, #tpu.memory_space<vmem_shared>> -> memref<112x32xf32, #tpu.memory_space<vmem_shared>>
        %dma_start3A_94 = arith.constant 0 : i32
        %dma_start3A_95 = arith.constant 0 : i32
        %dma_start3A_96 = tpu.memref_slice %arg14[%dma_start3A_94, %dma_start3A_95] : memref<128x32xf32, #tpu.memory_space<vmem>> -> memref<112x32xf32, #tpu.memory_space<vmem>>
        tpu.enqueue_dma source(%dma_start3A_96 : memref<112x32xf32, #tpu.memory_space<vmem>>) target(%dma_start3A_93 : memref<112x32xf32, #tpu.memory_space<vmem_shared>>) target_semaphore(%run_scoped3A : memref<!tpu.dma_semaphore, #tpu.memory_space<semaphore_mem>>)
        %dma_wait3A_97 = arith.constant 0 : i32
        %dma_wait3A_98 = arith.constant 0 : i32
        %dma_wait3A_99 = tpu.memref_slice %arg14[%dma_wait3A_97, %dma_wait3A_98] : memref<128x32xf32, #tpu.memory_space<vmem>> -> memref<112x32xf32, #tpu.memory_space<vmem>>
        %dma_wait3A_100 = arith.constant 0 : i32
        %dma_wait3A_101 = tpu.memref_slice %arg16[%add3A_86, %dma_wait3A_100] : memref<50176x32xf32, #tpu.memory_space<vmem_shared>> -> memref<112x32xf32, #tpu.memory_space<vmem_shared>>
        %dma_wait3A_102 = arith.constant 0 : i32
        %dma_wait3A_103 = tpu.memref_slice %arg16[%add3A_86, %dma_wait3A_102] : memref<50176x32xf32, #tpu.memory_space<vmem_shared>> -> memref<112x32xf32, #tpu.memory_space<vmem_shared>>
        %dma_wait3A_104 = arith.constant 0 : i32
        %dma_wait3A_105 = arith.constant 0 : i32
        %dma_wait3A_106 = tpu.memref_slice %arg14[%dma_wait3A_104, %dma_wait3A_105] : memref<128x32xf32, #tpu.memory_space<vmem>> -> memref<112x32xf32, #tpu.memory_space<vmem>>
        tpu.wait_dma2 semaphore(%run_scoped3A : memref<!tpu.dma_semaphore, #tpu.memory_space<semaphore_mem>>) src(%dma_wait3A_106 : memref<112x32xf32, #tpu.memory_space<vmem>>) dst(%dma_wait3A_103 : memref<112x32xf32, #tpu.memory_space<vmem_shared>>)
        tpu.yield
      }) : () -> ()
    }
    %scan3A_4 = arith.constant 28 : i32
    %barrier3A = arith.constant 0 : index
    tpu.barrier barrier_id(%barrier3A)
    %mul3A = arith.constant 784 : i32
    %mul3A_5 = arith.muli %arg1, %mul3A : i32
    %add3A = arith.constant 0 : i32
    %add3A_6 = arith.addi %mul3A_5, %add3A : i32
    %dma_start3A = arith.constant 0 : i32
    %dma_start3A_7 = tpu.memref_slice %arg4[%add3A_6, %dma_start3A] : memref<12544x128xi32, #tpu.memory_space<hbm>> -> memref<1x128xi32, #tpu.memory_space<hbm>>
    %dma_start3A_8 = tpu.memref_squeeze %dma_start3A_7 : memref<1x128xi32, #tpu.memory_space<hbm>> -> memref<128xi32, #tpu.memory_space<hbm>>
    %dma_start3A_9 = arith.constant 0 : i32
    %dma_start3A_10 = tpu.memref_slice %arg4[%add3A_6, %dma_start3A_9] : memref<12544x128xi32, #tpu.memory_space<hbm>> -> memref<1x128xi32, #tpu.memory_space<hbm>>
    %dma_start3A_11 = tpu.memref_squeeze %dma_start3A_10 : memref<1x128xi32, #tpu.memory_space<hbm>> -> memref<128xi32, #tpu.memory_space<hbm>>
    tpu.enqueue_dma source(%dma_start3A_11 : memref<128xi32, #tpu.memory_space<hbm>>) target(%arg8 : memref<128xi32, #tpu.memory_space<vmem>>) target_semaphore(%arg17 : memref<!tpu.dma_semaphore, #tpu.memory_space<semaphore_mem>>)
    %dma_start3A_12 = arith.constant 0 : i32
    %dma_start3A_13 = tpu.memref_slice %arg5[%add3A_6, %dma_start3A_12] : memref<12544x128xi32, #tpu.memory_space<hbm>> -> memref<1x128xi32, #tpu.memory_space<hbm>>
    %dma_start3A_14 = tpu.memref_squeeze %dma_start3A_13 : memref<1x128xi32, #tpu.memory_space<hbm>> -> memref<128xi32, #tpu.memory_space<hbm>>
    %dma_start3A_15 = arith.constant 0 : i32
    %dma_start3A_16 = tpu.memref_slice %arg5[%add3A_6, %dma_start3A_15] : memref<12544x128xi32, #tpu.memory_space<hbm>> -> memref<1x128xi32, #tpu.memory_space<hbm>>
    %dma_start3A_17 = tpu.memref_squeeze %dma_start3A_16 : memref<1x128xi32, #tpu.memory_space<hbm>> -> memref<128xi32, #tpu.memory_space<hbm>>
    tpu.enqueue_dma source(%dma_start3A_17 : memref<128xi32, #tpu.memory_space<hbm>>) target(%arg10 : memref<128xi32, #tpu.memory_space<vmem>>) target_semaphore(%arg17 : memref<!tpu.dma_semaphore, #tpu.memory_space<semaphore_mem>>)
    %add3A_18 = arith.constant 1 : i32
    %add3A_19 = arith.addi %mul3A_5, %add3A_18 : i32
    %dma_start3A_20 = arith.constant 0 : i32
    %dma_start3A_21 = tpu.memref_slice %arg4[%add3A_19, %dma_start3A_20] : memref<12544x128xi32, #tpu.memory_space<hbm>> -> memref<1x128xi32, #tpu.memory_space<hbm>>
    %dma_start3A_22 = tpu.memref_squeeze %dma_start3A_21 : memref<1x128xi32, #tpu.memory_space<hbm>> -> memref<128xi32, #tpu.memory_space<hbm>>
    %dma_start3A_23 = arith.constant 0 : i32
    %dma_start3A_24 = tpu.memref_slice %arg4[%add3A_19, %dma_start3A_23] : memref<12544x128xi32, #tpu.memory_space<hbm>> -> memref<1x128xi32, #tpu.memory_space<hbm>>
    %dma_start3A_25 = tpu.memref_squeeze %dma_start3A_24 : memref<1x128xi32, #tpu.memory_space<hbm>> -> memref<128xi32, #tpu.memory_space<hbm>>
    tpu.enqueue_dma source(%dma_start3A_25 : memref<128xi32, #tpu.memory_space<hbm>>) target(%arg9 : memref<128xi32, #tpu.memory_space<vmem>>) target_semaphore(%arg18 : memref<!tpu.dma_semaphore, #tpu.memory_space<semaphore_mem>>)
    %dma_start3A_26 = arith.constant 0 : i32
    %dma_start3A_27 = tpu.memref_slice %arg5[%add3A_19, %dma_start3A_26] : memref<12544x128xi32, #tpu.memory_space<hbm>> -> memref<1x128xi32, #tpu.memory_space<hbm>>
    %dma_start3A_28 = tpu.memref_squeeze %dma_start3A_27 : memref<1x128xi32, #tpu.memory_space<hbm>> -> memref<128xi32, #tpu.memory_space<hbm>>
    %dma_start3A_29 = arith.constant 0 : i32
    %dma_start3A_30 = tpu.memref_slice %arg5[%add3A_19, %dma_start3A_29] : memref<12544x128xi32, #tpu.memory_space<hbm>> -> memref<1x128xi32, #tpu.memory_space<hbm>>
    %dma_start3A_31 = tpu.memref_squeeze %dma_start3A_30 : memref<1x128xi32, #tpu.memory_space<hbm>> -> memref<128xi32, #tpu.memory_space<hbm>>
    tpu.enqueue_dma source(%dma_start3A_31 : memref<128xi32, #tpu.memory_space<hbm>>) target(%arg11 : memref<128xi32, #tpu.memory_space<vmem>>) target_semaphore(%arg18 : memref<!tpu.dma_semaphore, #tpu.memory_space<semaphore_mem>>)
    %dma_wait3A = arith.constant 0 : i32
    %dma_wait3A_32 = arith.constant 0 : i32
    %dma_wait3A_33 = tpu.memref_slice %arg4[%dma_wait3A, %dma_wait3A_32] : memref<12544x128xi32, #tpu.memory_space<hbm>> -> memref<1x128xi32, #tpu.memory_space<hbm>>
    %dma_wait3A_34 = tpu.memref_squeeze %dma_wait3A_33 : memref<1x128xi32, #tpu.memory_space<hbm>> -> memref<128xi32, #tpu.memory_space<hbm>>
    %dma_wait3A_35 = arith.constant 0 : i32
    %dma_wait3A_36 = tpu.memref_slice %arg4[%dma_wait3A, %dma_wait3A_35] : memref<12544x128xi32, #tpu.memory_space<hbm>> -> memref<1x128xi32, #tpu.memory_space<hbm>>
    %dma_wait3A_37 = tpu.memref_squeeze %dma_wait3A_36 : memref<1x128xi32, #tpu.memory_space<hbm>> -> memref<128xi32, #tpu.memory_space<hbm>>
    tpu.wait_dma2 semaphore(%arg17 : memref<!tpu.dma_semaphore, #tpu.memory_space<semaphore_mem>>) src(%dma_wait3A_37 : memref<128xi32, #tpu.memory_space<hbm>>) dst(%arg8 : memref<128xi32, #tpu.memory_space<vmem>>)
    %dma_wait3A_38 = arith.constant 0 : i32
    %dma_wait3A_39 = arith.constant 0 : i32
    %dma_wait3A_40 = tpu.memref_slice %arg5[%dma_wait3A_38, %dma_wait3A_39] : memref<12544x128xi32, #tpu.memory_space<hbm>> -> memref<1x128xi32, #tpu.memory_space<hbm>>
    %dma_wait3A_41 = tpu.memref_squeeze %dma_wait3A_40 : memref<1x128xi32, #tpu.memory_space<hbm>> -> memref<128xi32, #tpu.memory_space<hbm>>
    %dma_wait3A_42 = arith.constant 0 : i32
    %dma_wait3A_43 = tpu.memref_slice %arg5[%dma_wait3A_38, %dma_wait3A_42] : memref<12544x128xi32, #tpu.memory_space<hbm>> -> memref<1x128xi32, #tpu.memory_space<hbm>>
    %dma_wait3A_44 = tpu.memref_squeeze %dma_wait3A_43 : memref<1x128xi32, #tpu.memory_space<hbm>> -> memref<128xi32, #tpu.memory_space<hbm>>
    tpu.wait_dma2 semaphore(%arg17 : memref<!tpu.dma_semaphore, #tpu.memory_space<semaphore_mem>>) src(%dma_wait3A_44 : memref<128xi32, #tpu.memory_space<hbm>>) dst(%arg10 : memref<128xi32, #tpu.memory_space<vmem>>)
    %add3A_45 = arith.constant 0 : i32
    %add3A_46 = arith.addi %mul3A_5, %add3A_45 : i32
    %mul3A_47 = arith.constant 128 : i32
    %mul3A_48 = arith.muli %add3A_46, %mul3A_47 : i32
    %dma_start3A_49 = arith.constant 0 : i32
    %dma_start3A_50 = arith.constant 0 : i32
    %dma_start3A_51 = tpu.memref_slice %arg3[%arg0, %dma_start3A_49, %dma_start3A_50] : memref<2x1605632x32xf32, #tpu.memory_space<hbm>> -> memref<1x1605632x32xf32, #tpu.memory_space<hbm>>
    %dma_start3A_52 = tpu.memref_squeeze %dma_start3A_51 : memref<1x1605632x32xf32, #tpu.memory_space<hbm>> -> memref<1605632x32xf32, #tpu.memory_space<hbm>>
    %dma_start3A_53 = arith.constant 0 : i32
    %dma_start3A_54 = tpu.memref_slice %dma_start3A_52[%mul3A_48, %dma_start3A_53] : memref<1605632x32xf32, #tpu.memory_space<hbm>> -> memref<128x32xf32, #tpu.memory_space<hbm>>
    %dma_start3A_55 = arith.constant 0 : i32
    %dma_start3A_56 = arith.constant 0 : i32
    %dma_start3A_57 = tpu.memref_slice %arg3[%arg0, %dma_start3A_55, %dma_start3A_56] : memref<2x1605632x32xf32, #tpu.memory_space<hbm>> -> memref<1x1605632x32xf32, #tpu.memory_space<hbm>>
    %dma_start3A_58 = tpu.memref_squeeze %dma_start3A_57 : memref<1x1605632x32xf32, #tpu.memory_space<hbm>> -> memref<1605632x32xf32, #tpu.memory_space<hbm>>
    %dma_start3A_59 = arith.constant 0 : i32
    %dma_start3A_60 = tpu.memref_slice %dma_start3A_58[%mul3A_48, %dma_start3A_59] : memref<1605632x32xf32, #tpu.memory_space<hbm>> -> memref<128x32xf32, #tpu.memory_space<hbm>>
    tpu.enqueue_dma source(%dma_start3A_60 : memref<128x32xf32, #tpu.memory_space<hbm>>) target(%arg12 : memref<128x32xf32, #tpu.memory_space<vmem>>) target_semaphore(%arg19 : memref<!tpu.dma_semaphore, #tpu.memory_space<semaphore_mem>>)
    %dma_start3A_61 = arith.constant 0 : i32
    %dma_start3A_62 = arith.constant 0 : i32
    %dma_start3A_63 = tpu.memref_slice %arg2[%arg0, %dma_start3A_61, %dma_start3A_62] : memref<2x50176x32xf32, #tpu.memory_space<hbm>> -> memref<1x50176x32xf32, #tpu.memory_space<hbm>>
    %dma_start3A_64 = tpu.memref_squeeze %dma_start3A_63 : memref<1x50176x32xf32, #tpu.memory_space<hbm>> -> memref<50176x32xf32, #tpu.memory_space<hbm>>
    %dma_start3A_65 = arith.constant 0 : i32
    %dma_start3A_66 = arith.constant 0 : i32
    %dma_start3A_67 = tpu.memref_slice %dma_start3A_64[%dma_start3A_65, %dma_start3A_66] : memref<50176x32xf32, #tpu.memory_space<hbm>> -> memref<50176x32xf32, #tpu.memory_space<hbm>>
    tpu.enqueue_indirect_dma source(%dma_start3A_67 : memref<50176x32xf32, #tpu.memory_space<hbm>>) target(%arg14 : memref<128x32xf32, #tpu.memory_space<vmem>>) offsets(%arg8 : memref<128xi32, #tpu.memory_space<vmem>>) semaphore(%arg19 : memref<!tpu.dma_semaphore, #tpu.memory_space<semaphore_mem>>)
    %scan3A_68 = arith.constant 0 : i32
    %scan3A_69 = arith.constant 0 : i32
    %scan3A_70 = arith.constant 392 : i32
    %scan3A_71 = arith.addi %scan3A_69, %scan3A_70 : i32
    %scan3A_72 = arith.constant 1 : i32
    scf.for %scan3A_81 = %scan3A_69 to %scan3A_71 step %scan3A_72  : i32 {
      %mul3A_82 = arith.constant 2 : i32
      %mul3A_83 = arith.muli %mul3A_82, %scan3A_81 : i32
      %dma_wait3A_84 = arith.constant 0 : i32
      %dma_wait3A_85 = arith.constant 0 : i32
      %dma_wait3A_86 = tpu.memref_slice %arg4[%dma_wait3A_84, %dma_wait3A_85] : memref<12544x128xi32, #tpu.memory_space<hbm>> -> memref<1x128xi32, #tpu.memory_space<hbm>>
      %dma_wait3A_87 = tpu.memref_squeeze %dma_wait3A_86 : memref<1x128xi32, #tpu.memory_space<hbm>> -> memref<128xi32, #tpu.memory_space<hbm>>
      %dma_wait3A_88 = arith.constant 0 : i32
      %dma_wait3A_89 = tpu.memref_slice %arg4[%dma_wait3A_84, %dma_wait3A_88] : memref<12544x128xi32, #tpu.memory_space<hbm>> -> memref<1x128xi32, #tpu.memory_space<hbm>>
      %dma_wait3A_90 = tpu.memref_squeeze %dma_wait3A_89 : memref<1x128xi32, #tpu.memory_space<hbm>> -> memref<128xi32, #tpu.memory_space<hbm>>
      tpu.wait_dma2 semaphore(%arg18 : memref<!tpu.dma_semaphore, #tpu.memory_space<semaphore_mem>>) src(%dma_wait3A_90 : memref<128xi32, #tpu.memory_space<hbm>>) dst(%arg9 : memref<128xi32, #tpu.memory_space<vmem>>)
      %dma_wait3A_91 = arith.constant 0 : i32
      %dma_wait3A_92 = arith.constant 0 : i32
      %dma_wait3A_93 = tpu.memref_slice %arg5[%dma_wait3A_91, %dma_wait3A_92] : memref<12544x128xi32, #tpu.memory_space<hbm>> -> memref<1x128xi32, #tpu.memory_space<hbm>>
      %dma_wait3A_94 = tpu.memref_squeeze %dma_wait3A_93 : memref<1x128xi32, #tpu.memory_space<hbm>> -> memref<128xi32, #tpu.memory_space<hbm>>
      %dma_wait3A_95 = arith.constant 0 : i32
      %dma_wait3A_96 = tpu.memref_slice %arg5[%dma_wait3A_91, %dma_wait3A_95] : memref<12544x128xi32, #tpu.memory_space<hbm>> -> memref<1x128xi32, #tpu.memory_space<hbm>>
      %dma_wait3A_97 = tpu.memref_squeeze %dma_wait3A_96 : memref<1x128xi32, #tpu.memory_space<hbm>> -> memref<128xi32, #tpu.memory_space<hbm>>
      tpu.wait_dma2 semaphore(%arg18 : memref<!tpu.dma_semaphore, #tpu.memory_space<semaphore_mem>>) src(%dma_wait3A_97 : memref<128xi32, #tpu.memory_space<hbm>>) dst(%arg11 : memref<128xi32, #tpu.memory_space<vmem>>)
      %add3A_98 = arith.constant 1 : i32
      %add3A_99 = arith.addi %mul3A_83, %add3A_98 : i32
      %add3A_100 = arith.addi %mul3A_5, %add3A_99 : i32
      %mul3A_101 = arith.constant 128 : i32
      %mul3A_102 = arith.muli %add3A_100, %mul3A_101 : i32
      %dma_start3A_103 = arith.constant 0 : i32
      %dma_start3A_104 = arith.constant 0 : i32
      %dma_start3A_105 = tpu.memref_slice %arg3[%arg0, %dma_start3A_103, %dma_start3A_104] : memref<2x1605632x32xf32, #tpu.memory_space<hbm>> -> memref<1x1605632x32xf32, #tpu.memory_space<hbm>>
      %dma_start3A_106 = tpu.memref_squeeze %dma_start3A_105 : memref<1x1605632x32xf32, #tpu.memory_space<hbm>> -> memref<1605632x32xf32, #tpu.memory_space<hbm>>
      %dma_start3A_107 = arith.constant 0 : i32
      %dma_start3A_108 = tpu.memref_slice %dma_start3A_106[%mul3A_102, %dma_start3A_107] : memref<1605632x32xf32, #tpu.memory_space<hbm>> -> memref<128x32xf32, #tpu.memory_space<hbm>>
      %dma_start3A_109 = arith.constant 0 : i32
      %dma_start3A_110 = arith.constant 0 : i32
      %dma_start3A_111 = tpu.memref_slice %arg3[%arg0, %dma_start3A_109, %dma_start3A_110] : memref<2x1605632x32xf32, #tpu.memory_space<hbm>> -> memref<1x1605632x32xf32, #tpu.memory_space<hbm>>
      %dma_start3A_112 = tpu.memref_squeeze %dma_start3A_111 : memref<1x1605632x32xf32, #tpu.memory_space<hbm>> -> memref<1605632x32xf32, #tpu.memory_space<hbm>>
      %dma_start3A_113 = arith.constant 0 : i32
      %dma_start3A_114 = tpu.memref_slice %dma_start3A_112[%mul3A_102, %dma_start3A_113] : memref<1605632x32xf32, #tpu.memory_space<hbm>> -> memref<128x32xf32, #tpu.memory_space<hbm>>
      tpu.enqueue_dma source(%dma_start3A_114 : memref<128x32xf32, #tpu.memory_space<hbm>>) target(%arg13 : memref<128x32xf32, #tpu.memory_space<vmem>>) target_semaphore(%arg20 : memref<!tpu.dma_semaphore, #tpu.memory_space<semaphore_mem>>)
      %dma_start3A_115 = arith.constant 0 : i32
      %dma_start3A_116 = arith.constant 0 : i32
      %dma_start3A_117 = tpu.memref_slice %arg2[%arg0, %dma_start3A_115, %dma_start3A_116] : memref<2x50176x32xf32, #tpu.memory_space<hbm>> -> memref<1x50176x32xf32, #tpu.memory_space<hbm>>
      %dma_start3A_118 = tpu.memref_squeeze %dma_start3A_117 : memref<1x50176x32xf32, #tpu.memory_space<hbm>> -> memref<50176x32xf32, #tpu.memory_space<hbm>>
      %dma_start3A_119 = arith.constant 0 : i32
      %dma_start3A_120 = arith.constant 0 : i32
      %dma_start3A_121 = tpu.memref_slice %dma_start3A_118[%dma_start3A_119, %dma_start3A_120] : memref<50176x32xf32, #tpu.memory_space<hbm>> -> memref<50176x32xf32, #tpu.memory_space<hbm>>
      tpu.enqueue_indirect_dma source(%dma_start3A_121 : memref<50176x32xf32, #tpu.memory_space<hbm>>) target(%arg15 : memref<128x32xf32, #tpu.memory_space<vmem>>) offsets(%arg9 : memref<128xi32, #tpu.memory_space<vmem>>) semaphore(%arg20 : memref<!tpu.dma_semaphore, #tpu.memory_space<semaphore_mem>>)
      %dma_wait3A_122 = arith.constant 0 : i32
      %dma_wait3A_123 = arith.constant 0 : i32
      %dma_wait3A_124 = tpu.memref_slice %arg3[%arg0, %dma_wait3A_122, %dma_wait3A_123] : memref<2x1605632x32xf32, #tpu.memory_space<hbm>> -> memref<1x1605632x32xf32, #tpu.memory_space<hbm>>
      %dma_wait3A_125 = tpu.memref_squeeze %dma_wait3A_124 : memref<1x1605632x32xf32, #tpu.memory_space<hbm>> -> memref<1605632x32xf32, #tpu.memory_space<hbm>>
      %dma_wait3A_126 = arith.constant 0 : i32
      %dma_wait3A_127 = arith.constant 0 : i32
      %dma_wait3A_128 = tpu.memref_slice %dma_wait3A_125[%dma_wait3A_126, %dma_wait3A_127] : memref<1605632x32xf32, #tpu.memory_space<hbm>> -> memref<128x32xf32, #tpu.memory_space<hbm>>
      %dma_wait3A_129 = arith.constant 0 : i32
      %dma_wait3A_130 = arith.constant 0 : i32
      %dma_wait3A_131 = tpu.memref_slice %arg3[%arg0, %dma_wait3A_129, %dma_wait3A_130] : memref<2x1605632x32xf32, #tpu.memory_space<hbm>> -> memref<1x1605632x32xf32, #tpu.memory_space<hbm>>
      %dma_wait3A_132 = tpu.memref_squeeze %dma_wait3A_131 : memref<1x1605632x32xf32, #tpu.memory_space<hbm>> -> memref<1605632x32xf32, #tpu.memory_space<hbm>>
      %dma_wait3A_133 = arith.constant 0 : i32
      %dma_wait3A_134 = arith.constant 0 : i32
      %dma_wait3A_135 = tpu.memref_slice %dma_wait3A_132[%dma_wait3A_133, %dma_wait3A_134] : memref<1605632x32xf32, #tpu.memory_space<hbm>> -> memref<128x32xf32, #tpu.memory_space<hbm>>
      tpu.wait_dma2 semaphore(%arg19 : memref<!tpu.dma_semaphore, #tpu.memory_space<semaphore_mem>>) src(%dma_wait3A_135 : memref<128x32xf32, #tpu.memory_space<hbm>>) dst(%arg12 : memref<128x32xf32, #tpu.memory_space<vmem>>)
      %dma_wait3A_136 = arith.constant 0 : i32
      %dma_wait3A_137 = arith.constant 0 : i32
      %dma_wait3A_138 = tpu.memref_slice %arg3[%arg0, %dma_wait3A_136, %dma_wait3A_137] : memref<2x1605632x32xf32, #tpu.memory_space<hbm>> -> memref<1x1605632x32xf32, #tpu.memory_space<hbm>>
      %dma_wait3A_139 = tpu.memref_squeeze %dma_wait3A_138 : memref<1x1605632x32xf32, #tpu.memory_space<hbm>> -> memref<1605632x32xf32, #tpu.memory_space<hbm>>
      %dma_wait3A_140 = arith.constant 0 : i32
      %dma_wait3A_141 = arith.constant 0 : i32
      %dma_wait3A_142 = tpu.memref_slice %dma_wait3A_139[%dma_wait3A_140, %dma_wait3A_141] : memref<1605632x32xf32, #tpu.memory_space<hbm>> -> memref<128x32xf32, #tpu.memory_space<hbm>>
      %dma_wait3A_143 = arith.constant 0 : i32
      %dma_wait3A_144 = arith.constant 0 : i32
      %dma_wait3A_145 = tpu.memref_slice %arg3[%arg0, %dma_wait3A_143, %dma_wait3A_144] : memref<2x1605632x32xf32, #tpu.memory_space<hbm>> -> memref<1x1605632x32xf32, #tpu.memory_space<hbm>>
      %dma_wait3A_146 = tpu.memref_squeeze %dma_wait3A_145 : memref<1x1605632x32xf32, #tpu.memory_space<hbm>> -> memref<1605632x32xf32, #tpu.memory_space<hbm>>
      %dma_wait3A_147 = arith.constant 0 : i32
      %dma_wait3A_148 = arith.constant 0 : i32
      %dma_wait3A_149 = tpu.memref_slice %dma_wait3A_146[%dma_wait3A_147, %dma_wait3A_148] : memref<1605632x32xf32, #tpu.memory_space<hbm>> -> memref<128x32xf32, #tpu.memory_space<hbm>>
      tpu.wait_dma2 semaphore(%arg19 : memref<!tpu.dma_semaphore, #tpu.memory_space<semaphore_mem>>) src(%dma_wait3A_149 : memref<128x32xf32, #tpu.memory_space<hbm>>) dst(%arg14 : memref<128x32xf32, #tpu.memory_space<vmem>>)
      %scan3A_150 = arith.constant 0 : i32
      %scan3A_151 = arith.constant 0 : i32
      %scan3A_152 = arith.constant 16 : i32
      %scan3A_153 = arith.addi %scan3A_151, %scan3A_152 : i32
      %scan3A_154 = arith.constant 1 : i32
      scf.for %scan3A_208 = %scan3A_151 to %scan3A_153 step %scan3A_154  : i32 {
        %mul3A_209 = arith.constant 8 : i32
        %mul3A_210 = arith.muli %scan3A_208, %mul3A_209 : i32
        %add3A_211 = arith.constant 0 : i32
        %add3A_212 = arith.addi %mul3A_210, %add3A_211 : i32
        %get3A = arith.index_cast %add3A_212 : i32 to index
        %get3A_213 = arith.constant 0 : index
        %get3A_214 = tpu.vector_load %arg14[%get3A, %get3A_213] {strides = array<i32>} : memref<128x32xf32, #tpu.memory_space<vmem>>, vector<1x16xf32>,
        %get3A_215 = vector.shape_cast %get3A_214 : vector<1x16xf32> to vector<16xf32>
        %get3A_216 = arith.index_cast %add3A_212 : i32 to index
        %get3A_217 = arith.constant 0 : index
        %get3A_218 = tpu.vector_load %arg12[%get3A_216, %get3A_217] {strides = array<i32>} : memref<128x32xf32, #tpu.memory_space<vmem>>, vector<1x16xf32>,
        %get3A_219 = vector.shape_cast %get3A_218 : vector<1x16xf32> to vector<16xf32>
        %add3A_220 = arith.addf %get3A_215, %get3A_219 : vector<16xf32>
        %add3A_221 = arith.addf %add3A_220, %add3A_220 : vector<16xf32>
        %exp3A = math.exp %add3A_221 : vector<16xf32>
        %add3A_222 = arith.constant 1.000000e+00 : f32
        %add3A_223 = vector.broadcast %add3A_222 : f32 to vector<16xf32>
        %add3A_224 = arith.addf %exp3A, %add3A_223 : vector<16xf32>
        %div3A = arith.constant 2.000000e+00 : f32
        %div3A_225 = vector.broadcast %div3A : f32 to vector<16xf32>
        %div3A_226 = arith.divf %div3A_225, %add3A_224 : vector<16xf32>
        %sub3A = arith.constant 1.000000e+00 : f32
        %sub3A_227 = vector.broadcast %sub3A : f32 to vector<16xf32>
        %sub3A_228 = arith.subf %sub3A_227, %div3A_226 : vector<16xf32>
        %swap3A = arith.index_cast %add3A_212 : i32 to index
        %swap3A_229 = arith.constant 0 : index
        %swap3A_230 = tpu.vector_load %arg14[%swap3A, %swap3A_229] {strides = array<i32>} : memref<128x32xf32, #tpu.memory_space<vmem>>, vector<1x16xf32>,
        %swap3A_231 = vector.shape_cast %swap3A_230 : vector<1x16xf32> to vector<16xf32>
        %swap3A_232 = vector.shape_cast %sub3A_228 : vector<16xf32> to vector<1x16xf32>
        tpu.vector_store %arg14[%swap3A, %swap3A_229], %swap3A_232 {strides = array<i32>} : memref<128x32xf32, #tpu.memory_space<vmem>>, vector<1x16xf32>,
        %get3A_233 = arith.index_cast %add3A_212 : i32 to index
        %get3A_234 = arith.constant 16 : index
        %get3A_235 = tpu.vector_load %arg14[%get3A_233, %get3A_234] {strides = array<i32>} : memref<128x32xf32, #tpu.memory_space<vmem>>, vector<1x16xf32>,
        %get3A_236 = vector.shape_cast %get3A_235 : vector<1x16xf32> to vector<16xf32>
        %get3A_237 = arith.index_cast %add3A_212 : i32 to index
        %get3A_238 = arith.constant 16 : index
        %get3A_239 = tpu.vector_load %arg12[%get3A_237, %get3A_238] {strides = array<i32>} : memref<128x32xf32, #tpu.memory_space<vmem>>, vector<1x16xf32>,
        %get3A_240 = vector.shape_cast %get3A_239 : vector<1x16xf32> to vector<16xf32>
        %add3A_241 = arith.addf %get3A_236, %get3A_240 : vector<16xf32>
        %add3A_242 = arith.addf %add3A_241, %add3A_241 : vector<16xf32>
        %exp3A_243 = math.exp %add3A_242 : vector<16xf32>
        %add3A_244 = arith.constant 1.000000e+00 : f32
        %add3A_245 = vector.broadcast %add3A_244 : f32 to vector<16xf32>
        %add3A_246 = arith.addf %exp3A_243, %add3A_245 : vector<16xf32>
        %div3A_247 = arith.constant 2.000000e+00 : f32
        %div3A_248 = vector.broadcast %div3A_247 : f32 to vector<16xf32>
        %div3A_249 = arith.divf %div3A_248, %add3A_246 : vector<16xf32>
        %sub3A_250 = arith.constant 1.000000e+00 : f32
        %sub3A_251 = vector.broadcast %sub3A_250 : f32 to vector<16xf32>
        %sub3A_252 = arith.subf %sub3A_251, %div3A_249 : vector<16xf32>
        %swap3A_253 = arith.index_cast %add3A_212 : i32 to index
        %swap3A_254 = arith.constant 16 : index
        %swap3A_255 = tpu.vector_load %arg14[%swap3A_253, %swap3A_254] {strides = array<i32>} : memref<128x32xf32, #tpu.memory_space<vmem>>, vector<1x16xf32>,
        %swap3A_256 = vector.shape_cast %swap3A_255 : vector<1x16xf32> to vector<16xf32>
        %swap3A_257 = vector.shape_cast %sub3A_252 : vector<16xf32> to vector<1x16xf32>
        tpu.vector_store %arg14[%swap3A_253, %swap3A_254], %swap3A_257 {strides = array<i32>} : memref<128x32xf32, #tpu.memory_space<vmem>>, vector<1x16xf32>,
        %mul3A_258 = arith.constant 8 : i32
        %mul3A_259 = arith.muli %scan3A_208, %mul3A_258 : i32
        %add3A_260 = arith.constant 1 : i32
        %add3A_261 = arith.addi %mul3A_259, %add3A_260 : i32
        %get3A_262 = arith.index_cast %add3A_261 : i32 to index
        %get3A_263 = arith.constant 0 : index
        %get3A_264 = tpu.vector_load %arg14[%get3A_262, %get3A_263] {strides = array<i32>} : memref<128x32xf32, #tpu.memory_space<vmem>>, vector<1x16xf32>,
        %get3A_265 = vector.shape_cast %get3A_264 : vector<1x16xf32> to vector<16xf32>
        %get3A_266 = arith.index_cast %add3A_261 : i32 to index
        %get3A_267 = arith.constant 0 : index
        %get3A_268 = tpu.vector_load %arg12[%get3A_266, %get3A_267] {strides = array<i32>} : memref<128x32xf32, #tpu.memory_space<vmem>>, vector<1x16xf32>,
        %get3A_269 = vector.shape_cast %get3A_268 : vector<1x16xf32> to vector<16xf32>
        %add3A_270 = arith.addf %get3A_265, %get3A_269 : vector<16xf32>
        %add3A_271 = arith.addf %add3A_270, %add3A_270 : vector<16xf32>
        %exp3A_272 = math.exp %add3A_271 : vector<16xf32>
        %add3A_273 = arith.constant 1.000000e+00 : f32
        %add3A_274 = vector.broadcast %add3A_273 : f32 to vector<16xf32>
        %add3A_275 = arith.addf %exp3A_272, %add3A_274 : vector<16xf32>
        %div3A_276 = arith.constant 2.000000e+00 : f32
        %div3A_277 = vector.broadcast %div3A_276 : f32 to vector<16xf32>
        %div3A_278 = arith.divf %div3A_277, %add3A_275 : vector<16xf32>
        %sub3A_279 = arith.constant 1.000000e+00 : f32
        %sub3A_280 = vector.broadcast %sub3A_279 : f32 to vector<16xf32>
        %sub3A_281 = arith.subf %sub3A_280, %div3A_278 : vector<16xf32>
        %swap3A_282 = arith.index_cast %add3A_261 : i32 to index
        %swap3A_283 = arith.constant 0 : index
        %swap3A_284 = tpu.vector_load %arg14[%swap3A_282, %swap3A_283] {strides = array<i32>} : memref<128x32xf32, #tpu.memory_space<vmem>>, vector<1x16xf32>,
        %swap3A_285 = vector.shape_cast %swap3A_284 : vector<1x16xf32> to vector<16xf32>
        %swap3A_286 = vector.shape_cast %sub3A_281 : vector<16xf32> to vector<1x16xf32>
        tpu.vector_store %arg14[%swap3A_282, %swap3A_283], %swap3A_286 {strides = array<i32>} : memref<128x32xf32, #tpu.memory_space<vmem>>, vector<1x16xf32>,
        %get3A_287 = arith.index_cast %add3A_261 : i32 to index
        %get3A_288 = arith.constant 16 : index
        %get3A_289 = tpu.vector_load %arg14[%get3A_287, %get3A_288] {strides = array<i32>} : memref<128x32xf32, #tpu.memory_space<vmem>>, vector<1x16xf32>,
        %get3A_290 = vector.shape_cast %get3A_289 : vector<1x16xf32> to vector<16xf32>
        %get3A_291 = arith.index_cast %add3A_261 : i32 to index
        %get3A_292 = arith.constant 16 : index
        %get3A_293 = tpu.vector_load %arg12[%get3A_291, %get3A_292] {strides = array<i32>} : memref<128x32xf32, #tpu.memory_space<vmem>>, vector<1x16xf32>,
        %get3A_294 = vector.shape_cast %get3A_293 : vector<1x16xf32> to vector<16xf32>
        %add3A_295 = arith.addf %get3A_290, %get3A_294 : vector<16xf32>
        %add3A_296 = arith.addf %add3A_295, %add3A_295 : vector<16xf32>
        %exp3A_297 = math.exp %add3A_296 : vector<16xf32>
        %add3A_298 = arith.constant 1.000000e+00 : f32
        %add3A_299 = vector.broadcast %add3A_298 : f32 to vector<16xf32>
        %add3A_300 = arith.addf %exp3A_297, %add3A_299 : vector<16xf32>
        %div3A_301 = arith.constant 2.000000e+00 : f32
        %div3A_302 = vector.broadcast %div3A_301 : f32 to vector<16xf32>
        %div3A_303 = arith.divf %div3A_302, %add3A_300 : vector<16xf32>
        %sub3A_304 = arith.constant 1.000000e+00 : f32
        %sub3A_305 = vector.broadcast %sub3A_304 : f32 to vector<16xf32>
        %sub3A_306 = arith.subf %sub3A_305, %div3A_303 : vector<16xf32>
        %swap3A_307 = arith.index_cast %add3A_261 : i32 to index
        %swap3A_308 = arith.constant 16 : index
        %swap3A_309 = tpu.vector_load %arg14[%swap3A_307, %swap3A_308] {strides = array<i32>} : memref<128x32xf32, #tpu.memory_space<vmem>>, vector<1x16xf32>,
        %swap3A_310 = vector.shape_cast %swap3A_309 : vector<1x16xf32> to vector<16xf32>
        %swap3A_311 = vector.shape_cast %sub3A_306 : vector<16xf32> to vector<1x16xf32>
        tpu.vector_store %arg14[%swap3A_307, %swap3A_308], %swap3A_311 {strides = array<i32>} : memref<128x32xf32, #tpu.memory_space<vmem>>, vector<1x16xf32>,
        %mul3A_312 = arith.constant 8 : i32
        %mul3A_313 = arith.muli %scan3A_208, %mul3A_312 : i32
        %add3A_314 = arith.constant 2 : i32
        %add3A_315 = arith.addi %mul3A_313, %add3A_314 : i32
        %get3A_316 = arith.index_cast %add3A_315 : i32 to index
        %get3A_317 = arith.constant 0 : index
        %get3A_318 = tpu.vector_load %arg14[%get3A_316, %get3A_317] {strides = array<i32>} : memref<128x32xf32, #tpu.memory_space<vmem>>, vector<1x16xf32>,
        %get3A_319 = vector.shape_cast %get3A_318 : vector<1x16xf32> to vector<16xf32>
        %get3A_320 = arith.index_cast %add3A_315 : i32 to index
        %get3A_321 = arith.constant 0 : index
        %get3A_322 = tpu.vector_load %arg12[%get3A_320, %get3A_321] {strides = array<i32>} : memref<128x32xf32, #tpu.memory_space<vmem>>, vector<1x16xf32>,
        %get3A_323 = vector.shape_cast %get3A_322 : vector<1x16xf32> to vector<16xf32>
        %add3A_324 = arith.addf %get3A_319, %get3A_323 : vector<16xf32>
        %add3A_325 = arith.addf %add3A_324, %add3A_324 : vector<16xf32>
        %exp3A_326 = math.exp %add3A_325 : vector<16xf32>
        %add3A_327 = arith.constant 1.000000e+00 : f32
        %add3A_328 = vector.broadcast %add3A_327 : f32 to vector<16xf32>
        %add3A_329 = arith.addf %exp3A_326, %add3A_328 : vector<16xf32>
        %div3A_330 = arith.constant 2.000000e+00 : f32
        %div3A_331 = vector.broadcast %div3A_330 : f32 to vector<16xf32>
        %div3A_332 = arith.divf %div3A_331, %add3A_329 : vector<16xf32>
        %sub3A_333 = arith.constant 1.000000e+00 : f32
        %sub3A_334 = vector.broadcast %sub3A_333 : f32 to vector<16xf32>
        %sub3A_335 = arith.subf %sub3A_334, %div3A_332 : vector<16xf32>
        %swap3A_336 = arith.index_cast %add3A_315 : i32 to index
        %swap3A_337 = arith.constant 0 : index
        %swap3A_338 = tpu.vector_load %arg14[%swap3A_336, %swap3A_337] {strides = array<i32>} : memref<128x32xf32, #tpu.memory_space<vmem>>, vector<1x16xf32>,
        %swap3A_339 = vector.shape_cast %swap3A_338 : vector<1x16xf32> to vector<16xf32>
        %swap3A_340 = vector.shape_cast %sub3A_335 : vector<16xf32> to vector<1x16xf32>
        tpu.vector_store %arg14[%swap3A_336, %swap3A_337], %swap3A_340 {strides = array<i32>} : memref<128x32xf32, #tpu.memory_space<vmem>>, vector<1x16xf32>,
        %get3A_341 = arith.index_cast %add3A_315 : i32 to index
        %get3A_342 = arith.constant 16 : index
        %get3A_343 = tpu.vector_load %arg14[%get3A_341, %get3A_342] {strides = array<i32>} : memref<128x32xf32, #tpu.memory_space<vmem>>, vector<1x16xf32>,
        %get3A_344 = vector.shape_cast %get3A_343 : vector<1x16xf32> to vector<16xf32>
        %get3A_345 = arith.index_cast %add3A_315 : i32 to index
        %get3A_346 = arith.constant 16 : index
        %get3A_347 = tpu.vector_load %arg12[%get3A_345, %get3A_346] {strides = array<i32>} : memref<128x32xf32, #tpu.memory_space<vmem>>, vector<1x16xf32>,
        %get3A_348 = vector.shape_cast %get3A_347 : vector<1x16xf32> to vector<16xf32>
        %add3A_349 = arith.addf %get3A_344, %get3A_348 : vector<16xf32>
        %add3A_350 = arith.addf %add3A_349, %add3A_349 : vector<16xf32>
        %exp3A_351 = math.exp %add3A_350 : vector<16xf32>
        %add3A_352 = arith.constant 1.000000e+00 : f32
        %add3A_353 = vector.broadcast %add3A_352 : f32 to vector<16xf32>
        %add3A_354 = arith.addf %exp3A_351, %add3A_353 : vector<16xf32>
        %div3A_355 = arith.constant 2.000000e+00 : f32
        %div3A_356 = vector.broadcast %div3A_355 : f32 to vector<16xf32>
        %div3A_357 = arith.divf %div3A_356, %add3A_354 : vector<16xf32>
        %sub3A_358 = arith.constant 1.000000e+00 : f32
        %sub3A_359 = vector.broadcast %sub3A_358 : f32 to vector<16xf32>
        %sub3A_360 = arith.subf %sub3A_359, %div3A_357 : vector<16xf32>
        %swap3A_361 = arith.index_cast %add3A_315 : i32 to index
        %swap3A_362 = arith.constant 16 : index
        %swap3A_363 = tpu.vector_load %arg14[%swap3A_361, %swap3A_362] {strides = array<i32>} : memref<128x32xf32, #tpu.memory_space<vmem>>, vector<1x16xf32>,
        %swap3A_364 = vector.shape_cast %swap3A_363 : vector<1x16xf32> to vector<16xf32>
        %swap3A_365 = vector.shape_cast %sub3A_360 : vector<16xf32> to vector<1x16xf32>
        tpu.vector_store %arg14[%swap3A_361, %swap3A_362], %swap3A_365 {strides = array<i32>} : memref<128x32xf32, #tpu.memory_space<vmem>>, vector<1x16xf32>,
        %mul3A_366 = arith.constant 8 : i32
        %mul3A_367 = arith.muli %scan3A_208, %mul3A_366 : i32
        %add3A_368 = arith.constant 3 : i32
        %add3A_369 = arith.addi %mul3A_367, %add3A_368 : i32
        %get3A_370 = arith.index_cast %add3A_369 : i32 to index
        %get3A_371 = arith.constant 0 : index
        %get3A_372 = tpu.vector_load %arg14[%get3A_370, %get3A_371] {strides = array<i32>} : memref<128x32xf32, #tpu.memory_space<vmem>>, vector<1x16xf32>,
        %get3A_373 = vector.shape_cast %get3A_372 : vector<1x16xf32> to vector<16xf32>
        %get3A_374 = arith.index_cast %add3A_369 : i32 to index
        %get3A_375 = arith.constant 0 : index
        %get3A_376 = tpu.vector_load %arg12[%get3A_374, %get3A_375] {strides = array<i32>} : memref<128x32xf32, #tpu.memory_space<vmem>>, vector<1x16xf32>,
        %get3A_377 = vector.shape_cast %get3A_376 : vector<1x16xf32> to vector<16xf32>
        %add3A_378 = arith.addf %get3A_373, %get3A_377 : vector<16xf32>
        %add3A_379 = arith.addf %add3A_378, %add3A_378 : vector<16xf32>
        %exp3A_380 = math.exp %add3A_379 : vector<16xf32>
        %add3A_381 = arith.constant 1.000000e+00 : f32
        %add3A_382 = vector.broadcast %add3A_381 : f32 to vector<16xf32>
        %add3A_383 = arith.addf %exp3A_380, %add3A_382 : vector<16xf32>
        %div3A_384 = arith.constant 2.000000e+00 : f32
        %div3A_385 = vector.broadcast %div3A_384 : f32 to vector<16xf32>
        %div3A_386 = arith.divf %div3A_385, %add3A_383 : vector<16xf32>
        %sub3A_387 = arith.constant 1.000000e+00 : f32
        %sub3A_388 = vector.broadcast %sub3A_387 : f32 to vector<16xf32>
        %sub3A_389 = arith.subf %sub3A_388, %div3A_386 : vector<16xf32>
        %swap3A_390 = arith.index_cast %add3A_369 : i32 to index
        %swap3A_391 = arith.constant 0 : index
        %swap3A_392 = tpu.vector_load %arg14[%swap3A_390, %swap3A_391] {strides = array<i32>} : memref<128x32xf32, #tpu.memory_space<vmem>>, vector<1x16xf32>,
        %swap3A_393 = vector.shape_cast %swap3A_392 : vector<1x16xf32> to vector<16xf32>
        %swap3A_394 = vector.shape_cast %sub3A_389 : vector<16xf32> to vector<1x16xf32>
        tpu.vector_store %arg14[%swap3A_390, %swap3A_391], %swap3A_394 {strides = array<i32>} : memref<128x32xf32, #tpu.memory_space<vmem>>, vector<1x16xf32>,
        %get3A_395 = arith.index_cast %add3A_369 : i32 to index
        %get3A_396 = arith.constant 16 : index
        %get3A_397 = tpu.vector_load %arg14[%get3A_395, %get3A_396] {strides = array<i32>} : memref<128x32xf32, #tpu.memory_space<vmem>>, vector<1x16xf32>,
        %get3A_398 = vector.shape_cast %get3A_397 : vector<1x16xf32> to vector<16xf32>
        %get3A_399 = arith.index_cast %add3A_369 : i32 to index
        %get3A_400 = arith.constant 16 : index
        %get3A_401 = tpu.vector_load %arg12[%get3A_399, %get3A_400] {strides = array<i32>} : memref<128x32xf32, #tpu.memory_space<vmem>>, vector<1x16xf32>,
        %get3A_402 = vector.shape_cast %get3A_401 : vector<1x16xf32> to vector<16xf32>
        %add3A_403 = arith.addf %get3A_398, %get3A_402 : vector<16xf32>
        %add3A_404 = arith.addf %add3A_403, %add3A_403 : vector<16xf32>
        %exp3A_405 = math.exp %add3A_404 : vector<16xf32>
        %add3A_406 = arith.constant 1.000000e+00 : f32
        %add3A_407 = vector.broadcast %add3A_406 : f32 to vector<16xf32>
        %add3A_408 = arith.addf %exp3A_405, %add3A_407 : vector<16xf32>
        %div3A_409 = arith.constant 2.000000e+00 : f32
        %div3A_410 = vector.broadcast %div3A_409 : f32 to vector<16xf32>
        %div3A_411 = arith.divf %div3A_410, %add3A_408 : vector<16xf32>
        %sub3A_412 = arith.constant 1.000000e+00 : f32
        %sub3A_413 = vector.broadcast %sub3A_412 : f32 to vector<16xf32>
        %sub3A_414 = arith.subf %sub3A_413, %div3A_411 : vector<16xf32>
        %swap3A_415 = arith.index_cast %add3A_369 : i32 to index
        %swap3A_416 = arith.constant 16 : index
        %swap3A_417 = tpu.vector_load %arg14[%swap3A_415, %swap3A_416] {strides = array<i32>} : memref<128x32xf32, #tpu.memory_space<vmem>>, vector<1x16xf32>,
        %swap3A_418 = vector.shape_cast %swap3A_417 : vector<1x16xf32> to vector<16xf32>
        %swap3A_419 = vector.shape_cast %sub3A_414 : vector<16xf32> to vector<1x16xf32>
        tpu.vector_store %arg14[%swap3A_415, %swap3A_416], %swap3A_419 {strides = array<i32>} : memref<128x32xf32, #tpu.memory_space<vmem>>, vector<1x16xf32>,
        %mul3A_420 = arith.constant 8 : i32
        %mul3A_421 = arith.muli %scan3A_208, %mul3A_420 : i32
        %add3A_422 = arith.constant 4 : i32
        %add3A_423 = arith.addi %mul3A_421, %add3A_422 : i32
        %get3A_424 = arith.index_cast %add3A_423 : i32 to index
        %get3A_425 = arith.constant 0 : index
        %get3A_426 = tpu.vector_load %arg14[%get3A_424, %get3A_425] {strides = array<i32>} : memref<128x32xf32, #tpu.memory_space<vmem>>, vector<1x16xf32>,
        %get3A_427 = vector.shape_cast %get3A_426 : vector<1x16xf32> to vector<16xf32>
        %get3A_428 = arith.index_cast %add3A_423 : i32 to index
        %get3A_429 = arith.constant 0 : index
        %get3A_430 = tpu.vector_load %arg12[%get3A_428, %get3A_429] {strides = array<i32>} : memref<128x32xf32, #tpu.memory_space<vmem>>, vector<1x16xf32>,
        %get3A_431 = vector.shape_cast %get3A_430 : vector<1x16xf32> to vector<16xf32>
        %add3A_432 = arith.addf %get3A_427, %get3A_431 : vector<16xf32>
        %add3A_433 = arith.addf %add3A_432, %add3A_432 : vector<16xf32>
        %exp3A_434 = math.exp %add3A_433 : vector<16xf32>
        %add3A_435 = arith.constant 1.000000e+00 : f32
        %add3A_436 = vector.broadcast %add3A_435 : f32 to vector<16xf32>
        %add3A_437 = arith.addf %exp3A_434, %add3A_436 : vector<16xf32>
        %div3A_438 = arith.constant 2.000000e+00 : f32
        %div3A_439 = vector.broadcast %div3A_438 : f32 to vector<16xf32>
        %div3A_440 = arith.divf %div3A_439, %add3A_437 : vector<16xf32>
        %sub3A_441 = arith.constant 1.000000e+00 : f32
        %sub3A_442 = vector.broadcast %sub3A_441 : f32 to vector<16xf32>
        %sub3A_443 = arith.subf %sub3A_442, %div3A_440 : vector<16xf32>
        %swap3A_444 = arith.index_cast %add3A_423 : i32 to index
        %swap3A_445 = arith.constant 0 : index
        %swap3A_446 = tpu.vector_load %arg14[%swap3A_444, %swap3A_445] {strides = array<i32>} : memref<128x32xf32, #tpu.memory_space<vmem>>, vector<1x16xf32>,
        %swap3A_447 = vector.shape_cast %swap3A_446 : vector<1x16xf32> to vector<16xf32>
        %swap3A_448 = vector.shape_cast %sub3A_443 : vector<16xf32> to vector<1x16xf32>
        tpu.vector_store %arg14[%swap3A_444, %swap3A_445], %swap3A_448 {strides = array<i32>} : memref<128x32xf32, #tpu.memory_space<vmem>>, vector<1x16xf32>,
        %get3A_449 = arith.index_cast %add3A_423 : i32 to index
        %get3A_450 = arith.constant 16 : index
        %get3A_451 = tpu.vector_load %arg14[%get3A_449, %get3A_450] {strides = array<i32>} : memref<128x32xf32, #tpu.memory_space<vmem>>, vector<1x16xf32>,
        %get3A_452 = vector.shape_cast %get3A_451 : vector<1x16xf32> to vector<16xf32>
        %get3A_453 = arith.index_cast %add3A_423 : i32 to index
        %get3A_454 = arith.constant 16 : index
        %get3A_455 = tpu.vector_load %arg12[%get3A_453, %get3A_454] {strides = array<i32>} : memref<128x32xf32, #tpu.memory_space<vmem>>, vector<1x16xf32>,
        %get3A_456 = vector.shape_cast %get3A_455 : vector<1x16xf32> to vector<16xf32>
        %add3A_457 = arith.addf %get3A_452, %get3A_456 : vector<16xf32>
        %add3A_458 = arith.addf %add3A_457, %add3A_457 : vector<16xf32>
        %exp3A_459 = math.exp %add3A_458 : vector<16xf32>
        %add3A_460 = arith.constant 1.000000e+00 : f32
        %add3A_461 = vector.broadcast %add3A_460 : f32 to vector<16xf32>
        %add3A_462 = arith.addf %exp3A_459, %add3A_461 : vector<16xf32>
        %div3A_463 = arith.constant 2.000000e+00 : f32
        %div3A_464 = vector.broadcast %div3A_463 : f32 to vector<16xf32>
        %div3A_465 = arith.divf %div3A_464, %add3A_462 : vector<16xf32>
        %sub3A_466 = arith.constant 1.000000e+00 : f32
        %sub3A_467 = vector.broadcast %sub3A_466 : f32 to vector<16xf32>
        %sub3A_468 = arith.subf %sub3A_467, %div3A_465 : vector<16xf32>
        %swap3A_469 = arith.index_cast %add3A_423 : i32 to index
        %swap3A_470 = arith.constant 16 : index
        %swap3A_471 = tpu.vector_load %arg14[%swap3A_469, %swap3A_470] {strides = array<i32>} : memref<128x32xf32, #tpu.memory_space<vmem>>, vector<1x16xf32>,
        %swap3A_472 = vector.shape_cast %swap3A_471 : vector<1x16xf32> to vector<16xf32>
        %swap3A_473 = vector.shape_cast %sub3A_468 : vector<16xf32> to vector<1x16xf32>
        tpu.vector_store %arg14[%swap3A_469, %swap3A_470], %swap3A_473 {strides = array<i32>} : memref<128x32xf32, #tpu.memory_space<vmem>>, vector<1x16xf32>,
        %mul3A_474 = arith.constant 8 : i32
        %mul3A_475 = arith.muli %scan3A_208, %mul3A_474 : i32
        %add3A_476 = arith.constant 5 : i32
        %add3A_477 = arith.addi %mul3A_475, %add3A_476 : i32
        %get3A_478 = arith.index_cast %add3A_477 : i32 to index
        %get3A_479 = arith.constant 0 : index
        %get3A_480 = tpu.vector_load %arg14[%get3A_478, %get3A_479] {strides = array<i32>} : memref<128x32xf32, #tpu.memory_space<vmem>>, vector<1x16xf32>,
        %get3A_481 = vector.shape_cast %get3A_480 : vector<1x16xf32> to vector<16xf32>
        %get3A_482 = arith.index_cast %add3A_477 : i32 to index
        %get3A_483 = arith.constant 0 : index
        %get3A_484 = tpu.vector_load %arg12[%get3A_482, %get3A_483] {strides = array<i32>} : memref<128x32xf32, #tpu.memory_space<vmem>>, vector<1x16xf32>,
        %get3A_485 = vector.shape_cast %get3A_484 : vector<1x16xf32> to vector<16xf32>
        %add3A_486 = arith.addf %get3A_481, %get3A_485 : vector<16xf32>
        %add3A_487 = arith.addf %add3A_486, %add3A_486 : vector<16xf32>
        %exp3A_488 = math.exp %add3A_487 : vector<16xf32>
        %add3A_489 = arith.constant 1.000000e+00 : f32
        %add3A_490 = vector.broadcast %add3A_489 : f32 to vector<16xf32>
        %add3A_491 = arith.addf %exp3A_488, %add3A_490 : vector<16xf32>
        %div3A_492 = arith.constant 2.000000e+00 : f32
        %div3A_493 = vector.broadcast %div3A_492 : f32 to vector<16xf32>
        %div3A_494 = arith.divf %div3A_493, %add3A_491 : vector<16xf32>
        %sub3A_495 = arith.constant 1.000000e+00 : f32
        %sub3A_496 = vector.broadcast %sub3A_495 : f32 to vector<16xf32>
        %sub3A_497 = arith.subf %sub3A_496, %div3A_494 : vector<16xf32>
        %swap3A_498 = arith.index_cast %add3A_477 : i32 to index
        %swap3A_499 = arith.constant 0 : index
        %swap3A_500 = tpu.vector_load %arg14[%swap3A_498, %swap3A_499] {strides = array<i32>} : memref<128x32xf32, #tpu.memory_space<vmem>>, vector<1x16xf32>,
        %swap3A_501 = vector.shape_cast %swap3A_500 : vector<1x16xf32> to vector<16xf32>
        %swap3A_502 = vector.shape_cast %sub3A_497 : vector<16xf32> to vector<1x16xf32>
        tpu.vector_store %arg14[%swap3A_498, %swap3A_499], %swap3A_502 {strides = array<i32>} : memref<128x32xf32, #tpu.memory_space<vmem>>, vector<1x16xf32>,
        %get3A_503 = arith.index_cast %add3A_477 : i32 to index
        %get3A_504 = arith.constant 16 : index
        %get3A_505 = tpu.vector_load %arg14[%get3A_503, %get3A_504] {strides = array<i32>} : memref<128x32xf32, #tpu.memory_space<vmem>>, vector<1x16xf32>,
        %get3A_506 = vector.shape_cast %get3A_505 : vector<1x16xf32> to vector<16xf32>
        %get3A_507 = arith.index_cast %add3A_477 : i32 to index
        %get3A_508 = arith.constant 16 : index
        %get3A_509 = tpu.vector_load %arg12[%get3A_507, %get3A_508] {strides = array<i32>} : memref<128x32xf32, #tpu.memory_space<vmem>>, vector<1x16xf32>,
        %get3A_510 = vector.shape_cast %get3A_509 : vector<1x16xf32> to vector<16xf32>
        %add3A_511 = arith.addf %get3A_506, %get3A_510 : vector<16xf32>
        %add3A_512 = arith.addf %add3A_511, %add3A_511 : vector<16xf32>
        %exp3A_513 = math.exp %add3A_512 : vector<16xf32>
        %add3A_514 = arith.constant 1.000000e+00 : f32
        %add3A_515 = vector.broadcast %add3A_514 : f32 to vector<16xf32>
        %add3A_516 = arith.addf %exp3A_513, %add3A_515 : vector<16xf32>
        %div3A_517 = arith.constant 2.000000e+00 : f32
        %div3A_518 = vector.broadcast %div3A_517 : f32 to vector<16xf32>
        %div3A_519 = arith.divf %div3A_518, %add3A_516 : vector<16xf32>
        %sub3A_520 = arith.constant 1.000000e+00 : f32
        %sub3A_521 = vector.broadcast %sub3A_520 : f32 to vector<16xf32>
        %sub3A_522 = arith.subf %sub3A_521, %div3A_519 : vector<16xf32>
        %swap3A_523 = arith.index_cast %add3A_477 : i32 to index
        %swap3A_524 = arith.constant 16 : index
        %swap3A_525 = tpu.vector_load %arg14[%swap3A_523, %swap3A_524] {strides = array<i32>} : memref<128x32xf32, #tpu.memory_space<vmem>>, vector<1x16xf32>,
        %swap3A_526 = vector.shape_cast %swap3A_525 : vector<1x16xf32> to vector<16xf32>
        %swap3A_527 = vector.shape_cast %sub3A_522 : vector<16xf32> to vector<1x16xf32>
        tpu.vector_store %arg14[%swap3A_523, %swap3A_524], %swap3A_527 {strides = array<i32>} : memref<128x32xf32, #tpu.memory_space<vmem>>, vector<1x16xf32>,
        %mul3A_528 = arith.constant 8 : i32
        %mul3A_529 = arith.muli %scan3A_208, %mul3A_528 : i32
        %add3A_530 = arith.constant 6 : i32
        %add3A_531 = arith.addi %mul3A_529, %add3A_530 : i32
        %get3A_532 = arith.index_cast %add3A_531 : i32 to index
        %get3A_533 = arith.constant 0 : index
        %get3A_534 = tpu.vector_load %arg14[%get3A_532, %get3A_533] {strides = array<i32>} : memref<128x32xf32, #tpu.memory_space<vmem>>, vector<1x16xf32>,
        %get3A_535 = vector.shape_cast %get3A_534 : vector<1x16xf32> to vector<16xf32>
        %get3A_536 = arith.index_cast %add3A_531 : i32 to index
        %get3A_537 = arith.constant 0 : index
        %get3A_538 = tpu.vector_load %arg12[%get3A_536, %get3A_537] {strides = array<i32>} : memref<128x32xf32, #tpu.memory_space<vmem>>, vector<1x16xf32>,
        %get3A_539 = vector.shape_cast %get3A_538 : vector<1x16xf32> to vector<16xf32>
        %add3A_540 = arith.addf %get3A_535, %get3A_539 : vector<16xf32>
        %add3A_541 = arith.addf %add3A_540, %add3A_540 : vector<16xf32>
        %exp3A_542 = math.exp %add3A_541 : vector<16xf32>
        %add3A_543 = arith.constant 1.000000e+00 : f32
        %add3A_544 = vector.broadcast %add3A_543 : f32 to vector<16xf32>
        %add3A_545 = arith.addf %exp3A_542, %add3A_544 : vector<16xf32>
        %div3A_546 = arith.constant 2.000000e+00 : f32
        %div3A_547 = vector.broadcast %div3A_546 : f32 to vector<16xf32>
        %div3A_548 = arith.divf %div3A_547, %add3A_545 : vector<16xf32>
        %sub3A_549 = arith.constant 1.000000e+00 : f32
        %sub3A_550 = vector.broadcast %sub3A_549 : f32 to vector<16xf32>
        %sub3A_551 = arith.subf %sub3A_550, %div3A_548 : vector<16xf32>
        %swap3A_552 = arith.index_cast %add3A_531 : i32 to index
        %swap3A_553 = arith.constant 0 : index
        %swap3A_554 = tpu.vector_load %arg14[%swap3A_552, %swap3A_553] {strides = array<i32>} : memref<128x32xf32, #tpu.memory_space<vmem>>, vector<1x16xf32>,
        %swap3A_555 = vector.shape_cast %swap3A_554 : vector<1x16xf32> to vector<16xf32>
        %swap3A_556 = vector.shape_cast %sub3A_551 : vector<16xf32> to vector<1x16xf32>
        tpu.vector_store %arg14[%swap3A_552, %swap3A_553], %swap3A_556 {strides = array<i32>} : memref<128x32xf32, #tpu.memory_space<vmem>>, vector<1x16xf32>,
        %get3A_557 = arith.index_cast %add3A_531 : i32 to index
        %get3A_558 = arith.constant 16 : index
        %get3A_559 = tpu.vector_load %arg14[%get3A_557, %get3A_558] {strides = array<i32>} : memref<128x32xf32, #tpu.memory_space<vmem>>, vector<1x16xf32>,
        %get3A_560 = vector.shape_cast %get3A_559 : vector<1x16xf32> to vector<16xf32>
        %get3A_561 = arith.index_cast %add3A_531 : i32 to index
        %get3A_562 = arith.constant 16 : index
        %get3A_563 = tpu.vector_load %arg12[%get3A_561, %get3A_562] {strides = array<i32>} : memref<128x32xf32, #tpu.memory_space<vmem>>, vector<1x16xf32>,
        %get3A_564 = vector.shape_cast %get3A_563 : vector<1x16xf32> to vector<16xf32>
        %add3A_565 = arith.addf %get3A_560, %get3A_564 : vector<16xf32>
        %add3A_566 = arith.addf %add3A_565, %add3A_565 : vector<16xf32>
        %exp3A_567 = math.exp %add3A_566 : vector<16xf32>
        %add3A_568 = arith.constant 1.000000e+00 : f32
        %add3A_569 = vector.broadcast %add3A_568 : f32 to vector<16xf32>
        %add3A_570 = arith.addf %exp3A_567, %add3A_569 : vector<16xf32>
        %div3A_571 = arith.constant 2.000000e+00 : f32
        %div3A_572 = vector.broadcast %div3A_571 : f32 to vector<16xf32>
        %div3A_573 = arith.divf %div3A_572, %add3A_570 : vector<16xf32>
        %sub3A_574 = arith.constant 1.000000e+00 : f32
        %sub3A_575 = vector.broadcast %sub3A_574 : f32 to vector<16xf32>
        %sub3A_576 = arith.subf %sub3A_575, %div3A_573 : vector<16xf32>
        %swap3A_577 = arith.index_cast %add3A_531 : i32 to index
        %swap3A_578 = arith.constant 16 : index
        %swap3A_579 = tpu.vector_load %arg14[%swap3A_577, %swap3A_578] {strides = array<i32>} : memref<128x32xf32, #tpu.memory_space<vmem>>, vector<1x16xf32>,
        %swap3A_580 = vector.shape_cast %swap3A_579 : vector<1x16xf32> to vector<16xf32>
        %swap3A_581 = vector.shape_cast %sub3A_576 : vector<16xf32> to vector<1x16xf32>
        tpu.vector_store %arg14[%swap3A_577, %swap3A_578], %swap3A_581 {strides = array<i32>} : memref<128x32xf32, #tpu.memory_space<vmem>>, vector<1x16xf32>,
        %mul3A_582 = arith.constant 8 : i32
        %mul3A_583 = arith.muli %scan3A_208, %mul3A_582 : i32
        %add3A_584 = arith.constant 7 : i32
        %add3A_585 = arith.addi %mul3A_583, %add3A_584 : i32
        %get3A_586 = arith.index_cast %add3A_585 : i32 to index
        %get3A_587 = arith.constant 0 : index
        %get3A_588 = tpu.vector_load %arg14[%get3A_586, %get3A_587] {strides = array<i32>} : memref<128x32xf32, #tpu.memory_space<vmem>>, vector<1x16xf32>,
        %get3A_589 = vector.shape_cast %get3A_588 : vector<1x16xf32> to vector<16xf32>
        %get3A_590 = arith.index_cast %add3A_585 : i32 to index
        %get3A_591 = arith.constant 0 : index
        %get3A_592 = tpu.vector_load %arg12[%get3A_590, %get3A_591] {strides = array<i32>} : memref<128x32xf32, #tpu.memory_space<vmem>>, vector<1x16xf32>,
        %get3A_593 = vector.shape_cast %get3A_592 : vector<1x16xf32> to vector<16xf32>
        %add3A_594 = arith.addf %get3A_589, %get3A_593 : vector<16xf32>
        %add3A_595 = arith.addf %add3A_594, %add3A_594 : vector<16xf32>
        %exp3A_596 = math.exp %add3A_595 : vector<16xf32>
        %add3A_597 = arith.constant 1.000000e+00 : f32
        %add3A_598 = vector.broadcast %add3A_597 : f32 to vector<16xf32>
        %add3A_599 = arith.addf %exp3A_596, %add3A_598 : vector<16xf32>
        %div3A_600 = arith.constant 2.000000e+00 : f32
        %div3A_601 = vector.broadcast %div3A_600 : f32 to vector<16xf32>
        %div3A_602 = arith.divf %div3A_601, %add3A_599 : vector<16xf32>
        %sub3A_603 = arith.constant 1.000000e+00 : f32
        %sub3A_604 = vector.broadcast %sub3A_603 : f32 to vector<16xf32>
        %sub3A_605 = arith.subf %sub3A_604, %div3A_602 : vector<16xf32>
        %swap3A_606 = arith.index_cast %add3A_585 : i32 to index
        %swap3A_607 = arith.constant 0 : index
        %swap3A_608 = tpu.vector_load %arg14[%swap3A_606, %swap3A_607] {strides = array<i32>} : memref<128x32xf32, #tpu.memory_space<vmem>>, vector<1x16xf32>,
        %swap3A_609 = vector.shape_cast %swap3A_608 : vector<1x16xf32> to vector<16xf32>
        %swap3A_610 = vector.shape_cast %sub3A_605 : vector<16xf32> to vector<1x16xf32>
        tpu.vector_store %arg14[%swap3A_606, %swap3A_607], %swap3A_610 {strides = array<i32>} : memref<128x32xf32, #tpu.memory_space<vmem>>, vector<1x16xf32>,
        %get3A_611 = arith.index_cast %add3A_585 : i32 to index
        %get3A_612 = arith.constant 16 : index
        %get3A_613 = tpu.vector_load %arg14[%get3A_611, %get3A_612] {strides = array<i32>} : memref<128x32xf32, #tpu.memory_space<vmem>>, vector<1x16xf32>,
        %get3A_614 = vector.shape_cast %get3A_613 : vector<1x16xf32> to vector<16xf32>
        %get3A_615 = arith.index_cast %add3A_585 : i32 to index
        %get3A_616 = arith.constant 16 : index
        %get3A_617 = tpu.vector_load %arg12[%get3A_615, %get3A_616] {strides = array<i32>} : memref<128x32xf32, #tpu.memory_space<vmem>>, vector<1x16xf32>,
        %get3A_618 = vector.shape_cast %get3A_617 : vector<1x16xf32> to vector<16xf32>
        %add3A_619 = arith.addf %get3A_614, %get3A_618 : vector<16xf32>
        %add3A_620 = arith.addf %add3A_619, %add3A_619 : vector<16xf32>
        %exp3A_621 = math.exp %add3A_620 : vector<16xf32>
        %add3A_622 = arith.constant 1.000000e+00 : f32
        %add3A_623 = vector.broadcast %add3A_622 : f32 to vector<16xf32>
        %add3A_624 = arith.addf %exp3A_621, %add3A_623 : vector<16xf32>
        %div3A_625 = arith.constant 2.000000e+00 : f32
        %div3A_626 = vector.broadcast %div3A_625 : f32 to vector<16xf32>
        %div3A_627 = arith.divf %div3A_626, %add3A_624 : vector<16xf32>
        %sub3A_628 = arith.constant 1.000000e+00 : f32
        %sub3A_629 = vector.broadcast %sub3A_628 : f32 to vector<16xf32>
        %sub3A_630 = arith.subf %sub3A_629, %div3A_627 : vector<16xf32>
        %swap3A_631 = arith.index_cast %add3A_585 : i32 to index
        %swap3A_632 = arith.constant 16 : index
        %swap3A_633 = tpu.vector_load %arg14[%swap3A_631, %swap3A_632] {strides = array<i32>} : memref<128x32xf32, #tpu.memory_space<vmem>>, vector<1x16xf32>,
        %swap3A_634 = vector.shape_cast %swap3A_633 : vector<1x16xf32> to vector<16xf32>
        %swap3A_635 = vector.shape_cast %sub3A_630 : vector<16xf32> to vector<1x16xf32>
        tpu.vector_store %arg14[%swap3A_631, %swap3A_632], %swap3A_635 {strides = array<i32>} : memref<128x32xf32, #tpu.memory_space<vmem>>, vector<1x16xf32>,
      }
      %scan3A_155 = arith.constant 16 : i32
      "tpu.region"() ({
        %run_scoped3A = tpu.sem_alloc : memref<!tpu.dma_semaphore, #tpu.memory_space<semaphore_mem>>
        %dma_start3A_208 = arith.constant 0 : i32
        %dma_start3A_209 = arith.constant 0 : i32
        %dma_start3A_210 = tpu.memref_slice %arg16[%dma_start3A_208, %dma_start3A_209] : memref<50176x32xf32, #tpu.memory_space<vmem_shared>> -> memref<50176x32xf32, #tpu.memory_space<vmem_shared>>
        tpu.enqueue_indirect_dma source(%arg14 : memref<128x32xf32, #tpu.memory_space<vmem>>) target(%dma_start3A_210 : memref<50176x32xf32, #tpu.memory_space<vmem_shared>>) offsets(%arg10 : memref<128xi32, #tpu.memory_space<vmem>>) semaphore(%run_scoped3A : memref<!tpu.dma_semaphore, #tpu.memory_space<semaphore_mem>>) {add = true}
        %dma_wait3A_211 = arith.constant 0 : i32
        %dma_wait3A_212 = arith.constant 0 : i32
        %dma_wait3A_213 = tpu.memref_slice %arg16[%dma_wait3A_211, %dma_wait3A_212] : memref<50176x32xf32, #tpu.memory_space<vmem_shared>> -> memref<50176x32xf32, #tpu.memory_space<vmem_shared>>
        tpu.wait_indirect_dma semaphore(%run_scoped3A : memref<!tpu.dma_semaphore, #tpu.memory_space<semaphore_mem>>) src(%arg14 : memref<128x32xf32, #tpu.memory_space<vmem>>) dst(%dma_wait3A_213 : memref<50176x32xf32, #tpu.memory_space<vmem_shared>>)
        tpu.yield
      }) : () -> ()
      %add3A_156 = arith.constant 2 : i32
      %add3A_157 = arith.addi %mul3A_83, %add3A_156 : i32
      %lt3A = arith.constant 784 : i32
      %lt3A_158 = arith.cmpi slt, %add3A_157, %lt3A : i32
      %convert_element_type3A = arith.extui %lt3A_158 : i1 to i32
      %cond3A = arith.constant 0 : i32
      %cond3A_159 = arith.cmpi ne, %convert_element_type3A, %cond3A : i32
      scf.if %cond3A_159 {
        %add3A_208 = arith.constant 2 : i32
        %add3A_209 = arith.addi %mul3A_83, %add3A_208 : i32
        %add3A_210 = arith.addi %mul3A_5, %add3A_209 : i32
        %dma_start3A_211 = arith.constant 0 : i32
        %dma_start3A_212 = tpu.memref_slice %arg4[%add3A_210, %dma_start3A_211] : memref<12544x128xi32, #tpu.memory_space<hbm>> -> memref<1x128xi32, #tpu.memory_space<hbm>>
        %dma_start3A_213 = tpu.memref_squeeze %dma_start3A_212 : memref<1x128xi32, #tpu.memory_space<hbm>> -> memref<128xi32, #tpu.memory_space<hbm>>
        %dma_start3A_214 = arith.constant 0 : i32
        %dma_start3A_215 = tpu.memref_slice %arg4[%add3A_210, %dma_start3A_214] : memref<12544x128xi32, #tpu.memory_space<hbm>> -> memref<1x128xi32, #tpu.memory_space<hbm>>
        %dma_start3A_216 = tpu.memref_squeeze %dma_start3A_215 : memref<1x128xi32, #tpu.memory_space<hbm>> -> memref<128xi32, #tpu.memory_space<hbm>>
        tpu.enqueue_dma source(%dma_start3A_216 : memref<128xi32, #tpu.memory_space<hbm>>) target(%arg8 : memref<128xi32, #tpu.memory_space<vmem>>) target_semaphore(%arg17 : memref<!tpu.dma_semaphore, #tpu.memory_space<semaphore_mem>>)
        %dma_start3A_217 = arith.constant 0 : i32
        %dma_start3A_218 = tpu.memref_slice %arg5[%add3A_210, %dma_start3A_217] : memref<12544x128xi32, #tpu.memory_space<hbm>> -> memref<1x128xi32, #tpu.memory_space<hbm>>
        %dma_start3A_219 = tpu.memref_squeeze %dma_start3A_218 : memref<1x128xi32, #tpu.memory_space<hbm>> -> memref<128xi32, #tpu.memory_space<hbm>>
        %dma_start3A_220 = arith.constant 0 : i32
        %dma_start3A_221 = tpu.memref_slice %arg5[%add3A_210, %dma_start3A_220] : memref<12544x128xi32, #tpu.memory_space<hbm>> -> memref<1x128xi32, #tpu.memory_space<hbm>>
        %dma_start3A_222 = tpu.memref_squeeze %dma_start3A_221 : memref<1x128xi32, #tpu.memory_space<hbm>> -> memref<128xi32, #tpu.memory_space<hbm>>
        tpu.enqueue_dma source(%dma_start3A_222 : memref<128xi32, #tpu.memory_space<hbm>>) target(%arg10 : memref<128xi32, #tpu.memory_space<vmem>>) target_semaphore(%arg17 : memref<!tpu.dma_semaphore, #tpu.memory_space<semaphore_mem>>)
      } else {
      }
      %add3A_160 = arith.constant 2 : i32
      %add3A_161 = arith.addi %mul3A_83, %add3A_160 : i32
      %lt3A_162 = arith.constant 784 : i32
      %lt3A_163 = arith.cmpi slt, %add3A_161, %lt3A_162 : i32
      %convert_element_type3A_164 = arith.extui %lt3A_163 : i1 to i32
      %cond3A_165 = arith.constant 0 : i32
      %cond3A_166 = arith.cmpi ne, %convert_element_type3A_164, %cond3A_165 : i32
      scf.if %cond3A_166 {
        %dma_wait3A_208 = arith.constant 0 : i32
        %dma_wait3A_209 = arith.constant 0 : i32
        %dma_wait3A_210 = tpu.memref_slice %arg4[%dma_wait3A_208, %dma_wait3A_209] : memref<12544x128xi32, #tpu.memory_space<hbm>> -> memref<1x128xi32, #tpu.memory_space<hbm>>
        %dma_wait3A_211 = tpu.memref_squeeze %dma_wait3A_210 : memref<1x128xi32, #tpu.memory_space<hbm>> -> memref<128xi32, #tpu.memory_space<hbm>>
        %dma_wait3A_212 = arith.constant 0 : i32
        %dma_wait3A_213 = tpu.memref_slice %arg4[%dma_wait3A_208, %dma_wait3A_212] : memref<12544x128xi32, #tpu.memory_space<hbm>> -> memref<1x128xi32, #tpu.memory_space<hbm>>
        %dma_wait3A_214 = tpu.memref_squeeze %dma_wait3A_213 : memref<1x128xi32, #tpu.memory_space<hbm>> -> memref<128xi32, #tpu.memory_space<hbm>>
        tpu.wait_dma2 semaphore(%arg17 : memref<!tpu.dma_semaphore, #tpu.memory_space<semaphore_mem>>) src(%dma_wait3A_214 : memref<128xi32, #tpu.memory_space<hbm>>) dst(%arg8 : memref<128xi32, #tpu.memory_space<vmem>>)
        %dma_wait3A_215 = arith.constant 0 : i32
        %dma_wait3A_216 = arith.constant 0 : i32
        %dma_wait3A_217 = tpu.memref_slice %arg5[%dma_wait3A_215, %dma_wait3A_216] : memref<12544x128xi32, #tpu.memory_space<hbm>> -> memref<1x128xi32, #tpu.memory_space<hbm>>
        %dma_wait3A_218 = tpu.memref_squeeze %dma_wait3A_217 : memref<1x128xi32, #tpu.memory_space<hbm>> -> memref<128xi32, #tpu.memory_space<hbm>>
        %dma_wait3A_219 = arith.constant 0 : i32
        %dma_wait3A_220 = tpu.memref_slice %arg5[%dma_wait3A_215, %dma_wait3A_219] : memref<12544x128xi32, #tpu.memory_space<hbm>> -> memref<1x128xi32, #tpu.memory_space<hbm>>
        %dma_wait3A_221 = tpu.memref_squeeze %dma_wait3A_220 : memref<1x128xi32, #tpu.memory_space<hbm>> -> memref<128xi32, #tpu.memory_space<hbm>>
        tpu.wait_dma2 semaphore(%arg17 : memref<!tpu.dma_semaphore, #tpu.memory_space<semaphore_mem>>) src(%dma_wait3A_221 : memref<128xi32, #tpu.memory_space<hbm>>) dst(%arg10 : memref<128xi32, #tpu.memory_space<vmem>>)
        %add3A_222 = arith.constant 2 : i32
        %add3A_223 = arith.addi %mul3A_83, %add3A_222 : i32
        %add3A_224 = arith.addi %mul3A_5, %add3A_223 : i32
        %mul3A_225 = arith.constant 128 : i32
        %mul3A_226 = arith.muli %add3A_224, %mul3A_225 : i32
        %dma_start3A_227 = arith.constant 0 : i32
        %dma_start3A_228 = arith.constant 0 : i32
        %dma_start3A_229 = tpu.memref_slice %arg3[%arg0, %dma_start3A_227, %dma_start3A_228] : memref<2x1605632x32xf32, #tpu.memory_space<hbm>> -> memref<1x1605632x32xf32, #tpu.memory_space<hbm>>
        %dma_start3A_230 = tpu.memref_squeeze %dma_start3A_229 : memref<1x1605632x32xf32, #tpu.memory_space<hbm>> -> memref<1605632x32xf32, #tpu.memory_space<hbm>>
        %dma_start3A_231 = arith.constant 0 : i32
        %dma_start3A_232 = tpu.memref_slice %dma_start3A_230[%mul3A_226, %dma_start3A_231] : memref<1605632x32xf32, #tpu.memory_space<hbm>> -> memref<128x32xf32, #tpu.memory_space<hbm>>
        %dma_start3A_233 = arith.constant 0 : i32
        %dma_start3A_234 = arith.constant 0 : i32
        %dma_start3A_235 = tpu.memref_slice %arg3[%arg0, %dma_start3A_233, %dma_start3A_234] : memref<2x1605632x32xf32, #tpu.memory_space<hbm>> -> memref<1x1605632x32xf32, #tpu.memory_space<hbm>>
        %dma_start3A_236 = tpu.memref_squeeze %dma_start3A_235 : memref<1x1605632x32xf32, #tpu.memory_space<hbm>> -> memref<1605632x32xf32, #tpu.memory_space<hbm>>
        %dma_start3A_237 = arith.constant 0 : i32
        %dma_start3A_238 = tpu.memref_slice %dma_start3A_236[%mul3A_226, %dma_start3A_237] : memref<1605632x32xf32, #tpu.memory_space<hbm>> -> memref<128x32xf32, #tpu.memory_space<hbm>>
        tpu.enqueue_dma source(%dma_start3A_238 : memref<128x32xf32, #tpu.memory_space<hbm>>) target(%arg12 : memref<128x32xf32, #tpu.memory_space<vmem>>) target_semaphore(%arg19 : memref<!tpu.dma_semaphore, #tpu.memory_space<semaphore_mem>>)
        %dma_start3A_239 = arith.constant 0 : i32
        %dma_start3A_240 = arith.constant 0 : i32
        %dma_start3A_241 = tpu.memref_slice %arg2[%arg0, %dma_start3A_239, %dma_start3A_240] : memref<2x50176x32xf32, #tpu.memory_space<hbm>> -> memref<1x50176x32xf32, #tpu.memory_space<hbm>>
        %dma_start3A_242 = tpu.memref_squeeze %dma_start3A_241 : memref<1x50176x32xf32, #tpu.memory_space<hbm>> -> memref<50176x32xf32, #tpu.memory_space<hbm>>
        %dma_start3A_243 = arith.constant 0 : i32
        %dma_start3A_244 = arith.constant 0 : i32
        %dma_start3A_245 = tpu.memref_slice %dma_start3A_242[%dma_start3A_243, %dma_start3A_244] : memref<50176x32xf32, #tpu.memory_space<hbm>> -> memref<50176x32xf32, #tpu.memory_space<hbm>>
        tpu.enqueue_indirect_dma source(%dma_start3A_245 : memref<50176x32xf32, #tpu.memory_space<hbm>>) target(%arg14 : memref<128x32xf32, #tpu.memory_space<vmem>>) offsets(%arg8 : memref<128xi32, #tpu.memory_space<vmem>>) semaphore(%arg19 : memref<!tpu.dma_semaphore, #tpu.memory_space<semaphore_mem>>)
      } else {
      }
      %dma_wait3A_167 = arith.constant 0 : i32
      %dma_wait3A_168 = arith.constant 0 : i32
      %dma_wait3A_169 = tpu.memref_slice %arg3[%arg0, %dma_wait3A_167, %dma_wait3A_168] : memref<2x1605632x32xf32, #tpu.memory_space<hbm>> -> memref<1x1605632x32xf32, #tpu.memory_space<hbm>>
      %dma_wait3A_170 = tpu.memref_squeeze %dma_wait3A_169 : memref<1x1605632x32xf32, #tpu.memory_space<hbm>> -> memref<1605632x32xf32, #tpu.memory_space<hbm>>
      %dma_wait3A_171 = arith.constant 0 : i32
      %dma_wait3A_172 = arith.constant 0 : i32
      %dma_wait3A_173 = tpu.memref_slice %dma_wait3A_170[%dma_wait3A_171, %dma_wait3A_172] : memref<1605632x32xf32, #tpu.memory_space<hbm>> -> memref<128x32xf32, #tpu.memory_space<hbm>>
      %dma_wait3A_174 = arith.constant 0 : i32
      %dma_wait3A_175 = arith.constant 0 : i32
      %dma_wait3A_176 = tpu.memref_slice %arg3[%arg0, %dma_wait3A_174, %dma_wait3A_175] : memref<2x1605632x32xf32, #tpu.memory_space<hbm>> -> memref<1x1605632x32xf32, #tpu.memory_space<hbm>>
      %dma_wait3A_177 = tpu.memref_squeeze %dma_wait3A_176 : memref<1x1605632x32xf32, #tpu.memory_space<hbm>> -> memref<1605632x32xf32, #tpu.memory_space<hbm>>
      %dma_wait3A_178 = arith.constant 0 : i32
      %dma_wait3A_179 = arith.constant 0 : i32
      %dma_wait3A_180 = tpu.memref_slice %dma_wait3A_177[%dma_wait3A_178, %dma_wait3A_179] : memref<1605632x32xf32, #tpu.memory_space<hbm>> -> memref<128x32xf32, #tpu.memory_space<hbm>>
      tpu.wait_dma2 semaphore(%arg20 : memref<!tpu.dma_semaphore, #tpu.memory_space<semaphore_mem>>) src(%dma_wait3A_180 : memref<128x32xf32, #tpu.memory_space<hbm>>) dst(%arg13 : memref<128x32xf32, #tpu.memory_space<vmem>>)
      %dma_wait3A_181 = arith.constant 0 : i32
      %dma_wait3A_182 = arith.constant 0 : i32
      %dma_wait3A_183 = tpu.memref_slice %arg3[%arg0, %dma_wait3A_181, %dma_wait3A_182] : memref<2x1605632x32xf32, #tpu.memory_space<hbm>> -> memref<1x1605632x32xf32, #tpu.memory_space<hbm>>
      %dma_wait3A_184 = tpu.memref_squeeze %dma_wait3A_183 : memref<1x1605632x32xf32, #tpu.memory_space<hbm>> -> memref<1605632x32xf32, #tpu.memory_space<hbm>>
      %dma_wait3A_185 = arith.constant 0 : i32
      %dma_wait3A_186 = arith.constant 0 : i32
      %dma_wait3A_187 = tpu.memref_slice %dma_wait3A_184[%dma_wait3A_185, %dma_wait3A_186] : memref<1605632x32xf32, #tpu.memory_space<hbm>> -> memref<128x32xf32, #tpu.memory_space<hbm>>
      %dma_wait3A_188 = arith.constant 0 : i32
      %dma_wait3A_189 = arith.constant 0 : i32
      %dma_wait3A_190 = tpu.memref_slice %arg3[%arg0, %dma_wait3A_188, %dma_wait3A_189] : memref<2x1605632x32xf32, #tpu.memory_space<hbm>> -> memref<1x1605632x32xf32, #tpu.memory_space<hbm>>
      %dma_wait3A_191 = tpu.memref_squeeze %dma_wait3A_190 : memref<1x1605632x32xf32, #tpu.memory_space<hbm>> -> memref<1605632x32xf32, #tpu.memory_space<hbm>>
      %dma_wait3A_192 = arith.constant 0 : i32
      %dma_wait3A_193 = arith.constant 0 : i32
      %dma_wait3A_194 = tpu.memref_slice %dma_wait3A_191[%dma_wait3A_192, %dma_wait3A_193] : memref<1605632x32xf32, #tpu.memory_space<hbm>> -> memref<128x32xf32, #tpu.memory_space<hbm>>
      tpu.wait_dma2 semaphore(%arg20 : memref<!tpu.dma_semaphore, #tpu.memory_space<semaphore_mem>>) src(%dma_wait3A_194 : memref<128x32xf32, #tpu.memory_space<hbm>>) dst(%arg15 : memref<128x32xf32, #tpu.memory_space<vmem>>)
      %scan3A_195 = arith.constant 0 : i32
      %scan3A_196 = arith.constant 0 : i32
      %scan3A_197 = arith.constant 16 : i32
      %scan3A_198 = arith.addi %scan3A_196, %scan3A_197 : i32
      %scan3A_199 = arith.constant 1 : i32
      scf.for %scan3A_208 = %scan3A_196 to %scan3A_198 step %scan3A_199  : i32 {
        %mul3A_209 = arith.constant 8 : i32
        %mul3A_210 = arith.muli %scan3A_208, %mul3A_209 : i32
        %add3A_211 = arith.constant 0 : i32
        %add3A_212 = arith.addi %mul3A_210, %add3A_211 : i32
        %get3A = arith.index_cast %add3A_212 : i32 to index
        %get3A_213 = arith.constant 0 : index
        %get3A_214 = tpu.vector_load %arg15[%get3A, %get3A_213] {strides = array<i32>} : memref<128x32xf32, #tpu.memory_space<vmem>>, vector<1x16xf32>,
        %get3A_215 = vector.shape_cast %get3A_214 : vector<1x16xf32> to vector<16xf32>
        %get3A_216 = arith.index_cast %add3A_212 : i32 to index
        %get3A_217 = arith.constant 0 : index
        %get3A_218 = tpu.vector_load %arg13[%get3A_216, %get3A_217] {strides = array<i32>} : memref<128x32xf32, #tpu.memory_space<vmem>>, vector<1x16xf32>,
        %get3A_219 = vector.shape_cast %get3A_218 : vector<1x16xf32> to vector<16xf32>
        %add3A_220 = arith.addf %get3A_215, %get3A_219 : vector<16xf32>
        %add3A_221 = arith.addf %add3A_220, %add3A_220 : vector<16xf32>
        %exp3A = math.exp %add3A_221 : vector<16xf32>
        %add3A_222 = arith.constant 1.000000e+00 : f32
        %add3A_223 = vector.broadcast %add3A_222 : f32 to vector<16xf32>
        %add3A_224 = arith.addf %exp3A, %add3A_223 : vector<16xf32>
        %div3A = arith.constant 2.000000e+00 : f32
        %div3A_225 = vector.broadcast %div3A : f32 to vector<16xf32>
        %div3A_226 = arith.divf %div3A_225, %add3A_224 : vector<16xf32>
        %sub3A = arith.constant 1.000000e+00 : f32
        %sub3A_227 = vector.broadcast %sub3A : f32 to vector<16xf32>
        %sub3A_228 = arith.subf %sub3A_227, %div3A_226 : vector<16xf32>
        %swap3A = arith.index_cast %add3A_212 : i32 to index
        %swap3A_229 = arith.constant 0 : index
        %swap3A_230 = tpu.vector_load %arg15[%swap3A, %swap3A_229] {strides = array<i32>} : memref<128x32xf32, #tpu.memory_space<vmem>>, vector<1x16xf32>,
        %swap3A_231 = vector.shape_cast %swap3A_230 : vector<1x16xf32> to vector<16xf32>
        %swap3A_232 = vector.shape_cast %sub3A_228 : vector<16xf32> to vector<1x16xf32>
        tpu.vector_store %arg15[%swap3A, %swap3A_229], %swap3A_232 {strides = array<i32>} : memref<128x32xf32, #tpu.memory_space<vmem>>, vector<1x16xf32>,
        %get3A_233 = arith.index_cast %add3A_212 : i32 to index
        %get3A_234 = arith.constant 16 : index
        %get3A_235 = tpu.vector_load %arg15[%get3A_233, %get3A_234] {strides = array<i32>} : memref<128x32xf32, #tpu.memory_space<vmem>>, vector<1x16xf32>,
        %get3A_236 = vector.shape_cast %get3A_235 : vector<1x16xf32> to vector<16xf32>
        %get3A_237 = arith.index_cast %add3A_212 : i32 to index
        %get3A_238 = arith.constant 16 : index
        %get3A_239 = tpu.vector_load %arg13[%get3A_237, %get3A_238] {strides = array<i32>} : memref<128x32xf32, #tpu.memory_space<vmem>>, vector<1x16xf32>,
        %get3A_240 = vector.shape_cast %get3A_239 : vector<1x16xf32> to vector<16xf32>
        %add3A_241 = arith.addf %get3A_236, %get3A_240 : vector<16xf32>
        %add3A_242 = arith.addf %add3A_241, %add3A_241 : vector<16xf32>
        %exp3A_243 = math.exp %add3A_242 : vector<16xf32>
        %add3A_244 = arith.constant 1.000000e+00 : f32
        %add3A_245 = vector.broadcast %add3A_244 : f32 to vector<16xf32>
        %add3A_246 = arith.addf %exp3A_243, %add3A_245 : vector<16xf32>
        %div3A_247 = arith.constant 2.000000e+00 : f32
        %div3A_248 = vector.broadcast %div3A_247 : f32 to vector<16xf32>
        %div3A_249 = arith.divf %div3A_248, %add3A_246 : vector<16xf32>
        %sub3A_250 = arith.constant 1.000000e+00 : f32
        %sub3A_251 = vector.broadcast %sub3A_250 : f32 to vector<16xf32>
        %sub3A_252 = arith.subf %sub3A_251, %div3A_249 : vector<16xf32>
        %swap3A_253 = arith.index_cast %add3A_212 : i32 to index
        %swap3A_254 = arith.constant 16 : index
        %swap3A_255 = tpu.vector_load %arg15[%swap3A_253, %swap3A_254] {strides = array<i32>} : memref<128x32xf32, #tpu.memory_space<vmem>>, vector<1x16xf32>,
        %swap3A_256 = vector.shape_cast %swap3A_255 : vector<1x16xf32> to vector<16xf32>
        %swap3A_257 = vector.shape_cast %sub3A_252 : vector<16xf32> to vector<1x16xf32>
        tpu.vector_store %arg15[%swap3A_253, %swap3A_254], %swap3A_257 {strides = array<i32>} : memref<128x32xf32, #tpu.memory_space<vmem>>, vector<1x16xf32>,
        %mul3A_258 = arith.constant 8 : i32
        %mul3A_259 = arith.muli %scan3A_208, %mul3A_258 : i32
        %add3A_260 = arith.constant 1 : i32
        %add3A_261 = arith.addi %mul3A_259, %add3A_260 : i32
        %get3A_262 = arith.index_cast %add3A_261 : i32 to index
        %get3A_263 = arith.constant 0 : index
        %get3A_264 = tpu.vector_load %arg15[%get3A_262, %get3A_263] {strides = array<i32>} : memref<128x32xf32, #tpu.memory_space<vmem>>, vector<1x16xf32>,
        %get3A_265 = vector.shape_cast %get3A_264 : vector<1x16xf32> to vector<16xf32>
        %get3A_266 = arith.index_cast %add3A_261 : i32 to index
        %get3A_267 = arith.constant 0 : index
        %get3A_268 = tpu.vector_load %arg13[%get3A_266, %get3A_267] {strides = array<i32>} : memref<128x32xf32, #tpu.memory_space<vmem>>, vector<1x16xf32>,
        %get3A_269 = vector.shape_cast %get3A_268 : vector<1x16xf32> to vector<16xf32>
        %add3A_270 = arith.addf %get3A_265, %get3A_269 : vector<16xf32>
        %add3A_271 = arith.addf %add3A_270, %add3A_270 : vector<16xf32>
        %exp3A_272 = math.exp %add3A_271 : vector<16xf32>
        %add3A_273 = arith.constant 1.000000e+00 : f32
        %add3A_274 = vector.broadcast %add3A_273 : f32 to vector<16xf32>
        %add3A_275 = arith.addf %exp3A_272, %add3A_274 : vector<16xf32>
        %div3A_276 = arith.constant 2.000000e+00 : f32
        %div3A_277 = vector.broadcast %div3A_276 : f32 to vector<16xf32>
        %div3A_278 = arith.divf %div3A_277, %add3A_275 : vector<16xf32>
        %sub3A_279 = arith.constant 1.000000e+00 : f32
        %sub3A_280 = vector.broadcast %sub3A_279 : f32 to vector<16xf32>
        %sub3A_281 = arith.subf %sub3A_280, %div3A_278 : vector<16xf32>
        %swap3A_282 = arith.index_cast %add3A_261 : i32 to index
        %swap3A_283 = arith.constant 0 : index
        %swap3A_284 = tpu.vector_load %arg15[%swap3A_282, %swap3A_283] {strides = array<i32>} : memref<128x32xf32, #tpu.memory_space<vmem>>, vector<1x16xf32>,
        %swap3A_285 = vector.shape_cast %swap3A_284 : vector<1x16xf32> to vector<16xf32>
        %swap3A_286 = vector.shape_cast %sub3A_281 : vector<16xf32> to vector<1x16xf32>
        tpu.vector_store %arg15[%swap3A_282, %swap3A_283], %swap3A_286 {strides = array<i32>} : memref<128x32xf32, #tpu.memory_space<vmem>>, vector<1x16xf32>,
        %get3A_287 = arith.index_cast %add3A_261 : i32 to index
        %get3A_288 = arith.constant 16 : index
        %get3A_289 = tpu.vector_load %arg15[%get3A_287, %get3A_288] {strides = array<i32>} : memref<128x32xf32, #tpu.memory_space<vmem>>, vector<1x16xf32>,
        %get3A_290 = vector.shape_cast %get3A_289 : vector<1x16xf32> to vector<16xf32>
        %get3A_291 = arith.index_cast %add3A_261 : i32 to index
        %get3A_292 = arith.constant 16 : index
        %get3A_293 = tpu.vector_load %arg13[%get3A_291, %get3A_292] {strides = array<i32>} : memref<128x32xf32, #tpu.memory_space<vmem>>, vector<1x16xf32>,
        %get3A_294 = vector.shape_cast %get3A_293 : vector<1x16xf32> to vector<16xf32>
        %add3A_295 = arith.addf %get3A_290, %get3A_294 : vector<16xf32>
        %add3A_296 = arith.addf %add3A_295, %add3A_295 : vector<16xf32>
        %exp3A_297 = math.exp %add3A_296 : vector<16xf32>
        %add3A_298 = arith.constant 1.000000e+00 : f32
        %add3A_299 = vector.broadcast %add3A_298 : f32 to vector<16xf32>
        %add3A_300 = arith.addf %exp3A_297, %add3A_299 : vector<16xf32>
        %div3A_301 = arith.constant 2.000000e+00 : f32
        %div3A_302 = vector.broadcast %div3A_301 : f32 to vector<16xf32>
        %div3A_303 = arith.divf %div3A_302, %add3A_300 : vector<16xf32>
        %sub3A_304 = arith.constant 1.000000e+00 : f32
        %sub3A_305 = vector.broadcast %sub3A_304 : f32 to vector<16xf32>
        %sub3A_306 = arith.subf %sub3A_305, %div3A_303 : vector<16xf32>
        %swap3A_307 = arith.index_cast %add3A_261 : i32 to index
        %swap3A_308 = arith.constant 16 : index
        %swap3A_309 = tpu.vector_load %arg15[%swap3A_307, %swap3A_308] {strides = array<i32>} : memref<128x32xf32, #tpu.memory_space<vmem>>, vector<1x16xf32>,
        %swap3A_310 = vector.shape_cast %swap3A_309 : vector<1x16xf32> to vector<16xf32>
        %swap3A_311 = vector.shape_cast %sub3A_306 : vector<16xf32> to vector<1x16xf32>
        tpu.vector_store %arg15[%swap3A_307, %swap3A_308], %swap3A_311 {strides = array<i32>} : memref<128x32xf32, #tpu.memory_space<vmem>>, vector<1x16xf32>,
        %mul3A_312 = arith.constant 8 : i32
        %mul3A_313 = arith.muli %scan3A_208, %mul3A_312 : i32
        %add3A_314 = arith.constant 2 : i32
        %add3A_315 = arith.addi %mul3A_313, %add3A_314 : i32
        %get3A_316 = arith.index_cast %add3A_315 : i32 to index
        %get3A_317 = arith.constant 0 : index
        %get3A_318 = tpu.vector_load %arg15[%get3A_316, %get3A_317] {strides = array<i32>} : memref<128x32xf32, #tpu.memory_space<vmem>>, vector<1x16xf32>,
        %get3A_319 = vector.shape_cast %get3A_318 : vector<1x16xf32> to vector<16xf32>
        %get3A_320 = arith.index_cast %add3A_315 : i32 to index
        %get3A_321 = arith.constant 0 : index
        %get3A_322 = tpu.vector_load %arg13[%get3A_320, %get3A_321] {strides = array<i32>} : memref<128x32xf32, #tpu.memory_space<vmem>>, vector<1x16xf32>,
        %get3A_323 = vector.shape_cast %get3A_322 : vector<1x16xf32> to vector<16xf32>
        %add3A_324 = arith.addf %get3A_319, %get3A_323 : vector<16xf32>
        %add3A_325 = arith.addf %add3A_324, %add3A_324 : vector<16xf32>
        %exp3A_326 = math.exp %add3A_325 : vector<16xf32>
        %add3A_327 = arith.constant 1.000000e+00 : f32
        %add3A_328 = vector.broadcast %add3A_327 : f32 to vector<16xf32>
        %add3A_329 = arith.addf %exp3A_326, %add3A_328 : vector<16xf32>
        %div3A_330 = arith.constant 2.000000e+00 : f32
        %div3A_331 = vector.broadcast %div3A_330 : f32 to vector<16xf32>
        %div3A_332 = arith.divf %div3A_331, %add3A_329 : vector<16xf32>
        %sub3A_333 = arith.constant 1.000000e+00 : f32
        %sub3A_334 = vector.broadcast %sub3A_333 : f32 to vector<16xf32>
        %sub3A_335 = arith.subf %sub3A_334, %div3A_332 : vector<16xf32>
        %swap3A_336 = arith.index_cast %add3A_315 : i32 to index
        %swap3A_337 = arith.constant 0 : index
        %swap3A_338 = tpu.vector_load %arg15[%swap3A_336, %swap3A_337] {strides = array<i32>} : memref<128x32xf32, #tpu.memory_space<vmem>>, vector<1x16xf32>,
        %swap3A_339 = vector.shape_cast %swap3A_338 : vector<1x16xf32> to vector<16xf32>
        %swap3A_340 = vector.shape_cast %sub3A_335 : vector<16xf32> to vector<1x16xf32>
        tpu.vector_store %arg15[%swap3A_336, %swap3A_337], %swap3A_340 {strides = array<i32>} : memref<128x32xf32, #tpu.memory_space<vmem>>, vector<1x16xf32>,
        %get3A_341 = arith.index_cast %add3A_315 : i32 to index
        %get3A_342 = arith.constant 16 : index
        %get3A_343 = tpu.vector_load %arg15[%get3A_341, %get3A_342] {strides = array<i32>} : memref<128x32xf32, #tpu.memory_space<vmem>>, vector<1x16xf32>,
        %get3A_344 = vector.shape_cast %get3A_343 : vector<1x16xf32> to vector<16xf32>
        %get3A_345 = arith.index_cast %add3A_315 : i32 to index
        %get3A_346 = arith.constant 16 : index
        %get3A_347 = tpu.vector_load %arg13[%get3A_345, %get3A_346] {strides = array<i32>} : memref<128x32xf32, #tpu.memory_space<vmem>>, vector<1x16xf32>,
        %get3A_348 = vector.shape_cast %get3A_347 : vector<1x16xf32> to vector<16xf32>
        %add3A_349 = arith.addf %get3A_344, %get3A_348 : vector<16xf32>
        %add3A_350 = arith.addf %add3A_349, %add3A_349 : vector<16xf32>
        %exp3A_351 = math.exp %add3A_350 : vector<16xf32>
        %add3A_352 = arith.constant 1.000000e+00 : f32
        %add3A_353 = vector.broadcast %add3A_352 : f32 to vector<16xf32>
        %add3A_354 = arith.addf %exp3A_351, %add3A_353 : vector<16xf32>
        %div3A_355 = arith.constant 2.000000e+00 : f32
        %div3A_356 = vector.broadcast %div3A_355 : f32 to vector<16xf32>
        %div3A_357 = arith.divf %div3A_356, %add3A_354 : vector<16xf32>
        %sub3A_358 = arith.constant 1.000000e+00 : f32
        %sub3A_359 = vector.broadcast %sub3A_358 : f32 to vector<16xf32>
        %sub3A_360 = arith.subf %sub3A_359, %div3A_357 : vector<16xf32>
        %swap3A_361 = arith.index_cast %add3A_315 : i32 to index
        %swap3A_362 = arith.constant 16 : index
        %swap3A_363 = tpu.vector_load %arg15[%swap3A_361, %swap3A_362] {strides = array<i32>} : memref<128x32xf32, #tpu.memory_space<vmem>>, vector<1x16xf32>,
        %swap3A_364 = vector.shape_cast %swap3A_363 : vector<1x16xf32> to vector<16xf32>
        %swap3A_365 = vector.shape_cast %sub3A_360 : vector<16xf32> to vector<1x16xf32>
        tpu.vector_store %arg15[%swap3A_361, %swap3A_362], %swap3A_365 {strides = array<i32>} : memref<128x32xf32, #tpu.memory_space<vmem>>, vector<1x16xf32>,
        %mul3A_366 = arith.constant 8 : i32
        %mul3A_367 = arith.muli %scan3A_208, %mul3A_366 : i32
        %add3A_368 = arith.constant 3 : i32
        %add3A_369 = arith.addi %mul3A_367, %add3A_368 : i32
        %get3A_370 = arith.index_cast %add3A_369 : i32 to index
        %get3A_371 = arith.constant 0 : index
        %get3A_372 = tpu.vector_load %arg15[%get3A_370, %get3A_371] {strides = array<i32>} : memref<128x32xf32, #tpu.memory_space<vmem>>, vector<1x16xf32>,
        %get3A_373 = vector.shape_cast %get3A_372 : vector<1x16xf32> to vector<16xf32>
        %get3A_374 = arith.index_cast %add3A_369 : i32 to index
        %get3A_375 = arith.constant 0 : index
        %get3A_376 = tpu.vector_load %arg13[%get3A_374, %get3A_375] {strides = array<i32>} : memref<128x32xf32, #tpu.memory_space<vmem>>, vector<1x16xf32>,
        %get3A_377 = vector.shape_cast %get3A_376 : vector<1x16xf32> to vector<16xf32>
        %add3A_378 = arith.addf %get3A_373, %get3A_377 : vector<16xf32>
        %add3A_379 = arith.addf %add3A_378, %add3A_378 : vector<16xf32>
        %exp3A_380 = math.exp %add3A_379 : vector<16xf32>
        %add3A_381 = arith.constant 1.000000e+00 : f32
        %add3A_382 = vector.broadcast %add3A_381 : f32 to vector<16xf32>
        %add3A_383 = arith.addf %exp3A_380, %add3A_382 : vector<16xf32>
        %div3A_384 = arith.constant 2.000000e+00 : f32
        %div3A_385 = vector.broadcast %div3A_384 : f32 to vector<16xf32>
        %div3A_386 = arith.divf %div3A_385, %add3A_383 : vector<16xf32>
        %sub3A_387 = arith.constant 1.000000e+00 : f32
        %sub3A_388 = vector.broadcast %sub3A_387 : f32 to vector<16xf32>
        %sub3A_389 = arith.subf %sub3A_388, %div3A_386 : vector<16xf32>
        %swap3A_390 = arith.index_cast %add3A_369 : i32 to index
        %swap3A_391 = arith.constant 0 : index
        %swap3A_392 = tpu.vector_load %arg15[%swap3A_390, %swap3A_391] {strides = array<i32>} : memref<128x32xf32, #tpu.memory_space<vmem>>, vector<1x16xf32>,
        %swap3A_393 = vector.shape_cast %swap3A_392 : vector<1x16xf32> to vector<16xf32>
        %swap3A_394 = vector.shape_cast %sub3A_389 : vector<16xf32> to vector<1x16xf32>
        tpu.vector_store %arg15[%swap3A_390, %swap3A_391], %swap3A_394 {strides = array<i32>} : memref<128x32xf32, #tpu.memory_space<vmem>>, vector<1x16xf32>,
        %get3A_395 = arith.index_cast %add3A_369 : i32 to index
        %get3A_396 = arith.constant 16 : index
        %get3A_397 = tpu.vector_load %arg15[%get3A_395, %get3A_396] {strides = array<i32>} : memref<128x32xf32, #tpu.memory_space<vmem>>, vector<1x16xf32>,
        %get3A_398 = vector.shape_cast %get3A_397 : vector<1x16xf32> to vector<16xf32>
        %get3A_399 = arith.index_cast %add3A_369 : i32 to index
        %get3A_400 = arith.constant 16 : index
        %get3A_401 = tpu.vector_load %arg13[%get3A_399, %get3A_400] {strides = array<i32>} : memref<128x32xf32, #tpu.memory_space<vmem>>, vector<1x16xf32>,
        %get3A_402 = vector.shape_cast %get3A_401 : vector<1x16xf32> to vector<16xf32>
        %add3A_403 = arith.addf %get3A_398, %get3A_402 : vector<16xf32>
        %add3A_404 = arith.addf %add3A_403, %add3A_403 : vector<16xf32>
        %exp3A_405 = math.exp %add3A_404 : vector<16xf32>
        %add3A_406 = arith.constant 1.000000e+00 : f32
        %add3A_407 = vector.broadcast %add3A_406 : f32 to vector<16xf32>
        %add3A_408 = arith.addf %exp3A_405, %add3A_407 : vector<16xf32>
        %div3A_409 = arith.constant 2.000000e+00 : f32
        %div3A_410 = vector.broadcast %div3A_409 : f32 to vector<16xf32>
        %div3A_411 = arith.divf %div3A_410, %add3A_408 : vector<16xf32>
        %sub3A_412 = arith.constant 1.000000e+00 : f32
        %sub3A_413 = vector.broadcast %sub3A_412 : f32 to vector<16xf32>
        %sub3A_414 = arith.subf %sub3A_413, %div3A_411 : vector<16xf32>
        %swap3A_415 = arith.index_cast %add3A_369 : i32 to index
        %swap3A_416 = arith.constant 16 : index
        %swap3A_417 = tpu.vector_load %arg15[%swap3A_415, %swap3A_416] {strides = array<i32>} : memref<128x32xf32, #tpu.memory_space<vmem>>, vector<1x16xf32>,
        %swap3A_418 = vector.shape_cast %swap3A_417 : vector<1x16xf32> to vector<16xf32>
        %swap3A_419 = vector.shape_cast %sub3A_414 : vector<16xf32> to vector<1x16xf32>
        tpu.vector_store %arg15[%swap3A_415, %swap3A_416], %swap3A_419 {strides = array<i32>} : memref<128x32xf32, #tpu.memory_space<vmem>>, vector<1x16xf32>,
        %mul3A_420 = arith.constant 8 : i32
        %mul3A_421 = arith.muli %scan3A_208, %mul3A_420 : i32
        %add3A_422 = arith.constant 4 : i32
        %add3A_423 = arith.addi %mul3A_421, %add3A_422 : i32
        %get3A_424 = arith.index_cast %add3A_423 : i32 to index
        %get3A_425 = arith.constant 0 : index
        %get3A_426 = tpu.vector_load %arg15[%get3A_424, %get3A_425] {strides = array<i32>} : memref<128x32xf32, #tpu.memory_space<vmem>>, vector<1x16xf32>,
        %get3A_427 = vector.shape_cast %get3A_426 : vector<1x16xf32> to vector<16xf32>
        %get3A_428 = arith.index_cast %add3A_423 : i32 to index
        %get3A_429 = arith.constant 0 : index
        %get3A_430 = tpu.vector_load %arg13[%get3A_428, %get3A_429] {strides = array<i32>} : memref<128x32xf32, #tpu.memory_space<vmem>>, vector<1x16xf32>,
        %get3A_431 = vector.shape_cast %get3A_430 : vector<1x16xf32> to vector<16xf32>
        %add3A_432 = arith.addf %get3A_427, %get3A_431 : vector<16xf32>
        %add3A_433 = arith.addf %add3A_432, %add3A_432 : vector<16xf32>
        %exp3A_434 = math.exp %add3A_433 : vector<16xf32>
        %add3A_435 = arith.constant 1.000000e+00 : f32
        %add3A_436 = vector.broadcast %add3A_435 : f32 to vector<16xf32>
        %add3A_437 = arith.addf %exp3A_434, %add3A_436 : vector<16xf32>
        %div3A_438 = arith.constant 2.000000e+00 : f32
        %div3A_439 = vector.broadcast %div3A_438 : f32 to vector<16xf32>
        %div3A_440 = arith.divf %div3A_439, %add3A_437 : vector<16xf32>
        %sub3A_441 = arith.constant 1.000000e+00 : f32
        %sub3A_442 = vector.broadcast %sub3A_441 : f32 to vector<16xf32>
        %sub3A_443 = arith.subf %sub3A_442, %div3A_440 : vector<16xf32>
        %swap3A_444 = arith.index_cast %add3A_423 : i32 to index
        %swap3A_445 = arith.constant 0 : index
        %swap3A_446 = tpu.vector_load %arg15[%swap3A_444, %swap3A_445] {strides = array<i32>} : memref<128x32xf32, #tpu.memory_space<vmem>>, vector<1x16xf32>,
        %swap3A_447 = vector.shape_cast %swap3A_446 : vector<1x16xf32> to vector<16xf32>
        %swap3A_448 = vector.shape_cast %sub3A_443 : vector<16xf32> to vector<1x16xf32>
        tpu.vector_store %arg15[%swap3A_444, %swap3A_445], %swap3A_448 {strides = array<i32>} : memref<128x32xf32, #tpu.memory_space<vmem>>, vector<1x16xf32>,
        %get3A_449 = arith.index_cast %add3A_423 : i32 to index
        %get3A_450 = arith.constant 16 : index
        %get3A_451 = tpu.vector_load %arg15[%get3A_449, %get3A_450] {strides = array<i32>} : memref<128x32xf32, #tpu.memory_space<vmem>>, vector<1x16xf32>,
        %get3A_452 = vector.shape_cast %get3A_451 : vector<1x16xf32> to vector<16xf32>
        %get3A_453 = arith.index_cast %add3A_423 : i32 to index
        %get3A_454 = arith.constant 16 : index
        %get3A_455 = tpu.vector_load %arg13[%get3A_453, %get3A_454] {strides = array<i32>} : memref<128x32xf32, #tpu.memory_space<vmem>>, vector<1x16xf32>,
        %get3A_456 = vector.shape_cast %get3A_455 : vector<1x16xf32> to vector<16xf32>
        %add3A_457 = arith.addf %get3A_452, %get3A_456 : vector<16xf32>
        %add3A_458 = arith.addf %add3A_457, %add3A_457 : vector<16xf32>
        %exp3A_459 = math.exp %add3A_458 : vector<16xf32>
        %add3A_460 = arith.constant 1.000000e+00 : f32
        %add3A_461 = vector.broadcast %add3A_460 : f32 to vector<16xf32>
        %add3A_462 = arith.addf %exp3A_459, %add3A_461 : vector<16xf32>
        %div3A_463 = arith.constant 2.000000e+00 : f32
        %div3A_464 = vector.broadcast %div3A_463 : f32 to vector<16xf32>
        %div3A_465 = arith.divf %div3A_464, %add3A_462 : vector<16xf32>
        %sub3A_466 = arith.constant 1.000000e+00 : f32
        %sub3A_467 = vector.broadcast %sub3A_466 : f32 to vector<16xf32>
        %sub3A_468 = arith.subf %sub3A_467, %div3A_465 : vector<16xf32>
        %swap3A_469 = arith.index_cast %add3A_423 : i32 to index
        %swap3A_470 = arith.constant 16 : index
        %swap3A_471 = tpu.vector_load %arg15[%swap3A_469, %swap3A_470] {strides = array<i32>} : memref<128x32xf32, #tpu.memory_space<vmem>>, vector<1x16xf32>,
        %swap3A_472 = vector.shape_cast %swap3A_471 : vector<1x16xf32> to vector<16xf32>
        %swap3A_473 = vector.shape_cast %sub3A_468 : vector<16xf32> to vector<1x16xf32>
        tpu.vector_store %arg15[%swap3A_469, %swap3A_470], %swap3A_473 {strides = array<i32>} : memref<128x32xf32, #tpu.memory_space<vmem>>, vector<1x16xf32>,
        %mul3A_474 = arith.constant 8 : i32
        %mul3A_475 = arith.muli %scan3A_208, %mul3A_474 : i32
        %add3A_476 = arith.constant 5 : i32
        %add3A_477 = arith.addi %mul3A_475, %add3A_476 : i32
        %get3A_478 = arith.index_cast %add3A_477 : i32 to index
        %get3A_479 = arith.constant 0 : index
        %get3A_480 = tpu.vector_load %arg15[%get3A_478, %get3A_479] {strides = array<i32>} : memref<128x32xf32, #tpu.memory_space<vmem>>, vector<1x16xf32>,
        %get3A_481 = vector.shape_cast %get3A_480 : vector<1x16xf32> to vector<16xf32>
        %get3A_482 = arith.index_cast %add3A_477 : i32 to index
        %get3A_483 = arith.constant 0 : index
        %get3A_484 = tpu.vector_load %arg13[%get3A_482, %get3A_483] {strides = array<i32>} : memref<128x32xf32, #tpu.memory_space<vmem>>, vector<1x16xf32>,
        %get3A_485 = vector.shape_cast %get3A_484 : vector<1x16xf32> to vector<16xf32>
        %add3A_486 = arith.addf %get3A_481, %get3A_485 : vector<16xf32>
        %add3A_487 = arith.addf %add3A_486, %add3A_486 : vector<16xf32>
        %exp3A_488 = math.exp %add3A_487 : vector<16xf32>
        %add3A_489 = arith.constant 1.000000e+00 : f32
        %add3A_490 = vector.broadcast %add3A_489 : f32 to vector<16xf32>
        %add3A_491 = arith.addf %exp3A_488, %add3A_490 : vector<16xf32>
        %div3A_492 = arith.constant 2.000000e+00 : f32
        %div3A_493 = vector.broadcast %div3A_492 : f32 to vector<16xf32>
        %div3A_494 = arith.divf %div3A_493, %add3A_491 : vector<16xf32>
        %sub3A_495 = arith.constant 1.000000e+00 : f32
        %sub3A_496 = vector.broadcast %sub3A_495 : f32 to vector<16xf32>
        %sub3A_497 = arith.subf %sub3A_496, %div3A_494 : vector<16xf32>
        %swap3A_498 = arith.index_cast %add3A_477 : i32 to index
        %swap3A_499 = arith.constant 0 : index
        %swap3A_500 = tpu.vector_load %arg15[%swap3A_498, %swap3A_499] {strides = array<i32>} : memref<128x32xf32, #tpu.memory_space<vmem>>, vector<1x16xf32>,
        %swap3A_501 = vector.shape_cast %swap3A_500 : vector<1x16xf32> to vector<16xf32>
        %swap3A_502 = vector.shape_cast %sub3A_497 : vector<16xf32> to vector<1x16xf32>
        tpu.vector_store %arg15[%swap3A_498, %swap3A_499], %swap3A_502 {strides = array<i32>} : memref<128x32xf32, #tpu.memory_space<vmem>>, vector<1x16xf32>,
        %get3A_503 = arith.index_cast %add3A_477 : i32 to index
        %get3A_504 = arith.constant 16 : index
        %get3A_505 = tpu.vector_load %arg15[%get3A_503, %get3A_504] {strides = array<i32>} : memref<128x32xf32, #tpu.memory_space<vmem>>, vector<1x16xf32>,
        %get3A_506 = vector.shape_cast %get3A_505 : vector<1x16xf32> to vector<16xf32>
        %get3A_507 = arith.index_cast %add3A_477 : i32 to index
        %get3A_508 = arith.constant 16 : index
        %get3A_509 = tpu.vector_load %arg13[%get3A_507, %get3A_508] {strides = array<i32>} : memref<128x32xf32, #tpu.memory_space<vmem>>, vector<1x16xf32>,
        %get3A_510 = vector.shape_cast %get3A_509 : vector<1x16xf32> to vector<16xf32>
        %add3A_511 = arith.addf %get3A_506, %get3A_510 : vector<16xf32>
        %add3A_512 = arith.addf %add3A_511, %add3A_511 : vector<16xf32>
        %exp3A_513 = math.exp %add3A_512 : vector<16xf32>
        %add3A_514 = arith.constant 1.000000e+00 : f32
        %add3A_515 = vector.broadcast %add3A_514 : f32 to vector<16xf32>
        %add3A_516 = arith.addf %exp3A_513, %add3A_515 : vector<16xf32>
        %div3A_517 = arith.constant 2.000000e+00 : f32
        %div3A_518 = vector.broadcast %div3A_517 : f32 to vector<16xf32>
        %div3A_519 = arith.divf %div3A_518, %add3A_516 : vector<16xf32>
        %sub3A_520 = arith.constant 1.000000e+00 : f32
        %sub3A_521 = vector.broadcast %sub3A_520 : f32 to vector<16xf32>
        %sub3A_522 = arith.subf %sub3A_521, %div3A_519 : vector<16xf32>
        %swap3A_523 = arith.index_cast %add3A_477 : i32 to index
        %swap3A_524 = arith.constant 16 : index
        %swap3A_525 = tpu.vector_load %arg15[%swap3A_523, %swap3A_524] {strides = array<i32>} : memref<128x32xf32, #tpu.memory_space<vmem>>, vector<1x16xf32>,
        %swap3A_526 = vector.shape_cast %swap3A_525 : vector<1x16xf32> to vector<16xf32>
        %swap3A_527 = vector.shape_cast %sub3A_522 : vector<16xf32> to vector<1x16xf32>
        tpu.vector_store %arg15[%swap3A_523, %swap3A_524], %swap3A_527 {strides = array<i32>} : memref<128x32xf32, #tpu.memory_space<vmem>>, vector<1x16xf32>,
        %mul3A_528 = arith.constant 8 : i32
        %mul3A_529 = arith.muli %scan3A_208, %mul3A_528 : i32
        %add3A_530 = arith.constant 6 : i32
        %add3A_531 = arith.addi %mul3A_529, %add3A_530 : i32
        %get3A_532 = arith.index_cast %add3A_531 : i32 to index
        %get3A_533 = arith.constant 0 : index
        %get3A_534 = tpu.vector_load %arg15[%get3A_532, %get3A_533] {strides = array<i32>} : memref<128x32xf32, #tpu.memory_space<vmem>>, vector<1x16xf32>,
        %get3A_535 = vector.shape_cast %get3A_534 : vector<1x16xf32> to vector<16xf32>
        %get3A_536 = arith.index_cast %add3A_531 : i32 to index
        %get3A_537 = arith.constant 0 : index
        %get3A_538 = tpu.vector_load %arg13[%get3A_536, %get3A_537] {strides = array<i32>} : memref<128x32xf32, #tpu.memory_space<vmem>>, vector<1x16xf32>,
        %get3A_539 = vector.shape_cast %get3A_538 : vector<1x16xf32> to vector<16xf32>
        %add3A_540 = arith.addf %get3A_535, %get3A_539 : vector<16xf32>
        %add3A_541 = arith.addf %add3A_540, %add3A_540 : vector<16xf32>
        %exp3A_542 = math.exp %add3A_541 : vector<16xf32>
        %add3A_543 = arith.constant 1.000000e+00 : f32
        %add3A_544 = vector.broadcast %add3A_543 : f32 to vector<16xf32>
        %add3A_545 = arith.addf %exp3A_542, %add3A_544 : vector<16xf32>
        %div3A_546 = arith.constant 2.000000e+00 : f32
        %div3A_547 = vector.broadcast %div3A_546 : f32 to vector<16xf32>
        %div3A_548 = arith.divf %div3A_547, %add3A_545 : vector<16xf32>
        %sub3A_549 = arith.constant 1.000000e+00 : f32
        %sub3A_550 = vector.broadcast %sub3A_549 : f32 to vector<16xf32>
        %sub3A_551 = arith.subf %sub3A_550, %div3A_548 : vector<16xf32>
        %swap3A_552 = arith.index_cast %add3A_531 : i32 to index
        %swap3A_553 = arith.constant 0 : index
        %swap3A_554 = tpu.vector_load %arg15[%swap3A_552, %swap3A_553] {strides = array<i32>} : memref<128x32xf32, #tpu.memory_space<vmem>>, vector<1x16xf32>,
        %swap3A_555 = vector.shape_cast %swap3A_554 : vector<1x16xf32> to vector<16xf32>
        %swap3A_556 = vector.shape_cast %sub3A_551 : vector<16xf32> to vector<1x16xf32>
        tpu.vector_store %arg15[%swap3A_552, %swap3A_553], %swap3A_556 {strides = array<i32>} : memref<128x32xf32, #tpu.memory_space<vmem>>, vector<1x16xf32>,
        %get3A_557 = arith.index_cast %add3A_531 : i32 to index
        %get3A_558 = arith.constant 16 : index
        %get3A_559 = tpu.vector_load %arg15[%get3A_557, %get3A_558] {strides = array<i32>} : memref<128x32xf32, #tpu.memory_space<vmem>>, vector<1x16xf32>,
        %get3A_560 = vector.shape_cast %get3A_559 : vector<1x16xf32> to vector<16xf32>
        %get3A_561 = arith.index_cast %add3A_531 : i32 to index
        %get3A_562 = arith.constant 16 : index
        %get3A_563 = tpu.vector_load %arg13[%get3A_561, %get3A_562] {strides = array<i32>} : memref<128x32xf32, #tpu.memory_space<vmem>>, vector<1x16xf32>,
        %get3A_564 = vector.shape_cast %get3A_563 : vector<1x16xf32> to vector<16xf32>
        %add3A_565 = arith.addf %get3A_560, %get3A_564 : vector<16xf32>
        %add3A_566 = arith.addf %add3A_565, %add3A_565 : vector<16xf32>
        %exp3A_567 = math.exp %add3A_566 : vector<16xf32>
        %add3A_568 = arith.constant 1.000000e+00 : f32
        %add3A_569 = vector.broadcast %add3A_568 : f32 to vector<16xf32>
        %add3A_570 = arith.addf %exp3A_567, %add3A_569 : vector<16xf32>
        %div3A_571 = arith.constant 2.000000e+00 : f32
        %div3A_572 = vector.broadcast %div3A_571 : f32 to vector<16xf32>
        %div3A_573 = arith.divf %div3A_572, %add3A_570 : vector<16xf32>
        %sub3A_574 = arith.constant 1.000000e+00 : f32
        %sub3A_575 = vector.broadcast %sub3A_574 : f32 to vector<16xf32>
        %sub3A_576 = arith.subf %sub3A_575, %div3A_573 : vector<16xf32>
        %swap3A_577 = arith.index_cast %add3A_531 : i32 to index
        %swap3A_578 = arith.constant 16 : index
        %swap3A_579 = tpu.vector_load %arg15[%swap3A_577, %swap3A_578] {strides = array<i32>} : memref<128x32xf32, #tpu.memory_space<vmem>>, vector<1x16xf32>,
        %swap3A_580 = vector.shape_cast %swap3A_579 : vector<1x16xf32> to vector<16xf32>
        %swap3A_581 = vector.shape_cast %sub3A_576 : vector<16xf32> to vector<1x16xf32>
        tpu.vector_store %arg15[%swap3A_577, %swap3A_578], %swap3A_581 {strides = array<i32>} : memref<128x32xf32, #tpu.memory_space<vmem>>, vector<1x16xf32>,
        %mul3A_582 = arith.constant 8 : i32
        %mul3A_583 = arith.muli %scan3A_208, %mul3A_582 : i32
        %add3A_584 = arith.constant 7 : i32
        %add3A_585 = arith.addi %mul3A_583, %add3A_584 : i32
        %get3A_586 = arith.index_cast %add3A_585 : i32 to index
        %get3A_587 = arith.constant 0 : index
        %get3A_588 = tpu.vector_load %arg15[%get3A_586, %get3A_587] {strides = array<i32>} : memref<128x32xf32, #tpu.memory_space<vmem>>, vector<1x16xf32>,
        %get3A_589 = vector.shape_cast %get3A_588 : vector<1x16xf32> to vector<16xf32>
        %get3A_590 = arith.index_cast %add3A_585 : i32 to index
        %get3A_591 = arith.constant 0 : index
        %get3A_592 = tpu.vector_load %arg13[%get3A_590, %get3A_591] {strides = array<i32>} : memref<128x32xf32, #tpu.memory_space<vmem>>, vector<1x16xf32>,
        %get3A_593 = vector.shape_cast %get3A_592 : vector<1x16xf32> to vector<16xf32>
        %add3A_594 = arith.addf %get3A_589, %get3A_593 : vector<16xf32>
        %add3A_595 = arith.addf %add3A_594, %add3A_594 : vector<16xf32>
        %exp3A_596 = math.exp %add3A_595 : vector<16xf32>
        %add3A_597 = arith.constant 1.000000e+00 : f32
        %add3A_598 = vector.broadcast %add3A_597 : f32 to vector<16xf32>
        %add3A_599 = arith.addf %exp3A_596, %add3A_598 : vector<16xf32>
        %div3A_600 = arith.constant 2.000000e+00 : f32
        %div3A_601 = vector.broadcast %div3A_600 : f32 to vector<16xf32>
        %div3A_602 = arith.divf %div3A_601, %add3A_599 : vector<16xf32>
        %sub3A_603 = arith.constant 1.000000e+00 : f32
        %sub3A_604 = vector.broadcast %sub3A_603 : f32 to vector<16xf32>
        %sub3A_605 = arith.subf %sub3A_604, %div3A_602 : vector<16xf32>
        %swap3A_606 = arith.index_cast %add3A_585 : i32 to index
        %swap3A_607 = arith.constant 0 : index
        %swap3A_608 = tpu.vector_load %arg15[%swap3A_606, %swap3A_607] {strides = array<i32>} : memref<128x32xf32, #tpu.memory_space<vmem>>, vector<1x16xf32>,
        %swap3A_609 = vector.shape_cast %swap3A_608 : vector<1x16xf32> to vector<16xf32>
        %swap3A_610 = vector.shape_cast %sub3A_605 : vector<16xf32> to vector<1x16xf32>
        tpu.vector_store %arg15[%swap3A_606, %swap3A_607], %swap3A_610 {strides = array<i32>} : memref<128x32xf32, #tpu.memory_space<vmem>>, vector<1x16xf32>,
        %get3A_611 = arith.index_cast %add3A_585 : i32 to index
        %get3A_612 = arith.constant 16 : index
        %get3A_613 = tpu.vector_load %arg15[%get3A_611, %get3A_612] {strides = array<i32>} : memref<128x32xf32, #tpu.memory_space<vmem>>, vector<1x16xf32>,
        %get3A_614 = vector.shape_cast %get3A_613 : vector<1x16xf32> to vector<16xf32>
        %get3A_615 = arith.index_cast %add3A_585 : i32 to index
        %get3A_616 = arith.constant 16 : index
        %get3A_617 = tpu.vector_load %arg13[%get3A_615, %get3A_616] {strides = array<i32>} : memref<128x32xf32, #tpu.memory_space<vmem>>, vector<1x16xf32>,
        %get3A_618 = vector.shape_cast %get3A_617 : vector<1x16xf32> to vector<16xf32>
        %add3A_619 = arith.addf %get3A_614, %get3A_618 : vector<16xf32>
        %add3A_620 = arith.addf %add3A_619, %add3A_619 : vector<16xf32>
        %exp3A_621 = math.exp %add3A_620 : vector<16xf32>
        %add3A_622 = arith.constant 1.000000e+00 : f32
        %add3A_623 = vector.broadcast %add3A_622 : f32 to vector<16xf32>
        %add3A_624 = arith.addf %exp3A_621, %add3A_623 : vector<16xf32>
        %div3A_625 = arith.constant 2.000000e+00 : f32
        %div3A_626 = vector.broadcast %div3A_625 : f32 to vector<16xf32>
        %div3A_627 = arith.divf %div3A_626, %add3A_624 : vector<16xf32>
        %sub3A_628 = arith.constant 1.000000e+00 : f32
        %sub3A_629 = vector.broadcast %sub3A_628 : f32 to vector<16xf32>
        %sub3A_630 = arith.subf %sub3A_629, %div3A_627 : vector<16xf32>
        %swap3A_631 = arith.index_cast %add3A_585 : i32 to index
        %swap3A_632 = arith.constant 16 : index
        %swap3A_633 = tpu.vector_load %arg15[%swap3A_631, %swap3A_632] {strides = array<i32>} : memref<128x32xf32, #tpu.memory_space<vmem>>, vector<1x16xf32>,
        %swap3A_634 = vector.shape_cast %swap3A_633 : vector<1x16xf32> to vector<16xf32>
        %swap3A_635 = vector.shape_cast %sub3A_630 : vector<16xf32> to vector<1x16xf32>
        tpu.vector_store %arg15[%swap3A_631, %swap3A_632], %swap3A_635 {strides = array<i32>} : memref<128x32xf32, #tpu.memory_space<vmem>>, vector<1x16xf32>,
      }
      %scan3A_200 = arith.constant 16 : i32
      "tpu.region"() ({
        %run_scoped3A = tpu.sem_alloc : memref<!tpu.dma_semaphore, #tpu.memory_space<semaphore_mem>>
        %dma_start3A_208 = arith.constant 0 : i32
        %dma_start3A_209 = arith.constant 0 : i32
        %dma_start3A_210 = tpu.memref_slice %arg16[%dma_start3A_208, %dma_start3A_209] : memref<50176x32xf32, #tpu.memory_space<vmem_shared>> -> memref<50176x32xf32, #tpu.memory_space<vmem_shared>>
        tpu.enqueue_indirect_dma source(%arg15 : memref<128x32xf32, #tpu.memory_space<vmem>>) target(%dma_start3A_210 : memref<50176x32xf32, #tpu.memory_space<vmem_shared>>) offsets(%arg11 : memref<128xi32, #tpu.memory_space<vmem>>) semaphore(%run_scoped3A : memref<!tpu.dma_semaphore, #tpu.memory_space<semaphore_mem>>) {add = true}
        %dma_wait3A_211 = arith.constant 0 : i32
        %dma_wait3A_212 = arith.constant 0 : i32
        %dma_wait3A_213 = tpu.memref_slice %arg16[%dma_wait3A_211, %dma_wait3A_212] : memref<50176x32xf32, #tpu.memory_space<vmem_shared>> -> memref<50176x32xf32, #tpu.memory_space<vmem_shared>>
        tpu.wait_indirect_dma semaphore(%run_scoped3A : memref<!tpu.dma_semaphore, #tpu.memory_space<semaphore_mem>>) src(%arg15 : memref<128x32xf32, #tpu.memory_space<vmem>>) dst(%dma_wait3A_213 : memref<50176x32xf32, #tpu.memory_space<vmem_shared>>)
        tpu.yield
      }) : () -> ()
      %add3A_201 = arith.constant 3 : i32
      %add3A_202 = arith.addi %mul3A_83, %add3A_201 : i32
      %lt3A_203 = arith.constant 784 : i32
      %lt3A_204 = arith.cmpi slt, %add3A_202, %lt3A_203 : i32
      %convert_element_type3A_205 = arith.extui %lt3A_204 : i1 to i32
      %cond3A_206 = arith.constant 0 : i32
      %cond3A_207 = arith.cmpi ne, %convert_element_type3A_205, %cond3A_206 : i32
      scf.if %cond3A_207 {
        %add3A_208 = arith.constant 3 : i32
        %add3A_209 = arith.addi %mul3A_83, %add3A_208 : i32
        %add3A_210 = arith.addi %mul3A_5, %add3A_209 : i32
        %dma_start3A_211 = arith.constant 0 : i32
        %dma_start3A_212 = tpu.memref_slice %arg4[%add3A_210, %dma_start3A_211] : memref<12544x128xi32, #tpu.memory_space<hbm>> -> memref<1x128xi32, #tpu.memory_space<hbm>>
        %dma_start3A_213 = tpu.memref_squeeze %dma_start3A_212 : memref<1x128xi32, #tpu.memory_space<hbm>> -> memref<128xi32, #tpu.memory_space<hbm>>
        %dma_start3A_214 = arith.constant 0 : i32
        %dma_start3A_215 = tpu.memref_slice %arg4[%add3A_210, %dma_start3A_214] : memref<12544x128xi32, #tpu.memory_space<hbm>> -> memref<1x128xi32, #tpu.memory_space<hbm>>
        %dma_start3A_216 = tpu.memref_squeeze %dma_start3A_215 : memref<1x128xi32, #tpu.memory_space<hbm>> -> memref<128xi32, #tpu.memory_space<hbm>>
        tpu.enqueue_dma source(%dma_start3A_216 : memref<128xi32, #tpu.memory_space<hbm>>) target(%arg9 : memref<128xi32, #tpu.memory_space<vmem>>) target_semaphore(%arg18 : memref<!tpu.dma_semaphore, #tpu.memory_space<semaphore_mem>>)
        %dma_start3A_217 = arith.constant 0 : i32
        %dma_start3A_218 = tpu.memref_slice %arg5[%add3A_210, %dma_start3A_217] : memref<12544x128xi32, #tpu.memory_space<hbm>> -> memref<1x128xi32, #tpu.memory_space<hbm>>
        %dma_start3A_219 = tpu.memref_squeeze %dma_start3A_218 : memref<1x128xi32, #tpu.memory_space<hbm>> -> memref<128xi32, #tpu.memory_space<hbm>>
        %dma_start3A_220 = arith.constant 0 : i32
        %dma_start3A_221 = tpu.memref_slice %arg5[%add3A_210, %dma_start3A_220] : memref<12544x128xi32, #tpu.memory_space<hbm>> -> memref<1x128xi32, #tpu.memory_space<hbm>>
        %dma_start3A_222 = tpu.memref_squeeze %dma_start3A_221 : memref<1x128xi32, #tpu.memory_space<hbm>> -> memref<128xi32, #tpu.memory_space<hbm>>
        tpu.enqueue_dma source(%dma_start3A_222 : memref<128xi32, #tpu.memory_space<hbm>>) target(%arg11 : memref<128xi32, #tpu.memory_space<vmem>>) target_semaphore(%arg18 : memref<!tpu.dma_semaphore, #tpu.memory_space<semaphore_mem>>)
      } else {
      }
    }
    %scan3A_73 = arith.constant 392 : i32
    %barrier3A_74 = arith.constant 0 : index
    tpu.barrier barrier_id(%barrier3A_74)
    %scan3A_75 = arith.constant 0 : i32
    %scan3A_76 = arith.constant 0 : i32
    %scan3A_77 = arith.constant 28 : i32
    %scan3A_78 = arith.addi %scan3A_76, %scan3A_77 : i32
    %scan3A_79 = arith.constant 1 : i32
    scf.for %scan3A_81 = %scan3A_76 to %scan3A_78 step %scan3A_79  : i32 {
      %mul3A_82 = arith.constant 3136 : i32
      %mul3A_83 = arith.muli %arg1, %mul3A_82 : i32
      %mul3A_84 = arith.constant 112 : i32
      %mul3A_85 = arith.muli %scan3A_81, %mul3A_84 : i32
      %add3A_86 = arith.addi %mul3A_83, %mul3A_85 : i32
      "tpu.region"() ({
        %run_scoped3A = tpu.sem_alloc : memref<!tpu.dma_semaphore, #tpu.memory_space<semaphore_mem>>
        %dma_start3A_87 = arith.constant 0 : i32
        %dma_start3A_88 = arith.constant 0 : i32
        %dma_start3A_89 = tpu.memref_slice %arg14[%dma_start3A_87, %dma_start3A_88] : memref<128x32xf32, #tpu.memory_space<vmem>> -> memref<112x32xf32, #tpu.memory_space<vmem>>
        %dma_start3A_90 = arith.constant 0 : i32
        %dma_start3A_91 = tpu.memref_slice %arg16[%add3A_86, %dma_start3A_90] : memref<50176x32xf32, #tpu.memory_space<vmem_shared>> -> memref<112x32xf32, #tpu.memory_space<vmem_shared>>
        %dma_start3A_92 = arith.constant 0 : i32
        %dma_start3A_93 = arith.constant 0 : i32
        %dma_start3A_94 = tpu.memref_slice %arg14[%dma_start3A_92, %dma_start3A_93] : memref<128x32xf32, #tpu.memory_space<vmem>> -> memref<112x32xf32, #tpu.memory_space<vmem>>
        %dma_start3A_95 = arith.constant 0 : i32
        %dma_start3A_96 = tpu.memref_slice %arg16[%add3A_86, %dma_start3A_95] : memref<50176x32xf32, #tpu.memory_space<vmem_shared>> -> memref<112x32xf32, #tpu.memory_space<vmem_shared>>
        tpu.enqueue_dma source(%dma_start3A_96 : memref<112x32xf32, #tpu.memory_space<vmem_shared>>) target(%dma_start3A_94 : memref<112x32xf32, #tpu.memory_space<vmem>>) target_semaphore(%run_scoped3A : memref<!tpu.dma_semaphore, #tpu.memory_space<semaphore_mem>>)
        %dma_wait3A_97 = arith.constant 0 : i32
        %dma_wait3A_98 = arith.constant 0 : i32
        %dma_wait3A_99 = tpu.memref_slice %arg14[%dma_wait3A_97, %dma_wait3A_98] : memref<128x32xf32, #tpu.memory_space<vmem>> -> memref<112x32xf32, #tpu.memory_space<vmem>>
        %dma_wait3A_100 = arith.constant 0 : i32
        %dma_wait3A_101 = tpu.memref_slice %arg16[%add3A_86, %dma_wait3A_100] : memref<50176x32xf32, #tpu.memory_space<vmem_shared>> -> memref<112x32xf32, #tpu.memory_space<vmem_shared>>
        %dma_wait3A_102 = arith.constant 0 : i32
        %dma_wait3A_103 = arith.constant 0 : i32
        %dma_wait3A_104 = tpu.memref_slice %arg14[%dma_wait3A_102, %dma_wait3A_103] : memref<128x32xf32, #tpu.memory_space<vmem>> -> memref<112x32xf32, #tpu.memory_space<vmem>>
        %dma_wait3A_105 = arith.constant 0 : i32
        %dma_wait3A_106 = tpu.memref_slice %arg16[%add3A_86, %dma_wait3A_105] : memref<50176x32xf32, #tpu.memory_space<vmem_shared>> -> memref<112x32xf32, #tpu.memory_space<vmem_shared>>
        tpu.wait_dma2 semaphore(%run_scoped3A : memref<!tpu.dma_semaphore, #tpu.memory_space<semaphore_mem>>) src(%dma_wait3A_106 : memref<112x32xf32, #tpu.memory_space<vmem_shared>>) dst(%dma_wait3A_104 : memref<112x32xf32, #tpu.memory_space<vmem>>)
        tpu.yield
      }) : () -> ()
      "tpu.region"() ({
        %run_scoped3A = tpu.sem_alloc : memref<!tpu.dma_semaphore, #tpu.memory_space<semaphore_mem>>
        %dma_start3A_87 = arith.constant 0 : i32
        %dma_start3A_88 = arith.constant 0 : i32
        %dma_start3A_89 = tpu.memref_slice %arg14[%dma_start3A_87, %dma_start3A_88] : memref<128x32xf32, #tpu.memory_space<vmem>> -> memref<112x32xf32, #tpu.memory_space<vmem>>
        %dma_start3A_90 = arith.constant 0 : i32
        %dma_start3A_91 = arith.constant 0 : i32
        %dma_start3A_92 = tpu.memref_slice %arg7[%arg0, %dma_start3A_90, %dma_start3A_91] : memref<2x50176x32xf32, #tpu.memory_space<hbm>> -> memref<1x50176x32xf32, #tpu.memory_space<hbm>>
        %dma_start3A_93 = tpu.memref_squeeze %dma_start3A_92 : memref<1x50176x32xf32, #tpu.memory_space<hbm>> -> memref<50176x32xf32, #tpu.memory_space<hbm>>
        %dma_start3A_94 = arith.constant 0 : i32
        %dma_start3A_95 = tpu.memref_slice %dma_start3A_93[%add3A_86, %dma_start3A_94] : memref<50176x32xf32, #tpu.memory_space<hbm>> -> memref<112x32xf32, #tpu.memory_space<hbm>>
        %dma_start3A_96 = arith.constant 0 : i32
        %dma_start3A_97 = arith.constant 0 : i32
        %dma_start3A_98 = tpu.memref_slice %arg7[%arg0, %dma_start3A_96, %dma_start3A_97] : memref<2x50176x32xf32, #tpu.memory_space<hbm>> -> memref<1x50176x32xf32, #tpu.memory_space<hbm>>
        %dma_start3A_99 = tpu.memref_squeeze %dma_start3A_98 : memref<1x50176x32xf32, #tpu.memory_space<hbm>> -> memref<50176x32xf32, #tpu.memory_space<hbm>>
        %dma_start3A_100 = arith.constant 0 : i32
        %dma_start3A_101 = tpu.memref_slice %dma_start3A_99[%add3A_86, %dma_start3A_100] : memref<50176x32xf32, #tpu.memory_space<hbm>> -> memref<112x32xf32, #tpu.memory_space<hbm>>
        %dma_start3A_102 = arith.constant 0 : i32
        %dma_start3A_103 = arith.constant 0 : i32
        %dma_start3A_104 = tpu.memref_slice %arg14[%dma_start3A_102, %dma_start3A_103] : memref<128x32xf32, #tpu.memory_space<vmem>> -> memref<112x32xf32, #tpu.memory_space<vmem>>
        tpu.enqueue_dma source(%dma_start3A_104 : memref<112x32xf32, #tpu.memory_space<vmem>>) target(%dma_start3A_101 : memref<112x32xf32, #tpu.memory_space<hbm>>) target_semaphore(%run_scoped3A : memref<!tpu.dma_semaphore, #tpu.memory_space<semaphore_mem>>)
        %dma_wait3A_105 = arith.constant 0 : i32
        %dma_wait3A_106 = arith.constant 0 : i32
        %dma_wait3A_107 = tpu.memref_slice %arg14[%dma_wait3A_105, %dma_wait3A_106] : memref<128x32xf32, #tpu.memory_space<vmem>> -> memref<112x32xf32, #tpu.memory_space<vmem>>
        %dma_wait3A_108 = arith.constant 0 : i32
        %dma_wait3A_109 = arith.constant 0 : i32
        %dma_wait3A_110 = tpu.memref_slice %arg7[%arg0, %dma_wait3A_108, %dma_wait3A_109] : memref<2x50176x32xf32, #tpu.memory_space<hbm>> -> memref<1x50176x32xf32, #tpu.memory_space<hbm>>
        %dma_wait3A_111 = tpu.memref_squeeze %dma_wait3A_110 : memref<1x50176x32xf32, #tpu.memory_space<hbm>> -> memref<50176x32xf32, #tpu.memory_space<hbm>>
        %dma_wait3A_112 = arith.constant 0 : i32
        %dma_wait3A_113 = tpu.memref_slice %dma_wait3A_111[%add3A_86, %dma_wait3A_112] : memref<50176x32xf32, #tpu.memory_space<hbm>> -> memref<112x32xf32, #tpu.memory_space<hbm>>
        %dma_wait3A_114 = arith.constant 0 : i32
        %dma_wait3A_115 = arith.constant 0 : i32
        %dma_wait3A_116 = tpu.memref_slice %arg7[%arg0, %dma_wait3A_114, %dma_wait3A_115] : memref<2x50176x32xf32, #tpu.memory_space<hbm>> -> memref<1x50176x32xf32, #tpu.memory_space<hbm>>
        %dma_wait3A_117 = tpu.memref_squeeze %dma_wait3A_116 : memref<1x50176x32xf32, #tpu.memory_space<hbm>> -> memref<50176x32xf32, #tpu.memory_space<hbm>>
        %dma_wait3A_118 = arith.constant 0 : i32
        %dma_wait3A_119 = tpu.memref_slice %dma_wait3A_117[%add3A_86, %dma_wait3A_118] : memref<50176x32xf32, #tpu.memory_space<hbm>> -> memref<112x32xf32, #tpu.memory_space<hbm>>
        %dma_wait3A_120 = arith.constant 0 : i32
        %dma_wait3A_121 = arith.constant 0 : i32
        %dma_wait3A_122 = tpu.memref_slice %arg14[%dma_wait3A_120, %dma_wait3A_121] : memref<128x32xf32, #tpu.memory_space<vmem>> -> memref<112x32xf32, #tpu.memory_space<vmem>>
        tpu.wait_dma2 semaphore(%run_scoped3A : memref<!tpu.dma_semaphore, #tpu.memory_space<semaphore_mem>>) src(%dma_wait3A_122 : memref<112x32xf32, #tpu.memory_space<vmem>>) dst(%dma_wait3A_119 : memref<112x32xf32, #tpu.memory_space<hbm>>)
        tpu.yield
      }) : () -> ()
    }
    %scan3A_80 = arith.constant 28 : i32
    return
  }
}

#map = affine_map<(d0, d1) -> (0, 0)>
#map1 = affine_map<(d0, d1) -> (0, 0, 0)>
module attributes {stable_mosaic.version = 14 : i64} {
  func.func @body(%arg0: i32, %arg1: i32, %arg2: memref<50176x16xf32, #tpu.memory_space<hbm>>, %arg3: memref<1605632x16xf32, #tpu.memory_space<hbm>>, %arg4: memref<12544x128xi32, #tpu.memory_space<hbm>>, %arg5: memref<12544x128xi32, #tpu.memory_space<hbm>>, %arg6: memref<2x50176x16xf32, #tpu.memory_space<hbm>>, %arg7: memref<2x50176x16xf32, #tpu.memory_space<hbm>>, %arg8: memref<128xi32, #tpu.memory_space<vmem>>, %arg9: memref<128xi32, #tpu.memory_space<vmem>>, %arg10: memref<128xi32, #tpu.memory_space<vmem>>, %arg11: memref<128xi32, #tpu.memory_space<vmem>>, %arg12: memref<128x16xf32, #tpu.memory_space<vmem>>, %arg13: memref<128x16xf32, #tpu.memory_space<vmem>>, %arg14: memref<128x16xf32, #tpu.memory_space<vmem>>, %arg15: memref<128x16xf32, #tpu.memory_space<vmem>>, %arg16: memref<50176x16xf32, #tpu.memory_space<vmem_shared>>, %arg17: memref<!tpu.dma_semaphore, #tpu.memory_space<semaphore_mem>>, %arg18: memref<!tpu.dma_semaphore, #tpu.memory_space<semaphore_mem>>, %arg19: memref<!tpu.dma_semaphore, #tpu.memory_space<semaphore_mem>>, %arg20: memref<!tpu.dma_semaphore, #tpu.memory_space<semaphore_mem>>) attributes {dimension_semantics = [#tpu.dimension_semantics<core_parallel>, #tpu.dimension_semantics<subcore_parallel>], iteration_bounds = array<i64: 2, 16>, scalar_prefetch = 0 : i64, scratch_operands = 13 : i64, tpu.core_type = #tpu.core_type<sc_vector_subcore>, window_params = [{transform_indices = #map}, {transform_indices = #map}, {transform_indices = #map}, {transform_indices = #map}, {transform_indices = #map1}, {transform_indices = #map1}]} {
    %scan3A = arith.constant 0 : i32
    %scan3A_0 = arith.constant 0 : i32
    %scan3A_1 = arith.constant 28 : i32
    %scan3A_2 = arith.addi %scan3A_0, %scan3A_1 : i32
    %scan3A_3 = arith.constant 1 : i32
    scf.for %scan3A_72 = %scan3A_0 to %scan3A_2 step %scan3A_3  : i32 {
      %mul3A_73 = arith.constant 3136 : i32
      %mul3A_74 = arith.muli %arg1, %mul3A_73 : i32
      %mul3A_75 = arith.constant 112 : i32
      %mul3A_76 = arith.muli %scan3A_72, %mul3A_75 : i32
      %add3A_77 = arith.addi %mul3A_74, %mul3A_76 : i32
      "tpu.region"() ({
        %run_scoped3A = tpu.sem_alloc : memref<!tpu.dma_semaphore, #tpu.memory_space<semaphore_mem>>
        %dma_start3A_78 = arith.constant 0 : i32
        %dma_start3A_79 = arith.constant 0 : i32
        %dma_start3A_80 = tpu.memref_slice %arg14[%dma_start3A_78, %dma_start3A_79] : memref<128x16xf32, #tpu.memory_space<vmem>> -> memref<112x16xf32, #tpu.memory_space<vmem>>
        %dma_start3A_81 = arith.constant 0 : i32
        %dma_start3A_82 = arith.constant 0 : i32
        %dma_start3A_83 = tpu.memref_slice %arg6[%arg0, %dma_start3A_81, %dma_start3A_82] : memref<2x50176x16xf32, #tpu.memory_space<hbm>> -> memref<1x50176x16xf32, #tpu.memory_space<hbm>>
        %dma_start3A_84 = tpu.memref_squeeze %dma_start3A_83 : memref<1x50176x16xf32, #tpu.memory_space<hbm>> -> memref<50176x16xf32, #tpu.memory_space<hbm>>
        %dma_start3A_85 = arith.constant 0 : i32
        %dma_start3A_86 = tpu.memref_slice %dma_start3A_84[%add3A_77, %dma_start3A_85] : memref<50176x16xf32, #tpu.memory_space<hbm>> -> memref<112x16xf32, #tpu.memory_space<hbm>>
        %dma_start3A_87 = arith.constant 0 : i32
        %dma_start3A_88 = arith.constant 0 : i32
        %dma_start3A_89 = tpu.memref_slice %arg14[%dma_start3A_87, %dma_start3A_88] : memref<128x16xf32, #tpu.memory_space<vmem>> -> memref<112x16xf32, #tpu.memory_space<vmem>>
        %dma_start3A_90 = arith.constant 0 : i32
        %dma_start3A_91 = arith.constant 0 : i32
        %dma_start3A_92 = tpu.memref_slice %arg6[%arg0, %dma_start3A_90, %dma_start3A_91] : memref<2x50176x16xf32, #tpu.memory_space<hbm>> -> memref<1x50176x16xf32, #tpu.memory_space<hbm>>
        %dma_start3A_93 = tpu.memref_squeeze %dma_start3A_92 : memref<1x50176x16xf32, #tpu.memory_space<hbm>> -> memref<50176x16xf32, #tpu.memory_space<hbm>>
        %dma_start3A_94 = arith.constant 0 : i32
        %dma_start3A_95 = tpu.memref_slice %dma_start3A_93[%add3A_77, %dma_start3A_94] : memref<50176x16xf32, #tpu.memory_space<hbm>> -> memref<112x16xf32, #tpu.memory_space<hbm>>
        tpu.enqueue_dma source(%dma_start3A_95 : memref<112x16xf32, #tpu.memory_space<hbm>>) target(%dma_start3A_89 : memref<112x16xf32, #tpu.memory_space<vmem>>) target_semaphore(%run_scoped3A : memref<!tpu.dma_semaphore, #tpu.memory_space<semaphore_mem>>)
        %dma_wait3A_96 = arith.constant 0 : i32
        %dma_wait3A_97 = arith.constant 0 : i32
        %dma_wait3A_98 = tpu.memref_slice %arg14[%dma_wait3A_96, %dma_wait3A_97] : memref<128x16xf32, #tpu.memory_space<vmem>> -> memref<112x16xf32, #tpu.memory_space<vmem>>
        %dma_wait3A_99 = arith.constant 0 : i32
        %dma_wait3A_100 = arith.constant 0 : i32
        %dma_wait3A_101 = tpu.memref_slice %arg6[%arg0, %dma_wait3A_99, %dma_wait3A_100] : memref<2x50176x16xf32, #tpu.memory_space<hbm>> -> memref<1x50176x16xf32, #tpu.memory_space<hbm>>
        %dma_wait3A_102 = tpu.memref_squeeze %dma_wait3A_101 : memref<1x50176x16xf32, #tpu.memory_space<hbm>> -> memref<50176x16xf32, #tpu.memory_space<hbm>>
        %dma_wait3A_103 = arith.constant 0 : i32
        %dma_wait3A_104 = tpu.memref_slice %dma_wait3A_102[%add3A_77, %dma_wait3A_103] : memref<50176x16xf32, #tpu.memory_space<hbm>> -> memref<112x16xf32, #tpu.memory_space<hbm>>
        %dma_wait3A_105 = arith.constant 0 : i32
        %dma_wait3A_106 = arith.constant 0 : i32
        %dma_wait3A_107 = tpu.memref_slice %arg14[%dma_wait3A_105, %dma_wait3A_106] : memref<128x16xf32, #tpu.memory_space<vmem>> -> memref<112x16xf32, #tpu.memory_space<vmem>>
        %dma_wait3A_108 = arith.constant 0 : i32
        %dma_wait3A_109 = arith.constant 0 : i32
        %dma_wait3A_110 = tpu.memref_slice %arg6[%arg0, %dma_wait3A_108, %dma_wait3A_109] : memref<2x50176x16xf32, #tpu.memory_space<hbm>> -> memref<1x50176x16xf32, #tpu.memory_space<hbm>>
        %dma_wait3A_111 = tpu.memref_squeeze %dma_wait3A_110 : memref<1x50176x16xf32, #tpu.memory_space<hbm>> -> memref<50176x16xf32, #tpu.memory_space<hbm>>
        %dma_wait3A_112 = arith.constant 0 : i32
        %dma_wait3A_113 = tpu.memref_slice %dma_wait3A_111[%add3A_77, %dma_wait3A_112] : memref<50176x16xf32, #tpu.memory_space<hbm>> -> memref<112x16xf32, #tpu.memory_space<hbm>>
        tpu.wait_dma2 semaphore(%run_scoped3A : memref<!tpu.dma_semaphore, #tpu.memory_space<semaphore_mem>>) src(%dma_wait3A_113 : memref<112x16xf32, #tpu.memory_space<hbm>>) dst(%dma_wait3A_107 : memref<112x16xf32, #tpu.memory_space<vmem>>)
        tpu.yield
      }) : () -> ()
      "tpu.region"() ({
        %run_scoped3A = tpu.sem_alloc : memref<!tpu.dma_semaphore, #tpu.memory_space<semaphore_mem>>
        %dma_start3A_78 = arith.constant 0 : i32
        %dma_start3A_79 = arith.constant 0 : i32
        %dma_start3A_80 = tpu.memref_slice %arg14[%dma_start3A_78, %dma_start3A_79] : memref<128x16xf32, #tpu.memory_space<vmem>> -> memref<112x16xf32, #tpu.memory_space<vmem>>
        %dma_start3A_81 = arith.constant 0 : i32
        %dma_start3A_82 = tpu.memref_slice %arg16[%add3A_77, %dma_start3A_81] : memref<50176x16xf32, #tpu.memory_space<vmem_shared>> -> memref<112x16xf32, #tpu.memory_space<vmem_shared>>
        %dma_start3A_83 = arith.constant 0 : i32
        %dma_start3A_84 = tpu.memref_slice %arg16[%add3A_77, %dma_start3A_83] : memref<50176x16xf32, #tpu.memory_space<vmem_shared>> -> memref<112x16xf32, #tpu.memory_space<vmem_shared>>
        %dma_start3A_85 = arith.constant 0 : i32
        %dma_start3A_86 = arith.constant 0 : i32
        %dma_start3A_87 = tpu.memref_slice %arg14[%dma_start3A_85, %dma_start3A_86] : memref<128x16xf32, #tpu.memory_space<vmem>> -> memref<112x16xf32, #tpu.memory_space<vmem>>
        tpu.enqueue_dma source(%dma_start3A_87 : memref<112x16xf32, #tpu.memory_space<vmem>>) target(%dma_start3A_84 : memref<112x16xf32, #tpu.memory_space<vmem_shared>>) target_semaphore(%run_scoped3A : memref<!tpu.dma_semaphore, #tpu.memory_space<semaphore_mem>>)
        %dma_wait3A_88 = arith.constant 0 : i32
        %dma_wait3A_89 = arith.constant 0 : i32
        %dma_wait3A_90 = tpu.memref_slice %arg14[%dma_wait3A_88, %dma_wait3A_89] : memref<128x16xf32, #tpu.memory_space<vmem>> -> memref<112x16xf32, #tpu.memory_space<vmem>>
        %dma_wait3A_91 = arith.constant 0 : i32
        %dma_wait3A_92 = tpu.memref_slice %arg16[%add3A_77, %dma_wait3A_91] : memref<50176x16xf32, #tpu.memory_space<vmem_shared>> -> memref<112x16xf32, #tpu.memory_space<vmem_shared>>
        %dma_wait3A_93 = arith.constant 0 : i32
        %dma_wait3A_94 = tpu.memref_slice %arg16[%add3A_77, %dma_wait3A_93] : memref<50176x16xf32, #tpu.memory_space<vmem_shared>> -> memref<112x16xf32, #tpu.memory_space<vmem_shared>>
        %dma_wait3A_95 = arith.constant 0 : i32
        %dma_wait3A_96 = arith.constant 0 : i32
        %dma_wait3A_97 = tpu.memref_slice %arg14[%dma_wait3A_95, %dma_wait3A_96] : memref<128x16xf32, #tpu.memory_space<vmem>> -> memref<112x16xf32, #tpu.memory_space<vmem>>
        tpu.wait_dma2 semaphore(%run_scoped3A : memref<!tpu.dma_semaphore, #tpu.memory_space<semaphore_mem>>) src(%dma_wait3A_97 : memref<112x16xf32, #tpu.memory_space<vmem>>) dst(%dma_wait3A_94 : memref<112x16xf32, #tpu.memory_space<vmem_shared>>)
        tpu.yield
      }) : () -> ()
    }
    %scan3A_4 = arith.constant 28 : i32
    %barrier3A = arith.constant 0 : index
    tpu.barrier barrier_id(%barrier3A)
    %mul3A = arith.constant 16 : i32
    %mul3A_5 = arith.muli %arg0, %mul3A : i32
    %add3A = arith.addi %mul3A_5, %arg1 : i32
    %mul3A_6 = arith.constant 392 : i32
    %mul3A_7 = arith.muli %add3A, %mul3A_6 : i32
    %add3A_8 = arith.constant 0 : i32
    %add3A_9 = arith.addi %mul3A_7, %add3A_8 : i32
    %dma_start3A = arith.constant 0 : i32
    %dma_start3A_10 = tpu.memref_slice %arg4[%add3A_9, %dma_start3A] : memref<12544x128xi32, #tpu.memory_space<hbm>> -> memref<1x128xi32, #tpu.memory_space<hbm>>
    %dma_start3A_11 = tpu.memref_squeeze %dma_start3A_10 : memref<1x128xi32, #tpu.memory_space<hbm>> -> memref<128xi32, #tpu.memory_space<hbm>>
    %dma_start3A_12 = arith.constant 0 : i32
    %dma_start3A_13 = tpu.memref_slice %arg4[%add3A_9, %dma_start3A_12] : memref<12544x128xi32, #tpu.memory_space<hbm>> -> memref<1x128xi32, #tpu.memory_space<hbm>>
    %dma_start3A_14 = tpu.memref_squeeze %dma_start3A_13 : memref<1x128xi32, #tpu.memory_space<hbm>> -> memref<128xi32, #tpu.memory_space<hbm>>
    tpu.enqueue_dma source(%dma_start3A_14 : memref<128xi32, #tpu.memory_space<hbm>>) target(%arg8 : memref<128xi32, #tpu.memory_space<vmem>>) target_semaphore(%arg17 : memref<!tpu.dma_semaphore, #tpu.memory_space<semaphore_mem>>)
    %dma_start3A_15 = arith.constant 0 : i32
    %dma_start3A_16 = tpu.memref_slice %arg5[%add3A_9, %dma_start3A_15] : memref<12544x128xi32, #tpu.memory_space<hbm>> -> memref<1x128xi32, #tpu.memory_space<hbm>>
    %dma_start3A_17 = tpu.memref_squeeze %dma_start3A_16 : memref<1x128xi32, #tpu.memory_space<hbm>> -> memref<128xi32, #tpu.memory_space<hbm>>
    %dma_start3A_18 = arith.constant 0 : i32
    %dma_start3A_19 = tpu.memref_slice %arg5[%add3A_9, %dma_start3A_18] : memref<12544x128xi32, #tpu.memory_space<hbm>> -> memref<1x128xi32, #tpu.memory_space<hbm>>
    %dma_start3A_20 = tpu.memref_squeeze %dma_start3A_19 : memref<1x128xi32, #tpu.memory_space<hbm>> -> memref<128xi32, #tpu.memory_space<hbm>>
    tpu.enqueue_dma source(%dma_start3A_20 : memref<128xi32, #tpu.memory_space<hbm>>) target(%arg10 : memref<128xi32, #tpu.memory_space<vmem>>) target_semaphore(%arg17 : memref<!tpu.dma_semaphore, #tpu.memory_space<semaphore_mem>>)
    %add3A_21 = arith.constant 1 : i32
    %add3A_22 = arith.addi %mul3A_7, %add3A_21 : i32
    %dma_start3A_23 = arith.constant 0 : i32
    %dma_start3A_24 = tpu.memref_slice %arg4[%add3A_22, %dma_start3A_23] : memref<12544x128xi32, #tpu.memory_space<hbm>> -> memref<1x128xi32, #tpu.memory_space<hbm>>
    %dma_start3A_25 = tpu.memref_squeeze %dma_start3A_24 : memref<1x128xi32, #tpu.memory_space<hbm>> -> memref<128xi32, #tpu.memory_space<hbm>>
    %dma_start3A_26 = arith.constant 0 : i32
    %dma_start3A_27 = tpu.memref_slice %arg4[%add3A_22, %dma_start3A_26] : memref<12544x128xi32, #tpu.memory_space<hbm>> -> memref<1x128xi32, #tpu.memory_space<hbm>>
    %dma_start3A_28 = tpu.memref_squeeze %dma_start3A_27 : memref<1x128xi32, #tpu.memory_space<hbm>> -> memref<128xi32, #tpu.memory_space<hbm>>
    tpu.enqueue_dma source(%dma_start3A_28 : memref<128xi32, #tpu.memory_space<hbm>>) target(%arg9 : memref<128xi32, #tpu.memory_space<vmem>>) target_semaphore(%arg18 : memref<!tpu.dma_semaphore, #tpu.memory_space<semaphore_mem>>)
    %dma_start3A_29 = arith.constant 0 : i32
    %dma_start3A_30 = tpu.memref_slice %arg5[%add3A_22, %dma_start3A_29] : memref<12544x128xi32, #tpu.memory_space<hbm>> -> memref<1x128xi32, #tpu.memory_space<hbm>>
    %dma_start3A_31 = tpu.memref_squeeze %dma_start3A_30 : memref<1x128xi32, #tpu.memory_space<hbm>> -> memref<128xi32, #tpu.memory_space<hbm>>
    %dma_start3A_32 = arith.constant 0 : i32
    %dma_start3A_33 = tpu.memref_slice %arg5[%add3A_22, %dma_start3A_32] : memref<12544x128xi32, #tpu.memory_space<hbm>> -> memref<1x128xi32, #tpu.memory_space<hbm>>
    %dma_start3A_34 = tpu.memref_squeeze %dma_start3A_33 : memref<1x128xi32, #tpu.memory_space<hbm>> -> memref<128xi32, #tpu.memory_space<hbm>>
    tpu.enqueue_dma source(%dma_start3A_34 : memref<128xi32, #tpu.memory_space<hbm>>) target(%arg11 : memref<128xi32, #tpu.memory_space<vmem>>) target_semaphore(%arg18 : memref<!tpu.dma_semaphore, #tpu.memory_space<semaphore_mem>>)
    %dma_wait3A = arith.constant 0 : i32
    %dma_wait3A_35 = arith.constant 0 : i32
    %dma_wait3A_36 = tpu.memref_slice %arg4[%dma_wait3A, %dma_wait3A_35] : memref<12544x128xi32, #tpu.memory_space<hbm>> -> memref<1x128xi32, #tpu.memory_space<hbm>>
    %dma_wait3A_37 = tpu.memref_squeeze %dma_wait3A_36 : memref<1x128xi32, #tpu.memory_space<hbm>> -> memref<128xi32, #tpu.memory_space<hbm>>
    %dma_wait3A_38 = arith.constant 0 : i32
    %dma_wait3A_39 = tpu.memref_slice %arg4[%dma_wait3A, %dma_wait3A_38] : memref<12544x128xi32, #tpu.memory_space<hbm>> -> memref<1x128xi32, #tpu.memory_space<hbm>>
    %dma_wait3A_40 = tpu.memref_squeeze %dma_wait3A_39 : memref<1x128xi32, #tpu.memory_space<hbm>> -> memref<128xi32, #tpu.memory_space<hbm>>
    tpu.wait_dma2 semaphore(%arg17 : memref<!tpu.dma_semaphore, #tpu.memory_space<semaphore_mem>>) src(%dma_wait3A_40 : memref<128xi32, #tpu.memory_space<hbm>>) dst(%arg8 : memref<128xi32, #tpu.memory_space<vmem>>)
    %dma_wait3A_41 = arith.constant 0 : i32
    %dma_wait3A_42 = arith.constant 0 : i32
    %dma_wait3A_43 = tpu.memref_slice %arg5[%dma_wait3A_41, %dma_wait3A_42] : memref<12544x128xi32, #tpu.memory_space<hbm>> -> memref<1x128xi32, #tpu.memory_space<hbm>>
    %dma_wait3A_44 = tpu.memref_squeeze %dma_wait3A_43 : memref<1x128xi32, #tpu.memory_space<hbm>> -> memref<128xi32, #tpu.memory_space<hbm>>
    %dma_wait3A_45 = arith.constant 0 : i32
    %dma_wait3A_46 = tpu.memref_slice %arg5[%dma_wait3A_41, %dma_wait3A_45] : memref<12544x128xi32, #tpu.memory_space<hbm>> -> memref<1x128xi32, #tpu.memory_space<hbm>>
    %dma_wait3A_47 = tpu.memref_squeeze %dma_wait3A_46 : memref<1x128xi32, #tpu.memory_space<hbm>> -> memref<128xi32, #tpu.memory_space<hbm>>
    tpu.wait_dma2 semaphore(%arg17 : memref<!tpu.dma_semaphore, #tpu.memory_space<semaphore_mem>>) src(%dma_wait3A_47 : memref<128xi32, #tpu.memory_space<hbm>>) dst(%arg10 : memref<128xi32, #tpu.memory_space<vmem>>)
    %add3A_48 = arith.constant 0 : i32
    %add3A_49 = arith.addi %mul3A_7, %add3A_48 : i32
    %mul3A_50 = arith.constant 128 : i32
    %mul3A_51 = arith.muli %add3A_49, %mul3A_50 : i32
    %dma_start3A_52 = arith.constant 0 : i32
    %dma_start3A_53 = tpu.memref_slice %arg3[%mul3A_51, %dma_start3A_52] : memref<1605632x16xf32, #tpu.memory_space<hbm>> -> memref<128x16xf32, #tpu.memory_space<hbm>>
    %dma_start3A_54 = arith.constant 0 : i32
    %dma_start3A_55 = tpu.memref_slice %arg3[%mul3A_51, %dma_start3A_54] : memref<1605632x16xf32, #tpu.memory_space<hbm>> -> memref<128x16xf32, #tpu.memory_space<hbm>>
    tpu.enqueue_dma source(%dma_start3A_55 : memref<128x16xf32, #tpu.memory_space<hbm>>) target(%arg12 : memref<128x16xf32, #tpu.memory_space<vmem>>) target_semaphore(%arg19 : memref<!tpu.dma_semaphore, #tpu.memory_space<semaphore_mem>>)
    %dma_start3A_56 = arith.constant 0 : i32
    %dma_start3A_57 = arith.constant 0 : i32
    %dma_start3A_58 = tpu.memref_slice %arg2[%dma_start3A_56, %dma_start3A_57] : memref<50176x16xf32, #tpu.memory_space<hbm>> -> memref<50176x16xf32, #tpu.memory_space<hbm>>
    tpu.enqueue_indirect_dma source(%dma_start3A_58 : memref<50176x16xf32, #tpu.memory_space<hbm>>) target(%arg14 : memref<128x16xf32, #tpu.memory_space<vmem>>) offsets(%arg8 : memref<128xi32, #tpu.memory_space<vmem>>) semaphore(%arg19 : memref<!tpu.dma_semaphore, #tpu.memory_space<semaphore_mem>>)
    %scan3A_59 = arith.constant 0 : i32
    %scan3A_60 = arith.constant 0 : i32
    %scan3A_61 = arith.constant 196 : i32
    %scan3A_62 = arith.addi %scan3A_60, %scan3A_61 : i32
    %scan3A_63 = arith.constant 1 : i32
    scf.for %scan3A_72 = %scan3A_60 to %scan3A_62 step %scan3A_63  : i32 {
      %mul3A_73 = arith.constant 2 : i32
      %mul3A_74 = arith.muli %mul3A_73, %scan3A_72 : i32
      %dma_wait3A_75 = arith.constant 0 : i32
      %dma_wait3A_76 = arith.constant 0 : i32
      %dma_wait3A_77 = tpu.memref_slice %arg4[%dma_wait3A_75, %dma_wait3A_76] : memref<12544x128xi32, #tpu.memory_space<hbm>> -> memref<1x128xi32, #tpu.memory_space<hbm>>
      %dma_wait3A_78 = tpu.memref_squeeze %dma_wait3A_77 : memref<1x128xi32, #tpu.memory_space<hbm>> -> memref<128xi32, #tpu.memory_space<hbm>>
      %dma_wait3A_79 = arith.constant 0 : i32
      %dma_wait3A_80 = tpu.memref_slice %arg4[%dma_wait3A_75, %dma_wait3A_79] : memref<12544x128xi32, #tpu.memory_space<hbm>> -> memref<1x128xi32, #tpu.memory_space<hbm>>
      %dma_wait3A_81 = tpu.memref_squeeze %dma_wait3A_80 : memref<1x128xi32, #tpu.memory_space<hbm>> -> memref<128xi32, #tpu.memory_space<hbm>>
      tpu.wait_dma2 semaphore(%arg18 : memref<!tpu.dma_semaphore, #tpu.memory_space<semaphore_mem>>) src(%dma_wait3A_81 : memref<128xi32, #tpu.memory_space<hbm>>) dst(%arg9 : memref<128xi32, #tpu.memory_space<vmem>>)
      %dma_wait3A_82 = arith.constant 0 : i32
      %dma_wait3A_83 = arith.constant 0 : i32
      %dma_wait3A_84 = tpu.memref_slice %arg5[%dma_wait3A_82, %dma_wait3A_83] : memref<12544x128xi32, #tpu.memory_space<hbm>> -> memref<1x128xi32, #tpu.memory_space<hbm>>
      %dma_wait3A_85 = tpu.memref_squeeze %dma_wait3A_84 : memref<1x128xi32, #tpu.memory_space<hbm>> -> memref<128xi32, #tpu.memory_space<hbm>>
      %dma_wait3A_86 = arith.constant 0 : i32
      %dma_wait3A_87 = tpu.memref_slice %arg5[%dma_wait3A_82, %dma_wait3A_86] : memref<12544x128xi32, #tpu.memory_space<hbm>> -> memref<1x128xi32, #tpu.memory_space<hbm>>
      %dma_wait3A_88 = tpu.memref_squeeze %dma_wait3A_87 : memref<1x128xi32, #tpu.memory_space<hbm>> -> memref<128xi32, #tpu.memory_space<hbm>>
      tpu.wait_dma2 semaphore(%arg18 : memref<!tpu.dma_semaphore, #tpu.memory_space<semaphore_mem>>) src(%dma_wait3A_88 : memref<128xi32, #tpu.memory_space<hbm>>) dst(%arg11 : memref<128xi32, #tpu.memory_space<vmem>>)
      %add3A_89 = arith.constant 1 : i32
      %add3A_90 = arith.addi %mul3A_74, %add3A_89 : i32
      %add3A_91 = arith.addi %mul3A_7, %add3A_90 : i32
      %mul3A_92 = arith.constant 128 : i32
      %mul3A_93 = arith.muli %add3A_91, %mul3A_92 : i32
      %dma_start3A_94 = arith.constant 0 : i32
      %dma_start3A_95 = tpu.memref_slice %arg3[%mul3A_93, %dma_start3A_94] : memref<1605632x16xf32, #tpu.memory_space<hbm>> -> memref<128x16xf32, #tpu.memory_space<hbm>>
      %dma_start3A_96 = arith.constant 0 : i32
      %dma_start3A_97 = tpu.memref_slice %arg3[%mul3A_93, %dma_start3A_96] : memref<1605632x16xf32, #tpu.memory_space<hbm>> -> memref<128x16xf32, #tpu.memory_space<hbm>>
      tpu.enqueue_dma source(%dma_start3A_97 : memref<128x16xf32, #tpu.memory_space<hbm>>) target(%arg13 : memref<128x16xf32, #tpu.memory_space<vmem>>) target_semaphore(%arg20 : memref<!tpu.dma_semaphore, #tpu.memory_space<semaphore_mem>>)
      %dma_start3A_98 = arith.constant 0 : i32
      %dma_start3A_99 = arith.constant 0 : i32
      %dma_start3A_100 = tpu.memref_slice %arg2[%dma_start3A_98, %dma_start3A_99] : memref<50176x16xf32, #tpu.memory_space<hbm>> -> memref<50176x16xf32, #tpu.memory_space<hbm>>
      tpu.enqueue_indirect_dma source(%dma_start3A_100 : memref<50176x16xf32, #tpu.memory_space<hbm>>) target(%arg15 : memref<128x16xf32, #tpu.memory_space<vmem>>) offsets(%arg9 : memref<128xi32, #tpu.memory_space<vmem>>) semaphore(%arg20 : memref<!tpu.dma_semaphore, #tpu.memory_space<semaphore_mem>>)
      %dma_wait3A_101 = arith.constant 0 : i32
      %dma_wait3A_102 = arith.constant 0 : i32
      %dma_wait3A_103 = tpu.memref_slice %arg3[%dma_wait3A_101, %dma_wait3A_102] : memref<1605632x16xf32, #tpu.memory_space<hbm>> -> memref<128x16xf32, #tpu.memory_space<hbm>>
      %dma_wait3A_104 = arith.constant 0 : i32
      %dma_wait3A_105 = arith.constant 0 : i32
      %dma_wait3A_106 = tpu.memref_slice %arg3[%dma_wait3A_104, %dma_wait3A_105] : memref<1605632x16xf32, #tpu.memory_space<hbm>> -> memref<128x16xf32, #tpu.memory_space<hbm>>
      tpu.wait_dma2 semaphore(%arg19 : memref<!tpu.dma_semaphore, #tpu.memory_space<semaphore_mem>>) src(%dma_wait3A_106 : memref<128x16xf32, #tpu.memory_space<hbm>>) dst(%arg12 : memref<128x16xf32, #tpu.memory_space<vmem>>)
      %dma_wait3A_107 = arith.constant 0 : i32
      %dma_wait3A_108 = arith.constant 0 : i32
      %dma_wait3A_109 = tpu.memref_slice %arg3[%dma_wait3A_107, %dma_wait3A_108] : memref<1605632x16xf32, #tpu.memory_space<hbm>> -> memref<128x16xf32, #tpu.memory_space<hbm>>
      %dma_wait3A_110 = arith.constant 0 : i32
      %dma_wait3A_111 = arith.constant 0 : i32
      %dma_wait3A_112 = tpu.memref_slice %arg3[%dma_wait3A_110, %dma_wait3A_111] : memref<1605632x16xf32, #tpu.memory_space<hbm>> -> memref<128x16xf32, #tpu.memory_space<hbm>>
      tpu.wait_dma2 semaphore(%arg19 : memref<!tpu.dma_semaphore, #tpu.memory_space<semaphore_mem>>) src(%dma_wait3A_112 : memref<128x16xf32, #tpu.memory_space<hbm>>) dst(%arg14 : memref<128x16xf32, #tpu.memory_space<vmem>>)
      %scan3A_113 = arith.constant 0 : i32
      %scan3A_114 = arith.constant 0 : i32
      %scan3A_115 = arith.constant 16 : i32
      %scan3A_116 = arith.addi %scan3A_114, %scan3A_115 : i32
      %scan3A_117 = arith.constant 1 : i32
      scf.for %scan3A_155 = %scan3A_114 to %scan3A_116 step %scan3A_117  : i32 {
        %mul3A_156 = arith.constant 8 : i32
        %mul3A_157 = arith.muli %scan3A_155, %mul3A_156 : i32
        %add3A_158 = arith.constant 0 : i32
        %add3A_159 = arith.addi %mul3A_157, %add3A_158 : i32
        %get3A = arith.index_cast %add3A_159 : i32 to index
        %get3A_160 = arith.constant 0 : index
        %get3A_161 = tpu.vector_load %arg14[%get3A, %get3A_160] {strides = array<i32>} : memref<128x16xf32, #tpu.memory_space<vmem>>, vector<1x16xf32>,
        %get3A_162 = vector.shape_cast %get3A_161 : vector<1x16xf32> to vector<16xf32>
        %get3A_163 = arith.index_cast %add3A_159 : i32 to index
        %get3A_164 = arith.constant 0 : index
        %get3A_165 = tpu.vector_load %arg12[%get3A_163, %get3A_164] {strides = array<i32>} : memref<128x16xf32, #tpu.memory_space<vmem>>, vector<1x16xf32>,
        %get3A_166 = vector.shape_cast %get3A_165 : vector<1x16xf32> to vector<16xf32>
        %add3A_167 = arith.addf %get3A_162, %get3A_166 : vector<16xf32>
        %add3A_168 = arith.addf %add3A_167, %add3A_167 : vector<16xf32>
        %exp3A = math.exp %add3A_168 : vector<16xf32>
        %add3A_169 = arith.constant 1.000000e+00 : f32
        %add3A_170 = vector.broadcast %add3A_169 : f32 to vector<16xf32>
        %add3A_171 = arith.addf %exp3A, %add3A_170 : vector<16xf32>
        %div3A = arith.constant 2.000000e+00 : f32
        %div3A_172 = vector.broadcast %div3A : f32 to vector<16xf32>
        %div3A_173 = arith.divf %div3A_172, %add3A_171 : vector<16xf32>
        %sub3A = arith.constant 1.000000e+00 : f32
        %sub3A_174 = vector.broadcast %sub3A : f32 to vector<16xf32>
        %sub3A_175 = arith.subf %sub3A_174, %div3A_173 : vector<16xf32>
        %swap3A = arith.index_cast %add3A_159 : i32 to index
        %swap3A_176 = arith.constant 0 : index
        %swap3A_177 = tpu.vector_load %arg14[%swap3A, %swap3A_176] {strides = array<i32>} : memref<128x16xf32, #tpu.memory_space<vmem>>, vector<1x16xf32>,
        %swap3A_178 = vector.shape_cast %swap3A_177 : vector<1x16xf32> to vector<16xf32>
        %swap3A_179 = vector.shape_cast %sub3A_175 : vector<16xf32> to vector<1x16xf32>
        tpu.vector_store %arg14[%swap3A, %swap3A_176], %swap3A_179 {strides = array<i32>} : memref<128x16xf32, #tpu.memory_space<vmem>>, vector<1x16xf32>,
        %mul3A_180 = arith.constant 8 : i32
        %mul3A_181 = arith.muli %scan3A_155, %mul3A_180 : i32
        %add3A_182 = arith.constant 1 : i32
        %add3A_183 = arith.addi %mul3A_181, %add3A_182 : i32
        %get3A_184 = arith.index_cast %add3A_183 : i32 to index
        %get3A_185 = arith.constant 0 : index
        %get3A_186 = tpu.vector_load %arg14[%get3A_184, %get3A_185] {strides = array<i32>} : memref<128x16xf32, #tpu.memory_space<vmem>>, vector<1x16xf32>,
        %get3A_187 = vector.shape_cast %get3A_186 : vector<1x16xf32> to vector<16xf32>
        %get3A_188 = arith.index_cast %add3A_183 : i32 to index
        %get3A_189 = arith.constant 0 : index
        %get3A_190 = tpu.vector_load %arg12[%get3A_188, %get3A_189] {strides = array<i32>} : memref<128x16xf32, #tpu.memory_space<vmem>>, vector<1x16xf32>,
        %get3A_191 = vector.shape_cast %get3A_190 : vector<1x16xf32> to vector<16xf32>
        %add3A_192 = arith.addf %get3A_187, %get3A_191 : vector<16xf32>
        %add3A_193 = arith.addf %add3A_192, %add3A_192 : vector<16xf32>
        %exp3A_194 = math.exp %add3A_193 : vector<16xf32>
        %add3A_195 = arith.constant 1.000000e+00 : f32
        %add3A_196 = vector.broadcast %add3A_195 : f32 to vector<16xf32>
        %add3A_197 = arith.addf %exp3A_194, %add3A_196 : vector<16xf32>
        %div3A_198 = arith.constant 2.000000e+00 : f32
        %div3A_199 = vector.broadcast %div3A_198 : f32 to vector<16xf32>
        %div3A_200 = arith.divf %div3A_199, %add3A_197 : vector<16xf32>
        %sub3A_201 = arith.constant 1.000000e+00 : f32
        %sub3A_202 = vector.broadcast %sub3A_201 : f32 to vector<16xf32>
        %sub3A_203 = arith.subf %sub3A_202, %div3A_200 : vector<16xf32>
        %swap3A_204 = arith.index_cast %add3A_183 : i32 to index
        %swap3A_205 = arith.constant 0 : index
        %swap3A_206 = tpu.vector_load %arg14[%swap3A_204, %swap3A_205] {strides = array<i32>} : memref<128x16xf32, #tpu.memory_space<vmem>>, vector<1x16xf32>,
        %swap3A_207 = vector.shape_cast %swap3A_206 : vector<1x16xf32> to vector<16xf32>
        %swap3A_208 = vector.shape_cast %sub3A_203 : vector<16xf32> to vector<1x16xf32>
        tpu.vector_store %arg14[%swap3A_204, %swap3A_205], %swap3A_208 {strides = array<i32>} : memref<128x16xf32, #tpu.memory_space<vmem>>, vector<1x16xf32>,
        %mul3A_209 = arith.constant 8 : i32
        %mul3A_210 = arith.muli %scan3A_155, %mul3A_209 : i32
        %add3A_211 = arith.constant 2 : i32
        %add3A_212 = arith.addi %mul3A_210, %add3A_211 : i32
        %get3A_213 = arith.index_cast %add3A_212 : i32 to index
        %get3A_214 = arith.constant 0 : index
        %get3A_215 = tpu.vector_load %arg14[%get3A_213, %get3A_214] {strides = array<i32>} : memref<128x16xf32, #tpu.memory_space<vmem>>, vector<1x16xf32>,
        %get3A_216 = vector.shape_cast %get3A_215 : vector<1x16xf32> to vector<16xf32>
        %get3A_217 = arith.index_cast %add3A_212 : i32 to index
        %get3A_218 = arith.constant 0 : index
        %get3A_219 = tpu.vector_load %arg12[%get3A_217, %get3A_218] {strides = array<i32>} : memref<128x16xf32, #tpu.memory_space<vmem>>, vector<1x16xf32>,
        %get3A_220 = vector.shape_cast %get3A_219 : vector<1x16xf32> to vector<16xf32>
        %add3A_221 = arith.addf %get3A_216, %get3A_220 : vector<16xf32>
        %add3A_222 = arith.addf %add3A_221, %add3A_221 : vector<16xf32>
        %exp3A_223 = math.exp %add3A_222 : vector<16xf32>
        %add3A_224 = arith.constant 1.000000e+00 : f32
        %add3A_225 = vector.broadcast %add3A_224 : f32 to vector<16xf32>
        %add3A_226 = arith.addf %exp3A_223, %add3A_225 : vector<16xf32>
        %div3A_227 = arith.constant 2.000000e+00 : f32
        %div3A_228 = vector.broadcast %div3A_227 : f32 to vector<16xf32>
        %div3A_229 = arith.divf %div3A_228, %add3A_226 : vector<16xf32>
        %sub3A_230 = arith.constant 1.000000e+00 : f32
        %sub3A_231 = vector.broadcast %sub3A_230 : f32 to vector<16xf32>
        %sub3A_232 = arith.subf %sub3A_231, %div3A_229 : vector<16xf32>
        %swap3A_233 = arith.index_cast %add3A_212 : i32 to index
        %swap3A_234 = arith.constant 0 : index
        %swap3A_235 = tpu.vector_load %arg14[%swap3A_233, %swap3A_234] {strides = array<i32>} : memref<128x16xf32, #tpu.memory_space<vmem>>, vector<1x16xf32>,
        %swap3A_236 = vector.shape_cast %swap3A_235 : vector<1x16xf32> to vector<16xf32>
        %swap3A_237 = vector.shape_cast %sub3A_232 : vector<16xf32> to vector<1x16xf32>
        tpu.vector_store %arg14[%swap3A_233, %swap3A_234], %swap3A_237 {strides = array<i32>} : memref<128x16xf32, #tpu.memory_space<vmem>>, vector<1x16xf32>,
        %mul3A_238 = arith.constant 8 : i32
        %mul3A_239 = arith.muli %scan3A_155, %mul3A_238 : i32
        %add3A_240 = arith.constant 3 : i32
        %add3A_241 = arith.addi %mul3A_239, %add3A_240 : i32
        %get3A_242 = arith.index_cast %add3A_241 : i32 to index
        %get3A_243 = arith.constant 0 : index
        %get3A_244 = tpu.vector_load %arg14[%get3A_242, %get3A_243] {strides = array<i32>} : memref<128x16xf32, #tpu.memory_space<vmem>>, vector<1x16xf32>,
        %get3A_245 = vector.shape_cast %get3A_244 : vector<1x16xf32> to vector<16xf32>
        %get3A_246 = arith.index_cast %add3A_241 : i32 to index
        %get3A_247 = arith.constant 0 : index
        %get3A_248 = tpu.vector_load %arg12[%get3A_246, %get3A_247] {strides = array<i32>} : memref<128x16xf32, #tpu.memory_space<vmem>>, vector<1x16xf32>,
        %get3A_249 = vector.shape_cast %get3A_248 : vector<1x16xf32> to vector<16xf32>
        %add3A_250 = arith.addf %get3A_245, %get3A_249 : vector<16xf32>
        %add3A_251 = arith.addf %add3A_250, %add3A_250 : vector<16xf32>
        %exp3A_252 = math.exp %add3A_251 : vector<16xf32>
        %add3A_253 = arith.constant 1.000000e+00 : f32
        %add3A_254 = vector.broadcast %add3A_253 : f32 to vector<16xf32>
        %add3A_255 = arith.addf %exp3A_252, %add3A_254 : vector<16xf32>
        %div3A_256 = arith.constant 2.000000e+00 : f32
        %div3A_257 = vector.broadcast %div3A_256 : f32 to vector<16xf32>
        %div3A_258 = arith.divf %div3A_257, %add3A_255 : vector<16xf32>
        %sub3A_259 = arith.constant 1.000000e+00 : f32
        %sub3A_260 = vector.broadcast %sub3A_259 : f32 to vector<16xf32>
        %sub3A_261 = arith.subf %sub3A_260, %div3A_258 : vector<16xf32>
        %swap3A_262 = arith.index_cast %add3A_241 : i32 to index
        %swap3A_263 = arith.constant 0 : index
        %swap3A_264 = tpu.vector_load %arg14[%swap3A_262, %swap3A_263] {strides = array<i32>} : memref<128x16xf32, #tpu.memory_space<vmem>>, vector<1x16xf32>,
        %swap3A_265 = vector.shape_cast %swap3A_264 : vector<1x16xf32> to vector<16xf32>
        %swap3A_266 = vector.shape_cast %sub3A_261 : vector<16xf32> to vector<1x16xf32>
        tpu.vector_store %arg14[%swap3A_262, %swap3A_263], %swap3A_266 {strides = array<i32>} : memref<128x16xf32, #tpu.memory_space<vmem>>, vector<1x16xf32>,
        %mul3A_267 = arith.constant 8 : i32
        %mul3A_268 = arith.muli %scan3A_155, %mul3A_267 : i32
        %add3A_269 = arith.constant 4 : i32
        %add3A_270 = arith.addi %mul3A_268, %add3A_269 : i32
        %get3A_271 = arith.index_cast %add3A_270 : i32 to index
        %get3A_272 = arith.constant 0 : index
        %get3A_273 = tpu.vector_load %arg14[%get3A_271, %get3A_272] {strides = array<i32>} : memref<128x16xf32, #tpu.memory_space<vmem>>, vector<1x16xf32>,
        %get3A_274 = vector.shape_cast %get3A_273 : vector<1x16xf32> to vector<16xf32>
        %get3A_275 = arith.index_cast %add3A_270 : i32 to index
        %get3A_276 = arith.constant 0 : index
        %get3A_277 = tpu.vector_load %arg12[%get3A_275, %get3A_276] {strides = array<i32>} : memref<128x16xf32, #tpu.memory_space<vmem>>, vector<1x16xf32>,
        %get3A_278 = vector.shape_cast %get3A_277 : vector<1x16xf32> to vector<16xf32>
        %add3A_279 = arith.addf %get3A_274, %get3A_278 : vector<16xf32>
        %add3A_280 = arith.addf %add3A_279, %add3A_279 : vector<16xf32>
        %exp3A_281 = math.exp %add3A_280 : vector<16xf32>
        %add3A_282 = arith.constant 1.000000e+00 : f32
        %add3A_283 = vector.broadcast %add3A_282 : f32 to vector<16xf32>
        %add3A_284 = arith.addf %exp3A_281, %add3A_283 : vector<16xf32>
        %div3A_285 = arith.constant 2.000000e+00 : f32
        %div3A_286 = vector.broadcast %div3A_285 : f32 to vector<16xf32>
        %div3A_287 = arith.divf %div3A_286, %add3A_284 : vector<16xf32>
        %sub3A_288 = arith.constant 1.000000e+00 : f32
        %sub3A_289 = vector.broadcast %sub3A_288 : f32 to vector<16xf32>
        %sub3A_290 = arith.subf %sub3A_289, %div3A_287 : vector<16xf32>
        %swap3A_291 = arith.index_cast %add3A_270 : i32 to index
        %swap3A_292 = arith.constant 0 : index
        %swap3A_293 = tpu.vector_load %arg14[%swap3A_291, %swap3A_292] {strides = array<i32>} : memref<128x16xf32, #tpu.memory_space<vmem>>, vector<1x16xf32>,
        %swap3A_294 = vector.shape_cast %swap3A_293 : vector<1x16xf32> to vector<16xf32>
        %swap3A_295 = vector.shape_cast %sub3A_290 : vector<16xf32> to vector<1x16xf32>
        tpu.vector_store %arg14[%swap3A_291, %swap3A_292], %swap3A_295 {strides = array<i32>} : memref<128x16xf32, #tpu.memory_space<vmem>>, vector<1x16xf32>,
        %mul3A_296 = arith.constant 8 : i32
        %mul3A_297 = arith.muli %scan3A_155, %mul3A_296 : i32
        %add3A_298 = arith.constant 5 : i32
        %add3A_299 = arith.addi %mul3A_297, %add3A_298 : i32
        %get3A_300 = arith.index_cast %add3A_299 : i32 to index
        %get3A_301 = arith.constant 0 : index
        %get3A_302 = tpu.vector_load %arg14[%get3A_300, %get3A_301] {strides = array<i32>} : memref<128x16xf32, #tpu.memory_space<vmem>>, vector<1x16xf32>,
        %get3A_303 = vector.shape_cast %get3A_302 : vector<1x16xf32> to vector<16xf32>
        %get3A_304 = arith.index_cast %add3A_299 : i32 to index
        %get3A_305 = arith.constant 0 : index
        %get3A_306 = tpu.vector_load %arg12[%get3A_304, %get3A_305] {strides = array<i32>} : memref<128x16xf32, #tpu.memory_space<vmem>>, vector<1x16xf32>,
        %get3A_307 = vector.shape_cast %get3A_306 : vector<1x16xf32> to vector<16xf32>
        %add3A_308 = arith.addf %get3A_303, %get3A_307 : vector<16xf32>
        %add3A_309 = arith.addf %add3A_308, %add3A_308 : vector<16xf32>
        %exp3A_310 = math.exp %add3A_309 : vector<16xf32>
        %add3A_311 = arith.constant 1.000000e+00 : f32
        %add3A_312 = vector.broadcast %add3A_311 : f32 to vector<16xf32>
        %add3A_313 = arith.addf %exp3A_310, %add3A_312 : vector<16xf32>
        %div3A_314 = arith.constant 2.000000e+00 : f32
        %div3A_315 = vector.broadcast %div3A_314 : f32 to vector<16xf32>
        %div3A_316 = arith.divf %div3A_315, %add3A_313 : vector<16xf32>
        %sub3A_317 = arith.constant 1.000000e+00 : f32
        %sub3A_318 = vector.broadcast %sub3A_317 : f32 to vector<16xf32>
        %sub3A_319 = arith.subf %sub3A_318, %div3A_316 : vector<16xf32>
        %swap3A_320 = arith.index_cast %add3A_299 : i32 to index
        %swap3A_321 = arith.constant 0 : index
        %swap3A_322 = tpu.vector_load %arg14[%swap3A_320, %swap3A_321] {strides = array<i32>} : memref<128x16xf32, #tpu.memory_space<vmem>>, vector<1x16xf32>,
        %swap3A_323 = vector.shape_cast %swap3A_322 : vector<1x16xf32> to vector<16xf32>
        %swap3A_324 = vector.shape_cast %sub3A_319 : vector<16xf32> to vector<1x16xf32>
        tpu.vector_store %arg14[%swap3A_320, %swap3A_321], %swap3A_324 {strides = array<i32>} : memref<128x16xf32, #tpu.memory_space<vmem>>, vector<1x16xf32>,
        %mul3A_325 = arith.constant 8 : i32
        %mul3A_326 = arith.muli %scan3A_155, %mul3A_325 : i32
        %add3A_327 = arith.constant 6 : i32
        %add3A_328 = arith.addi %mul3A_326, %add3A_327 : i32
        %get3A_329 = arith.index_cast %add3A_328 : i32 to index
        %get3A_330 = arith.constant 0 : index
        %get3A_331 = tpu.vector_load %arg14[%get3A_329, %get3A_330] {strides = array<i32>} : memref<128x16xf32, #tpu.memory_space<vmem>>, vector<1x16xf32>,
        %get3A_332 = vector.shape_cast %get3A_331 : vector<1x16xf32> to vector<16xf32>
        %get3A_333 = arith.index_cast %add3A_328 : i32 to index
        %get3A_334 = arith.constant 0 : index
        %get3A_335 = tpu.vector_load %arg12[%get3A_333, %get3A_334] {strides = array<i32>} : memref<128x16xf32, #tpu.memory_space<vmem>>, vector<1x16xf32>,
        %get3A_336 = vector.shape_cast %get3A_335 : vector<1x16xf32> to vector<16xf32>
        %add3A_337 = arith.addf %get3A_332, %get3A_336 : vector<16xf32>
        %add3A_338 = arith.addf %add3A_337, %add3A_337 : vector<16xf32>
        %exp3A_339 = math.exp %add3A_338 : vector<16xf32>
        %add3A_340 = arith.constant 1.000000e+00 : f32
        %add3A_341 = vector.broadcast %add3A_340 : f32 to vector<16xf32>
        %add3A_342 = arith.addf %exp3A_339, %add3A_341 : vector<16xf32>
        %div3A_343 = arith.constant 2.000000e+00 : f32
        %div3A_344 = vector.broadcast %div3A_343 : f32 to vector<16xf32>
        %div3A_345 = arith.divf %div3A_344, %add3A_342 : vector<16xf32>
        %sub3A_346 = arith.constant 1.000000e+00 : f32
        %sub3A_347 = vector.broadcast %sub3A_346 : f32 to vector<16xf32>
        %sub3A_348 = arith.subf %sub3A_347, %div3A_345 : vector<16xf32>
        %swap3A_349 = arith.index_cast %add3A_328 : i32 to index
        %swap3A_350 = arith.constant 0 : index
        %swap3A_351 = tpu.vector_load %arg14[%swap3A_349, %swap3A_350] {strides = array<i32>} : memref<128x16xf32, #tpu.memory_space<vmem>>, vector<1x16xf32>,
        %swap3A_352 = vector.shape_cast %swap3A_351 : vector<1x16xf32> to vector<16xf32>
        %swap3A_353 = vector.shape_cast %sub3A_348 : vector<16xf32> to vector<1x16xf32>
        tpu.vector_store %arg14[%swap3A_349, %swap3A_350], %swap3A_353 {strides = array<i32>} : memref<128x16xf32, #tpu.memory_space<vmem>>, vector<1x16xf32>,
        %mul3A_354 = arith.constant 8 : i32
        %mul3A_355 = arith.muli %scan3A_155, %mul3A_354 : i32
        %add3A_356 = arith.constant 7 : i32
        %add3A_357 = arith.addi %mul3A_355, %add3A_356 : i32
        %get3A_358 = arith.index_cast %add3A_357 : i32 to index
        %get3A_359 = arith.constant 0 : index
        %get3A_360 = tpu.vector_load %arg14[%get3A_358, %get3A_359] {strides = array<i32>} : memref<128x16xf32, #tpu.memory_space<vmem>>, vector<1x16xf32>,
        %get3A_361 = vector.shape_cast %get3A_360 : vector<1x16xf32> to vector<16xf32>
        %get3A_362 = arith.index_cast %add3A_357 : i32 to index
        %get3A_363 = arith.constant 0 : index
        %get3A_364 = tpu.vector_load %arg12[%get3A_362, %get3A_363] {strides = array<i32>} : memref<128x16xf32, #tpu.memory_space<vmem>>, vector<1x16xf32>,
        %get3A_365 = vector.shape_cast %get3A_364 : vector<1x16xf32> to vector<16xf32>
        %add3A_366 = arith.addf %get3A_361, %get3A_365 : vector<16xf32>
        %add3A_367 = arith.addf %add3A_366, %add3A_366 : vector<16xf32>
        %exp3A_368 = math.exp %add3A_367 : vector<16xf32>
        %add3A_369 = arith.constant 1.000000e+00 : f32
        %add3A_370 = vector.broadcast %add3A_369 : f32 to vector<16xf32>
        %add3A_371 = arith.addf %exp3A_368, %add3A_370 : vector<16xf32>
        %div3A_372 = arith.constant 2.000000e+00 : f32
        %div3A_373 = vector.broadcast %div3A_372 : f32 to vector<16xf32>
        %div3A_374 = arith.divf %div3A_373, %add3A_371 : vector<16xf32>
        %sub3A_375 = arith.constant 1.000000e+00 : f32
        %sub3A_376 = vector.broadcast %sub3A_375 : f32 to vector<16xf32>
        %sub3A_377 = arith.subf %sub3A_376, %div3A_374 : vector<16xf32>
        %swap3A_378 = arith.index_cast %add3A_357 : i32 to index
        %swap3A_379 = arith.constant 0 : index
        %swap3A_380 = tpu.vector_load %arg14[%swap3A_378, %swap3A_379] {strides = array<i32>} : memref<128x16xf32, #tpu.memory_space<vmem>>, vector<1x16xf32>,
        %swap3A_381 = vector.shape_cast %swap3A_380 : vector<1x16xf32> to vector<16xf32>
        %swap3A_382 = vector.shape_cast %sub3A_377 : vector<16xf32> to vector<1x16xf32>
        tpu.vector_store %arg14[%swap3A_378, %swap3A_379], %swap3A_382 {strides = array<i32>} : memref<128x16xf32, #tpu.memory_space<vmem>>, vector<1x16xf32>,
      }
      %scan3A_118 = arith.constant 16 : i32
      "tpu.region"() ({
        %run_scoped3A = tpu.sem_alloc : memref<!tpu.dma_semaphore, #tpu.memory_space<semaphore_mem>>
        %dma_start3A_155 = arith.constant 0 : i32
        %dma_start3A_156 = arith.constant 0 : i32
        %dma_start3A_157 = tpu.memref_slice %arg16[%dma_start3A_155, %dma_start3A_156] : memref<50176x16xf32, #tpu.memory_space<vmem_shared>> -> memref<50176x16xf32, #tpu.memory_space<vmem_shared>>
        tpu.enqueue_indirect_dma source(%arg14 : memref<128x16xf32, #tpu.memory_space<vmem>>) target(%dma_start3A_157 : memref<50176x16xf32, #tpu.memory_space<vmem_shared>>) offsets(%arg10 : memref<128xi32, #tpu.memory_space<vmem>>) semaphore(%run_scoped3A : memref<!tpu.dma_semaphore, #tpu.memory_space<semaphore_mem>>) {add = true}
        %dma_wait3A_158 = arith.constant 0 : i32
        %dma_wait3A_159 = arith.constant 0 : i32
        %dma_wait3A_160 = tpu.memref_slice %arg16[%dma_wait3A_158, %dma_wait3A_159] : memref<50176x16xf32, #tpu.memory_space<vmem_shared>> -> memref<50176x16xf32, #tpu.memory_space<vmem_shared>>
        tpu.wait_indirect_dma semaphore(%run_scoped3A : memref<!tpu.dma_semaphore, #tpu.memory_space<semaphore_mem>>) src(%arg14 : memref<128x16xf32, #tpu.memory_space<vmem>>) dst(%dma_wait3A_160 : memref<50176x16xf32, #tpu.memory_space<vmem_shared>>)
        tpu.yield
      }) : () -> ()
      %add3A_119 = arith.constant 2 : i32
      %add3A_120 = arith.addi %mul3A_74, %add3A_119 : i32
      %lt3A = arith.constant 392 : i32
      %lt3A_121 = arith.cmpi slt, %add3A_120, %lt3A : i32
      %convert_element_type3A = arith.extui %lt3A_121 : i1 to i32
      %cond3A = arith.constant 0 : i32
      %cond3A_122 = arith.cmpi ne, %convert_element_type3A, %cond3A : i32
      scf.if %cond3A_122 {
        %add3A_155 = arith.constant 2 : i32
        %add3A_156 = arith.addi %mul3A_74, %add3A_155 : i32
        %add3A_157 = arith.addi %mul3A_7, %add3A_156 : i32
        %dma_start3A_158 = arith.constant 0 : i32
        %dma_start3A_159 = tpu.memref_slice %arg4[%add3A_157, %dma_start3A_158] : memref<12544x128xi32, #tpu.memory_space<hbm>> -> memref<1x128xi32, #tpu.memory_space<hbm>>
        %dma_start3A_160 = tpu.memref_squeeze %dma_start3A_159 : memref<1x128xi32, #tpu.memory_space<hbm>> -> memref<128xi32, #tpu.memory_space<hbm>>
        %dma_start3A_161 = arith.constant 0 : i32
        %dma_start3A_162 = tpu.memref_slice %arg4[%add3A_157, %dma_start3A_161] : memref<12544x128xi32, #tpu.memory_space<hbm>> -> memref<1x128xi32, #tpu.memory_space<hbm>>
        %dma_start3A_163 = tpu.memref_squeeze %dma_start3A_162 : memref<1x128xi32, #tpu.memory_space<hbm>> -> memref<128xi32, #tpu.memory_space<hbm>>
        tpu.enqueue_dma source(%dma_start3A_163 : memref<128xi32, #tpu.memory_space<hbm>>) target(%arg8 : memref<128xi32, #tpu.memory_space<vmem>>) target_semaphore(%arg17 : memref<!tpu.dma_semaphore, #tpu.memory_space<semaphore_mem>>)
        %dma_start3A_164 = arith.constant 0 : i32
        %dma_start3A_165 = tpu.memref_slice %arg5[%add3A_157, %dma_start3A_164] : memref<12544x128xi32, #tpu.memory_space<hbm>> -> memref<1x128xi32, #tpu.memory_space<hbm>>
        %dma_start3A_166 = tpu.memref_squeeze %dma_start3A_165 : memref<1x128xi32, #tpu.memory_space<hbm>> -> memref<128xi32, #tpu.memory_space<hbm>>
        %dma_start3A_167 = arith.constant 0 : i32
        %dma_start3A_168 = tpu.memref_slice %arg5[%add3A_157, %dma_start3A_167] : memref<12544x128xi32, #tpu.memory_space<hbm>> -> memref<1x128xi32, #tpu.memory_space<hbm>>
        %dma_start3A_169 = tpu.memref_squeeze %dma_start3A_168 : memref<1x128xi32, #tpu.memory_space<hbm>> -> memref<128xi32, #tpu.memory_space<hbm>>
        tpu.enqueue_dma source(%dma_start3A_169 : memref<128xi32, #tpu.memory_space<hbm>>) target(%arg10 : memref<128xi32, #tpu.memory_space<vmem>>) target_semaphore(%arg17 : memref<!tpu.dma_semaphore, #tpu.memory_space<semaphore_mem>>)
      } else {
      }
      %add3A_123 = arith.constant 2 : i32
      %add3A_124 = arith.addi %mul3A_74, %add3A_123 : i32
      %lt3A_125 = arith.constant 392 : i32
      %lt3A_126 = arith.cmpi slt, %add3A_124, %lt3A_125 : i32
      %convert_element_type3A_127 = arith.extui %lt3A_126 : i1 to i32
      %cond3A_128 = arith.constant 0 : i32
      %cond3A_129 = arith.cmpi ne, %convert_element_type3A_127, %cond3A_128 : i32
      scf.if %cond3A_129 {
        %dma_wait3A_155 = arith.constant 0 : i32
        %dma_wait3A_156 = arith.constant 0 : i32
        %dma_wait3A_157 = tpu.memref_slice %arg4[%dma_wait3A_155, %dma_wait3A_156] : memref<12544x128xi32, #tpu.memory_space<hbm>> -> memref<1x128xi32, #tpu.memory_space<hbm>>
        %dma_wait3A_158 = tpu.memref_squeeze %dma_wait3A_157 : memref<1x128xi32, #tpu.memory_space<hbm>> -> memref<128xi32, #tpu.memory_space<hbm>>
        %dma_wait3A_159 = arith.constant 0 : i32
        %dma_wait3A_160 = tpu.memref_slice %arg4[%dma_wait3A_155, %dma_wait3A_159] : memref<12544x128xi32, #tpu.memory_space<hbm>> -> memref<1x128xi32, #tpu.memory_space<hbm>>
        %dma_wait3A_161 = tpu.memref_squeeze %dma_wait3A_160 : memref<1x128xi32, #tpu.memory_space<hbm>> -> memref<128xi32, #tpu.memory_space<hbm>>
        tpu.wait_dma2 semaphore(%arg17 : memref<!tpu.dma_semaphore, #tpu.memory_space<semaphore_mem>>) src(%dma_wait3A_161 : memref<128xi32, #tpu.memory_space<hbm>>) dst(%arg8 : memref<128xi32, #tpu.memory_space<vmem>>)
        %dma_wait3A_162 = arith.constant 0 : i32
        %dma_wait3A_163 = arith.constant 0 : i32
        %dma_wait3A_164 = tpu.memref_slice %arg5[%dma_wait3A_162, %dma_wait3A_163] : memref<12544x128xi32, #tpu.memory_space<hbm>> -> memref<1x128xi32, #tpu.memory_space<hbm>>
        %dma_wait3A_165 = tpu.memref_squeeze %dma_wait3A_164 : memref<1x128xi32, #tpu.memory_space<hbm>> -> memref<128xi32, #tpu.memory_space<hbm>>
        %dma_wait3A_166 = arith.constant 0 : i32
        %dma_wait3A_167 = tpu.memref_slice %arg5[%dma_wait3A_162, %dma_wait3A_166] : memref<12544x128xi32, #tpu.memory_space<hbm>> -> memref<1x128xi32, #tpu.memory_space<hbm>>
        %dma_wait3A_168 = tpu.memref_squeeze %dma_wait3A_167 : memref<1x128xi32, #tpu.memory_space<hbm>> -> memref<128xi32, #tpu.memory_space<hbm>>
        tpu.wait_dma2 semaphore(%arg17 : memref<!tpu.dma_semaphore, #tpu.memory_space<semaphore_mem>>) src(%dma_wait3A_168 : memref<128xi32, #tpu.memory_space<hbm>>) dst(%arg10 : memref<128xi32, #tpu.memory_space<vmem>>)
        %add3A_169 = arith.constant 2 : i32
        %add3A_170 = arith.addi %mul3A_74, %add3A_169 : i32
        %add3A_171 = arith.addi %mul3A_7, %add3A_170 : i32
        %mul3A_172 = arith.constant 128 : i32
        %mul3A_173 = arith.muli %add3A_171, %mul3A_172 : i32
        %dma_start3A_174 = arith.constant 0 : i32
        %dma_start3A_175 = tpu.memref_slice %arg3[%mul3A_173, %dma_start3A_174] : memref<1605632x16xf32, #tpu.memory_space<hbm>> -> memref<128x16xf32, #tpu.memory_space<hbm>>
        %dma_start3A_176 = arith.constant 0 : i32
        %dma_start3A_177 = tpu.memref_slice %arg3[%mul3A_173, %dma_start3A_176] : memref<1605632x16xf32, #tpu.memory_space<hbm>> -> memref<128x16xf32, #tpu.memory_space<hbm>>
        tpu.enqueue_dma source(%dma_start3A_177 : memref<128x16xf32, #tpu.memory_space<hbm>>) target(%arg12 : memref<128x16xf32, #tpu.memory_space<vmem>>) target_semaphore(%arg19 : memref<!tpu.dma_semaphore, #tpu.memory_space<semaphore_mem>>)
        %dma_start3A_178 = arith.constant 0 : i32
        %dma_start3A_179 = arith.constant 0 : i32
        %dma_start3A_180 = tpu.memref_slice %arg2[%dma_start3A_178, %dma_start3A_179] : memref<50176x16xf32, #tpu.memory_space<hbm>> -> memref<50176x16xf32, #tpu.memory_space<hbm>>
        tpu.enqueue_indirect_dma source(%dma_start3A_180 : memref<50176x16xf32, #tpu.memory_space<hbm>>) target(%arg14 : memref<128x16xf32, #tpu.memory_space<vmem>>) offsets(%arg8 : memref<128xi32, #tpu.memory_space<vmem>>) semaphore(%arg19 : memref<!tpu.dma_semaphore, #tpu.memory_space<semaphore_mem>>)
      } else {
      }
      %dma_wait3A_130 = arith.constant 0 : i32
      %dma_wait3A_131 = arith.constant 0 : i32
      %dma_wait3A_132 = tpu.memref_slice %arg3[%dma_wait3A_130, %dma_wait3A_131] : memref<1605632x16xf32, #tpu.memory_space<hbm>> -> memref<128x16xf32, #tpu.memory_space<hbm>>
      %dma_wait3A_133 = arith.constant 0 : i32
      %dma_wait3A_134 = arith.constant 0 : i32
      %dma_wait3A_135 = tpu.memref_slice %arg3[%dma_wait3A_133, %dma_wait3A_134] : memref<1605632x16xf32, #tpu.memory_space<hbm>> -> memref<128x16xf32, #tpu.memory_space<hbm>>
      tpu.wait_dma2 semaphore(%arg20 : memref<!tpu.dma_semaphore, #tpu.memory_space<semaphore_mem>>) src(%dma_wait3A_135 : memref<128x16xf32, #tpu.memory_space<hbm>>) dst(%arg13 : memref<128x16xf32, #tpu.memory_space<vmem>>)
      %dma_wait3A_136 = arith.constant 0 : i32
      %dma_wait3A_137 = arith.constant 0 : i32
      %dma_wait3A_138 = tpu.memref_slice %arg3[%dma_wait3A_136, %dma_wait3A_137] : memref<1605632x16xf32, #tpu.memory_space<hbm>> -> memref<128x16xf32, #tpu.memory_space<hbm>>
      %dma_wait3A_139 = arith.constant 0 : i32
      %dma_wait3A_140 = arith.constant 0 : i32
      %dma_wait3A_141 = tpu.memref_slice %arg3[%dma_wait3A_139, %dma_wait3A_140] : memref<1605632x16xf32, #tpu.memory_space<hbm>> -> memref<128x16xf32, #tpu.memory_space<hbm>>
      tpu.wait_dma2 semaphore(%arg20 : memref<!tpu.dma_semaphore, #tpu.memory_space<semaphore_mem>>) src(%dma_wait3A_141 : memref<128x16xf32, #tpu.memory_space<hbm>>) dst(%arg15 : memref<128x16xf32, #tpu.memory_space<vmem>>)
      %scan3A_142 = arith.constant 0 : i32
      %scan3A_143 = arith.constant 0 : i32
      %scan3A_144 = arith.constant 16 : i32
      %scan3A_145 = arith.addi %scan3A_143, %scan3A_144 : i32
      %scan3A_146 = arith.constant 1 : i32
      scf.for %scan3A_155 = %scan3A_143 to %scan3A_145 step %scan3A_146  : i32 {
        %mul3A_156 = arith.constant 8 : i32
        %mul3A_157 = arith.muli %scan3A_155, %mul3A_156 : i32
        %add3A_158 = arith.constant 0 : i32
        %add3A_159 = arith.addi %mul3A_157, %add3A_158 : i32
        %get3A = arith.index_cast %add3A_159 : i32 to index
        %get3A_160 = arith.constant 0 : index
        %get3A_161 = tpu.vector_load %arg15[%get3A, %get3A_160] {strides = array<i32>} : memref<128x16xf32, #tpu.memory_space<vmem>>, vector<1x16xf32>,
        %get3A_162 = vector.shape_cast %get3A_161 : vector<1x16xf32> to vector<16xf32>
        %get3A_163 = arith.index_cast %add3A_159 : i32 to index
        %get3A_164 = arith.constant 0 : index
        %get3A_165 = tpu.vector_load %arg13[%get3A_163, %get3A_164] {strides = array<i32>} : memref<128x16xf32, #tpu.memory_space<vmem>>, vector<1x16xf32>,
        %get3A_166 = vector.shape_cast %get3A_165 : vector<1x16xf32> to vector<16xf32>
        %add3A_167 = arith.addf %get3A_162, %get3A_166 : vector<16xf32>
        %add3A_168 = arith.addf %add3A_167, %add3A_167 : vector<16xf32>
        %exp3A = math.exp %add3A_168 : vector<16xf32>
        %add3A_169 = arith.constant 1.000000e+00 : f32
        %add3A_170 = vector.broadcast %add3A_169 : f32 to vector<16xf32>
        %add3A_171 = arith.addf %exp3A, %add3A_170 : vector<16xf32>
        %div3A = arith.constant 2.000000e+00 : f32
        %div3A_172 = vector.broadcast %div3A : f32 to vector<16xf32>
        %div3A_173 = arith.divf %div3A_172, %add3A_171 : vector<16xf32>
        %sub3A = arith.constant 1.000000e+00 : f32
        %sub3A_174 = vector.broadcast %sub3A : f32 to vector<16xf32>
        %sub3A_175 = arith.subf %sub3A_174, %div3A_173 : vector<16xf32>
        %swap3A = arith.index_cast %add3A_159 : i32 to index
        %swap3A_176 = arith.constant 0 : index
        %swap3A_177 = tpu.vector_load %arg15[%swap3A, %swap3A_176] {strides = array<i32>} : memref<128x16xf32, #tpu.memory_space<vmem>>, vector<1x16xf32>,
        %swap3A_178 = vector.shape_cast %swap3A_177 : vector<1x16xf32> to vector<16xf32>
        %swap3A_179 = vector.shape_cast %sub3A_175 : vector<16xf32> to vector<1x16xf32>
        tpu.vector_store %arg15[%swap3A, %swap3A_176], %swap3A_179 {strides = array<i32>} : memref<128x16xf32, #tpu.memory_space<vmem>>, vector<1x16xf32>,
        %mul3A_180 = arith.constant 8 : i32
        %mul3A_181 = arith.muli %scan3A_155, %mul3A_180 : i32
        %add3A_182 = arith.constant 1 : i32
        %add3A_183 = arith.addi %mul3A_181, %add3A_182 : i32
        %get3A_184 = arith.index_cast %add3A_183 : i32 to index
        %get3A_185 = arith.constant 0 : index
        %get3A_186 = tpu.vector_load %arg15[%get3A_184, %get3A_185] {strides = array<i32>} : memref<128x16xf32, #tpu.memory_space<vmem>>, vector<1x16xf32>,
        %get3A_187 = vector.shape_cast %get3A_186 : vector<1x16xf32> to vector<16xf32>
        %get3A_188 = arith.index_cast %add3A_183 : i32 to index
        %get3A_189 = arith.constant 0 : index
        %get3A_190 = tpu.vector_load %arg13[%get3A_188, %get3A_189] {strides = array<i32>} : memref<128x16xf32, #tpu.memory_space<vmem>>, vector<1x16xf32>,
        %get3A_191 = vector.shape_cast %get3A_190 : vector<1x16xf32> to vector<16xf32>
        %add3A_192 = arith.addf %get3A_187, %get3A_191 : vector<16xf32>
        %add3A_193 = arith.addf %add3A_192, %add3A_192 : vector<16xf32>
        %exp3A_194 = math.exp %add3A_193 : vector<16xf32>
        %add3A_195 = arith.constant 1.000000e+00 : f32
        %add3A_196 = vector.broadcast %add3A_195 : f32 to vector<16xf32>
        %add3A_197 = arith.addf %exp3A_194, %add3A_196 : vector<16xf32>
        %div3A_198 = arith.constant 2.000000e+00 : f32
        %div3A_199 = vector.broadcast %div3A_198 : f32 to vector<16xf32>
        %div3A_200 = arith.divf %div3A_199, %add3A_197 : vector<16xf32>
        %sub3A_201 = arith.constant 1.000000e+00 : f32
        %sub3A_202 = vector.broadcast %sub3A_201 : f32 to vector<16xf32>
        %sub3A_203 = arith.subf %sub3A_202, %div3A_200 : vector<16xf32>
        %swap3A_204 = arith.index_cast %add3A_183 : i32 to index
        %swap3A_205 = arith.constant 0 : index
        %swap3A_206 = tpu.vector_load %arg15[%swap3A_204, %swap3A_205] {strides = array<i32>} : memref<128x16xf32, #tpu.memory_space<vmem>>, vector<1x16xf32>,
        %swap3A_207 = vector.shape_cast %swap3A_206 : vector<1x16xf32> to vector<16xf32>
        %swap3A_208 = vector.shape_cast %sub3A_203 : vector<16xf32> to vector<1x16xf32>
        tpu.vector_store %arg15[%swap3A_204, %swap3A_205], %swap3A_208 {strides = array<i32>} : memref<128x16xf32, #tpu.memory_space<vmem>>, vector<1x16xf32>,
        %mul3A_209 = arith.constant 8 : i32
        %mul3A_210 = arith.muli %scan3A_155, %mul3A_209 : i32
        %add3A_211 = arith.constant 2 : i32
        %add3A_212 = arith.addi %mul3A_210, %add3A_211 : i32
        %get3A_213 = arith.index_cast %add3A_212 : i32 to index
        %get3A_214 = arith.constant 0 : index
        %get3A_215 = tpu.vector_load %arg15[%get3A_213, %get3A_214] {strides = array<i32>} : memref<128x16xf32, #tpu.memory_space<vmem>>, vector<1x16xf32>,
        %get3A_216 = vector.shape_cast %get3A_215 : vector<1x16xf32> to vector<16xf32>
        %get3A_217 = arith.index_cast %add3A_212 : i32 to index
        %get3A_218 = arith.constant 0 : index
        %get3A_219 = tpu.vector_load %arg13[%get3A_217, %get3A_218] {strides = array<i32>} : memref<128x16xf32, #tpu.memory_space<vmem>>, vector<1x16xf32>,
        %get3A_220 = vector.shape_cast %get3A_219 : vector<1x16xf32> to vector<16xf32>
        %add3A_221 = arith.addf %get3A_216, %get3A_220 : vector<16xf32>
        %add3A_222 = arith.addf %add3A_221, %add3A_221 : vector<16xf32>
        %exp3A_223 = math.exp %add3A_222 : vector<16xf32>
        %add3A_224 = arith.constant 1.000000e+00 : f32
        %add3A_225 = vector.broadcast %add3A_224 : f32 to vector<16xf32>
        %add3A_226 = arith.addf %exp3A_223, %add3A_225 : vector<16xf32>
        %div3A_227 = arith.constant 2.000000e+00 : f32
        %div3A_228 = vector.broadcast %div3A_227 : f32 to vector<16xf32>
        %div3A_229 = arith.divf %div3A_228, %add3A_226 : vector<16xf32>
        %sub3A_230 = arith.constant 1.000000e+00 : f32
        %sub3A_231 = vector.broadcast %sub3A_230 : f32 to vector<16xf32>
        %sub3A_232 = arith.subf %sub3A_231, %div3A_229 : vector<16xf32>
        %swap3A_233 = arith.index_cast %add3A_212 : i32 to index
        %swap3A_234 = arith.constant 0 : index
        %swap3A_235 = tpu.vector_load %arg15[%swap3A_233, %swap3A_234] {strides = array<i32>} : memref<128x16xf32, #tpu.memory_space<vmem>>, vector<1x16xf32>,
        %swap3A_236 = vector.shape_cast %swap3A_235 : vector<1x16xf32> to vector<16xf32>
        %swap3A_237 = vector.shape_cast %sub3A_232 : vector<16xf32> to vector<1x16xf32>
        tpu.vector_store %arg15[%swap3A_233, %swap3A_234], %swap3A_237 {strides = array<i32>} : memref<128x16xf32, #tpu.memory_space<vmem>>, vector<1x16xf32>,
        %mul3A_238 = arith.constant 8 : i32
        %mul3A_239 = arith.muli %scan3A_155, %mul3A_238 : i32
        %add3A_240 = arith.constant 3 : i32
        %add3A_241 = arith.addi %mul3A_239, %add3A_240 : i32
        %get3A_242 = arith.index_cast %add3A_241 : i32 to index
        %get3A_243 = arith.constant 0 : index
        %get3A_244 = tpu.vector_load %arg15[%get3A_242, %get3A_243] {strides = array<i32>} : memref<128x16xf32, #tpu.memory_space<vmem>>, vector<1x16xf32>,
        %get3A_245 = vector.shape_cast %get3A_244 : vector<1x16xf32> to vector<16xf32>
        %get3A_246 = arith.index_cast %add3A_241 : i32 to index
        %get3A_247 = arith.constant 0 : index
        %get3A_248 = tpu.vector_load %arg13[%get3A_246, %get3A_247] {strides = array<i32>} : memref<128x16xf32, #tpu.memory_space<vmem>>, vector<1x16xf32>,
        %get3A_249 = vector.shape_cast %get3A_248 : vector<1x16xf32> to vector<16xf32>
        %add3A_250 = arith.addf %get3A_245, %get3A_249 : vector<16xf32>
        %add3A_251 = arith.addf %add3A_250, %add3A_250 : vector<16xf32>
        %exp3A_252 = math.exp %add3A_251 : vector<16xf32>
        %add3A_253 = arith.constant 1.000000e+00 : f32
        %add3A_254 = vector.broadcast %add3A_253 : f32 to vector<16xf32>
        %add3A_255 = arith.addf %exp3A_252, %add3A_254 : vector<16xf32>
        %div3A_256 = arith.constant 2.000000e+00 : f32
        %div3A_257 = vector.broadcast %div3A_256 : f32 to vector<16xf32>
        %div3A_258 = arith.divf %div3A_257, %add3A_255 : vector<16xf32>
        %sub3A_259 = arith.constant 1.000000e+00 : f32
        %sub3A_260 = vector.broadcast %sub3A_259 : f32 to vector<16xf32>
        %sub3A_261 = arith.subf %sub3A_260, %div3A_258 : vector<16xf32>
        %swap3A_262 = arith.index_cast %add3A_241 : i32 to index
        %swap3A_263 = arith.constant 0 : index
        %swap3A_264 = tpu.vector_load %arg15[%swap3A_262, %swap3A_263] {strides = array<i32>} : memref<128x16xf32, #tpu.memory_space<vmem>>, vector<1x16xf32>,
        %swap3A_265 = vector.shape_cast %swap3A_264 : vector<1x16xf32> to vector<16xf32>
        %swap3A_266 = vector.shape_cast %sub3A_261 : vector<16xf32> to vector<1x16xf32>
        tpu.vector_store %arg15[%swap3A_262, %swap3A_263], %swap3A_266 {strides = array<i32>} : memref<128x16xf32, #tpu.memory_space<vmem>>, vector<1x16xf32>,
        %mul3A_267 = arith.constant 8 : i32
        %mul3A_268 = arith.muli %scan3A_155, %mul3A_267 : i32
        %add3A_269 = arith.constant 4 : i32
        %add3A_270 = arith.addi %mul3A_268, %add3A_269 : i32
        %get3A_271 = arith.index_cast %add3A_270 : i32 to index
        %get3A_272 = arith.constant 0 : index
        %get3A_273 = tpu.vector_load %arg15[%get3A_271, %get3A_272] {strides = array<i32>} : memref<128x16xf32, #tpu.memory_space<vmem>>, vector<1x16xf32>,
        %get3A_274 = vector.shape_cast %get3A_273 : vector<1x16xf32> to vector<16xf32>
        %get3A_275 = arith.index_cast %add3A_270 : i32 to index
        %get3A_276 = arith.constant 0 : index
        %get3A_277 = tpu.vector_load %arg13[%get3A_275, %get3A_276] {strides = array<i32>} : memref<128x16xf32, #tpu.memory_space<vmem>>, vector<1x16xf32>,
        %get3A_278 = vector.shape_cast %get3A_277 : vector<1x16xf32> to vector<16xf32>
        %add3A_279 = arith.addf %get3A_274, %get3A_278 : vector<16xf32>
        %add3A_280 = arith.addf %add3A_279, %add3A_279 : vector<16xf32>
        %exp3A_281 = math.exp %add3A_280 : vector<16xf32>
        %add3A_282 = arith.constant 1.000000e+00 : f32
        %add3A_283 = vector.broadcast %add3A_282 : f32 to vector<16xf32>
        %add3A_284 = arith.addf %exp3A_281, %add3A_283 : vector<16xf32>
        %div3A_285 = arith.constant 2.000000e+00 : f32
        %div3A_286 = vector.broadcast %div3A_285 : f32 to vector<16xf32>
        %div3A_287 = arith.divf %div3A_286, %add3A_284 : vector<16xf32>
        %sub3A_288 = arith.constant 1.000000e+00 : f32
        %sub3A_289 = vector.broadcast %sub3A_288 : f32 to vector<16xf32>
        %sub3A_290 = arith.subf %sub3A_289, %div3A_287 : vector<16xf32>
        %swap3A_291 = arith.index_cast %add3A_270 : i32 to index
        %swap3A_292 = arith.constant 0 : index
        %swap3A_293 = tpu.vector_load %arg15[%swap3A_291, %swap3A_292] {strides = array<i32>} : memref<128x16xf32, #tpu.memory_space<vmem>>, vector<1x16xf32>,
        %swap3A_294 = vector.shape_cast %swap3A_293 : vector<1x16xf32> to vector<16xf32>
        %swap3A_295 = vector.shape_cast %sub3A_290 : vector<16xf32> to vector<1x16xf32>
        tpu.vector_store %arg15[%swap3A_291, %swap3A_292], %swap3A_295 {strides = array<i32>} : memref<128x16xf32, #tpu.memory_space<vmem>>, vector<1x16xf32>,
        %mul3A_296 = arith.constant 8 : i32
        %mul3A_297 = arith.muli %scan3A_155, %mul3A_296 : i32
        %add3A_298 = arith.constant 5 : i32
        %add3A_299 = arith.addi %mul3A_297, %add3A_298 : i32
        %get3A_300 = arith.index_cast %add3A_299 : i32 to index
        %get3A_301 = arith.constant 0 : index
        %get3A_302 = tpu.vector_load %arg15[%get3A_300, %get3A_301] {strides = array<i32>} : memref<128x16xf32, #tpu.memory_space<vmem>>, vector<1x16xf32>,
        %get3A_303 = vector.shape_cast %get3A_302 : vector<1x16xf32> to vector<16xf32>
        %get3A_304 = arith.index_cast %add3A_299 : i32 to index
        %get3A_305 = arith.constant 0 : index
        %get3A_306 = tpu.vector_load %arg13[%get3A_304, %get3A_305] {strides = array<i32>} : memref<128x16xf32, #tpu.memory_space<vmem>>, vector<1x16xf32>,
        %get3A_307 = vector.shape_cast %get3A_306 : vector<1x16xf32> to vector<16xf32>
        %add3A_308 = arith.addf %get3A_303, %get3A_307 : vector<16xf32>
        %add3A_309 = arith.addf %add3A_308, %add3A_308 : vector<16xf32>
        %exp3A_310 = math.exp %add3A_309 : vector<16xf32>
        %add3A_311 = arith.constant 1.000000e+00 : f32
        %add3A_312 = vector.broadcast %add3A_311 : f32 to vector<16xf32>
        %add3A_313 = arith.addf %exp3A_310, %add3A_312 : vector<16xf32>
        %div3A_314 = arith.constant 2.000000e+00 : f32
        %div3A_315 = vector.broadcast %div3A_314 : f32 to vector<16xf32>
        %div3A_316 = arith.divf %div3A_315, %add3A_313 : vector<16xf32>
        %sub3A_317 = arith.constant 1.000000e+00 : f32
        %sub3A_318 = vector.broadcast %sub3A_317 : f32 to vector<16xf32>
        %sub3A_319 = arith.subf %sub3A_318, %div3A_316 : vector<16xf32>
        %swap3A_320 = arith.index_cast %add3A_299 : i32 to index
        %swap3A_321 = arith.constant 0 : index
        %swap3A_322 = tpu.vector_load %arg15[%swap3A_320, %swap3A_321] {strides = array<i32>} : memref<128x16xf32, #tpu.memory_space<vmem>>, vector<1x16xf32>,
        %swap3A_323 = vector.shape_cast %swap3A_322 : vector<1x16xf32> to vector<16xf32>
        %swap3A_324 = vector.shape_cast %sub3A_319 : vector<16xf32> to vector<1x16xf32>
        tpu.vector_store %arg15[%swap3A_320, %swap3A_321], %swap3A_324 {strides = array<i32>} : memref<128x16xf32, #tpu.memory_space<vmem>>, vector<1x16xf32>,
        %mul3A_325 = arith.constant 8 : i32
        %mul3A_326 = arith.muli %scan3A_155, %mul3A_325 : i32
        %add3A_327 = arith.constant 6 : i32
        %add3A_328 = arith.addi %mul3A_326, %add3A_327 : i32
        %get3A_329 = arith.index_cast %add3A_328 : i32 to index
        %get3A_330 = arith.constant 0 : index
        %get3A_331 = tpu.vector_load %arg15[%get3A_329, %get3A_330] {strides = array<i32>} : memref<128x16xf32, #tpu.memory_space<vmem>>, vector<1x16xf32>,
        %get3A_332 = vector.shape_cast %get3A_331 : vector<1x16xf32> to vector<16xf32>
        %get3A_333 = arith.index_cast %add3A_328 : i32 to index
        %get3A_334 = arith.constant 0 : index
        %get3A_335 = tpu.vector_load %arg13[%get3A_333, %get3A_334] {strides = array<i32>} : memref<128x16xf32, #tpu.memory_space<vmem>>, vector<1x16xf32>,
        %get3A_336 = vector.shape_cast %get3A_335 : vector<1x16xf32> to vector<16xf32>
        %add3A_337 = arith.addf %get3A_332, %get3A_336 : vector<16xf32>
        %add3A_338 = arith.addf %add3A_337, %add3A_337 : vector<16xf32>
        %exp3A_339 = math.exp %add3A_338 : vector<16xf32>
        %add3A_340 = arith.constant 1.000000e+00 : f32
        %add3A_341 = vector.broadcast %add3A_340 : f32 to vector<16xf32>
        %add3A_342 = arith.addf %exp3A_339, %add3A_341 : vector<16xf32>
        %div3A_343 = arith.constant 2.000000e+00 : f32
        %div3A_344 = vector.broadcast %div3A_343 : f32 to vector<16xf32>
        %div3A_345 = arith.divf %div3A_344, %add3A_342 : vector<16xf32>
        %sub3A_346 = arith.constant 1.000000e+00 : f32
        %sub3A_347 = vector.broadcast %sub3A_346 : f32 to vector<16xf32>
        %sub3A_348 = arith.subf %sub3A_347, %div3A_345 : vector<16xf32>
        %swap3A_349 = arith.index_cast %add3A_328 : i32 to index
        %swap3A_350 = arith.constant 0 : index
        %swap3A_351 = tpu.vector_load %arg15[%swap3A_349, %swap3A_350] {strides = array<i32>} : memref<128x16xf32, #tpu.memory_space<vmem>>, vector<1x16xf32>,
        %swap3A_352 = vector.shape_cast %swap3A_351 : vector<1x16xf32> to vector<16xf32>
        %swap3A_353 = vector.shape_cast %sub3A_348 : vector<16xf32> to vector<1x16xf32>
        tpu.vector_store %arg15[%swap3A_349, %swap3A_350], %swap3A_353 {strides = array<i32>} : memref<128x16xf32, #tpu.memory_space<vmem>>, vector<1x16xf32>,
        %mul3A_354 = arith.constant 8 : i32
        %mul3A_355 = arith.muli %scan3A_155, %mul3A_354 : i32
        %add3A_356 = arith.constant 7 : i32
        %add3A_357 = arith.addi %mul3A_355, %add3A_356 : i32
        %get3A_358 = arith.index_cast %add3A_357 : i32 to index
        %get3A_359 = arith.constant 0 : index
        %get3A_360 = tpu.vector_load %arg15[%get3A_358, %get3A_359] {strides = array<i32>} : memref<128x16xf32, #tpu.memory_space<vmem>>, vector<1x16xf32>,
        %get3A_361 = vector.shape_cast %get3A_360 : vector<1x16xf32> to vector<16xf32>
        %get3A_362 = arith.index_cast %add3A_357 : i32 to index
        %get3A_363 = arith.constant 0 : index
        %get3A_364 = tpu.vector_load %arg13[%get3A_362, %get3A_363] {strides = array<i32>} : memref<128x16xf32, #tpu.memory_space<vmem>>, vector<1x16xf32>,
        %get3A_365 = vector.shape_cast %get3A_364 : vector<1x16xf32> to vector<16xf32>
        %add3A_366 = arith.addf %get3A_361, %get3A_365 : vector<16xf32>
        %add3A_367 = arith.addf %add3A_366, %add3A_366 : vector<16xf32>
        %exp3A_368 = math.exp %add3A_367 : vector<16xf32>
        %add3A_369 = arith.constant 1.000000e+00 : f32
        %add3A_370 = vector.broadcast %add3A_369 : f32 to vector<16xf32>
        %add3A_371 = arith.addf %exp3A_368, %add3A_370 : vector<16xf32>
        %div3A_372 = arith.constant 2.000000e+00 : f32
        %div3A_373 = vector.broadcast %div3A_372 : f32 to vector<16xf32>
        %div3A_374 = arith.divf %div3A_373, %add3A_371 : vector<16xf32>
        %sub3A_375 = arith.constant 1.000000e+00 : f32
        %sub3A_376 = vector.broadcast %sub3A_375 : f32 to vector<16xf32>
        %sub3A_377 = arith.subf %sub3A_376, %div3A_374 : vector<16xf32>
        %swap3A_378 = arith.index_cast %add3A_357 : i32 to index
        %swap3A_379 = arith.constant 0 : index
        %swap3A_380 = tpu.vector_load %arg15[%swap3A_378, %swap3A_379] {strides = array<i32>} : memref<128x16xf32, #tpu.memory_space<vmem>>, vector<1x16xf32>,
        %swap3A_381 = vector.shape_cast %swap3A_380 : vector<1x16xf32> to vector<16xf32>
        %swap3A_382 = vector.shape_cast %sub3A_377 : vector<16xf32> to vector<1x16xf32>
        tpu.vector_store %arg15[%swap3A_378, %swap3A_379], %swap3A_382 {strides = array<i32>} : memref<128x16xf32, #tpu.memory_space<vmem>>, vector<1x16xf32>,
      }
      %scan3A_147 = arith.constant 16 : i32
      "tpu.region"() ({
        %run_scoped3A = tpu.sem_alloc : memref<!tpu.dma_semaphore, #tpu.memory_space<semaphore_mem>>
        %dma_start3A_155 = arith.constant 0 : i32
        %dma_start3A_156 = arith.constant 0 : i32
        %dma_start3A_157 = tpu.memref_slice %arg16[%dma_start3A_155, %dma_start3A_156] : memref<50176x16xf32, #tpu.memory_space<vmem_shared>> -> memref<50176x16xf32, #tpu.memory_space<vmem_shared>>
        tpu.enqueue_indirect_dma source(%arg15 : memref<128x16xf32, #tpu.memory_space<vmem>>) target(%dma_start3A_157 : memref<50176x16xf32, #tpu.memory_space<vmem_shared>>) offsets(%arg11 : memref<128xi32, #tpu.memory_space<vmem>>) semaphore(%run_scoped3A : memref<!tpu.dma_semaphore, #tpu.memory_space<semaphore_mem>>) {add = true}
        %dma_wait3A_158 = arith.constant 0 : i32
        %dma_wait3A_159 = arith.constant 0 : i32
        %dma_wait3A_160 = tpu.memref_slice %arg16[%dma_wait3A_158, %dma_wait3A_159] : memref<50176x16xf32, #tpu.memory_space<vmem_shared>> -> memref<50176x16xf32, #tpu.memory_space<vmem_shared>>
        tpu.wait_indirect_dma semaphore(%run_scoped3A : memref<!tpu.dma_semaphore, #tpu.memory_space<semaphore_mem>>) src(%arg15 : memref<128x16xf32, #tpu.memory_space<vmem>>) dst(%dma_wait3A_160 : memref<50176x16xf32, #tpu.memory_space<vmem_shared>>)
        tpu.yield
      }) : () -> ()
      %add3A_148 = arith.constant 3 : i32
      %add3A_149 = arith.addi %mul3A_74, %add3A_148 : i32
      %lt3A_150 = arith.constant 392 : i32
      %lt3A_151 = arith.cmpi slt, %add3A_149, %lt3A_150 : i32
      %convert_element_type3A_152 = arith.extui %lt3A_151 : i1 to i32
      %cond3A_153 = arith.constant 0 : i32
      %cond3A_154 = arith.cmpi ne, %convert_element_type3A_152, %cond3A_153 : i32
      scf.if %cond3A_154 {
        %add3A_155 = arith.constant 3 : i32
        %add3A_156 = arith.addi %mul3A_74, %add3A_155 : i32
        %add3A_157 = arith.addi %mul3A_7, %add3A_156 : i32
        %dma_start3A_158 = arith.constant 0 : i32
        %dma_start3A_159 = tpu.memref_slice %arg4[%add3A_157, %dma_start3A_158] : memref<12544x128xi32, #tpu.memory_space<hbm>> -> memref<1x128xi32, #tpu.memory_space<hbm>>
        %dma_start3A_160 = tpu.memref_squeeze %dma_start3A_159 : memref<1x128xi32, #tpu.memory_space<hbm>> -> memref<128xi32, #tpu.memory_space<hbm>>
        %dma_start3A_161 = arith.constant 0 : i32
        %dma_start3A_162 = tpu.memref_slice %arg4[%add3A_157, %dma_start3A_161] : memref<12544x128xi32, #tpu.memory_space<hbm>> -> memref<1x128xi32, #tpu.memory_space<hbm>>
        %dma_start3A_163 = tpu.memref_squeeze %dma_start3A_162 : memref<1x128xi32, #tpu.memory_space<hbm>> -> memref<128xi32, #tpu.memory_space<hbm>>
        tpu.enqueue_dma source(%dma_start3A_163 : memref<128xi32, #tpu.memory_space<hbm>>) target(%arg9 : memref<128xi32, #tpu.memory_space<vmem>>) target_semaphore(%arg18 : memref<!tpu.dma_semaphore, #tpu.memory_space<semaphore_mem>>)
        %dma_start3A_164 = arith.constant 0 : i32
        %dma_start3A_165 = tpu.memref_slice %arg5[%add3A_157, %dma_start3A_164] : memref<12544x128xi32, #tpu.memory_space<hbm>> -> memref<1x128xi32, #tpu.memory_space<hbm>>
        %dma_start3A_166 = tpu.memref_squeeze %dma_start3A_165 : memref<1x128xi32, #tpu.memory_space<hbm>> -> memref<128xi32, #tpu.memory_space<hbm>>
        %dma_start3A_167 = arith.constant 0 : i32
        %dma_start3A_168 = tpu.memref_slice %arg5[%add3A_157, %dma_start3A_167] : memref<12544x128xi32, #tpu.memory_space<hbm>> -> memref<1x128xi32, #tpu.memory_space<hbm>>
        %dma_start3A_169 = tpu.memref_squeeze %dma_start3A_168 : memref<1x128xi32, #tpu.memory_space<hbm>> -> memref<128xi32, #tpu.memory_space<hbm>>
        tpu.enqueue_dma source(%dma_start3A_169 : memref<128xi32, #tpu.memory_space<hbm>>) target(%arg11 : memref<128xi32, #tpu.memory_space<vmem>>) target_semaphore(%arg18 : memref<!tpu.dma_semaphore, #tpu.memory_space<semaphore_mem>>)
      } else {
      }
    }
    %scan3A_64 = arith.constant 196 : i32
    %barrier3A_65 = arith.constant 0 : index
    tpu.barrier barrier_id(%barrier3A_65)
    %scan3A_66 = arith.constant 0 : i32
    %scan3A_67 = arith.constant 0 : i32
    %scan3A_68 = arith.constant 28 : i32
    %scan3A_69 = arith.addi %scan3A_67, %scan3A_68 : i32
    %scan3A_70 = arith.constant 1 : i32
    scf.for %scan3A_72 = %scan3A_67 to %scan3A_69 step %scan3A_70  : i32 {
      %mul3A_73 = arith.constant 3136 : i32
      %mul3A_74 = arith.muli %arg1, %mul3A_73 : i32
      %mul3A_75 = arith.constant 112 : i32
      %mul3A_76 = arith.muli %scan3A_72, %mul3A_75 : i32
      %add3A_77 = arith.addi %mul3A_74, %mul3A_76 : i32
      "tpu.region"() ({
        %run_scoped3A = tpu.sem_alloc : memref<!tpu.dma_semaphore, #tpu.memory_space<semaphore_mem>>
        %dma_start3A_78 = arith.constant 0 : i32
        %dma_start3A_79 = arith.constant 0 : i32
        %dma_start3A_80 = tpu.memref_slice %arg14[%dma_start3A_78, %dma_start3A_79] : memref<128x16xf32, #tpu.memory_space<vmem>> -> memref<112x16xf32, #tpu.memory_space<vmem>>
        %dma_start3A_81 = arith.constant 0 : i32
        %dma_start3A_82 = tpu.memref_slice %arg16[%add3A_77, %dma_start3A_81] : memref<50176x16xf32, #tpu.memory_space<vmem_shared>> -> memref<112x16xf32, #tpu.memory_space<vmem_shared>>
        %dma_start3A_83 = arith.constant 0 : i32
        %dma_start3A_84 = arith.constant 0 : i32
        %dma_start3A_85 = tpu.memref_slice %arg14[%dma_start3A_83, %dma_start3A_84] : memref<128x16xf32, #tpu.memory_space<vmem>> -> memref<112x16xf32, #tpu.memory_space<vmem>>
        %dma_start3A_86 = arith.constant 0 : i32
        %dma_start3A_87 = tpu.memref_slice %arg16[%add3A_77, %dma_start3A_86] : memref<50176x16xf32, #tpu.memory_space<vmem_shared>> -> memref<112x16xf32, #tpu.memory_space<vmem_shared>>
        tpu.enqueue_dma source(%dma_start3A_87 : memref<112x16xf32, #tpu.memory_space<vmem_shared>>) target(%dma_start3A_85 : memref<112x16xf32, #tpu.memory_space<vmem>>) target_semaphore(%run_scoped3A : memref<!tpu.dma_semaphore, #tpu.memory_space<semaphore_mem>>)
        %dma_wait3A_88 = arith.constant 0 : i32
        %dma_wait3A_89 = arith.constant 0 : i32
        %dma_wait3A_90 = tpu.memref_slice %arg14[%dma_wait3A_88, %dma_wait3A_89] : memref<128x16xf32, #tpu.memory_space<vmem>> -> memref<112x16xf32, #tpu.memory_space<vmem>>
        %dma_wait3A_91 = arith.constant 0 : i32
        %dma_wait3A_92 = tpu.memref_slice %arg16[%add3A_77, %dma_wait3A_91] : memref<50176x16xf32, #tpu.memory_space<vmem_shared>> -> memref<112x16xf32, #tpu.memory_space<vmem_shared>>
        %dma_wait3A_93 = arith.constant 0 : i32
        %dma_wait3A_94 = arith.constant 0 : i32
        %dma_wait3A_95 = tpu.memref_slice %arg14[%dma_wait3A_93, %dma_wait3A_94] : memref<128x16xf32, #tpu.memory_space<vmem>> -> memref<112x16xf32, #tpu.memory_space<vmem>>
        %dma_wait3A_96 = arith.constant 0 : i32
        %dma_wait3A_97 = tpu.memref_slice %arg16[%add3A_77, %dma_wait3A_96] : memref<50176x16xf32, #tpu.memory_space<vmem_shared>> -> memref<112x16xf32, #tpu.memory_space<vmem_shared>>
        tpu.wait_dma2 semaphore(%run_scoped3A : memref<!tpu.dma_semaphore, #tpu.memory_space<semaphore_mem>>) src(%dma_wait3A_97 : memref<112x16xf32, #tpu.memory_space<vmem_shared>>) dst(%dma_wait3A_95 : memref<112x16xf32, #tpu.memory_space<vmem>>)
        tpu.yield
      }) : () -> ()
      "tpu.region"() ({
        %run_scoped3A = tpu.sem_alloc : memref<!tpu.dma_semaphore, #tpu.memory_space<semaphore_mem>>
        %dma_start3A_78 = arith.constant 0 : i32
        %dma_start3A_79 = arith.constant 0 : i32
        %dma_start3A_80 = tpu.memref_slice %arg14[%dma_start3A_78, %dma_start3A_79] : memref<128x16xf32, #tpu.memory_space<vmem>> -> memref<112x16xf32, #tpu.memory_space<vmem>>
        %dma_start3A_81 = arith.constant 0 : i32
        %dma_start3A_82 = arith.constant 0 : i32
        %dma_start3A_83 = tpu.memref_slice %arg7[%arg0, %dma_start3A_81, %dma_start3A_82] : memref<2x50176x16xf32, #tpu.memory_space<hbm>> -> memref<1x50176x16xf32, #tpu.memory_space<hbm>>
        %dma_start3A_84 = tpu.memref_squeeze %dma_start3A_83 : memref<1x50176x16xf32, #tpu.memory_space<hbm>> -> memref<50176x16xf32, #tpu.memory_space<hbm>>
        %dma_start3A_85 = arith.constant 0 : i32
        %dma_start3A_86 = tpu.memref_slice %dma_start3A_84[%add3A_77, %dma_start3A_85] : memref<50176x16xf32, #tpu.memory_space<hbm>> -> memref<112x16xf32, #tpu.memory_space<hbm>>
        %dma_start3A_87 = arith.constant 0 : i32
        %dma_start3A_88 = arith.constant 0 : i32
        %dma_start3A_89 = tpu.memref_slice %arg7[%arg0, %dma_start3A_87, %dma_start3A_88] : memref<2x50176x16xf32, #tpu.memory_space<hbm>> -> memref<1x50176x16xf32, #tpu.memory_space<hbm>>
        %dma_start3A_90 = tpu.memref_squeeze %dma_start3A_89 : memref<1x50176x16xf32, #tpu.memory_space<hbm>> -> memref<50176x16xf32, #tpu.memory_space<hbm>>
        %dma_start3A_91 = arith.constant 0 : i32
        %dma_start3A_92 = tpu.memref_slice %dma_start3A_90[%add3A_77, %dma_start3A_91] : memref<50176x16xf32, #tpu.memory_space<hbm>> -> memref<112x16xf32, #tpu.memory_space<hbm>>
        %dma_start3A_93 = arith.constant 0 : i32
        %dma_start3A_94 = arith.constant 0 : i32
        %dma_start3A_95 = tpu.memref_slice %arg14[%dma_start3A_93, %dma_start3A_94] : memref<128x16xf32, #tpu.memory_space<vmem>> -> memref<112x16xf32, #tpu.memory_space<vmem>>
        tpu.enqueue_dma source(%dma_start3A_95 : memref<112x16xf32, #tpu.memory_space<vmem>>) target(%dma_start3A_92 : memref<112x16xf32, #tpu.memory_space<hbm>>) target_semaphore(%run_scoped3A : memref<!tpu.dma_semaphore, #tpu.memory_space<semaphore_mem>>)
        %dma_wait3A_96 = arith.constant 0 : i32
        %dma_wait3A_97 = arith.constant 0 : i32
        %dma_wait3A_98 = tpu.memref_slice %arg14[%dma_wait3A_96, %dma_wait3A_97] : memref<128x16xf32, #tpu.memory_space<vmem>> -> memref<112x16xf32, #tpu.memory_space<vmem>>
        %dma_wait3A_99 = arith.constant 0 : i32
        %dma_wait3A_100 = arith.constant 0 : i32
        %dma_wait3A_101 = tpu.memref_slice %arg7[%arg0, %dma_wait3A_99, %dma_wait3A_100] : memref<2x50176x16xf32, #tpu.memory_space<hbm>> -> memref<1x50176x16xf32, #tpu.memory_space<hbm>>
        %dma_wait3A_102 = tpu.memref_squeeze %dma_wait3A_101 : memref<1x50176x16xf32, #tpu.memory_space<hbm>> -> memref<50176x16xf32, #tpu.memory_space<hbm>>
        %dma_wait3A_103 = arith.constant 0 : i32
        %dma_wait3A_104 = tpu.memref_slice %dma_wait3A_102[%add3A_77, %dma_wait3A_103] : memref<50176x16xf32, #tpu.memory_space<hbm>> -> memref<112x16xf32, #tpu.memory_space<hbm>>
        %dma_wait3A_105 = arith.constant 0 : i32
        %dma_wait3A_106 = arith.constant 0 : i32
        %dma_wait3A_107 = tpu.memref_slice %arg7[%arg0, %dma_wait3A_105, %dma_wait3A_106] : memref<2x50176x16xf32, #tpu.memory_space<hbm>> -> memref<1x50176x16xf32, #tpu.memory_space<hbm>>
        %dma_wait3A_108 = tpu.memref_squeeze %dma_wait3A_107 : memref<1x50176x16xf32, #tpu.memory_space<hbm>> -> memref<50176x16xf32, #tpu.memory_space<hbm>>
        %dma_wait3A_109 = arith.constant 0 : i32
        %dma_wait3A_110 = tpu.memref_slice %dma_wait3A_108[%add3A_77, %dma_wait3A_109] : memref<50176x16xf32, #tpu.memory_space<hbm>> -> memref<112x16xf32, #tpu.memory_space<hbm>>
        %dma_wait3A_111 = arith.constant 0 : i32
        %dma_wait3A_112 = arith.constant 0 : i32
        %dma_wait3A_113 = tpu.memref_slice %arg14[%dma_wait3A_111, %dma_wait3A_112] : memref<128x16xf32, #tpu.memory_space<vmem>> -> memref<112x16xf32, #tpu.memory_space<vmem>>
        tpu.wait_dma2 semaphore(%run_scoped3A : memref<!tpu.dma_semaphore, #tpu.memory_space<semaphore_mem>>) src(%dma_wait3A_113 : memref<112x16xf32, #tpu.memory_space<vmem>>) dst(%dma_wait3A_110 : memref<112x16xf32, #tpu.memory_space<hbm>>)
        tpu.yield
      }) : () -> ()
    }
    %scan3A_71 = arith.constant 28 : i32
    return
  }
}

module attributes {stable_mosaic.version = 14 : i64} {
  func.func @_prep1_body(%arg0: i32, %arg1: i32, %arg2: memref<1024x40xf32, #tpu.memory_space<vmem>>, %arg3: memref<1x40x32xf32, #tpu.memory_space<vmem>>, %arg4: memref<1x1x32xf32, #tpu.memory_space<vmem>>, %arg5: memref<1x40x32xf32, #tpu.memory_space<vmem>>, %arg6: memref<1x1x32xf32, #tpu.memory_space<vmem>>, %arg7: memref<1x1024x32xf32, #tpu.memory_space<vmem>>, %arg8: memref<1x1024x32xf32, #tpu.memory_space<vmem>>) attributes {dimension_semantics = [#tpu.dimension_semantics<arbitrary>, #tpu.dimension_semantics<arbitrary>], iteration_bounds = array<i64: 2, 49>, scalar_prefetch = 0 : i64, scratch_operands = 0 : i64, tpu.core_type = #tpu.core_type<tc>, window_params = [{transform_indices = @transform_0, window_bounds = array<i64: 1024, 40>}, {transform_indices = @transform_1, window_bounds = array<i64: 1, 40, 32>}, {transform_indices = @transform_2, window_bounds = array<i64: 1, 1, 32>}, {transform_indices = @transform_3, window_bounds = array<i64: 1, 40, 32>}, {transform_indices = @transform_4, window_bounds = array<i64: 1, 1, 32>}, {transform_indices = @transform_5, window_bounds = array<i64: 1, 1024, 32>}, {transform_indices = @transform_6, window_bounds = array<i64: 1, 1024, 32>}]} {
    %get3A = arith.constant 0 : index
    %get3A_0 = arith.constant 0 : index
    %get3A_1 = vector.load %arg2[%get3A, %get3A_0] : memref<1024x40xf32, #tpu.memory_space<vmem>>, vector<1024x40xf32>
    %get3A_2 = arith.constant 0 : index
    %get3A_3 = arith.constant 0 : index
    %get3A_4 = arith.constant 0 : index
    %get3A_5 = vector.load %arg3[%get3A_2, %get3A_3, %get3A_4] : memref<1x40x32xf32, #tpu.memory_space<vmem>>, vector<1x40x32xf32>
    %get3A_6 = vector.shape_cast %get3A_5 : vector<1x40x32xf32> to vector<40x32xf32>
    %dot_general3A = arith.constant dense<0.000000e+00> : vector<1024x32xf32>
    %dot_general3A_7 = tpu.matmul %get3A_1, %get3A_6, %dot_general3A {dimension_numbers = #tpu.dot_dimension_numbers<[1], [0], [0], [1], [0, 0, 1, 1], [], []>, transpose_lhs_hint = false} : vector<1024x40xf32>, vector<40x32xf32>, vector<1024x32xf32> -> vector<1024x32xf32>
    %get3A_8 = arith.constant 0 : index
    %get3A_9 = arith.constant 0 : index
    %get3A_10 = arith.constant 0 : index
    %get3A_11 = vector.load %arg4[%get3A_8, %get3A_9, %get3A_10] : memref<1x1x32xf32, #tpu.memory_space<vmem>>, vector<1x1x32xf32>
    %get3A_12 = vector.shape_cast %get3A_11 : vector<1x1x32xf32> to vector<1x32xf32>
    %add3A = vector.broadcast %get3A_12 : vector<1x32xf32> to vector<1024x32xf32>
    %add3A_13 = arith.addf %dot_general3A_7, %add3A : vector<1024x32xf32>
    %swap3A = arith.constant 0 : index
    %swap3A_14 = arith.constant 0 : index
    %swap3A_15 = arith.constant 0 : index
    %swap3A_16 = vector.load %arg7[%swap3A, %swap3A_14, %swap3A_15] : memref<1x1024x32xf32, #tpu.memory_space<vmem>>, vector<1x1024x32xf32>
    %swap3A_17 = vector.shape_cast %swap3A_16 : vector<1x1024x32xf32> to vector<1024x32xf32>
    %swap3A_18 = vector.shape_cast %add3A_13 : vector<1024x32xf32> to vector<1x1024x32xf32>
    tpu.vector_store %arg7[%swap3A, %swap3A_14, %swap3A_15], %swap3A_18 {strides = array<i32>} : memref<1x1024x32xf32, #tpu.memory_space<vmem>>, vector<1x1024x32xf32>,
    %get3A_19 = arith.constant 0 : index
    %get3A_20 = arith.constant 0 : index
    %get3A_21 = arith.constant 0 : index
    %get3A_22 = vector.load %arg5[%get3A_19, %get3A_20, %get3A_21] : memref<1x40x32xf32, #tpu.memory_space<vmem>>, vector<1x40x32xf32>
    %get3A_23 = vector.shape_cast %get3A_22 : vector<1x40x32xf32> to vector<40x32xf32>
    %dot_general3A_24 = arith.constant dense<0.000000e+00> : vector<1024x32xf32>
    %dot_general3A_25 = tpu.matmul %get3A_1, %get3A_23, %dot_general3A_24 {dimension_numbers = #tpu.dot_dimension_numbers<[1], [0], [0], [1], [0, 0, 1, 1], [], []>, transpose_lhs_hint = false} : vector<1024x40xf32>, vector<40x32xf32>, vector<1024x32xf32> -> vector<1024x32xf32>
    %get3A_26 = arith.constant 0 : index
    %get3A_27 = arith.constant 0 : index
    %get3A_28 = arith.constant 0 : index
    %get3A_29 = vector.load %arg6[%get3A_26, %get3A_27, %get3A_28] : memref<1x1x32xf32, #tpu.memory_space<vmem>>, vector<1x1x32xf32>
    %get3A_30 = vector.shape_cast %get3A_29 : vector<1x1x32xf32> to vector<1x32xf32>
    %add3A_31 = vector.broadcast %get3A_30 : vector<1x32xf32> to vector<1024x32xf32>
    %add3A_32 = arith.addf %dot_general3A_25, %add3A_31 : vector<1024x32xf32>
    %tanh3A = math.tanh %add3A_32 : vector<1024x32xf32>
    %swap3A_33 = arith.constant 0 : index
    %swap3A_34 = arith.constant 0 : index
    %swap3A_35 = arith.constant 0 : index
    %swap3A_36 = vector.load %arg8[%swap3A_33, %swap3A_34, %swap3A_35] : memref<1x1024x32xf32, #tpu.memory_space<vmem>>, vector<1x1024x32xf32>
    %swap3A_37 = vector.shape_cast %swap3A_36 : vector<1x1024x32xf32> to vector<1024x32xf32>
    %swap3A_38 = vector.shape_cast %tanh3A : vector<1024x32xf32> to vector<1x1024x32xf32>
    tpu.vector_store %arg8[%swap3A_33, %swap3A_34, %swap3A_35], %swap3A_38 {strides = array<i32>} : memref<1x1024x32xf32, #tpu.memory_space<vmem>>, vector<1x1024x32xf32>,
    return
  }
  func.func @transform_0(%arg0: i32, %arg1: i32) -> (i32, i32) {
    %c0_i32 = arith.constant 0 : i32
    %c0_i32_0 = arith.constant 0 : i32
    return %arg1, %c0_i32 : i32, i32
  }
  func.func @transform_1(%arg0: i32, %arg1: i32) -> (i32, i32, i32) {
    %c0_i32 = arith.constant 0 : i32
    %c0_i32_0 = arith.constant 0 : i32
    %c0_i32_1 = arith.constant 0 : i32
    return %arg0, %c0_i32, %c0_i32_0 : i32, i32, i32
  }
  func.func @transform_2(%arg0: i32, %arg1: i32) -> (i32, i32, i32) {
    %c0_i32 = arith.constant 0 : i32
    %c0_i32_0 = arith.constant 0 : i32
    %c0_i32_1 = arith.constant 0 : i32
    return %arg0, %c0_i32, %c0_i32_0 : i32, i32, i32
  }
  func.func @transform_3(%arg0: i32, %arg1: i32) -> (i32, i32, i32) {
    %c0_i32 = arith.constant 0 : i32
    %c0_i32_0 = arith.constant 0 : i32
    %c0_i32_1 = arith.constant 0 : i32
    return %arg0, %c0_i32, %c0_i32_0 : i32, i32, i32
  }
  func.func @transform_4(%arg0: i32, %arg1: i32) -> (i32, i32, i32) {
    %c0_i32 = arith.constant 0 : i32
    %c0_i32_0 = arith.constant 0 : i32
    %c0_i32_1 = arith.constant 0 : i32
    return %arg0, %c0_i32, %c0_i32_0 : i32, i32, i32
  }
  func.func @transform_5(%arg0: i32, %arg1: i32) -> (i32, i32, i32) {
    %c0_i32 = arith.constant 0 : i32
    %c0_i32_0 = arith.constant 0 : i32
    return %arg0, %arg1, %c0_i32 : i32, i32, i32
  }
  func.func @transform_6(%arg0: i32, %arg1: i32) -> (i32, i32, i32) {
    %c0_i32 = arith.constant 0 : i32
    %c0_i32_0 = arith.constant 0 : i32
    return %arg0, %arg1, %c0_i32 : i32, i32, i32
  }
}

module attributes {stable_mosaic.version = 14 : i64} {
  func.func @_prep2_body(%arg0: i32, %arg1: memref<1024x64xf32, #tpu.memory_space<vmem>>, %arg2: memref<64x16xf32, #tpu.memory_space<vmem>>, %arg3: memref<1x16xf32, #tpu.memory_space<vmem>>, %arg4: memref<64x16xf32, #tpu.memory_space<vmem>>, %arg5: memref<1x16xf32, #tpu.memory_space<vmem>>, %arg6: memref<1024x16xf32, #tpu.memory_space<vmem>>, %arg7: memref<1024x16xf32, #tpu.memory_space<vmem>>) attributes {dimension_semantics = [#tpu.dimension_semantics<arbitrary>], iteration_bounds = array<i64: 49>, scalar_prefetch = 0 : i64, scratch_operands = 0 : i64, tpu.core_type = #tpu.core_type<tc>, window_params = [{transform_indices = @transform_0, window_bounds = array<i64: 1024, 64>}, {pipeline_mode = #tpu.pipeline_mode<synchronous>, transform_indices = @transform_1, window_bounds = array<i64: 64, 16>}, {pipeline_mode = #tpu.pipeline_mode<synchronous>, transform_indices = @transform_2, window_bounds = array<i64: 1, 16>}, {pipeline_mode = #tpu.pipeline_mode<synchronous>, transform_indices = @transform_3, window_bounds = array<i64: 64, 16>}, {pipeline_mode = #tpu.pipeline_mode<synchronous>, transform_indices = @transform_4, window_bounds = array<i64: 1, 16>}, {transform_indices = @transform_5, window_bounds = array<i64: 1024, 16>}, {transform_indices = @transform_6, window_bounds = array<i64: 1024, 16>}]} {
    %get3A = arith.constant 0 : index
    %get3A_0 = arith.constant 0 : index
    %get3A_1 = vector.load %arg1[%get3A, %get3A_0] : memref<1024x64xf32, #tpu.memory_space<vmem>>, vector<1024x64xf32>
    %get3A_2 = arith.constant 0 : index
    %get3A_3 = arith.constant 0 : index
    %get3A_4 = vector.load %arg2[%get3A_2, %get3A_3] : memref<64x16xf32, #tpu.memory_space<vmem>>, vector<64x16xf32>
    %dot_general3A = arith.constant dense<0.000000e+00> : vector<1024x16xf32>
    %dot_general3A_5 = tpu.matmul %get3A_1, %get3A_4, %dot_general3A {dimension_numbers = #tpu.dot_dimension_numbers<[1], [0], [0], [1], [0, 0, 1, 1], [], []>, transpose_lhs_hint = false} : vector<1024x64xf32>, vector<64x16xf32>, vector<1024x16xf32> -> vector<1024x16xf32>
    %get3A_6 = arith.constant 0 : index
    %get3A_7 = arith.constant 0 : index
    %get3A_8 = vector.load %arg3[%get3A_6, %get3A_7] : memref<1x16xf32, #tpu.memory_space<vmem>>, vector<1x16xf32>
    %add3A = vector.broadcast %get3A_8 : vector<1x16xf32> to vector<1024x16xf32>
    %add3A_9 = arith.addf %dot_general3A_5, %add3A : vector<1024x16xf32>
    %swap3A = arith.constant 0 : index
    %swap3A_10 = arith.constant 0 : index
    %swap3A_11 = vector.load %arg6[%swap3A, %swap3A_10] : memref<1024x16xf32, #tpu.memory_space<vmem>>, vector<1024x16xf32>
    tpu.vector_store %arg6[%swap3A, %swap3A_10], %add3A_9 {strides = array<i32>} : memref<1024x16xf32, #tpu.memory_space<vmem>>, vector<1024x16xf32>,
    %get3A_12 = arith.constant 0 : index
    %get3A_13 = arith.constant 0 : index
    %get3A_14 = vector.load %arg4[%get3A_12, %get3A_13] : memref<64x16xf32, #tpu.memory_space<vmem>>, vector<64x16xf32>
    %dot_general3A_15 = arith.constant dense<0.000000e+00> : vector<1024x16xf32>
    %dot_general3A_16 = tpu.matmul %get3A_1, %get3A_14, %dot_general3A_15 {dimension_numbers = #tpu.dot_dimension_numbers<[1], [0], [0], [1], [0, 0, 1, 1], [], []>, transpose_lhs_hint = false} : vector<1024x64xf32>, vector<64x16xf32>, vector<1024x16xf32> -> vector<1024x16xf32>
    %get3A_17 = arith.constant 0 : index
    %get3A_18 = arith.constant 0 : index
    %get3A_19 = vector.load %arg5[%get3A_17, %get3A_18] : memref<1x16xf32, #tpu.memory_space<vmem>>, vector<1x16xf32>
    %add3A_20 = vector.broadcast %get3A_19 : vector<1x16xf32> to vector<1024x16xf32>
    %add3A_21 = arith.addf %dot_general3A_16, %add3A_20 : vector<1024x16xf32>
    %tanh3A = math.tanh %add3A_21 : vector<1024x16xf32>
    %swap3A_22 = arith.constant 0 : index
    %swap3A_23 = arith.constant 0 : index
    %swap3A_24 = vector.load %arg7[%swap3A_22, %swap3A_23] : memref<1024x16xf32, #tpu.memory_space<vmem>>, vector<1024x16xf32>
    tpu.vector_store %arg7[%swap3A_22, %swap3A_23], %tanh3A {strides = array<i32>} : memref<1024x16xf32, #tpu.memory_space<vmem>>, vector<1024x16xf32>,
    return
  }
  func.func @transform_0(%arg0: i32) -> (i32, i32) {
    %c0_i32 = arith.constant 0 : i32
    %c0_i32_0 = arith.constant 0 : i32
    return %arg0, %c0_i32 : i32, i32
  }
  func.func @transform_1(%arg0: i32) -> (i32, i32) {
    %c0_i32 = arith.constant 0 : i32
    %c0_i32_0 = arith.constant 0 : i32
    %c0_i32_1 = arith.constant 0 : i32
    return %c0_i32, %c0_i32_0 : i32, i32
  }
  func.func @transform_2(%arg0: i32) -> (i32, i32) {
    %c0_i32 = arith.constant 0 : i32
    %c0_i32_0 = arith.constant 0 : i32
    %c0_i32_1 = arith.constant 0 : i32
    return %c0_i32, %c0_i32_0 : i32, i32
  }
  func.func @transform_3(%arg0: i32) -> (i32, i32) {
    %c0_i32 = arith.constant 0 : i32
    %c0_i32_0 = arith.constant 0 : i32
    %c0_i32_1 = arith.constant 0 : i32
    return %c0_i32, %c0_i32_0 : i32, i32
  }
  func.func @transform_4(%arg0: i32) -> (i32, i32) {
    %c0_i32 = arith.constant 0 : i32
    %c0_i32_0 = arith.constant 0 : i32
    %c0_i32_1 = arith.constant 0 : i32
    return %c0_i32, %c0_i32_0 : i32, i32
  }
  func.func @transform_5(%arg0: i32) -> (i32, i32) {
    %c0_i32 = arith.constant 0 : i32
    %c0_i32_0 = arith.constant 0 : i32
    return %arg0, %c0_i32 : i32, i32
  }
  func.func @transform_6(%arg0: i32) -> (i32, i32) {
    %c0_i32 = arith.constant 0 : i32
    %c0_i32_0 = arith.constant 0 : i32
    return %arg0, %c0_i32 : i32, i32
  }
}

module attributes {stable_mosaic.version = 14 : i64} {
  func.func @_gate_body(%arg0: i32, %arg1: memref<1024x16xf32, #tpu.memory_space<vmem>>, %arg2: memref<16x64xf32, #tpu.memory_space<vmem>>, %arg3: memref<1x64xf32, #tpu.memory_space<vmem>>, %arg4: memref<64x32xf32, #tpu.memory_space<vmem>>, %arg5: memref<1x32xf32, #tpu.memory_space<vmem>>, %arg6: memref<32x128xf32, #tpu.memory_space<vmem>>, %arg7: memref<1x128xf32, #tpu.memory_space<vmem>>, %arg8: memref<1024x128xf32, #tpu.memory_space<vmem>>, %arg9: memref<1x1x128xf32, #tpu.memory_space<vmem>>) attributes {dimension_semantics = [#tpu.dimension_semantics<arbitrary>], iteration_bounds = array<i64: 49>, scalar_prefetch = 0 : i64, scratch_operands = 0 : i64, tpu.core_type = #tpu.core_type<tc>, window_params = [{transform_indices = @transform_0, window_bounds = array<i64: 1024, 16>}, {pipeline_mode = #tpu.pipeline_mode<synchronous>, transform_indices = @transform_1, window_bounds = array<i64: 16, 64>}, {pipeline_mode = #tpu.pipeline_mode<synchronous>, transform_indices = @transform_2, window_bounds = array<i64: 1, 64>}, {pipeline_mode = #tpu.pipeline_mode<synchronous>, transform_indices = @transform_3, window_bounds = array<i64: 64, 32>}, {pipeline_mode = #tpu.pipeline_mode<synchronous>, transform_indices = @transform_4, window_bounds = array<i64: 1, 32>}, {pipeline_mode = #tpu.pipeline_mode<synchronous>, transform_indices = @transform_5, window_bounds = array<i64: 32, 128>}, {pipeline_mode = #tpu.pipeline_mode<synchronous>, transform_indices = @transform_6, window_bounds = array<i64: 1, 128>}, {transform_indices = @transform_7, window_bounds = array<i64: 1024, 128>}, {transform_indices = @transform_8, window_bounds = array<i64: 1, 1, 128>}]} {
    %get3A = arith.constant 0 : index
    %get3A_0 = arith.constant 0 : index
    %get3A_1 = vector.load %arg1[%get3A, %get3A_0] : memref<1024x16xf32, #tpu.memory_space<vmem>>, vector<1024x16xf32>
    %get3A_2 = arith.constant 0 : index
    %get3A_3 = arith.constant 0 : index
    %get3A_4 = vector.load %arg2[%get3A_2, %get3A_3] : memref<16x64xf32, #tpu.memory_space<vmem>>, vector<16x64xf32>
    %dot_general3A = arith.constant dense<0.000000e+00> : vector<1024x64xf32>
    %dot_general3A_5 = tpu.matmul %get3A_1, %get3A_4, %dot_general3A {dimension_numbers = #tpu.dot_dimension_numbers<[1], [0], [0], [1], [0, 0, 1, 1], [], []>, transpose_lhs_hint = false} : vector<1024x16xf32>, vector<16x64xf32>, vector<1024x64xf32> -> vector<1024x64xf32>
    %get3A_6 = arith.constant 0 : index
    %get3A_7 = arith.constant 0 : index
    %get3A_8 = vector.load %arg3[%get3A_6, %get3A_7] : memref<1x64xf32, #tpu.memory_space<vmem>>, vector<1x64xf32>
    %add3A = vector.broadcast %get3A_8 : vector<1x64xf32> to vector<1024x64xf32>
    %add3A_9 = arith.addf %dot_general3A_5, %add3A : vector<1024x64xf32>
    %max3A = arith.constant 0.000000e+00 : f32
    %max3A_10 = vector.broadcast %max3A : f32 to vector<1024x64xf32>
    %max3A_11 = arith.maximumf %add3A_9, %max3A_10 : vector<1024x64xf32>
    %get3A_12 = arith.constant 0 : index
    %get3A_13 = arith.constant 0 : index
    %get3A_14 = vector.load %arg4[%get3A_12, %get3A_13] : memref<64x32xf32, #tpu.memory_space<vmem>>, vector<64x32xf32>
    %dot_general3A_15 = arith.constant dense<0.000000e+00> : vector<1024x32xf32>
    %dot_general3A_16 = tpu.matmul %max3A_11, %get3A_14, %dot_general3A_15 {dimension_numbers = #tpu.dot_dimension_numbers<[1], [0], [0], [1], [0, 0, 1, 1], [], []>, transpose_lhs_hint = false} : vector<1024x64xf32>, vector<64x32xf32>, vector<1024x32xf32> -> vector<1024x32xf32>
    %get3A_17 = arith.constant 0 : index
    %get3A_18 = arith.constant 0 : index
    %get3A_19 = vector.load %arg5[%get3A_17, %get3A_18] : memref<1x32xf32, #tpu.memory_space<vmem>>, vector<1x32xf32>
    %add3A_20 = vector.broadcast %get3A_19 : vector<1x32xf32> to vector<1024x32xf32>
    %add3A_21 = arith.addf %dot_general3A_16, %add3A_20 : vector<1024x32xf32>
    %max3A_22 = arith.constant 0.000000e+00 : f32
    %max3A_23 = vector.broadcast %max3A_22 : f32 to vector<1024x32xf32>
    %max3A_24 = arith.maximumf %add3A_21, %max3A_23 : vector<1024x32xf32>
    %get3A_25 = arith.constant 0 : index
    %get3A_26 = arith.constant 0 : index
    %get3A_27 = vector.load %arg6[%get3A_25, %get3A_26] : memref<32x128xf32, #tpu.memory_space<vmem>>, vector<32x128xf32>
    %dot_general3A_28 = arith.constant dense<0.000000e+00> : vector<1024x128xf32>
    %dot_general3A_29 = tpu.matmul %max3A_24, %get3A_27, %dot_general3A_28 {dimension_numbers = #tpu.dot_dimension_numbers<[1], [0], [0], [1], [0, 0, 1, 1], [], []>, transpose_lhs_hint = false} : vector<1024x32xf32>, vector<32x128xf32>, vector<1024x128xf32> -> vector<1024x128xf32>
    %get3A_30 = arith.constant 0 : index
    %get3A_31 = arith.constant 0 : index
    %get3A_32 = vector.load %arg7[%get3A_30, %get3A_31] : memref<1x128xf32, #tpu.memory_space<vmem>>, vector<1x128xf32>
    %add3A_33 = vector.broadcast %get3A_32 : vector<1x128xf32> to vector<1024x128xf32>
    %add3A_34 = arith.addf %dot_general3A_29, %add3A_33 : vector<1024x128xf32>
    %swap3A = arith.constant 0 : index
    %swap3A_35 = arith.constant 0 : index
    %swap3A_36 = vector.load %arg8[%swap3A, %swap3A_35] : memref<1024x128xf32, #tpu.memory_space<vmem>>, vector<1024x128xf32>
    tpu.vector_store %arg8[%swap3A, %swap3A_35], %add3A_34 {strides = array<i32>} : memref<1024x128xf32, #tpu.memory_space<vmem>>, vector<1024x128xf32>,
    %iota3A = tpu.iota {dimensions = array<i32: 0>} : vector<1024x1xi32>
    %mul3A = arith.constant 1024 : i32
    %mul3A_37 = arith.muli %arg0, %mul3A : i32
    %add3A_38 = vector.broadcast %mul3A_37 : i32 to vector<1024x1xi32>
    %add3A_39 = arith.addi %iota3A, %add3A_38 : vector<1024x1xi32>
    %lt3A = arith.constant 50000 : i32
    %lt3A_40 = vector.broadcast %lt3A : i32 to vector<1024x1xi32>
    %lt3A_41 = arith.cmpi slt, %add3A_39, %lt3A_40 : vector<1024x1xi32>
    %slice3A = vector.extract_strided_slice %add3A_34 {offsets = [0, 0], sizes = [1024, 1], strides = [1, 1]} : vector<1024x128xf32> to vector<1024x1xf32>
    %jit3A = arith.constant 0xFF800000 : f32
    %broadcast_in_dim3A = vector.broadcast %jit3A : f32 to vector<1024x1xf32>
    %select_n3A = arith.select %lt3A_41, %slice3A, %broadcast_in_dim3A : vector<1024x1xi1>, vector<1024x1xf32>
    %reduce_max3A = vector.shape_cast %select_n3A : vector<1024x1xf32> to vector<1x1024x1xf32>
    %reduce_max3A_42 = arith.constant dense<0xFF800000> : vector<1xf32>
    %reduce_max3A_43 = vector.multi_reduction <maximumf>, %reduce_max3A, %reduce_max3A_42 [1, 2] : vector<1x1024x1xf32> to vector<1xf32>
    %reduce_max3A_44 = vector.shape_cast %reduce_max3A_43 : vector<1xf32> to vector<1x1x1xf32>
    %reduce_max3A_45 = vector.extract %reduce_max3A_44[0, 0, 0] : f32 from vector<1x1x1xf32>
    %broadcast_in_dim3A_46 = vector.broadcast %reduce_max3A_45 : f32 to vector<1x1x128xf32>
    %swap3A_47 = arith.constant 0 : index
    %swap3A_48 = arith.constant 0 : index
    %swap3A_49 = arith.constant 0 : index
    %swap3A_50 = vector.load %arg9[%swap3A_47, %swap3A_48, %swap3A_49] : memref<1x1x128xf32, #tpu.memory_space<vmem>>, vector<1x1x128xf32>
    tpu.vector_store %arg9[%swap3A_47, %swap3A_48, %swap3A_49], %broadcast_in_dim3A_46 {strides = array<i32>} : memref<1x1x128xf32, #tpu.memory_space<vmem>>, vector<1x1x128xf32>,
    return
  }
  func.func @transform_0(%arg0: i32) -> (i32, i32) {
    %c0_i32 = arith.constant 0 : i32
    %c0_i32_0 = arith.constant 0 : i32
    return %arg0, %c0_i32 : i32, i32
  }
  func.func @transform_1(%arg0: i32) -> (i32, i32) {
    %c0_i32 = arith.constant 0 : i32
    %c0_i32_0 = arith.constant 0 : i32
    %c0_i32_1 = arith.constant 0 : i32
    return %c0_i32, %c0_i32_0 : i32, i32
  }
  func.func @transform_2(%arg0: i32) -> (i32, i32) {
    %c0_i32 = arith.constant 0 : i32
    %c0_i32_0 = arith.constant 0 : i32
    %c0_i32_1 = arith.constant 0 : i32
    return %c0_i32, %c0_i32_0 : i32, i32
  }
  func.func @transform_3(%arg0: i32) -> (i32, i32) {
    %c0_i32 = arith.constant 0 : i32
    %c0_i32_0 = arith.constant 0 : i32
    %c0_i32_1 = arith.constant 0 : i32
    return %c0_i32, %c0_i32_0 : i32, i32
  }
  func.func @transform_4(%arg0: i32) -> (i32, i32) {
    %c0_i32 = arith.constant 0 : i32
    %c0_i32_0 = arith.constant 0 : i32
    %c0_i32_1 = arith.constant 0 : i32
    return %c0_i32, %c0_i32_0 : i32, i32
  }
  func.func @transform_5(%arg0: i32) -> (i32, i32) {
    %c0_i32 = arith.constant 0 : i32
    %c0_i32_0 = arith.constant 0 : i32
    %c0_i32_1 = arith.constant 0 : i32
    return %c0_i32, %c0_i32_0 : i32, i32
  }
  func.func @transform_6(%arg0: i32) -> (i32, i32) {
    %c0_i32 = arith.constant 0 : i32
    %c0_i32_0 = arith.constant 0 : i32
    %c0_i32_1 = arith.constant 0 : i32
    return %c0_i32, %c0_i32_0 : i32, i32
  }
  func.func @transform_7(%arg0: i32) -> (i32, i32) {
    %c0_i32 = arith.constant 0 : i32
    %c0_i32_0 = arith.constant 0 : i32
    return %arg0, %c0_i32 : i32, i32
  }
  func.func @transform_8(%arg0: i32) -> (i32, i32, i32) {
    %c0_i32 = arith.constant 0 : i32
    %c0_i32_0 = arith.constant 0 : i32
    %c0_i32_1 = arith.constant 0 : i32
    return %arg0, %c0_i32, %c0_i32_0 : i32, i32, i32
  }
}

module attributes {stable_mosaic.version = 14 : i64} {
  func.func @_head_body(%arg0: memref<1024x16xf32, #tpu.memory_space<vmem>>, %arg1: memref<16x512xf32, #tpu.memory_space<vmem>>, %arg2: memref<1x512xf32, #tpu.memory_space<vmem>>, %arg3: memref<512x512xf32, #tpu.memory_space<vmem>>, %arg4: memref<1x512xf32, #tpu.memory_space<vmem>>, %arg5: memref<512x128xf32, #tpu.memory_space<vmem>>, %arg6: memref<1x128xf32, #tpu.memory_space<vmem>>, %arg7: memref<128x1xf32, #tpu.memory_space<vmem>>, %arg8: memref<1x1xf32, #tpu.memory_space<vmem>>, %arg9: memref<1x512xf32, #tpu.memory_space<vmem>>, %arg10: memref<1x512xf32, #tpu.memory_space<vmem>>, %arg11: memref<1x512xf32, #tpu.memory_space<vmem>>, %arg12: memref<1x512xf32, #tpu.memory_space<vmem>>, %arg13: memref<1x128xf32, #tpu.memory_space<vmem>>, %arg14: memref<1x128xf32, #tpu.memory_space<vmem>>, %arg15: memref<1024x1xf32, #tpu.memory_space<vmem>>) attributes {dimension_semantics = [], scalar_prefetch = 0 : i64, scratch_operands = 0 : i64, tpu.core_type = #tpu.core_type<tc>} {
    %get3A = arith.constant 0 : index
    %get3A_0 = arith.constant 0 : index
    %get3A_1 = vector.load %arg0[%get3A, %get3A_0] : memref<1024x16xf32, #tpu.memory_space<vmem>>, vector<1024x16xf32>
    %get3A_2 = arith.constant 0 : index
    %get3A_3 = arith.constant 0 : index
    %get3A_4 = vector.load %arg1[%get3A_2, %get3A_3] : memref<16x512xf32, #tpu.memory_space<vmem>>, vector<16x512xf32>
    %dot_general3A = arith.constant dense<0.000000e+00> : vector<1024x512xf32>
    %dot_general3A_5 = tpu.matmul %get3A_1, %get3A_4, %dot_general3A {dimension_numbers = #tpu.dot_dimension_numbers<[1], [0], [0], [1], [0, 0, 1, 1], [], []>, transpose_lhs_hint = false} : vector<1024x16xf32>, vector<16x512xf32>, vector<1024x512xf32> -> vector<1024x512xf32>
    %get3A_6 = arith.constant 0 : index
    %get3A_7 = arith.constant 0 : index
    %get3A_8 = vector.load %arg2[%get3A_6, %get3A_7] : memref<1x512xf32, #tpu.memory_space<vmem>>, vector<1x512xf32>
    %add3A = vector.broadcast %get3A_8 : vector<1x512xf32> to vector<1024x512xf32>
    %add3A_9 = arith.addf %dot_general3A_5, %add3A : vector<1024x512xf32>
    %max3A = arith.constant 0.000000e+00 : f32
    %max3A_10 = vector.broadcast %max3A : f32 to vector<1024x512xf32>
    %max3A_11 = arith.maximumf %add3A_9, %max3A_10 : vector<1024x512xf32>
    %get3A_12 = arith.constant 0 : index
    %get3A_13 = arith.constant 0 : index
    %get3A_14 = vector.load %arg9[%get3A_12, %get3A_13] : memref<1x512xf32, #tpu.memory_space<vmem>>, vector<1x512xf32>
    %mul3A = vector.broadcast %get3A_14 : vector<1x512xf32> to vector<1024x512xf32>
    %mul3A_15 = arith.mulf %max3A_11, %mul3A : vector<1024x512xf32>
    %get3A_16 = arith.constant 0 : index
    %get3A_17 = arith.constant 0 : index
    %get3A_18 = vector.load %arg10[%get3A_16, %get3A_17] : memref<1x512xf32, #tpu.memory_space<vmem>>, vector<1x512xf32>
    %add3A_19 = vector.broadcast %get3A_18 : vector<1x512xf32> to vector<1024x512xf32>
    %add3A_20 = arith.addf %mul3A_15, %add3A_19 : vector<1024x512xf32>
    %get3A_21 = arith.constant 0 : index
    %get3A_22 = arith.constant 0 : index
    %get3A_23 = vector.load %arg3[%get3A_21, %get3A_22] : memref<512x512xf32, #tpu.memory_space<vmem>>, vector<512x512xf32>
    %dot_general3A_24 = arith.constant dense<0.000000e+00> : vector<1024x512xf32>
    %dot_general3A_25 = tpu.matmul %add3A_20, %get3A_23, %dot_general3A_24 {dimension_numbers = #tpu.dot_dimension_numbers<[1], [0], [0], [1], [0, 0, 1, 1], [], []>, transpose_lhs_hint = false} : vector<1024x512xf32>, vector<512x512xf32>, vector<1024x512xf32> -> vector<1024x512xf32>
    %get3A_26 = arith.constant 0 : index
    %get3A_27 = arith.constant 0 : index
    %get3A_28 = vector.load %arg4[%get3A_26, %get3A_27] : memref<1x512xf32, #tpu.memory_space<vmem>>, vector<1x512xf32>
    %add3A_29 = vector.broadcast %get3A_28 : vector<1x512xf32> to vector<1024x512xf32>
    %add3A_30 = arith.addf %dot_general3A_25, %add3A_29 : vector<1024x512xf32>
    %max3A_31 = arith.constant 0.000000e+00 : f32
    %max3A_32 = vector.broadcast %max3A_31 : f32 to vector<1024x512xf32>
    %max3A_33 = arith.maximumf %add3A_30, %max3A_32 : vector<1024x512xf32>
    %get3A_34 = arith.constant 0 : index
    %get3A_35 = arith.constant 0 : index
    %get3A_36 = vector.load %arg11[%get3A_34, %get3A_35] : memref<1x512xf32, #tpu.memory_space<vmem>>, vector<1x512xf32>
    %mul3A_37 = vector.broadcast %get3A_36 : vector<1x512xf32> to vector<1024x512xf32>
    %mul3A_38 = arith.mulf %max3A_33, %mul3A_37 : vector<1024x512xf32>
    %get3A_39 = arith.constant 0 : index
    %get3A_40 = arith.constant 0 : index
    %get3A_41 = vector.load %arg12[%get3A_39, %get3A_40] : memref<1x512xf32, #tpu.memory_space<vmem>>, vector<1x512xf32>
    %add3A_42 = vector.broadcast %get3A_41 : vector<1x512xf32> to vector<1024x512xf32>
    %add3A_43 = arith.addf %mul3A_38, %add3A_42 : vector<1024x512xf32>
    %get3A_44 = arith.constant 0 : index
    %get3A_45 = arith.constant 0 : index
    %get3A_46 = vector.load %arg5[%get3A_44, %get3A_45] : memref<512x128xf32, #tpu.memory_space<vmem>>, vector<512x128xf32>
    %dot_general3A_47 = arith.constant dense<0.000000e+00> : vector<1024x128xf32>
    %dot_general3A_48 = tpu.matmul %add3A_43, %get3A_46, %dot_general3A_47 {dimension_numbers = #tpu.dot_dimension_numbers<[1], [0], [0], [1], [0, 0, 1, 1], [], []>, transpose_lhs_hint = false} : vector<1024x512xf32>, vector<512x128xf32>, vector<1024x128xf32> -> vector<1024x128xf32>
    %get3A_49 = arith.constant 0 : index
    %get3A_50 = arith.constant 0 : index
    %get3A_51 = vector.load %arg6[%get3A_49, %get3A_50] : memref<1x128xf32, #tpu.memory_space<vmem>>, vector<1x128xf32>
    %add3A_52 = vector.broadcast %get3A_51 : vector<1x128xf32> to vector<1024x128xf32>
    %add3A_53 = arith.addf %dot_general3A_48, %add3A_52 : vector<1024x128xf32>
    %max3A_54 = arith.constant 0.000000e+00 : f32
    %max3A_55 = vector.broadcast %max3A_54 : f32 to vector<1024x128xf32>
    %max3A_56 = arith.maximumf %add3A_53, %max3A_55 : vector<1024x128xf32>
    %get3A_57 = arith.constant 0 : index
    %get3A_58 = arith.constant 0 : index
    %get3A_59 = vector.load %arg13[%get3A_57, %get3A_58] : memref<1x128xf32, #tpu.memory_space<vmem>>, vector<1x128xf32>
    %mul3A_60 = vector.broadcast %get3A_59 : vector<1x128xf32> to vector<1024x128xf32>
    %mul3A_61 = arith.mulf %max3A_56, %mul3A_60 : vector<1024x128xf32>
    %get3A_62 = arith.constant 0 : index
    %get3A_63 = arith.constant 0 : index
    %get3A_64 = vector.load %arg14[%get3A_62, %get3A_63] : memref<1x128xf32, #tpu.memory_space<vmem>>, vector<1x128xf32>
    %add3A_65 = vector.broadcast %get3A_64 : vector<1x128xf32> to vector<1024x128xf32>
    %add3A_66 = arith.addf %mul3A_61, %add3A_65 : vector<1024x128xf32>
    %get3A_67 = arith.constant 0 : index
    %get3A_68 = arith.constant 0 : index
    %get3A_69 = vector.load %arg7[%get3A_67, %get3A_68] : memref<128x1xf32, #tpu.memory_space<vmem>>, vector<128x1xf32>
    %dot_general3A_70 = arith.constant dense<0.000000e+00> : vector<1024x1xf32>
    %dot_general3A_71 = tpu.matmul %add3A_66, %get3A_69, %dot_general3A_70 {dimension_numbers = #tpu.dot_dimension_numbers<[1], [0], [0], [1], [0, 0, 1, 1], [], []>, transpose_lhs_hint = false} : vector<1024x128xf32>, vector<128x1xf32>, vector<1024x1xf32> -> vector<1024x1xf32>
    %get3A_72 = arith.constant 0 : index
    %get3A_73 = arith.constant 0 : index
    %get3A_74 = vector.load %arg8[%get3A_72, %get3A_73] : memref<1x1xf32, #tpu.memory_space<vmem>>, vector<1x1xf32>
    %add3A_75 = vector.broadcast %get3A_74 : vector<1x1xf32> to vector<1024x1xf32>
    %add3A_76 = arith.addf %dot_general3A_71, %add3A_75 : vector<1024x1xf32>
    %swap3A = arith.constant 0 : index
    %swap3A_77 = arith.constant 0 : index
    %swap3A_78 = vector.load %arg15[%swap3A, %swap3A_77] : memref<1024x1xf32, #tpu.memory_space<vmem>>, vector<1024x1xf32>
    tpu.vector_store %arg15[%swap3A, %swap3A_77], %add3A_76 {strides = array<i32>} : memref<1024x1xf32, #tpu.memory_space<vmem>>, vector<1024x1xf32>,
    return
  }
}

</mosaic_0001>

<sc_bundles>
// kernel: kernel.12.cloned.1.call-start
scs
__scs_entry_jumppad:
0x0: {  	(pc) =	sbr.rel $0x88, $3  }
0x1: {  	(tag) =	ssettag $0x0;
	lr =	simm.s32 $0x1  }
0x2: {  	[smem:$0x3F81] =	sst lr;
	_ =	strace $0xD0000000  }
0x3: {  	_ = 	snop  }
0x4: {  	_ = 	snop  }
0x5: {  	_ = 	snop  }
0x6: {  	_ = 	snop  }
0x7: {  	_ = 	snop  }
__scs_overlays_trampoline_lowered:
0x8: {  	[smem:$0x3F90] =	sst s0  }
0x9: {  	[smem:$0x3F91] =	sst s1  }
0xa: {  	[smem:$0x3F92] =	sst s2  }
0xb: {  	[smem:$0x3F93] =	sst s3  }
0xc: {  	[smem:$0x3F94] =	sst s4  }
0xd: {  	[smem:$0x3F95] =	sst s5  }
0xe: {  	[smem:$0x3F96] =	sst s6  }
0xf: {  	[smem:$0x3F97] =	sst s7  }
0x10: {  	[smem:$0x3F98] =	sst s8  }
0x11: {  	[smem:$0x3F99] =	sst s9;
	s0 =	simm.s32 @!p0 $0x0  }
0x12: {  	s1 =	sld [smem:$0x3F7F];
	s0 =	simm.s32 @p0 $0x1  }
0x13: {  	[smem:$0x3F9A] =	sst s0;
	s0 =	simm.s32 @!p1 $0x0  }
0x14: {  	s2 =	sld [smem:$0x3F7E];
	s0 =	simm.s32 @p1 $0x1  }
0x15: {  	[smem:$0x3F9B] =	sst s0;
	s0 =	simm.s32 @!p2 $0x0  }
0x16: {  	s3 =	sld [smem:$0x3FDB];
	s0 =	simm.s32 @p2 $0x1  }
0x17: {  	s4 =	simm.s32 $0x1BF5;
	[smem:$0x3F9D] =	sst s0  }
0x18: {  	s0 =	sld [smem:$0x3F80];
	_ =	swait.ge [sflag:s4], $0x0  }
0x19: {  	s7 =	sld [smem:$0x3F81]  }
0x1a: {  	s8 =	sadd.s32 $0xFFFFE003, lr  }
0x1b: {  	s9 =	sadd.s32 $0xFFFFFEF7, lr;
	s5 =	simm.s32 $0xFFFFFFFF;
	p2 =	slt.u32 s8, $0xFFFFF086  }
0x1c: {  	p1 =	slt.u32 s9, $0xF7A;
	s5 =	simm.s32 @!p2 $0x0  }
0x1d: {  	s5 =	simm.s32 @p1 $0x1;
	p0 =	seq.s32 s7, s2  }
0x1e: {  	s7 =	smul.u32 @!p0 $0xF7A, s2;
	p2 =	seq.s32 @!p0 s5, $0x0  }
0x1f: {  	s9 =	smul.u32 $0xF7A, s1;
	s8 =	simm.s32 @!p0 $0x1BF5;
	p2 =	por !p2, p0  }
0x20: {  	[sflag:s8] =	ssyncset.s32 @!p0 $0xFFFFF086;
	s6 =	sadd.s32 @!p0 s3, s7;
	s7 =	simm.s32 @!p0 $0x108  }
0x21: {  	s3 =	sadd.s32 s3, s9;
	s6 =	sadd.s32 @!p0 $0x88, s6;
	s7 =	simm.s32 @p2 $0x1082  }
0x22: {  	[simem:s7], [sflag:s8] =	dma.local @!p0 [hbm:s6], $0xF7A  }
0x23: {  	s9 =	sor.u32 $0xD0000000, s2;
	s6 =	simm.s32 $0x108;
	_ =	swait.ge @!p0 [sflag:s8], $0x0  }
0x24: {  	s3 =	sadd.s32 $0x88, s3;
	s6 =	simm.s32 @!p1 $0x1082;
	[sflag:s4] =	ssyncset.s32 $0xFFFFF086  }
0x25: {  	[simem:s6], [sflag:s4] =	dma.local [hbm:s3], $0xF7A  }
0x26: {  	[smem:$0x3F81] =	sst s1;
	(tag) =	ssettag s2;
	_ =	strace s9  }
0x27: {  	s1 =	sld [smem:$0x3F91]  }
0x28: {  	s2 =	sld [smem:$0x3F92]  }
0x29: {  	s4 =	sld [smem:$0x3F94]  }
0x2a: {  	p0 =	seq.s32 s5, $0x0;
	s5 =	sld [smem:$0x3F95]  }
0x2b: {  	s6 =	sld [smem:$0x3F96]  }
0x2c: {  	s7 =	sld [smem:$0x3F97]  }
0x2d: {  	s3 =	simm.s32 $0x108;
	s8 =	sld [smem:$0x3F98]  }
0x2e: {  	s3 =	simm.s32 @!p0 $0x1082;
	s9 =	sld [smem:$0x3F99]  }
0x2f: {  	lr =	sadd.s32 s0, s3;
	s0 =	sld [smem:$0x3F90]  }
0x30: {  	s3 =	sld [smem:$0x3F93]  }
0x31: {  	[smem:$0x3F9C] =	sst s10  }
0x32: {  	s10 =	sld [smem:$0x3F9A];
	_ =	sdelay $0x3  }
0x33: {  	p0 =	seq.s32 s10, $0x1;
	s10 =	sld [smem:$0x3F9C];
	_ =	sdelay $0x3  }
0x34: {  	[smem:$0x3F9C] =	sst s10  }
0x35: {  	s10 =	sld [smem:$0x3F9B];
	_ =	sdelay $0x3  }
0x36: {  	p1 =	seq.s32 s10, $0x1;
	s10 =	sld [smem:$0x3F9C];
	_ =	sdelay $0x3  }
0x37: {  	[smem:$0x3F9C] =	sst s10  }
0x38: {  	s10 =	sld [smem:$0x3F9D]  }
0x39: {  	_ = 	snop;
	(pc) =	sbr.ind lr, $3  }
0x3a: {  	_ = 	snop  }
0x3b: {  	_ = 	snop  }
0x3c: {  	p2 =	seq.s32 s10, $0x1;
	s10 =	sld [smem:$0x3F9C]  }
0x3d: {  	_ =	shalt  }
0x3e: {  	_ =	shalt  }
0x3f: {  	_ =	shalt  }
0x40: {  	_ =	shalt  }
0x41: {  	_ =	shalt  }
0x42: {  	_ =	shalt  }
0x43: {  	_ =	shalt  }
0x44: {  	_ =	shalt  }
0x45: {  	_ =	shalt  }
0x46: {  	_ =	shalt  }
0x47: {  	_ =	shalt  }
0x48: {  	_ =	shalt  }
0x49: {  	_ =	shalt  }
0x4a: {  	_ =	shalt  }
0x4b: {  	_ =	shalt  }
0x4c: {  	_ =	shalt  }
0x4d: {  	_ =	shalt  }
0x4e: {  	_ =	shalt  }
0x4f: {  	_ =	shalt  }
0x50: {  	_ =	shalt  }
0x51: {  	_ =	shalt  }
0x52: {  	_ =	shalt  }
0x53: {  	_ =	shalt  }
0x54: {  	_ =	shalt  }
0x55: {  	_ =	shalt  }
0x56: {  	_ =	shalt  }
0x57: {  	_ =	shalt  }
0x58: {  	_ =	shalt  }
0x59: {  	_ =	shalt  }
0x5a: {  	_ =	shalt  }
0x5b: {  	_ =	shalt  }
0x5c: {  	_ =	shalt  }
0x5d: {  	_ =	shalt  }
0x5e: {  	_ =	shalt  }
0x5f: {  	_ =	shalt  }
0x60: {  	_ =	shalt  }
0x61: {  	_ =	shalt  }
0x62: {  	_ =	shalt  }
0x63: {  	_ =	shalt  }
0x64: {  	_ =	shalt  }
0x65: {  	_ =	shalt  }
0x66: {  	_ =	shalt  }
0x67: {  	_ =	shalt  }
0x68: {  	_ =	shalt  }
0x69: {  	_ =	shalt  }
0x6a: {  	_ =	shalt  }
0x6b: {  	_ =	shalt  }
0x6c: {  	_ =	shalt  }
0x6d: {  	_ =	shalt  }
0x6e: {  	_ =	shalt  }
0x6f: {  	_ =	shalt  }
0x70: {  	_ =	shalt  }
0x71: {  	_ =	shalt  }
0x72: {  	_ =	shalt  }
0x73: {  	_ =	shalt  }
0x74: {  	_ =	shalt  }
0x75: {  	_ =	shalt  }
0x76: {  	_ =	shalt  }
0x77: {  	_ =	shalt  }
0x78: {  	_ =	shalt  }
0x79: {  	_ =	shalt  }
0x7a: {  	_ =	shalt  }
0x7b: {  	_ =	shalt  }
0x7c: {  	_ =	shalt  }
0x7d: {  	_ =	shalt  }
0x7e: {  	_ =	shalt  }
0x7f: {  	_ =	shalt  }
0x80: {  	_ =	shalt  }
0x81: {  	_ =	shalt  }
0x82: {  	_ =	shalt  }
0x83: {  	_ =	shalt  }
0x84: {  	_ =	shalt  }
0x85: {  	_ =	shalt  }
0x86: {  	_ =	shalt  }
0x87: {  	_ =	shalt  }
.Lfunc_end0:
.L_simem_size_0:
called_computation.1_lowered:
.L_overlay_start_0:
0x88: {  	s2 =	sld [smem:$0x3FD9]  }
0x89: {  	s3 =	sld [smem:$0x3FFE];
	_ =	sdelay $0x1  }
0x8a: {  	s1 =	srdreg.scid  }
0x8b: {  	s0 =	sand.u32 $0x1, s1  }
0x8c: {  	s16 =	sshll.u32 s0, $0xA;
	s2 =	sadd.s32 s3, s2  }
0x8d: {  	s2 =	sadd.s32 s2, s16  }
0x8e: {  	[smem:$0x3FA8] =	sst s2  }
0x8f: {  	_ = 	snop  }
0x90: {  	(tm) =	ssettm $0x1  }
0x91: {  	s17 =	sld [smem:$0x3FFB];
	_ =	sdelay $0x3  }
0x92: {  	_ =	strace s17  }
0x93: {  	s2 =	sld [smem:$0x3FFC];
	_ =	sdelay $0x3  }
0x94: {  	_ =	strace s2  }
0x95: {  	s2 =	sld [smem:$0x3FFD];
	_ =	sdelay $0x3  }
0x96: {  	_ =	strace s2  }
0x97: {  	_ =	strace $0x8FFFFFFF  }
0x98: {  	s18 =	sld [smem:$0x3FDB];
	_ =	sdelay $0x1  }
0x99: {  	s19 =	simm.s32 $_scs_section_size  }
0x9a: {  	s4 =	simm.s32 $_size__tile_overlayer_lowered;
	s5 =	simm.s32 $_tile_overlayer_lowered  }
0x9b: {  	s22 =	simm.s32 $0x1BFF;
	s21 =	sshll.u32 s5, $0x1;
	s2 =	sadd.s32 s19, s18  }
0x9c: {  	s6 =	simm.s32 $0x0;
	s20 =	sshll.u32 s4, $0x1;
	s4 =	sadd.s32 s21, s2  }
0x9d: {  	[timem:s6], [sflag:s22] =	dma.local [hbm:s4], s20  }
0x9e: {  	_ =	swait.ge [sflag:s22], s20  }
0x9f: {  	s3 =	ssub.s32 $0x0, s20;
	[sflag:s22] =	ssyncset.done $0x0  }
0xa0: {  	[sflag:s22] =	ssyncadd.s32 s3;
	_ =	sdelay $0x1  }
0xa1: {  	s23 =	simm.s32 $0x1B8B  }
0xa2: {  	_ =	swait.ge [sflag:s23], $0x1  }
0xa3: {  	[sflag:s23] =	ssyncset.done $0x0  }
0xa4: {  	s25 =	simm.s32 $0x1B8E;
	s24 =	sld [smem:$0x3FFE];
	[sflag:s23] =	ssyncadd.s32 $0xFFFFFFFF  }
0xa5: {  	s26 =	simm.s32 $execute0_lowered;
	[smem:$0x3FD2] =	sst s25  }
0xa6: {  	s4 =	sshll.u32 s26, $0x1;
	_ =	strace $0x80000049;
	[dreg:$0x1] =	wrdreg $0xFFFFFFFF  }
0xa7: {  	s28 =	simm.s32 $_size_execute0_lowered;
	s2 =	sadd.s32 s2, s4;
	[dreg:$0x0] =	wrdreg $0x0  }
0xa8: {  	s4 =	sshll.u32 s28, $0x1;
	[dreg:$0x2] =	wrdreg s2  }
0xa9: {  	[dreg:$0x3] =	wrdreg s4  }
0xaa: {  	[dreg:$0x4] =	wrdreg $0xC0  }
0xab: {  	_ =	task [dreg:s6], $0x5FFFF  }
0xac: {  	[dreg:$0x1] =	wrdreg $0xFFFFFFFF  }
0xad: {  	[dreg:$0x0] =	wrdreg $0x60  }
0xae: {  	[dreg:$0x2] =	wrdreg s24  }
0xaf: {  	[dreg:$0x3] =	wrdreg $0x22000  }
0xb0: {  	[dreg:$0x4] =	wrdreg $0x9  }
0xb1: {  	_ =	task.clear_ibuf [dreg:s6], $0x5FFFF;
	_ =	strace $0x90000049  }
0xb2: {  	s29 =	simm.s32 $0x9;
	_ =	strace $0x8000004B  }
0xb3: {  	_ =	swait.ge [sflag:s29], $0x1  }
0xb4: {  	[sflag:s29] =	ssyncadd.s32 $0xFFFFFFFF  }
0xb5: {  	_ =	strace $0x9000004B  }
0xb6: {  	_ =	sfence  }
0xb7: {  	s30 =	sld [smem:$0x0];
	_ =	sdelay $0x2  }
0xb8: {  	s31 =	sshll.u32 s1, $0xD;
	s1 =	sshrl.u32 s1, $0x2  }
0xb9: {  	s3 =	sand.u32 $0x4000, s31;
	s1 =	sadd.s32 s1, s30  }
0xba: {  	s0 =	sor.u32 s3, s0;
	s1 =	sshll.u32 s1, $0x11  }
0xbb: {  	s0 =	sor.u32 s1, s0  }
0xbc: {  	s0 =	sadd.s32 $0x8F2B, s0  }
0xbd: {  	[sflag:s0] =	ssyncadd.remote.s32 $0x1  }
0xbe: {  	_ =	sfence.sel $0xFFFF  }
0xbf: {  	[dreg:$0x0] =	wrdreg $0xFFFFFFFF;
	(pc) =	sbr.abs _section_cstart, $3  }
0xc0: {  	[dreg:$0x1] =	wrdreg $0xFFFFFFFF  }
0xc1: {  	_ =	task.clear_ibuf [dreg:s6], $0x2FFFF;
	_ =	strace $0x9FFFFFFF  }
0xc2: {  	(tm) =	ssettm $0x7FFFFFFF  }
0xc3: {  	_ =	shalt  }
tec
execute0_lowered:
.L_overlay_start_1:
0x0: {  	(tag) =	ssettag $0x1  }
0x1: {  	s0 =	rddreg [dreg:$0x0]  }
0x2: {  	s1 =	rddreg [dreg:$0x1]  }
0x3: {  	s2 =	simm.s32 $0x0;
	s5 =	srdreg.scid;
	s14 =	stileid.u32  }
0x4: {  	s19 =	simm.s32 $0x1200;
	s28 =	simm.s32 $0x2;
	s29 =	simm.s32 $0xA00  }
0x5: {  	s30 =	simm.s32 $0x1A00;
	s31 =	simm.s32 $0x3;
	[smem:$0x7FF] =	sst s2  }
0x6: {  	s3 =	sadd.s32 $0x37000, s0;
	s4 =	sadd.s32 $0x1A0E400, s0;
	s6 =	sadd.s32 $0xFB000, s0  }
0x7: {  	s7 =	sadd.s32 $0xCA000, s0;
	s5 =	sand.u32 $0x1, s5;
	s10 =	smul.u32 $0x1880, s14  }
0x8: {  	s25 =	smul.u32 $0x31000, s14;
	_ =	strace $0x8000004A;
	s9 =	sshll.u32 s5, $0x4  }
0x9: {  	s8 =	smul.u32 $0x18800, s5;
	s5 =	ssub.s32 $0x2, s5;
	s9 =	sor.u32 s14, s9  }
0xa: {  	s20 =	sshrl.u32 s5, $0x1;
	s26 =	sshrl.u32 s25, $0x2;
	s11 =	smul.u32 $0x1880, s9  }
0xb: {  	s25 =	simm.s32 $0x1;
	s0 =	sadd.s32 s8, s0;
	s12 =	smul.u32 $0x188, s9  }
0xc: {  	s5 =	ssub.s32 s5, s20;
	s9 =	smul.u32 $0x18800, s9;
	s18 =	sadd.s32 s26, s1  }
0xd: {  	s20 =	simm.s32 $0x5;
	s26 =	simm.s32 $0x0;
	s21 =	sadd.s32 s10, s0  }
0xe: {  	s0 =	sadd.s32 $0x4F800, s0;
	s5 =	smax.u32 s5, $0x1;
	s13 =	sadd.s32 s6, s11  }
0xf: {  	s22 =	sor.u32 $0x10, s11;
	s11 =	sadd.s32 s7, s11;
	[dreg:$0x8] =	wrdreg s5  }
0x10: {  	s9 =	sadd.s32 s4, s9;
	s14 =	sor.u32 $0x2, s12;
	[dreg:$0x3] =	wrdreg s13  }
0x11: {  	s15 =	sor.u32 $0x3, s12;
	s17 =	sadd.s32 $0x6000, s21;
	[dreg:$0x4] =	wrdreg s11  }
0x12: {  	s21 =	simm.s32 $0x100;
	s23 =	sadd.s32 s6, s22;
	[dreg:$0x7] =	wrdreg s9  }
0x13: {  	s5 =	simm.s32 $0x0;
	s24 =	sadd.s32 s7, s22;
	[dreg:$0x5] =	wrdreg s23  }
0x14: {  	s13 =	sor.u32 $0x1, s12;
	s22 =	simm.s32 $0x80;
	[dreg:$0x6] =	wrdreg s24  }
0x15: {  	s23 =	simm.s32 $0x180;
	s24 =	sadd.s32 s0, s10;
	s0 =	simm.s32 $0x4  }
.LBB2_1:
0x16: {  	s8 =	sadd.s32 $0x0, s17  }
0x17: {  	[tilespmem:s19], [sflag:$0x5] =	stream.linear.gather [hbm4b:s8+s2], $0x700, $0x38;
	[tilespmem:$0xE600] =	vst v63  }
0x18: {  	_ =	swait.ge [sflag:s20], $0x700  }
0x19: {  	[sflag:s20] =	ssyncset.done $0x0  }
0x1a: {  	[sflag:s20] =	ssyncadd.s32 $0xFFFFF900  }
0x1b: {  	[spmem:s18] =	stream.linear.scatter [tilespmem:s19], [sflag:$0x5], $0x700, $0x38;
	[tilespmem:$0xE600] =	vst v63  }
0x1c: {  	s9 =	simm.s32 $0xE0;
	_ =	swait.ge [sflag:s20], $0x700  }
0x1d: {  	s10 =	simm.s32 $0x1C0;
	s8 =	sadd.s32 $0x700, s18;
	[sflag:s20] =	ssyncset.done $0x0  }
.LBB2_2:
0x1e: {  	s11 =	sadd.s32 s9, s17  }
0x1f: {  	[sflag:s20] =	ssyncadd.s32 $0xFFFFF900;
	s9 =	smov.u32 s10;
	s12 =	sadd.s32 $0xE0, s10  }
0x20: {  	[tilespmem:s19], [sflag:$0x5] =	stream.linear.gather [hbm4b:s11+s2], $0x700, $0x38;
	[tilespmem:$0xE600] =	vst v63  }
0x21: {  	p0 =	sne.s32 s10, $0x17A0;
	_ =	swait.ge [sflag:s20], $0x700  }
.Ltmp0:
0x22: {  	[sflag:s20] =	ssyncset.done $0x0;
	(pc) =	sbr.rel @p0 .LBB2_2-.Ltmp0, $4  }
0x23: {  	[sflag:s20] =	ssyncadd.s32 $0xFFFFF900  }
0x24: {  	[spmem:s8] =	stream.linear.scatter [tilespmem:s19], [sflag:$0x5], $0x700, $0x38;
	[tilespmem:$0xE600] =	vst v63  }
0x25: {  	_ =	swait.ge [sflag:s20], $0x700  }
0x26: {  	s10 =	smov.u32 s12;
	s8 =	sadd.s32 $0x700, s8;
	[sflag:s20] =	ssyncset.done $0x0  }
0x27: {  	s9 =	sadd.s32 s9, s17;
	[sflag:s20] =	ssyncadd.s32 $0xFFFFF900  }
0x28: {  	[tilespmem:s19], [sflag:$0x5] =	stream.linear.gather [hbm4b:s9+s2], $0x700, $0x38;
	[tilespmem:$0xE600] =	vst v63  }
0x29: {  	_ =	swait.ge [sflag:s20], $0x700  }
0x2a: {  	[sflag:s20] =	ssyncset.done $0x0  }
0x2b: {  	[sflag:s20] =	ssyncadd.s32 $0xFFFFF900  }
0x2c: {  	[spmem:s8] =	stream.linear.scatter [tilespmem:s19], [sflag:$0x5], $0x700, $0x38;
	[tilespmem:$0xE600] =	vst v63  }
0x2d: {  	_ =	swait.ge [sflag:s20], $0x700  }
0x2e: {  	[sflag:s20] =	ssyncset.done $0x0  }
0x2f: {  	[sflag:s20] =	ssyncadd.s32 $0xFFFFF900  }
0x30: {  	[bflag:$0x0] =	sbarrier.arrive $0xFFFF  }
0x31: {  	s16 =	rddreg [dreg:$0x3]  }
0x32: {  	[tilespmem:s26], [sflag:$0x1] =	stream.linear.gather [hbm4b:s16+s26], $0x80, $0x38;
	[tilespmem:$0xE600] =	vst v63  }
0x33: {  	s9 =	rddreg [dreg:$0x4]  }
0x34: {  	[tilespmem:s21], [sflag:$0x1] =	stream.linear.gather [hbm4b:s9+s26], $0x80, $0x38;
	[tilespmem:$0xE600] =	vst v63  }
0x35: {  	s10 =	rddreg [dreg:$0x5]  }
0x36: {  	[tilespmem:s22], [sflag:$0x2] =	stream.linear.gather [hbm4b:s10+s26], $0x80, $0x38;
	[tilespmem:$0xE600] =	vst v63  }
0x37: {  	s11 =	rddreg [dreg:$0x6]  }
0x38: {  	[tilespmem:s23], [sflag:$0x2] =	stream.linear.gather [hbm4b:s11+s26], $0x80, $0x38;
	[tilespmem:$0xE600] =	vst v63  }
0x39: {  	_ =	swait.ge [sflag:s25], $0x80  }
0x3a: {  	[sflag:s25] =	ssyncset.done $0x0  }
0x3b: {  	[sflag:s25] =	ssyncadd.s32 $0xFFFFFF80  }
0x3c: {  	_ =	swait.ge [sflag:s25], $0x80  }
0x3d: {  	[sflag:s25] =	ssyncset.done $0x0  }
0x3e: {  	s16 =	simm.s32 $0x200;
	s12 =	rddreg [dreg:$0x7];
	[sflag:s25] =	ssyncadd.s32 $0xFFFFFF80  }
0x3f: {  	[tilespmem:s16], [sflag:$0x3] =	stream.linear.gather [hbm4b:s12+s26], $0x800, $0x38;
	[tilespmem:$0xE600] =	vst v63  }
0x40: {  	s8 =	simm.s32 $0x0  }
0x41: {  	[tilespmem:s19], [sflag:$0x3] =	stream.indirect.gather [hbm4b:s3+s22], $0x10, s26, s22, $0xb8;
	[tilespmem:$0xE600] =	vst v63  }
.LBB2_4:
0x42: {  	_ =	swait.ge [sflag:s28], $0x80  }
0x43: {  	s9 =	sshll.u32 s8, $0x1;
	[sflag:s28] =	ssyncset.done $0x0  }
0x44: {  	s10 =	sadd.s32 s9, s13;
	[sflag:s28] =	ssyncadd.s32 $0xFFFFFF80  }
0x45: {  	s10 =	sshll.u32 s10, $0x8;
	_ =	swait.ge [sflag:s28], $0x80  }
0x46: {  	s10 =	sand.u32 $0x1FFFFF00, s10;
	[sflag:s28] =	ssyncset.done $0x0  }
0x47: {  	s10 =	sadd.s32 s4, s10;
	[sflag:s28] =	ssyncadd.s32 $0xFFFFFF80  }
0x48: {  	[tilespmem:s29], [sflag:$0x4] =	stream.linear.gather [hbm4b:s10+s26], $0x800, $0x38;
	[tilespmem:$0xE600] =	vst v63  }
0x49: {  	_ = 	snop  }
0x4a: {  	[tilespmem:s30], [sflag:$0x4] =	stream.indirect.gather [hbm4b:s3+s22], $0x10, s22, s22, $0xb8;
	[tilespmem:$0xE600] =	vst v63  }
0x4b: {  	_ =	swait.ge [sflag:s31], $0x800  }
0x4c: {  	[sflag:s31] =	ssyncset.done $0x0  }
0x4d: {  	[sflag:s31] =	ssyncadd.s32 $0xFFFFF800  }
0x4e: {  	_ =	swait.ge [sflag:s31], $0x800  }
0x4f: {  	[sflag:s31] =	ssyncset.done $0x0  }
0x50: {  	s10 =	simm.s32 $0x0;
	[sflag:s31] =	ssyncadd.s32 $0xFFFFF800  }
0x51: {  	v0 =	vld [tilespmem:s10+$0x250]  }
0x52: {  	v1 =	vld [tilespmem:s10+$0x240]  }
0x53: {  	v2 =	vld [tilespmem:s10+$0x1250]  }
0x54: {  	v3 =	vld [tilespmem:s10+$0x230]  }
0x55: {  	v4 =	vld [tilespmem:s10+$0x200]  }
0x56: {  	v5 =	vld [tilespmem:s10+$0x210]  }
0x57: {  	v6 =	vld [tilespmem:s10+$0x1240]  }
0x58: {  	v7 =	vld [tilespmem:s10+$0x1230];
	v0 =	vadd.f32 v0, v2  }
0x59: {  	v9 =	vld [tilespmem:s10+$0x270]  }
0x5a: {  	v2 =	vld [tilespmem:s10+$0x1210];
	v0 =	vadd.f32 v0, v0  }
0x5b: {  	v10 =	vld [tilespmem:s10+$0x1270]  }
0x5c: {  	v59 =	vld [tilespmem:s10+$0x1200];
	v1 =	vadd.f32 v1, v6;
	v0 =	vmul.f32 $1.442695020e+00, v0  }
0x5d: {  	v8 =	vld [tilespmem:s10+$0x220]  }
0x5e: {  	v60 =	vld [tilespmem:s10+$0x1220];
	v3 =	vadd.f32 v3, v7;
	(erf) = vpow2.f32 v0;
	v0 =	vadd.f32 v1, v1  }
0x5f: {  	v61 =	vld [tilespmem:s10+$0x1260];
	v2 =	vadd.f32 v5, v2  }
0x60: {  	v9 =	vadd.f32 v9, v10;
	v3 =	vadd.f32 v3, v3;
	v1 =	vld [tilespmem:s10+$0x260];
	v0 =	vmul.f32 $1.442695020e+00, v0  }
0x61: {  	v4 =	vadd.f32 v4, v59;
	v2 =	vadd.f32 v2, v2  }
0x62: {  	v62 =	vadd.f32 v9, v9;
	v3 =	vmul.f32 $1.442695020e+00, v3;
	(erf) = vpow2.f32 v0  }
0x63: {  	v2 =	vmul.f32 $1.442695020e+00, v2;
	v0 =	vadd.f32 v8, v60  }
0x64: {  	v63 =	vmul.f32 $1.442695020e+00, v62;
	(erf) = vpow2.f32 v3;
	v3 =	vadd.f32 v4, v4  }
0x65: {  	v1 =	vadd.f32 v1, v61;
	v0 =	vadd.f32 v0, v0;
	(erf) = vpow2.f32 v2  }
0x66: {  	v2 =	vmul.f32 $1.442695020e+00, v3  }
0x67: {  	v1 =	vadd.f32 v1, v1;
	(erf) = vpow2.f32 v63;
	v0 =	vmul.f32 $1.442695020e+00, v0  }
0x68: {  	v3 =	vpop (erf)  }
0x69: {  	(erf) = vpow2.f32 v2;
	v1 =	vmul.f32 $1.442695020e+00, v1;
	v3 =	vadd.f32 $1.000000000e+00, v3  }
0x6a: {  	(erf) = vpow2.f32 v0  }
0x6b: {  	(erf) = vrcp.f32 v3;
	v0 =	vpop (erf)  }
0x6c: {  	(erf) = vpow2.f32 v1;
	v0 =	vadd.f32 $1.000000000e+00, v0  }
0x6d: {  	v1 =	vpop (erf)  }
0x6e: {  	v1 =	vadd.f32 $1.000000000e+00, v1;
	v2 =	vpop (erf)  }
0x6f: {  	v2 =	vadd.f32 $1.000000000e+00, v2  }
0x70: {  	(erf) = vrcp.f32 v0;
	v0 =	vpop (erf)  }
0x71: {  	(erf) = vrcp.f32 v1;
	v0 =	vadd.f32 $1.000000000e+00, v0  }
0x72: {  	v1 =	vpop (erf);
	(erf) = vrcp.f32 v2  }
0x73: {  	v1 =	vadd.f32 $1.000000000e+00, v1;
	v2 =	vpop (erf)  }
0x74: {  	v2 =	vadd.f32 $1.000000000e+00, v2;
	v3 =	vpop (erf);
	(erf) = vrcp.f32 v0  }
0x75: {  	(erf) = vrcp.f32 v1;
	v0 =	vpop (erf)  }
0x76: {  	s11 =	simm.s32 $0x200;
	s12 =	simm.s32 $0x400;
	v1 =	vadd.f32 v3, v3;
	(erf) = vrcp.f32 v2;
	v0 =	vadd.f32 $1.000000000e+00, v0  }
.LBB2_5:
0x77: {  	p0 =	sne.s32 s12, $0x1E00  }
0x78: {  	s16 =	sshra.s32 s11, $0x2;
	v4 =	vsub.f32 $1.000000000e+00, v1;
	s11 =	smov.u32 s12;
	s12 =	sadd.s32 $0x200, s12  }
0x79: {  	v2 =	vld [tilespmem:s16+$0x250];
	v3 =	vpop (erf);
	(erf) = vrcp.f32 v0  }
0x7a: {  	v0 =	vld [tilespmem:s16+$0x240];
	v3 =	vadd.f32 v3, v3;
	[tilespmem:s10+$0x1250] =	vst v4;
	v1 =	vpop (erf)  }
0x7b: {  	v4 =	vld [tilespmem:s16+$0x1250];
	v1 =	vadd.f32 v1, v1;
	v5 =	vpop (erf)  }
0x7c: {  	v6 =	vld [tilespmem:s16+$0x230];
	v5 =	vadd.f32 v5, v5;
	v9 =	vsub.f32 $1.000000000e+00, v3  }
0x7d: {  	v7 =	vld [tilespmem:s16+$0x200];
	v1 =	vsub.f32 $1.000000000e+00, v1  }
0x7e: {  	v8 =	vld [tilespmem:s16+$0x210];
	v5 =	vsub.f32 $1.000000000e+00, v5;
	[tilespmem:s10+$0x1240] =	vst v9;
	v3 =	vpop (erf)  }
0x7f: {  	v9 =	vld [tilespmem:s16+$0x1240];
	[tilespmem:s10+$0x1230] =	vst v1;
	v1 =	vadd.f32 v3, v3;
	v3 =	vpop (erf)  }
0x80: {  	v10 =	vld [tilespmem:s16+$0x1230];
	v2 =	vadd.f32 v2, v4;
	v3 =	vadd.f32 v3, v3;
	[tilespmem:s10+$0x1210] =	vst v5;
	v4 =	vpop (erf)  }
0x81: {  	v5 =	vld [tilespmem:s16+$0x1210];
	v4 =	vadd.f32 v4, v4;
	v1 =	vsub.f32 $1.000000000e+00, v1  }
0x82: {  	v11 =	vld [tilespmem:s16+$0x220];
	v2 =	vadd.f32 v2, v2;
	v3 =	vsub.f32 $1.000000000e+00, v3;
	v12 =	vpop (erf)  }
0x83: {  	v13 =	vld [tilespmem:s16+$0x270];
	v4 =	vsub.f32 $1.000000000e+00, v4;
	v12 =	vadd.f32 v12, v12;
	[tilespmem:s10+$0x1270] =	vst v1  }
0x84: {  	v0 =	vadd.f32 v0, v9;
	v1 =	vmul.f32 $1.442695020e+00, v2;
	v2 =	vld [tilespmem:s16+$0x1270];
	[tilespmem:s10+$0x1200] =	vst v3  }
0x85: {  	v3 =	vld [tilespmem:s16+$0x1200];
	v6 =	vadd.f32 v6, v10;
	[tilespmem:s10+$0x1220] =	vst v4;
	v4 =	vsub.f32 $1.000000000e+00, v12  }
0x86: {  	v5 =	vadd.f32 v8, v5;
	v8 =	vld [tilespmem:s16+$0x1220];
	v0 =	vadd.f32 v0, v0;
	(erf) = vpow2.f32 v1  }
0x87: {  	v1 =	vadd.f32 v6, v6;
	v6 =	vld [tilespmem:s16+$0x260];
	[tilespmem:s10+$0x1260] =	vst v4;
	s10 =	smov.u32 s16  }
0x88: {  	v4 =	vadd.f32 v5, v5;
	v0 =	vmul.f32 $1.442695020e+00, v0;
	v5 =	vld [tilespmem:s10+$0x1260]  }
0x89: {  	v1 =	vmul.f32 $1.442695020e+00, v1;
	v2 =	vadd.f32 v13, v2  }
0x8a: {  	v3 =	vadd.f32 v7, v3;
	v4 =	vmul.f32 $1.442695020e+00, v4;
	(erf) = vpow2.f32 v0  }
0x8b: {  	v0 =	vadd.f32 v11, v8;
	v2 =	vadd.f32 v2, v2;
	(erf) = vpow2.f32 v1  }
0x8c: {  	v1 =	vadd.f32 v3, v3;
	(erf) = vpow2.f32 v4  }
0x8d: {  	v0 =	vadd.f32 v0, v0;
	v3 =	vadd.f32 v6, v5;
	v2 =	vmul.f32 $1.442695020e+00, v2  }
0x8e: {  	v1 =	vmul.f32 $1.442695020e+00, v1  }
0x8f: {  	v0 =	vmul.f32 $1.442695020e+00, v0;
	v3 =	vadd.f32 v3, v3;
	v4 =	vpop (erf);
	(erf) = vpow2.f32 v2  }
0x90: {  	v2 =	vadd.f32 $1.000000000e+00, v4;
	(erf) = vpow2.f32 v1  }
0x91: {  	v3 =	vmul.f32 $1.442695020e+00, v3;
	(erf) = vpow2.f32 v0  }
0x92: {  	(erf) = vrcp.f32 v2  }
0x93: {  	v0 =	vpop (erf);
	(erf) = vpow2.f32 v3  }
0x94: {  	v0 =	vadd.f32 $1.000000000e+00, v0;
	v1 =	vpop (erf)  }
0x95: {  	v1 =	vadd.f32 $1.000000000e+00, v1;
	v2 =	vpop (erf)  }
0x96: {  	v2 =	vadd.f32 $1.000000000e+00, v2;
	(erf) = vrcp.f32 v0  }
0x97: {  	(erf) = vrcp.f32 v1  }
0x98: {  	(erf) = vrcp.f32 v2;
	v0 =	vpop (erf)  }
.Ltmp1:
0x99: {  	v4 =	vadd.f32 $1.000000000e+00, v0;
	v1 =	vpop (erf);
	(pc) =	sbr.rel @p0 .LBB2_5-.Ltmp1, $4  }
0x9a: {  	v2 =	vadd.f32 $1.000000000e+00, v1;
	v1 =	vpop (erf)  }
0x9b: {  	v3 =	vadd.f32 $1.000000000e+00, v1;
	v1 =	vpop (erf);
	(erf) = vrcp.f32 v4  }
0x9c: {  	v1 =	vadd.f32 v1, v1;
	(erf) = vrcp.f32 v2;
	v0 =	vpop (erf)  }
0x9d: {  	v0 =	vadd.f32 $1.000000000e+00, v0;
	(erf) = vrcp.f32 v3  }
0x9e: {  	s11 =	sshra.s32 s11, $0x2;
	v1 =	vsub.f32 $1.000000000e+00, v1  }
0x9f: {  	v2 =	vld [tilespmem:s11+$0x250];
	v4 =	vpop (erf)  }
0xa0: {  	v3 =	vld [tilespmem:s11+$0x240];
	[tilespmem:s10+$0x1250] =	vst v1;
	v1 =	vadd.f32 v4, v4;
	v5 =	vpop (erf)  }
0xa1: {  	v39 =	vld [tilespmem:s11+$0x1250];
	v8 =	vpop (erf)  }
0xa2: {  	v6 =	vld [tilespmem:s11+$0x230];
	v1 =	vsub.f32 $1.000000000e+00, v1;
	v8 =	vadd.f32 v8, v8  }
0xa3: {  	(erf) = vrcp.f32 v0;
	v5 =	vadd.f32 v5, v5;
	v7 =	vld [tilespmem:s11+$0x200]  }
0xa4: {  	v9 =	vld [tilespmem:s11+$0x210];
	[tilespmem:s10+$0x1240] =	vst v1;
	v1 =	vsub.f32 $1.000000000e+00, v8  }
0xa5: {  	v5 =	vsub.f32 $1.000000000e+00, v5;
	_ =	sdelay $0x1  }
0xa6: {  	v40 =	vpop (erf);
	v0 =	vld [tilespmem:s11+$0x1240];
	[tilespmem:s10+$0x1230] =	vst v5  }
0xa7: {  	v5 =	vadd.f32 v40, v40;
	v41 =	vld [tilespmem:s11+$0x1230];
	[tilespmem:s10+$0x1210] =	vst v1;
	v1 =	vpop (erf)  }
0xa8: {  	v2 =	vadd.f32 v2, v39;
	v1 =	vadd.f32 v1, v1;
	v42 =	vpop (erf)  }
0xa9: {  	v10 =	vld [tilespmem:s11+$0x1210];
	v5 =	vsub.f32 $1.000000000e+00, v5;
	v4 =	vadd.f32 v42, v42  }
0xaa: {  	v11 =	vld [tilespmem:s11+$0x220];
	v1 =	vsub.f32 $1.000000000e+00, v1  }
0xab: {  	v12 =	vld [tilespmem:s11+$0x270];
	v2 =	vadd.f32 v2, v2;
	[tilespmem:s10+$0x1270] =	vst v5;
	v13 =	vpop (erf);
	v4 =	vsub.f32 $1.000000000e+00, v4  }
0xac: {  	v5 =	vld [tilespmem:s11+$0x1270];
	[tilespmem:s10+$0x1200] =	vst v1;
	v1 =	vadd.f32 v13, v13  }
0xad: {  	v2 =	vmul.f32 $1.442695020e+00, v2;
	v0 =	vadd.f32 v3, v0;
	v43 =	vld [tilespmem:s11+$0x1200];
	[tilespmem:s10+$0x1220] =	vst v4  }
0xae: {  	v44 =	vadd.f32 v6, v41;
	v1 =	vsub.f32 $1.000000000e+00, v1;
	v3 =	vld [tilespmem:s11+$0x1220]  }
0xaf: {  	(erf) = vpow2.f32 v2;
	v0 =	vadd.f32 v0, v0  }
0xb0: {  	v4 =	vadd.f32 v44, v44;
	v2 =	vld [tilespmem:s11+$0x260];
	[tilespmem:s10+$0x1260] =	vst v1;
	v1 =	vadd.f32 v9, v10  }
0xb1: {  	v0 =	vmul.f32 $1.442695020e+00, v0;
	v5 =	vadd.f32 v12, v5;
	v45 =	vld [tilespmem:s11+$0x1260]  }
0xb2: {  	v4 =	vmul.f32 $1.442695020e+00, v4;
	v1 =	vadd.f32 v1, v1;
	v7 =	vadd.f32 v7, v43  }
0xb3: {  	(erf) = vpow2.f32 v0;
	v0 =	vadd.f32 v11, v3;
	v3 =	vadd.f32 v5, v5  }
0xb4: {  	v1 =	vmul.f32 $1.442695020e+00, v1  }
0xb5: {  	(erf) = vpow2.f32 v4;
	v46 =	vadd.f32 v7, v7;
	v3 =	vmul.f32 $1.442695020e+00, v3  }
0xb6: {  	v0 =	vadd.f32 v0, v0;
	v2 =	vadd.f32 v2, v45;
	(erf) = vpow2.f32 v1  }
0xb7: {  	v1 =	vmul.f32 $1.442695020e+00, v46;
	(erf) = vpow2.f32 v3  }
0xb8: {  	v47 =	vpop (erf);
	v0 =	vmul.f32 $1.442695020e+00, v0;
	v2 =	vadd.f32 v2, v2  }
0xb9: {  	v3 =	vadd.f32 $1.000000000e+00, v47;
	(erf) = vpow2.f32 v1  }
0xba: {  	(erf) = vpow2.f32 v0;
	v1 =	vmul.f32 $1.442695020e+00, v2  }
0xbb: {  	(erf) = vrcp.f32 v3  }
0xbc: {  	(erf) = vpow2.f32 v1  }
0xbd: {  	v0 =	vpop (erf)  }
0xbe: {  	v0 =	vadd.f32 $1.000000000e+00, v0;
	v1 =	vpop (erf)  }
0xbf: {  	v2 =	vpop (erf);
	v1 =	vadd.f32 $1.000000000e+00, v1  }
0xc0: {  	(erf) = vrcp.f32 v0;
	v3 =	vpop (erf);
	v2 =	vadd.f32 $1.000000000e+00, v2  }
0xc1: {  	(erf) = vrcp.f32 v1;
	v1 =	vadd.f32 $1.000000000e+00, v3  }
0xc2: {  	v0 =	vpop (erf)  }
0xc3: {  	v3 =	vpop (erf)  }
0xc4: {  	(erf) = vrcp.f32 v2;
	v0 =	vadd.f32 $1.000000000e+00, v0;
	v2 =	vpop (erf)  }
0xc5: {  	v3 =	vadd.f32 $1.000000000e+00, v3;
	(erf) = vrcp.f32 v1;
	v1 =	vpop (erf)  }
0xc6: {  	(erf) = vrcp.f32 v0;
	v0 =	vadd.f32 $1.000000000e+00, v1  }
0xc7: {  	(erf) = vrcp.f32 v3  }
0xc8: {  	(erf) = vrcp.f32 v0;
	_ =	sdelay $0x2  }
0xc9: {  	v1 =	vpop (erf);
	v0 =	vadd.f32 v2, v2  }
0xca: {  	v1 =	vadd.f32 v1, v1;
	v2 =	vpop (erf)  }
0xcb: {  	v0 =	vsub.f32 $1.000000000e+00, v0;
	v2 =	vadd.f32 v2, v2;
	v3 =	vpop (erf)  }
0xcc: {  	v1 =	vsub.f32 $1.000000000e+00, v1;
	v3 =	vadd.f32 v3, v3;
	v48 =	vpop (erf)  }
0xcd: {  	[tilespmem:s11+$0x1250] =	vst v0;
	v0 =	vsub.f32 $1.000000000e+00, v2;
	v2 =	vadd.f32 v48, v48;
	v49 =	vpop (erf)  }
0xce: {  	[tilespmem:s11+$0x1240] =	vst v1;
	v3 =	vsub.f32 $1.000000000e+00, v3;
	v1 =	vadd.f32 v49, v49;
	v50 =	vpop (erf)  }
0xcf: {  	[tilespmem:s11+$0x1230] =	vst v0;
	v0 =	vadd.f32 v50, v50;
	v2 =	vsub.f32 $1.000000000e+00, v2;
	v51 =	vpop (erf)  }
0xd0: {  	[tilespmem:s11+$0x1210] =	vst v3;
	v1 =	vsub.f32 $1.000000000e+00, v1;
	v3 =	vadd.f32 v51, v51  }
0xd1: {  	v0 =	vsub.f32 $1.000000000e+00, v0;
	[tilespmem:s11+$0x1270] =	vst v2  }
0xd2: {  	[tilespmem:s11+$0x1200] =	vst v1;
	v1 =	vsub.f32 $1.000000000e+00, v3  }
0xd3: {  	p0 =	seq.s32 s8, $0xC3;
	[tilespmem:s11+$0x1220] =	vst v0  }
0xd4: {  	s10 =	sadd.s32 @!p0 s9, s14;
	[tilespmem:s11+$0x1260] =	vst v1  }
0xd5: {  	[spmem:s1] =	stream.indirect.scatter.add.f32 [tilespmem:s19], [sflag:$0x5], $0x10, s21, s22, $0xb8;
	[tilespmem:$0xE600] =	vst v63  }
0xd6: {  	s11 =	sshll.u32 @!p0 s10, $0x4;
	_ =	swait.ge [sflag:s20], $0x800  }
0xd7: {  	s11 =	sand.u32 @!p0 $0x1FFFFFE0, s11;
	[sflag:s20] =	ssyncset.done $0x0  }
0xd8: {  	s16 =	simm.s32 @!p0 $0x0;
	s12 =	sadd.s32 @!p0 s6, s11;
	[sflag:s20] =	ssyncadd.s32 $0xFFFFF800  }
0xd9: {  	[tilespmem:s16], [sflag:$0x1] =	stream.linear.gather @!p0 [hbm4b:s12+s16], $0x80, $0x38;
	[tilespmem:$0xE600] =	vst v63  }
0xda: {  	s11 =	sadd.s32 @!p0 s7, s11;
	s12 =	simm.s32 @!p0 $0x100  }
0xdb: {  	[tilespmem:s12], [sflag:$0x1] =	stream.linear.gather @!p0 [hbm4b:s11+s16], $0x80, $0x38;
	[tilespmem:$0xE600] =	vst v63  }
0xdc: {  	s11 =	simm.s32 @!p0 $0x1  }
0xdd: {  	_ =	swait.ge @!p0 [sflag:s11], $0x80  }
0xde: {  	[sflag:s11] =	ssyncset.done @!p0 $0x0  }
0xdf: {  	[sflag:s11] =	ssyncadd.s32 @!p0 $0xFFFFFF80  }
0xe0: {  	s10 =	sshll.u32 @!p0 s10, $0x8;
	_ =	swait.ge @!p0 [sflag:s11], $0x80  }
0xe1: {  	s10 =	sand.u32 @!p0 $0x1FFFFE00, s10;
	[sflag:s11] =	ssyncset.done @!p0 $0x0  }
0xe2: {  	s10 =	sadd.s32 @!p0 s4, s10;
	[sflag:s11] =	ssyncadd.s32 @!p0 $0xFFFFFF80;
	s11 =	simm.s32 @!p0 $0x200  }
0xe3: {  	[tilespmem:s11], [sflag:$0x3] =	stream.linear.gather @!p0 [hbm4b:s10+s16], $0x800, $0x38;
	[tilespmem:$0xE600] =	vst v63  }
0xe4: {  	s10 =	simm.s32 @!p0 $0x80;
	s11 =	simm.s32 @!p0 $0x1200  }
0xe5: {  	[tilespmem:s11], [sflag:$0x3] =	stream.indirect.gather @!p0 [hbm4b:s3+s10], $0x10, s16, s10, $0xb8;
	[tilespmem:$0xE600] =	vst v63  }
0xe6: {  	_ =	swait.ge [sflag:s0], $0x800  }
0xe7: {  	[sflag:s0] =	ssyncset.done $0x0  }
0xe8: {  	[sflag:s0] =	ssyncadd.s32 $0xFFFFF800  }
0xe9: {  	_ =	swait.ge [sflag:s0], $0x800  }
0xea: {  	[sflag:s0] =	ssyncset.done $0x0  }
0xeb: {  	s10 =	simm.s32 $0x0;
	[sflag:s0] =	ssyncadd.s32 $0xFFFFF800  }
0xec: {  	v0 =	vld [tilespmem:s10+$0xA50]  }
0xed: {  	v1 =	vld [tilespmem:s10+$0xA40]  }
0xee: {  	v2 =	vld [tilespmem:s10+$0x1A50]  }
0xef: {  	v3 =	vld [tilespmem:s10+$0xA30]  }
0xf0: {  	v52 =	vld [tilespmem:s10+$0xA00]  }
0xf1: {  	v53 =	vld [tilespmem:s10+$0xA10]  }
0xf2: {  	v54 =	vld [tilespmem:s10+$0x1A40]  }
0xf3: {  	v55 =	vld [tilespmem:s10+$0x1A30];
	v0 =	vadd.f32 v0, v2  }
0xf4: {  	v57 =	vld [tilespmem:s10+$0xA70]  }
0xf5: {  	v2 =	vld [tilespmem:s10+$0x1A10];
	v0 =	vadd.f32 v0, v0  }
0xf6: {  	v58 =	vld [tilespmem:s10+$0x1A70]  }
0xf7: {  	v59 =	vld [tilespmem:s10+$0x1A00];
	v1 =	vadd.f32 v1, v54;
	v0 =	vmul.f32 $1.442695020e+00, v0  }
0xf8: {  	v56 =	vld [tilespmem:s10+$0xA20]  }
0xf9: {  	v60 =	vld [tilespmem:s10+$0x1A20];
	v3 =	vadd.f32 v3, v55;
	(erf) = vpow2.f32 v0;
	v0 =	vadd.f32 v1, v1  }
0xfa: {  	v61 =	vld [tilespmem:s10+$0x1A60];
	v2 =	vadd.f32 v53, v2  }
0xfb: {  	v9 =	vadd.f32 v57, v58;
	v3 =	vadd.f32 v3, v3;
	v1 =	vld [tilespmem:s10+$0xA60];
	v0 =	vmul.f32 $1.442695020e+00, v0  }
0xfc: {  	v4 =	vadd.f32 v52, v59;
	v2 =	vadd.f32 v2, v2  }
0xfd: {  	v62 =	vadd.f32 v9, v9;
	v3 =	vmul.f32 $1.442695020e+00, v3;
	(erf) = vpow2.f32 v0  }
0xfe: {  	v2 =	vmul.f32 $1.442695020e+00, v2;
	v0 =	vadd.f32 v56, v60  }
0xff: {  	v63 =	vmul.f32 $1.442695020e+00, v62;
	(erf) = vpow2.f32 v3;
	v3 =	vadd.f32 v4, v4  }
0x100: {  	v1 =	vadd.f32 v1, v61;
	v0 =	vadd.f32 v0, v0;
	(erf) = vpow2.f32 v2  }
0x101: {  	v2 =	vmul.f32 $1.442695020e+00, v3  }
0x102: {  	v1 =	vadd.f32 v1, v1;
	(erf) = vpow2.f32 v63;
	v0 =	vmul.f32 $1.442695020e+00, v0  }
0x103: {  	v3 =	vpop (erf)  }
0x104: {  	(erf) = vpow2.f32 v2;
	v1 =	vmul.f32 $1.442695020e+00, v1;
	v3 =	vadd.f32 $1.000000000e+00, v3  }
0x105: {  	(erf) = vpow2.f32 v0  }
0x106: {  	(erf) = vrcp.f32 v3;
	v0 =	vpop (erf)  }
0x107: {  	(erf) = vpow2.f32 v1;
	v0 =	vadd.f32 $1.000000000e+00, v0  }
0x108: {  	v1 =	vpop (erf)  }
0x109: {  	v1 =	vadd.f32 $1.000000000e+00, v1;
	v2 =	vpop (erf)  }
0x10a: {  	v2 =	vadd.f32 $1.000000000e+00, v2  }
0x10b: {  	(erf) = vrcp.f32 v0;
	v0 =	vpop (erf)  }
0x10c: {  	(erf) = vrcp.f32 v1;
	v0 =	vadd.f32 $1.000000000e+00, v0  }
0x10d: {  	v1 =	vpop (erf);
	(erf) = vrcp.f32 v2  }
0x10e: {  	v1 =	vadd.f32 $1.000000000e+00, v1;
	v2 =	vpop (erf)  }
0x10f: {  	v2 =	vadd.f32 $1.000000000e+00, v2;
	v3 =	vpop (erf);
	(erf) = vrcp.f32 v0  }
0x110: {  	(erf) = vrcp.f32 v1;
	v0 =	vpop (erf)  }
0x111: {  	s12 =	simm.s32 $0x400;
	s11 =	simm.s32 $0x200;
	v1 =	vadd.f32 v3, v3;
	(erf) = vrcp.f32 v2;
	v0 =	vadd.f32 $1.000000000e+00, v0  }
.LBB2_7:
0x112: {  	p1 =	sne.s32 s12, $0x1E00  }
0x113: {  	s16 =	sshra.s32 s11, $0x2;
	v4 =	vsub.f32 $1.000000000e+00, v1;
	s11 =	smov.u32 s12;
	s12 =	sadd.s32 $0x200, s12  }
0x114: {  	v2 =	vld [tilespmem:s16+$0xA50];
	v3 =	vpop (erf);
	(erf) = vrcp.f32 v0  }
0x115: {  	v0 =	vld [tilespmem:s16+$0xA40];
	v3 =	vadd.f32 v3, v3;
	[tilespmem:s10+$0x1A50] =	vst v4;
	v1 =	vpop (erf)  }
0x116: {  	v4 =	vld [tilespmem:s16+$0x1A50];
	v1 =	vadd.f32 v1, v1;
	v5 =	vpop (erf)  }
0x117: {  	v6 =	vld [tilespmem:s16+$0xA30];
	v5 =	vadd.f32 v5, v5;
	v9 =	vsub.f32 $1.000000000e+00, v3  }
0x118: {  	v7 =	vld [tilespmem:s16+$0xA00];
	v1 =	vsub.f32 $1.000000000e+00, v1  }
0x119: {  	v8 =	vld [tilespmem:s16+$0xA10];
	v5 =	vsub.f32 $1.000000000e+00, v5;
	[tilespmem:s10+$0x1A40] =	vst v9;
	v3 =	vpop (erf)  }
0x11a: {  	v9 =	vld [tilespmem:s16+$0x1A40];
	[tilespmem:s10+$0x1A30] =	vst v1;
	v1 =	vadd.f32 v3, v3;
	v3 =	vpop (erf)  }
0x11b: {  	v10 =	vld [tilespmem:s16+$0x1A30];
	v2 =	vadd.f32 v2, v4;
	v3 =	vadd.f32 v3, v3;
	[tilespmem:s10+$0x1A10] =	vst v5;
	v4 =	vpop (erf)  }
0x11c: {  	v5 =	vld [tilespmem:s16+$0x1A10];
	v4 =	vadd.f32 v4, v4;
	v1 =	vsub.f32 $1.000000000e+00, v1  }
0x11d: {  	v11 =	vld [tilespmem:s16+$0xA20];
	v2 =	vadd.f32 v2, v2;
	v3 =	vsub.f32 $1.000000000e+00, v3;
	v12 =	vpop (erf)  }
0x11e: {  	v13 =	vld [tilespmem:s16+$0xA70];
	v4 =	vsub.f32 $1.000000000e+00, v4;
	v12 =	vadd.f32 v12, v12;
	[tilespmem:s10+$0x1A70] =	vst v1  }
0x11f: {  	v0 =	vadd.f32 v0, v9;
	v1 =	vmul.f32 $1.442695020e+00, v2;
	v2 =	vld [tilespmem:s16+$0x1A70];
	[tilespmem:s10+$0x1A00] =	vst v3  }
0x120: {  	v3 =	vld [tilespmem:s16+$0x1A00];
	v6 =	vadd.f32 v6, v10;
	[tilespmem:s10+$0x1A20] =	vst v4;
	v4 =	vsub.f32 $1.000000000e+00, v12  }
0x121: {  	v5 =	vadd.f32 v8, v5;
	v8 =	vld [tilespmem:s16+$0x1A20];
	v0 =	vadd.f32 v0, v0;
	(erf) = vpow2.f32 v1  }
0x122: {  	v1 =	vadd.f32 v6, v6;
	v6 =	vld [tilespmem:s16+$0xA60];
	[tilespmem:s10+$0x1A60] =	vst v4;
	s10 =	smov.u32 s16  }
0x123: {  	v4 =	vadd.f32 v5, v5;
	v0 =	vmul.f32 $1.442695020e+00, v0;
	v5 =	vld [tilespmem:s10+$0x1A60]  }
0x124: {  	v1 =	vmul.f32 $1.442695020e+00, v1;
	v2 =	vadd.f32 v13, v2  }
0x125: {  	v3 =	vadd.f32 v7, v3;
	v4 =	vmul.f32 $1.442695020e+00, v4;
	(erf) = vpow2.f32 v0  }
0x126: {  	v0 =	vadd.f32 v11, v8;
	v2 =	vadd.f32 v2, v2;
	(erf) = vpow2.f32 v1  }
0x127: {  	v1 =	vadd.f32 v3, v3;
	(erf) = vpow2.f32 v4  }
0x128: {  	v0 =	vadd.f32 v0, v0;
	v3 =	vadd.f32 v6, v5;
	v2 =	vmul.f32 $1.442695020e+00, v2  }
0x129: {  	v1 =	vmul.f32 $1.442695020e+00, v1  }
0x12a: {  	v0 =	vmul.f32 $1.442695020e+00, v0;
	v3 =	vadd.f32 v3, v3;
	v4 =	vpop (erf);
	(erf) = vpow2.f32 v2  }
0x12b: {  	v2 =	vadd.f32 $1.000000000e+00, v4;
	(erf) = vpow2.f32 v1  }
0x12c: {  	v3 =	vmul.f32 $1.442695020e+00, v3;
	(erf) = vpow2.f32 v0  }
0x12d: {  	(erf) = vrcp.f32 v2  }
0x12e: {  	v0 =	vpop (erf);
	(erf) = vpow2.f32 v3  }
0x12f: {  	v0 =	vadd.f32 $1.000000000e+00, v0;
	v1 =	vpop (erf)  }
0x130: {  	v1 =	vadd.f32 $1.000000000e+00, v1;
	v2 =	vpop (erf)  }
0x131: {  	v2 =	vadd.f32 $1.000000000e+00, v2;
	(erf) = vrcp.f32 v0  }
0x132: {  	(erf) = vrcp.f32 v1  }
0x133: {  	(erf) = vrcp.f32 v2;
	v0 =	vpop (erf)  }
.Ltmp2:
0x134: {  	v4 =	vadd.f32 $1.000000000e+00, v0;
	v1 =	vpop (erf);
	(pc) =	sbr.rel @p1 .LBB2_7-.Ltmp2, $4  }
0x135: {  	v2 =	vadd.f32 $1.000000000e+00, v1;
	v1 =	vpop (erf)  }
0x136: {  	v3 =	vadd.f32 $1.000000000e+00, v1;
	v1 =	vpop (erf);
	(erf) = vrcp.f32 v4  }
0x137: {  	v1 =	vadd.f32 v1, v1;
	(erf) = vrcp.f32 v2;
	v0 =	vpop (erf)  }
0x138: {  	v0 =	vadd.f32 $1.000000000e+00, v0;
	(erf) = vrcp.f32 v3  }
0x139: {  	s11 =	sshra.s32 s11, $0x2;
	v1 =	vsub.f32 $1.000000000e+00, v1  }
0x13a: {  	v2 =	vld [tilespmem:s11+$0xA50];
	v4 =	vpop (erf);
	(erf) = vrcp.f32 v0  }
0x13b: {  	v3 =	vld [tilespmem:s11+$0xA40];
	[tilespmem:s10+$0x1A50] =	vst v1;
	v18 =	vadd.f32 v4, v4;
	v5 =	vpop (erf)  }
0x13c: {  	v19 =	vld [tilespmem:s11+$0x1A50];
	v5 =	vadd.f32 v5, v5;
	v8 =	vpop (erf)  }
0x13d: {  	v6 =	vld [tilespmem:s11+$0xA30];
	v1 =	vsub.f32 $1.000000000e+00, v18;
	v8 =	vadd.f32 v8, v8  }
0x13e: {  	v7 =	vld [tilespmem:s11+$0xA00];
	v5 =	vsub.f32 $1.000000000e+00, v5  }
0x13f: {  	v9 =	vld [tilespmem:s11+$0xA10];
	[tilespmem:s10+$0x1A40] =	vst v1;
	v21 =	vsub.f32 $1.000000000e+00, v8;
	v22 =	vpop (erf)  }
0x140: {  	v20 =	vld [tilespmem:s11+$0x1A40];
	[tilespmem:s10+$0x1A30] =	vst v5;
	v5 =	vadd.f32 v22, v22;
	v24 =	vpop (erf)  }
0x141: {  	v23 =	vld [tilespmem:s11+$0x1A30];
	[tilespmem:s10+$0x1A10] =	vst v21;
	v1 =	vadd.f32 v24, v24;
	v2 =	vadd.f32 v2, v19;
	v25 =	vpop (erf)  }
0x142: {  	v10 =	vld [tilespmem:s11+$0x1A10];
	v5 =	vsub.f32 $1.000000000e+00, v5;
	v4 =	vadd.f32 v25, v25  }
0x143: {  	v11 =	vld [tilespmem:s11+$0xA20];
	v1 =	vsub.f32 $1.000000000e+00, v1;
	v2 =	vadd.f32 v2, v2;
	v13 =	vpop (erf)  }
0x144: {  	v12 =	vld [tilespmem:s11+$0xA70];
	[tilespmem:s10+$0x1A70] =	vst v5;
	v4 =	vsub.f32 $1.000000000e+00, v4;
	v26 =	vadd.f32 v13, v13  }
0x145: {  	v5 =	vld [tilespmem:s11+$0x1A70];
	[tilespmem:s10+$0x1A00] =	vst v1;
	v2 =	vmul.f32 $1.442695020e+00, v2  }
0x146: {  	v0 =	vadd.f32 v3, v20;
	v27 =	vld [tilespmem:s11+$0x1A00];
	[tilespmem:s10+$0x1A20] =	vst v4;
	v1 =	vsub.f32 $1.000000000e+00, v26  }
0x147: {  	v29 =	vadd.f32 v6, v23;
	v28 =	vld [tilespmem:s11+$0x1A20];
	(erf) = vpow2.f32 v2  }
0x148: {  	v30 =	vld [tilespmem:s11+$0xA60];
	v0 =	vadd.f32 v0, v0;
	[tilespmem:s10+$0x1A60] =	vst v1  }
0x149: {  	v31 =	vadd.f32 v9, v10;
	v4 =	vadd.f32 v29, v29;
	v32 =	vld [tilespmem:s11+$0x1A60]  }
0x14a: {  	v0 =	vmul.f32 $1.442695020e+00, v0;
	v5 =	vadd.f32 v12, v5  }
0x14b: {  	v1 =	vadd.f32 v31, v31;
	v4 =	vmul.f32 $1.442695020e+00, v4;
	v7 =	vadd.f32 v7, v27  }
0x14c: {  	(erf) = vpow2.f32 v0;
	v33 =	vadd.f32 v11, v28;
	v34 =	vadd.f32 v5, v5  }
0x14d: {  	v1 =	vmul.f32 $1.442695020e+00, v1;
	(erf) = vpow2.f32 v4;
	v35 =	vadd.f32 v7, v7  }
0x14e: {  	v0 =	vadd.f32 v33, v33;
	v2 =	vadd.f32 v30, v32;
	v3 =	vmul.f32 $1.442695020e+00, v34  }
0x14f: {  	(erf) = vpow2.f32 v1;
	v36 =	vmul.f32 $1.442695020e+00, v35  }
0x150: {  	v0 =	vmul.f32 $1.442695020e+00, v0;
	v2 =	vadd.f32 v2, v2;
	v37 =	vpop (erf);
	(erf) = vpow2.f32 v3  }
0x151: {  	v38 =	vadd.f32 $1.000000000e+00, v37;
	(erf) = vpow2.f32 v36  }
0x152: {  	v39 =	vmul.f32 $1.442695020e+00, v2;
	(erf) = vpow2.f32 v0  }
0x153: {  	(erf) = vrcp.f32 v38  }
0x154: {  	(erf) = vpow2.f32 v39;
	_ =	sdelay $0x1  }
0x155: {  	v40 =	vpop (erf)  }
0x156: {  	v41 =	vpop (erf)  }
0x157: {  	v0 =	vadd.f32 $1.000000000e+00, v40;
	v42 =	vpop (erf)  }
0x158: {  	v1 =	vadd.f32 $1.000000000e+00, v41;
	v43 =	vpop (erf)  }
0x159: {  	v2 =	vadd.f32 $1.000000000e+00, v42;
	(erf) = vrcp.f32 v0;
	v44 =	vpop (erf)  }
0x15a: {  	(erf) = vrcp.f32 v1;
	v45 =	vadd.f32 $1.000000000e+00, v43;
	v46 =	vpop (erf)  }
0x15b: {  	(erf) = vrcp.f32 v2;
	v0 =	vadd.f32 $1.000000000e+00, v44;
	v47 =	vpop (erf)  }
0x15c: {  	v3 =	vadd.f32 $1.000000000e+00, v46;
	(erf) = vrcp.f32 v45;
	v48 =	vpop (erf)  }
0x15d: {  	(erf) = vrcp.f32 v0;
	v49 =	vadd.f32 $1.000000000e+00, v48  }
0x15e: {  	(erf) = vrcp.f32 v3  }
0x15f: {  	(erf) = vrcp.f32 v49;
	_ =	sdelay $0x2  }
0x160: {  	v50 =	vadd.f32 v47, v47;
	v51 =	vpop (erf)  }
0x161: {  	v1 =	vadd.f32 v51, v51;
	v52 =	vpop (erf)  }
0x162: {  	v0 =	vsub.f32 $1.000000000e+00, v50;
	v2 =	vadd.f32 v52, v52;
	v53 =	vpop (erf)  }
0x163: {  	v3 =	vadd.f32 v53, v53;
	v1 =	vsub.f32 $1.000000000e+00, v1;
	v54 =	vpop (erf)  }
0x164: {  	[tilespmem:s11+$0x1A50] =	vst v0;
	v55 =	vsub.f32 $1.000000000e+00, v2;
	v56 =	vadd.f32 v54, v54;
	v57 =	vpop (erf)  }
0x165: {  	v3 =	vsub.f32 $1.000000000e+00, v3;
	[tilespmem:s11+$0x1A40] =	vst v1;
	v58 =	vadd.f32 v57, v57;
	v59 =	vpop (erf)  }
0x166: {  	[tilespmem:s11+$0x1A30] =	vst v55;
	v60 =	vadd.f32 v59, v59;
	v2 =	vsub.f32 $1.000000000e+00, v56;
	v61 =	vpop (erf)  }
0x167: {  	[tilespmem:s11+$0x1A10] =	vst v3;
	v1 =	vsub.f32 $1.000000000e+00, v58;
	v62 =	vadd.f32 v61, v61  }
0x168: {  	v0 =	vsub.f32 $1.000000000e+00, v60;
	[tilespmem:s11+$0x1A70] =	vst v2  }
0x169: {  	[tilespmem:s11+$0x1A00] =	vst v1;
	v63 =	vsub.f32 $1.000000000e+00, v62  }
0x16a: {  	[tilespmem:s11+$0x1A20] =	vst v0  }
.Ltmp3:
0x16b: {  	[tilespmem:s11+$0x1A60] =	vst v63;
	(pc) =	sbr.rel @p0 .LBB2_10-.Ltmp3, $4  }
0x16c: {  	[spmem:s1] =	stream.indirect.scatter.add.f32 [tilespmem:s30], [sflag:$0x5], $0x10, s23, s22, $0xb8;
	[tilespmem:$0xE600] =	vst v63  }
0x16d: {  	_ =	swait.ge [sflag:s20], $0x800  }
0x16e: {  	[sflag:s20] =	ssyncset.done $0x0  }
0x16f: {  	[sflag:s20] =	ssyncadd.s32 $0xFFFFF800  }
0x170: {  	s9 =	sadd.s32 s9, s15  }
0x171: {  	s9 =	sshll.u32 s9, $0x4  }
.Ltmp4:
0x172: {  	s9 =	sand.u32 $0x1FFFFFF0, s9;
	(pc) =	sbr.rel .LBB2_4-.Ltmp4, $4  }
0x173: {  	s10 =	sadd.s32 s6, s9  }
0x174: {  	[tilespmem:s22], [sflag:$0x2] =	stream.linear.gather [hbm4b:s10+s2], $0x80, $0x38;
	[tilespmem:$0xE600] =	vst v63  }
0x175: {  	s8 =	sadd.s32 $0x1, s8;
	s9 =	sadd.s32 s7, s9  }
0x176: {  	[tilespmem:s23], [sflag:$0x2] =	stream.linear.gather [hbm4b:s9+s2], $0x80, $0x38;
	[tilespmem:$0xE600] =	vst v63  }
.LBB2_10:
0x177: {  	[bflag:$0x0] =	sbarrier.arrive $0xFFFF  }
0x178: {  	[tilespmem:s19], [sflag:$0x5] =	stream.linear.gather [spmem:s18], $0x700, $0x38;
	[tilespmem:$0xE600] =	vst v63  }
0x179: {  	_ =	swait.ge [sflag:s20], $0x700  }
0x17a: {  	[sflag:s20] =	ssyncset.done $0x0  }
0x17b: {  	s8 =	sadd.s32 $0x0, s24;
	[sflag:s20] =	ssyncadd.s32 $0xFFFFF900  }
0x17c: {  	[hbm4b:s8+s2] =	stream.linear.scatter [tilespmem:s19], [sflag:$0x5], $0x700, $0x38;
	[tilespmem:$0xE600] =	vst v63  }
0x17d: {  	_ =	swait.ge [sflag:s20], $0x700  }
0x17e: {  	s9 =	smov.u32 s18;
	s8 =	simm.s32 $0xE0;
	[sflag:s20] =	ssyncset.done $0x0  }
.LBB2_11:
0x17f: {  	p0 =	sne.s32 s8, $0x17A0;
	[sflag:s20] =	ssyncadd.s32 $0xFFFFF900;
	s9 =	sadd.s32 $0x700, s9  }
0x180: {  	[tilespmem:s19], [sflag:$0x5] =	stream.linear.gather [spmem:s9], $0x700, $0x38;
	[tilespmem:$0xE600] =	vst v63  }
0x181: {  	s10 =	smov.u32 s8;
	s8 =	sadd.s32 $0xE0, s8;
	_ =	swait.ge [sflag:s20], $0x700  }
.Ltmp5:
0x182: {  	[sflag:s20] =	ssyncset.done $0x0;
	(pc) =	sbr.rel @p0 .LBB2_11-.Ltmp5, $4  }
0x183: {  	s10 =	sadd.s32 s10, s24;
	[sflag:s20] =	ssyncadd.s32 $0xFFFFF900  }
0x184: {  	[hbm4b:s10+s2] =	stream.linear.scatter [tilespmem:s19], [sflag:$0x5], $0x700, $0x38;
	[tilespmem:$0xE600] =	vst v63  }
0x185: {  	_ =	swait.ge [sflag:s20], $0x700  }
0x186: {  	[sflag:s20] =	ssyncset.done $0x0  }
0x187: {  	s5 =	sadd.s32 $0x1, s5;
	s8 =	rddreg [dreg:$0x8]  }
0x188: {  	p0 =	sne.s32 s5, s8  }
.Ltmp6:
0x189: {  	_ = 	snop;
	(pc) =	sbr.rel @p0 .LBB2_1-.Ltmp6, $2  }
0x18a: {  	_ =	sdelay $0x2  }
0x18b: {  	[sflag:s20] =	ssyncadd.s32 $0xFFFFF900  }
0x18c: {  	_ =	sfence.sel $0x180000  }
0x18d: {  	[bflag:$0x0] =	sbarrier.arrive $0xFFFF  }
0x18e: {  	_ =	strace $0x9000004A  }
0x18f: {  	s0 =	stileid.u32;
	[bflag:$0x2] =	sbarrier.arrive $0xFFFF  }
0x190: {  	p0 =	sne.s32 s0, $0x0;
	s0 =	rddreg [dreg:$0x2]  }
0x191: {  	s0 =	sadd.s32 @!p0 $0x100000, s0  }
0x192: {  	[sflag:s0] =	ssyncadd.tile.s32 @!p0 $0x1;
	_ =	shalt  }
.Lfunc_end2:
_tile_overlayer_lowered:
.L_overlay_start_2:
0x193: {  	(tag) =	ssettag $0x2  }
0x194: {  	s0 =	rddreg [dreg:$0x0];
	s2 =	stileid.u32  }
0x195: {  	s1 =	rddreg [dreg:$0x1];
	p0 =	sne.s32 s2, $0x0  }
0x196: {  	s3 =	rddreg [dreg:$0x2];
	[bflag:$0x3] =	sbarrier.arrive $0xFFFF;
	s2 =	simm.s32 @!p0 $0x1C05  }
0x197: {  	[timem:s3], [sflag:s2] =	dma.local @!p0 [hbm:s0], s1  }
0x198: {  	s0 =	simm.s32 @!p0 $0x5  }
0x199: {  	_ =	swait.ge @!p0 [sflag:s0], s1  }
0x19a: {  	s1 =	ssub.s32 @!p0 $0x0, s1;
	[sflag:s0] =	ssyncset.done @!p0 $0x0  }
0x19b: {  	[sflag:s0] =	ssyncadd.s32 @!p0 s1  }
0x19c: {  	[bflag:$0x3] =	sbarrier.arrive $0xFFFF  }
0x19d: {  	_ =	shalt  }

// kernel: kernel.15.cloned.1.call-start
scs
__scs_entry_jumppad:
0x0: {  	(pc) =	sbr.rel $0x88, $3  }
0x1: {  	(tag) =	ssettag $0x0;
	lr =	simm.s32 $0x1  }
0x2: {  	[smem:$0x3F81] =	sst lr;
	_ =	strace $0xD0000000  }
0x3: {  	_ = 	snop  }
0x4: {  	_ = 	snop  }
0x5: {  	_ = 	snop  }
0x6: {  	_ = 	snop  }
0x7: {  	_ = 	snop  }
__scs_overlays_trampoline_lowered:
0x8: {  	[smem:$0x3F90] =	sst s0  }
0x9: {  	[smem:$0x3F91] =	sst s1  }
0xa: {  	[smem:$0x3F92] =	sst s2  }
0xb: {  	[smem:$0x3F93] =	sst s3  }
0xc: {  	[smem:$0x3F94] =	sst s4  }
0xd: {  	[smem:$0x3F95] =	sst s5  }
0xe: {  	[smem:$0x3F96] =	sst s6  }
0xf: {  	[smem:$0x3F97] =	sst s7  }
0x10: {  	[smem:$0x3F98] =	sst s8  }
0x11: {  	[smem:$0x3F99] =	sst s9;
	s0 =	simm.s32 @!p0 $0x0  }
0x12: {  	s1 =	sld [smem:$0x3F7F];
	s0 =	simm.s32 @p0 $0x1  }
0x13: {  	[smem:$0x3F9A] =	sst s0;
	s0 =	simm.s32 @!p1 $0x0  }
0x14: {  	s2 =	sld [smem:$0x3F7E];
	s0 =	simm.s32 @p1 $0x1  }
0x15: {  	[smem:$0x3F9B] =	sst s0;
	s0 =	simm.s32 @!p2 $0x0  }
0x16: {  	s3 =	sld [smem:$0x3FDB];
	s0 =	simm.s32 @p2 $0x1  }
0x17: {  	s4 =	simm.s32 $0x1BF5;
	[smem:$0x3F9D] =	sst s0  }
0x18: {  	s0 =	sld [smem:$0x3F80];
	_ =	swait.ge [sflag:s4], $0x0  }
0x19: {  	s7 =	sld [smem:$0x3F81]  }
0x1a: {  	s8 =	sadd.s32 $0xFFFFE003, lr  }
0x1b: {  	s9 =	sadd.s32 $0xFFFFFEF7, lr;
	s5 =	simm.s32 $0xFFFFFFFF;
	p2 =	slt.u32 s8, $0xFFFFF086  }
0x1c: {  	p1 =	slt.u32 s9, $0xF7A;
	s5 =	simm.s32 @!p2 $0x0  }
0x1d: {  	s5 =	simm.s32 @p1 $0x1;
	p0 =	seq.s32 s7, s2  }
0x1e: {  	s7 =	smul.u32 @!p0 $0xF7A, s2;
	p2 =	seq.s32 @!p0 s5, $0x0  }
0x1f: {  	s9 =	smul.u32 $0xF7A, s1;
	s8 =	simm.s32 @!p0 $0x1BF5;
	p2 =	por !p2, p0  }
0x20: {  	[sflag:s8] =	ssyncset.s32 @!p0 $0xFFFFF086;
	s6 =	sadd.s32 @!p0 s3, s7;
	s7 =	simm.s32 @!p0 $0x108  }
0x21: {  	s3 =	sadd.s32 s3, s9;
	s6 =	sadd.s32 @!p0 $0x88, s6;
	s7 =	simm.s32 @p2 $0x1082  }
0x22: {  	[simem:s7], [sflag:s8] =	dma.local @!p0 [hbm:s6], $0xF7A  }
0x23: {  	s9 =	sor.u32 $0xD0000000, s2;
	s6 =	simm.s32 $0x108;
	_ =	swait.ge @!p0 [sflag:s8], $0x0  }
0x24: {  	s3 =	sadd.s32 $0x88, s3;
	s6 =	simm.s32 @!p1 $0x1082;
	[sflag:s4] =	ssyncset.s32 $0xFFFFF086  }
0x25: {  	[simem:s6], [sflag:s4] =	dma.local [hbm:s3], $0xF7A  }
0x26: {  	[smem:$0x3F81] =	sst s1;
	(tag) =	ssettag s2;
	_ =	strace s9  }
0x27: {  	s1 =	sld [smem:$0x3F91]  }
0x28: {  	s2 =	sld [smem:$0x3F92]  }
0x29: {  	s4 =	sld [smem:$0x3F94]  }
0x2a: {  	p0 =	seq.s32 s5, $0x0;
	s5 =	sld [smem:$0x3F95]  }
0x2b: {  	s6 =	sld [smem:$0x3F96]  }
0x2c: {  	s7 =	sld [smem:$0x3F97]  }
0x2d: {  	s3 =	simm.s32 $0x108;
	s8 =	sld [smem:$0x3F98]  }
0x2e: {  	s3 =	simm.s32 @!p0 $0x1082;
	s9 =	sld [smem:$0x3F99]  }
0x2f: {  	lr =	sadd.s32 s0, s3;
	s0 =	sld [smem:$0x3F90]  }
0x30: {  	s3 =	sld [smem:$0x3F93]  }
0x31: {  	[smem:$0x3F9C] =	sst s10  }
0x32: {  	s10 =	sld [smem:$0x3F9A];
	_ =	sdelay $0x3  }
0x33: {  	p0 =	seq.s32 s10, $0x1;
	s10 =	sld [smem:$0x3F9C];
	_ =	sdelay $0x3  }
0x34: {  	[smem:$0x3F9C] =	sst s10  }
0x35: {  	s10 =	sld [smem:$0x3F9B];
	_ =	sdelay $0x3  }
0x36: {  	p1 =	seq.s32 s10, $0x1;
	s10 =	sld [smem:$0x3F9C];
	_ =	sdelay $0x3  }
0x37: {  	[smem:$0x3F9C] =	sst s10  }
0x38: {  	s10 =	sld [smem:$0x3F9D]  }
0x39: {  	_ = 	snop;
	(pc) =	sbr.ind lr, $3  }
0x3a: {  	_ = 	snop  }
0x3b: {  	_ = 	snop  }
0x3c: {  	p2 =	seq.s32 s10, $0x1;
	s10 =	sld [smem:$0x3F9C]  }
0x3d: {  	_ =	shalt  }
0x3e: {  	_ =	shalt  }
0x3f: {  	_ =	shalt  }
0x40: {  	_ =	shalt  }
0x41: {  	_ =	shalt  }
0x42: {  	_ =	shalt  }
0x43: {  	_ =	shalt  }
0x44: {  	_ =	shalt  }
0x45: {  	_ =	shalt  }
0x46: {  	_ =	shalt  }
0x47: {  	_ =	shalt  }
0x48: {  	_ =	shalt  }
0x49: {  	_ =	shalt  }
0x4a: {  	_ =	shalt  }
0x4b: {  	_ =	shalt  }
0x4c: {  	_ =	shalt  }
0x4d: {  	_ =	shalt  }
0x4e: {  	_ =	shalt  }
0x4f: {  	_ =	shalt  }
0x50: {  	_ =	shalt  }
0x51: {  	_ =	shalt  }
0x52: {  	_ =	shalt  }
0x53: {  	_ =	shalt  }
0x54: {  	_ =	shalt  }
0x55: {  	_ =	shalt  }
0x56: {  	_ =	shalt  }
0x57: {  	_ =	shalt  }
0x58: {  	_ =	shalt  }
0x59: {  	_ =	shalt  }
0x5a: {  	_ =	shalt  }
0x5b: {  	_ =	shalt  }
0x5c: {  	_ =	shalt  }
0x5d: {  	_ =	shalt  }
0x5e: {  	_ =	shalt  }
0x5f: {  	_ =	shalt  }
0x60: {  	_ =	shalt  }
0x61: {  	_ =	shalt  }
0x62: {  	_ =	shalt  }
0x63: {  	_ =	shalt  }
0x64: {  	_ =	shalt  }
0x65: {  	_ =	shalt  }
0x66: {  	_ =	shalt  }
0x67: {  	_ =	shalt  }
0x68: {  	_ =	shalt  }
0x69: {  	_ =	shalt  }
0x6a: {  	_ =	shalt  }
0x6b: {  	_ =	shalt  }
0x6c: {  	_ =	shalt  }
0x6d: {  	_ =	shalt  }
0x6e: {  	_ =	shalt  }
0x6f: {  	_ =	shalt  }
0x70: {  	_ =	shalt  }
0x71: {  	_ =	shalt  }
0x72: {  	_ =	shalt  }
0x73: {  	_ =	shalt  }
0x74: {  	_ =	shalt  }
0x75: {  	_ =	shalt  }
0x76: {  	_ =	shalt  }
0x77: {  	_ =	shalt  }
0x78: {  	_ =	shalt  }
0x79: {  	_ =	shalt  }
0x7a: {  	_ =	shalt  }
0x7b: {  	_ =	shalt  }
0x7c: {  	_ =	shalt  }
0x7d: {  	_ =	shalt  }
0x7e: {  	_ =	shalt  }
0x7f: {  	_ =	shalt  }
0x80: {  	_ =	shalt  }
0x81: {  	_ =	shalt  }
0x82: {  	_ =	shalt  }
0x83: {  	_ =	shalt  }
0x84: {  	_ =	shalt  }
0x85: {  	_ =	shalt  }
0x86: {  	_ =	shalt  }
0x87: {  	_ =	shalt  }
.Lfunc_end0:
.L_simem_size_0:
called_computation.2_lowered:
.L_overlay_start_0:
0x88: {  	s2 =	sld [smem:$0x3FD9]  }
0x89: {  	s3 =	sld [smem:$0x3FFE];
	_ =	sdelay $0x1  }
0x8a: {  	s1 =	srdreg.scid  }
0x8b: {  	s0 =	sand.u32 $0x1, s1  }
0x8c: {  	s14 =	sshll.u32 s0, $0xA;
	s2 =	sadd.s32 s3, s2  }
0x8d: {  	s2 =	sadd.s32 s2, s14  }
0x8e: {  	[smem:$0x3FA8] =	sst s2  }
0x8f: {  	_ = 	snop  }
0x90: {  	s2 =	sld [smem:$0x3FD0];
	_ =	sdelay $0x2  }
0x91: {  	s15 =	simm.s32 $0xA;
	s4 =	simm.s32 $0x10  }
0x92: {  	[smem:s4], [sflag:s15] =	dma.local [hbm:s2], $0x1  }
0x93: {  	_ =	swait.eq [sflag:s15], $0x1  }
0x94: {  	[sflag:s15] =	ssyncset.done $0x0  }
0x95: {  	[sflag:s15] =	ssyncadd.s32 $0xFFFFFFFF  }
0x96: {  	s16 =	sld [smem:$0x11];
	(tm) =	ssettm $0x1  }
0x97: {  	s17 =	sld [smem:$0x3FFB];
	_ =	sdelay $0x3  }
0x98: {  	_ =	strace s17  }
0x99: {  	s3 =	sld [smem:$0x3FFC];
	_ =	sdelay $0x3  }
0x9a: {  	_ =	strace s3  }
0x9b: {  	s3 =	sld [smem:$0x3FFD];
	_ =	sdelay $0x3  }
0x9c: {  	_ =	strace s3  }
0x9d: {  	_ =	strace $0x8FFFFFFF  }
0x9e: {  	s18 =	sld [smem:$0x3FDB];
	_ =	sdelay $0x1  }
0x9f: {  	s19 =	simm.s32 $_scs_section_size  }
0xa0: {  	s5 =	simm.s32 $_size__tile_overlayer_lowered;
	s6 =	simm.s32 $_tile_overlayer_lowered  }
0xa1: {  	s22 =	simm.s32 $0x1BFF;
	s21 =	sshll.u32 s6, $0x1;
	s3 =	sadd.s32 s19, s18  }
0xa2: {  	s7 =	simm.s32 $0x0;
	s20 =	sshll.u32 s5, $0x1;
	s5 =	sadd.s32 s21, s3  }
0xa3: {  	[timem:s7], [sflag:s22] =	dma.local [hbm:s5], s20  }
0xa4: {  	_ =	swait.ge [sflag:s22], s20  }
0xa5: {  	s4 =	ssub.s32 $0x0, s20;
	[sflag:s22] =	ssyncset.done $0x0  }
0xa6: {  	[sflag:s22] =	ssyncadd.s32 s4;
	_ =	sdelay $0x1  }
0xa7: {  	s23 =	simm.s32 $0x1B8B  }
0xa8: {  	_ =	swait.ge [sflag:s23], $0x1  }
0xa9: {  	[sflag:s23] =	ssyncset.done $0x0  }
0xaa: {  	s25 =	simm.s32 $0x1B8E;
	s24 =	sld [smem:$0x3FFE];
	[sflag:s23] =	ssyncadd.s32 $0xFFFFFFFF  }
0xab: {  	s26 =	simm.s32 $execute0_lowered;
	[smem:$0x3FD2] =	sst s25  }
0xac: {  	s5 =	sshll.u32 s26, $0x1;
	_ =	strace $0x8000004C;
	[dreg:$0x1] =	wrdreg $0xFFFFFFFF  }
0xad: {  	s28 =	simm.s32 $_size_execute0_lowered;
	s3 =	sadd.s32 s3, s5;
	[dreg:$0x0] =	wrdreg $0x0  }
0xae: {  	s5 =	sshll.u32 s28, $0x1;
	[dreg:$0x2] =	wrdreg s3  }
0xaf: {  	[dreg:$0x3] =	wrdreg s5  }
0xb0: {  	[dreg:$0x4] =	wrdreg $0xC0  }
0xb1: {  	_ =	task [dreg:s7], $0x5FFFF  }
0xb2: {  	[dreg:$0x1] =	wrdreg $0xFFFFFFFF  }
0xb3: {  	[dreg:$0x0] =	wrdreg $0x60  }
0xb4: {  	[dreg:$0x2] =	wrdreg s24  }
0xb5: {  	[dreg:$0x3] =	wrdreg s16  }
0xb6: {  	[dreg:$0x4] =	wrdreg $0x5AC00  }
0xb7: {  	[dreg:$0x5] =	wrdreg $0x5EC00  }
0xb8: {  	[dreg:$0x6] =	wrdreg $0x9  }
0xb9: {  	_ =	task.clear_ibuf [dreg:s7], $0x7FFFF;
	_ =	strace $0x9000004C  }
0xba: {  	s29 =	simm.s32 $0x9;
	_ =	strace $0x8000004E  }
0xbb: {  	_ =	swait.ge [sflag:s29], $0x1  }
0xbc: {  	[sflag:s29] =	ssyncadd.s32 $0xFFFFFFFF  }
0xbd: {  	_ =	strace $0x9000004E  }
0xbe: {  	_ =	sfence  }
0xbf: {  	s30 =	sld [smem:$0x0];
	_ =	sdelay $0x2  }
0xc0: {  	s31 =	sshll.u32 s1, $0xD;
	s1 =	sshrl.u32 s1, $0x2  }
0xc1: {  	s3 =	sand.u32 $0x4000, s31;
	s1 =	sadd.s32 s1, s30  }
0xc2: {  	s0 =	sor.u32 s3, s0;
	s1 =	sshll.u32 s1, $0x11  }
0xc3: {  	s0 =	sor.u32 s1, s0  }
0xc4: {  	s0 =	sadd.s32 $0x8F2B, s0  }
0xc5: {  	[sflag:s0] =	ssyncadd.remote.s32 $0x1  }
0xc6: {  	_ =	sfence.sel $0xFFFF  }
0xc7: {  	[dreg:$0x0] =	wrdreg $0xFFFFFFFF;
	(pc) =	sbr.abs _section_cstart, $3  }
0xc8: {  	[dreg:$0x1] =	wrdreg $0xFFFFFFFF  }
0xc9: {  	_ =	task.clear_ibuf [dreg:s7], $0x2FFFF;
	_ =	strace $0x9FFFFFFF  }
0xca: {  	(tm) =	ssettm $0x7FFFFFFF  }
0xcb: {  	_ =	shalt  }
tec
execute0_lowered:
.L_overlay_start_1:
0x0: {  	(tag) =	ssettag $0x1  }
0x1: {  	s8 =	rddreg [dreg:$0x0]  }
0x2: {  	s11 =	rddreg [dreg:$0x1]  }
0x3: {  	s1 =	rddreg [dreg:$0x2]  }
0x4: {  	s2 =	rddreg [dreg:$0x3];
	s3 =	srdreg.scid  }
0x5: {  	s0 =	rddreg [dreg:$0x4];
	s4 =	simm.s32 $0x0;
	s16 =	simm.s32 $0x850  }
0x6: {  	s17 =	simm.s32 $0x1;
	s18 =	simm.s32 $0x70;
	s19 =	simm.s32 $0x150  }
0x7: {  	s20 =	simm.s32 $0xF50;
	s21 =	simm.s32 $0x16C0;
	s22 =	simm.s32 $0x1650  }
0x8: {  	s23 =	sand.u32 $0x1, s3;
	s3 =	stileid.u32;
	[smem:$0x7FF] =	sst s4  }
0x9: {  	s5 =	sadd.s32 $0x1E800, s8;
	s6 =	sadd.s32 $0x80800, s8;
	s7 =	smul.u32 $0x6200, s23  }
0xa: {  	s9 =	smul.u32 $0x620, s3;
	_ =	strace $0x8000004D;
	s29 =	ssub.s32 $0x2, s23  }
0xb: {  	s12 =	sshll.u32 s3, $0xA;
	s10 =	smul.u32 $0xC40, s3;
	s31 =	sshll.u32 s3, $0x7  }
0xc: {  	p0 =	sne.s32 s23, $0x0;
	s23 =	simm.s32 $0x56C0;
	s24 =	sadd.s32 $0x16C0, s12  }
.Ltmp0:
0xd: {  	s30 =	sshrl.u32 s29, $0x1;
	s11 =	sadd.s32 s11, s31;
	v1 =	vmov s24;
	(pc) =	sbr.rel .LBB2_1-.Ltmp0, $4  }
0xe: {  	s9 =	sadd.s32 s9, s7;
	s7 =	sadd.s32 $0x6000, s8;
	s14 =	ssub.s32 s29, s30  }
0xf: {  	s24 =	simm.s32 $0x0;
	s15 =	sshrl.u32 s9, $0x3;
	s9 =	sadd.s32 s12, s2  }
0x10: {  	s13 =	sadd.s32 s15, s8;
	s8 =	sadd.s32 s12, s1;
	s12 =	smax.u32 s14, $0x1  }
0x11: {  	v0 =	vimm.f32 $0.0e+00;
	s14 =	sadd.s32 s15, s6;
	s15 =	sadd.s32 s15, s5;
	s13 =	sadd.s32 $0x20200, s13  }
.LBB2_13:
0x12: {  	s24 =	sadd.s32 $0x1, s24  }
0x13: {  	p1 =	sne.s32 s24, s12  }
.Ltmp1:
0x14: {  	_ = 	snop;
	(pc) =	sbr.rel @!p1 .LBB2_14-.Ltmp1, $1  }
0x15: {  	_ =	sdelay $0x3  }
.LBB2_1:
0x16: {  	s25 =	simm.s32 $0x40;
	s26 =	simm.s32 $0x0  }
.LBB2_2:
0x17: {  	p1 =	sne.s32 s25, $0xFC0;
	[tilespmem:s26+$0x850] =	vst v0;
	s26 =	smov.u32 s25;
	s25 =	sadd.s32 $0x40, s25  }
.Ltmp2:
0x18: {  	(pc) =	sbr.rel @p1 .LBB2_2-.Ltmp2, $2  }
0x19: {  	_ =	sdelay $0x2  }
0x1a: {  	s26 =	sshra.s32 s26, $0x2  }
0x1b: {  	[tilespmem:s26+$0x850] =	vst v0  }
0x1c: {  	[spmem:s8] =	stream.linear.scatter [tilespmem:s16], [sflag:$0x1], $0x400, $0x38;
	[tilespmem:$0x62C0] =	vst v63  }
0x1d: {  	_ =	swait.ge [sflag:s17], $0x400  }
0x1e: {  	[sflag:s17] =	ssyncset.done $0x0  }
0x1f: {  	[sflag:s17] =	ssyncadd.s32 $0xFFFFFC00  }
0x20: {  	[spmem:s9] =	stream.linear.scatter [tilespmem:s16], [sflag:$0x1], $0x400, $0x38;
	[tilespmem:$0x62C0] =	vst v63  }
0x21: {  	_ =	swait.ge [sflag:s17], $0x400  }
0x22: {  	[sflag:s17] =	ssyncset.done $0x0  }
0x23: {  	[sflag:s17] =	ssyncadd.s32 $0xFFFFFC00  }
0x24: {  	s25 =	simm.s32 $0x0;
	s26 =	simm.s32 $0x0;
	[bflag:$0x0] =	sbarrier.arrive $0xFFFF  }
.LBB2_4:
0x25: {  	s28 =	smul.u32 $0x70, s26;
	_ =	sdelay $0x1  }
0x26: {  	s28 =	sadd.s32 s10, s28  }
0x27: {  	s29 =	sshrl.u32 s28, $0x3  }
0x28: {  	s30 =	sadd.s32 s5, s29  }
0x29: {  	[tilespmem:s18], [sflag:$0x1] =	stream.linear.gather [hbm4b:s30+s25], $0x70, $0x38;
	[tilespmem:$0x62C0] =	vst v63  }
0x2a: {  	_ =	swait.ge [sflag:s17], $0x70  }
0x2b: {  	[sflag:s17] =	ssyncset.done $0x0  }
0x2c: {  	s29 =	sadd.s32 s6, s29;
	[sflag:s17] =	ssyncadd.s32 $0xFFFFFF90  }
0x2d: {  	[tilespmem:s25], [sflag:$0x1] =	stream.linear.gather [hbm4b:s29+s25], $0x70, $0x38;
	[tilespmem:$0x62C0] =	vst v63  }
0x2e: {  	_ =	swait.ge [sflag:s17], $0x70  }
0x2f: {  	s28 =	sshll.u32 s28, $0x1;
	[sflag:s17] =	ssyncset.done $0x0  }
0x30: {  	s28 =	sadd.s32 s7, s28;
	[sflag:s17] =	ssyncadd.s32 $0xFFFFFF90  }
0x31: {  	[tilespmem:s19], [sflag:$0x1] =	stream.linear.gather [hbm4b:s28+s25], $0x700, $0x38;
	[tilespmem:$0x62C0] =	vst v63  }
0x32: {  	_ =	swait.ge [sflag:s17], $0x700  }
0x33: {  	[sflag:s17] =	ssyncset.done $0x0  }
0x34: {  	[sflag:s17] =	ssyncadd.s32 $0xFFFFF900  }
0x35: {  	v2 =	vld [tilespmem:$0x70]  }
0x36: {  	v3 =	vld [tilespmem:$0x80]  }
0x37: {  	v4 =	vld [tilespmem:$0x90]  }
0x38: {  	v5 =	vld [tilespmem:$0xA0]  }
0x39: {  	v6 =	vld [tilespmem:$0xB0]  }
0x3a: {  	v7 =	vld [tilespmem:$0xC0];
	v2 =	vmul.f32 $1.442695020e+00, v2  }
0x3b: {  	v8 =	vld [tilespmem:$0xD0];
	v3 =	vmul.f32 $1.442695020e+00, v3  }
0x3c: {  	(erf) = vpow2.f32 v2;
	v2 =	vmul.f32 $1.442695020e+00, v4  }
0x3d: {  	(erf) = vpow2.f32 v3;
	v3 =	vmul.f32 $1.442695020e+00, v5  }
0x3e: {  	(erf) = vpow2.f32 v2;
	v2 =	vmul.f32 $1.442695020e+00, v6  }
0x3f: {  	(erf) = vpow2.f32 v3;
	v3 =	vmul.f32 $1.442695020e+00, v7  }
0x40: {  	(erf) = vpow2.f32 v2;
	v2 =	vmul.f32 $1.442695020e+00, v8  }
0x41: {  	(erf) = vpow2.f32 v3  }
0x42: {  	(erf) = vpow2.f32 v2;
	_ =	sdelay $0x2  }
0x43: {  	v2 =	vpop (erf)  }
0x44: {  	v3 =	vpop (erf);
	[tilespmem:$0xE0] =	vst v2  }
0x45: {  	v2 =	vpop (erf);
	[tilespmem:$0xF0] =	vst v3  }
0x46: {  	v3 =	vpop (erf);
	[tilespmem:$0x100] =	vst v2  }
0x47: {  	v2 =	vpop (erf);
	[tilespmem:$0x110] =	vst v3  }
0x48: {  	v3 =	vpop (erf);
	[tilespmem:$0x120] =	vst v2  }
0x49: {  	[tilespmem:$0x130] =	vst v3;
	v2 =	vpop (erf)  }
0x4a: {  	s28 =	simm.s32 $0x0;
	[tilespmem:$0x140] =	vst v2  }
0x4b: {  	s29 =	simm.s32 $0xE0;
	v3 =	vld [tilespmem:s28+$0x150]  }
0x4c: {  	s30 =	simm.s32 $0x400;
	v2 =	vld [tilespmem:s29+$0x0]  }
.LBB2_5:
0x4d: {  	p1 =	sne.s32 s30, $0x1800;
	v4 =	vld [tilespmem:s28+$0x160]  }
0x4e: {  	v5 =	vld [tilespmem:s28+$0x170]  }
0x4f: {  	v6 =	vld [tilespmem:s28+$0x180]  }
0x50: {  	v7 =	vld [tilespmem:s28+$0x190]  }
0x51: {  	v8 =	vbroadcast v2, $0x0;
	v9 =	vbroadcast v2, $0x1;
	v10 =	vld [tilespmem:s28+$0x1A0]  }
0x52: {  	v11 =	vbroadcast v2, $0x2;
	v12 =	vbroadcast v2, $0x3;
	v13 =	vld [tilespmem:s28+$0x1B0]  }
0x53: {  	v3 =	vmul.f32 v8, v3;
	[tilespmem:s28+$0xF50] =	vst v8;
	v4 =	vmul.f32 v4, v9;
	v8 =	vld [tilespmem:s28+$0x1C0]  }
0x54: {  	v5 =	vmul.f32 v5, v11;
	[tilespmem:s28+$0xF60] =	vst v9;
	v6 =	vmul.f32 v6, v12;
	v9 =	vld [tilespmem:s28+$0x1D0]  }
0x55: {  	v14 =	vbroadcast v2, $0x5;
	[tilespmem:s28+$0x850] =	vst v3;
	v3 =	vbroadcast v2, $0x4;
	v15 =	vld [tilespmem:s28+$0x1E0]  }
0x56: {  	v16 =	vbroadcast v2, $0x7;
	[tilespmem:s28+$0x860] =	vst v4;
	v4 =	vbroadcast v2, $0x6;
	v17 =	vld [tilespmem:s28+$0x1F0]  }
0x57: {  	[tilespmem:s28+$0x870] =	vst v5;
	v5 =	vmul.f32 v7, v3;
	v7 =	vmul.f32 v10, v14;
	v10 =	vld [tilespmem:s28+$0x200]  }
0x58: {  	[tilespmem:s28+$0x880] =	vst v6;
	v6 =	vmul.f32 v13, v4;
	v8 =	vmul.f32 v8, v16;
	v13 =	vld [tilespmem:s28+$0x210]  }
0x59: {  	v18 =	vbroadcast v2, $0x9;
	[tilespmem:s28+$0x890] =	vst v5;
	v5 =	vbroadcast v2, $0x8;
	v19 =	vld [tilespmem:s28+$0x220]  }
0x5a: {  	v20 =	vbroadcast v2, $0xB;
	[tilespmem:s28+$0x8A0] =	vst v7;
	v7 =	vbroadcast v2, $0xA;
	v21 =	vld [tilespmem:s28+$0x230]  }
0x5b: {  	[tilespmem:s28+$0x8B0] =	vst v6;
	v6 =	vmul.f32 v9, v5;
	v9 =	vmul.f32 v15, v18;
	v15 =	vld [tilespmem:s28+$0x240]  }
0x5c: {  	[tilespmem:s28+$0x8C0] =	vst v8;
	v8 =	vmul.f32 v17, v7;
	v10 =	vmul.f32 v10, v20  }
0x5d: {  	v17 =	vbroadcast v2, $0xD;
	[tilespmem:s28+$0x8D0] =	vst v6;
	v6 =	vbroadcast v2, $0xC  }
0x5e: {  	[tilespmem:s28+$0x8E0] =	vst v9;
	v9 =	vbroadcast v2, $0xE;
	v2 =	vbroadcast v2, $0xF  }
0x5f: {  	[tilespmem:s28+$0x8F0] =	vst v8;
	v8 =	vmul.f32 v13, v6;
	v13 =	vmul.f32 v19, v17  }
0x60: {  	[tilespmem:s28+$0x900] =	vst v10;
	v10 =	vmul.f32 v21, v9;
	v15 =	vmul.f32 v15, v2  }
0x61: {  	[tilespmem:s28+$0x910] =	vst v8  }
0x62: {  	[tilespmem:s28+$0x920] =	vst v13  }
0x63: {  	[tilespmem:s28+$0x930] =	vst v10  }
0x64: {  	[tilespmem:s28+$0x940] =	vst v15  }
0x65: {  	[tilespmem:s28+$0xF70] =	vst v11  }
0x66: {  	[tilespmem:s28+$0xF80] =	vst v12  }
0x67: {  	[tilespmem:s28+$0xF90] =	vst v3  }
0x68: {  	[tilespmem:s28+$0xFA0] =	vst v14  }
0x69: {  	[tilespmem:s28+$0xFB0] =	vst v4  }
0x6a: {  	[tilespmem:s28+$0xFC0] =	vst v16  }
0x6b: {  	[tilespmem:s28+$0xFD0] =	vst v5  }
0x6c: {  	[tilespmem:s28+$0xFE0] =	vst v18  }
0x6d: {  	[tilespmem:s28+$0xFF0] =	vst v7  }
0x6e: {  	[tilespmem:s28+$0x1000] =	vst v20  }
.Ltmp3:
0x6f: {  	[tilespmem:s28+$0x1010] =	vst v6;
	(pc) =	sbr.rel @p1 .LBB2_5-.Ltmp3, $4  }
0x70: {  	[tilespmem:s28+$0x1020] =	vst v17  }
0x71: {  	s31 =	sshra.s32 s30, $0x2;
	[tilespmem:s28+$0x1030] =	vst v9  }
0x72: {  	s29 =	sadd.s32 $0x10, s29;
	v3 =	vld [tilespmem:s31+$0x150];
	[tilespmem:s28+$0x1040] =	vst v2;
	s28 =	smov.u32 s31  }
0x73: {  	s30 =	sadd.s32 $0x400, s30;
	v2 =	vld [tilespmem:s29+$0x0]  }
0x74: {  	_ =	sdelay $0x3  }
0x75: {  	v8 =	vbroadcast v2, $0x0  }
0x76: {  	v11 =	vbroadcast v2, $0x1  }
0x77: {  	v13 =	vbroadcast v2, $0x2;
	[tilespmem:s28+$0xF50] =	vst v8  }
0x78: {  	v51 =	vbroadcast v2, $0x3;
	[tilespmem:s28+$0xF60] =	vst v11  }
0x79: {  	v14 =	vbroadcast v2, $0x4;
	[tilespmem:s28+$0xF70] =	vst v13  }
0x7a: {  	v15 =	vbroadcast v2, $0x5;
	[tilespmem:s28+$0xF80] =	vst v51  }
0x7b: {  	v16 =	vbroadcast v2, $0x6;
	[tilespmem:s28+$0xF90] =	vst v14  }
0x7c: {  	v17 =	vbroadcast v2, $0x7;
	[tilespmem:s28+$0xFA0] =	vst v15  }
0x7d: {  	v56 =	vbroadcast v2, $0x8;
	[tilespmem:s28+$0xFB0] =	vst v16  }
0x7e: {  	v19 =	vbroadcast v2, $0x9;
	[tilespmem:s28+$0xFC0] =	vst v17  }
0x7f: {  	v4 =	vld [tilespmem:s28+$0x160];
	v57 =	vbroadcast v2, $0xA;
	[tilespmem:s28+$0xFD0] =	vst v56  }
0x80: {  	v5 =	vld [tilespmem:s28+$0x170];
	v21 =	vbroadcast v2, $0xB;
	[tilespmem:s28+$0xFE0] =	vst v19  }
0x81: {  	v6 =	vld [tilespmem:s28+$0x180];
	v58 =	vbroadcast v2, $0xC;
	[tilespmem:s28+$0xFF0] =	vst v57  }
0x82: {  	v7 =	vld [tilespmem:s28+$0x190];
	v59 =	vbroadcast v2, $0xD;
	[tilespmem:s28+$0x1000] =	vst v21  }
0x83: {  	v9 =	vld [tilespmem:s28+$0x1A0];
	v3 =	vmul.f32 v8, v3;
	[tilespmem:s28+$0x1010] =	vst v58  }
0x84: {  	v10 =	vld [tilespmem:s28+$0x1B0];
	v4 =	vmul.f32 v4, v11;
	[tilespmem:s28+$0x1020] =	vst v59  }
0x85: {  	v12 =	vld [tilespmem:s28+$0x1C0];
	v5 =	vmul.f32 v5, v13;
	[tilespmem:s28+$0x850] =	vst v3  }
0x86: {  	v50 =	vld [tilespmem:s28+$0x1D0];
	v6 =	vmul.f32 v6, v51;
	[tilespmem:s28+$0x860] =	vst v4  }
0x87: {  	v54 =	vld [tilespmem:s28+$0x210];
	v7 =	vmul.f32 v7, v14;
	[tilespmem:s28+$0x870] =	vst v5  }
0x88: {  	v55 =	vld [tilespmem:s28+$0x220];
	v9 =	vmul.f32 v9, v15;
	[tilespmem:s28+$0x880] =	vst v6  }
0x89: {  	v52 =	vld [tilespmem:s28+$0x1F0];
	v10 =	vmul.f32 v10, v16;
	[tilespmem:s28+$0x890] =	vst v7  }
0x8a: {  	v12 =	vmul.f32 v12, v17;
	v3 =	vld [tilespmem:s28+$0x1E0];
	[tilespmem:s28+$0x8A0] =	vst v9  }
0x8b: {  	v53 =	vld [tilespmem:s28+$0x200];
	v8 =	vmul.f32 v50, v56;
	[tilespmem:s28+$0x8B0] =	vst v10  }
0x8c: {  	v60 =	vmul.f32 v54, v58;
	[tilespmem:s28+$0x8C0] =	vst v12  }
0x8d: {  	v61 =	vmul.f32 v55, v59;
	[tilespmem:s28+$0x8D0] =	vst v8  }
0x8e: {  	v18 =	vld [tilespmem:s28+$0x230];
	v4 =	vmul.f32 v52, v57;
	[tilespmem:s28+$0x910] =	vst v60  }
0x8f: {  	v20 =	vld [tilespmem:s28+$0x240];
	[tilespmem:s28+$0x920] =	vst v61;
	v3 =	vmul.f32 v3, v19  }
0x90: {  	v5 =	vmul.f32 v53, v21;
	[tilespmem:s28+$0x8F0] =	vst v4  }
0x91: {  	[tilespmem:s28+$0x8E0] =	vst v3;
	v3 =	vbroadcast v2, $0xE  }
0x92: {  	[tilespmem:s28+$0x900] =	vst v5;
	v2 =	vbroadcast v2, $0xF  }
0x93: {  	v62 =	vmul.f32 v18, v3;
	[tilespmem:s28+$0x1030] =	vst v3  }
0x94: {  	v63 =	vmul.f32 v20, v2;
	[tilespmem:s28+$0x1040] =	vst v2  }
0x95: {  	[tilespmem:s28+$0x930] =	vst v62  }
0x96: {  	[tilespmem:s28+$0x940] =	vst v63  }
0x97: {  	[spmem:s1] =	stream.indirect.scatter.add.f32 [tilespmem:s16], [sflag:$0x1], $0x10, s4, s18, $0xb8;
	[tilespmem:$0x62C0] =	vst v63  }
0x98: {  	s26 =	sadd.s32 $0x1, s26;
	_ =	swait.ge [sflag:s17], $0x700  }
0x99: {  	p1 =	sne.s32 s26, $0x1C;
	[sflag:s17] =	ssyncset.done $0x0  }
.Ltmp4:
0x9a: {  	[sflag:s17] =	ssyncadd.s32 $0xFFFFF900;
	(pc) =	sbr.rel @p1 .LBB2_4-.Ltmp4, $4  }
0x9b: {  	[spmem:s2] =	stream.indirect.scatter.add.f32 [tilespmem:s20], [sflag:$0x1], $0x10, s4, s18, $0xb8;
	[tilespmem:$0x62C0] =	vst v63  }
0x9c: {  	_ =	swait.ge [sflag:s17], $0x700  }
0x9d: {  	[sflag:s17] =	ssyncset.done $0x0  }
0x9e: {  	[sflag:s17] =	ssyncadd.s32 $0xFFFFF900  }
0x9f: {  	[bflag:$0x0] =	sbarrier.arrive $0xFFFF  }
0xa0: {  	[tilespmem:s21], [sflag:$0x1] =	stream.linear.gather [spmem:s2], $0x4000, $0x38;
	[tilespmem:$0x62C0] =	vst v63  }
0xa1: {  	_ =	swait.ge [sflag:s17], $0x4000  }
0xa2: {  	[sflag:s17] =	ssyncset.done $0x0  }
0xa3: {  	s25 =	sadd.s32 $0x0, s15;
	[sflag:s17] =	ssyncadd.s32 $0xFFFFC000  }
0xa4: {  	[tilespmem:s18], [sflag:$0x1] =	stream.linear.gather [hbm4b:s25+s4], $0x70, $0x38;
	[tilespmem:$0x62C0] =	vst v63  }
0xa5: {  	_ =	swait.ge [sflag:s17], $0x70  }
0xa6: {  	[sflag:s17] =	ssyncset.done $0x0  }
0xa7: {  	s30 =	sadd.s32 $0x0, s14;
	[sflag:s17] =	ssyncadd.s32 $0xFFFFFF90  }
0xa8: {  	[tilespmem:s4], [sflag:$0x1] =	stream.linear.gather [hbm4b:s30+s4], $0x70, $0x38;
	[tilespmem:$0x62C0] =	vst v63  }
0xa9: {  	_ =	swait.ge [sflag:s17], $0x70  }
0xaa: {  	[sflag:s17] =	ssyncset.done $0x0  }
0xab: {  	[sflag:s17] =	ssyncadd.s32 $0xFFFFFF90  }
0xac: {  	v2 =	vld [tilespmem:$0x0];
	_ =	sdelay $0x4  }
0xad: {  	v2 =	vshll.u32 v2, $0x4;
	_ =	sdelay $0x3  }
0xae: {  	v3 =	vld [tilespmem:$0x70]  }
0xaf: {  	v2 =	vld.idx.msk [tilespmem:v2+s21+$0x0], $0xffff;
	_ =	sdelay $0x3  }
0xb0: {  	v3 =	vmul.f32 $1.442695020e+00, v3  }
0xb1: {  	v2 =	vadd.f32 $1.000000020e-16, v2  }
0xb2: {  	(erf) = vpow2.f32 v3  }
0xb3: {  	(erf) = vrcp.f32 v2;
	_ =	sdelay $0x2  }
0xb4: {  	v2 =	vld [tilespmem:$0x10];
	_ =	sdelay $0x4  }
0xb5: {  	v3 =	vpop (erf);
	v2 =	vshll.u32 v2, $0x4  }
0xb6: {  	v4 =	vpop (erf)  }
0xb7: {  	v3 =	vmul.f32 v4, v3;
	_ =	sdelay $0x1  }
0xb8: {  	v53 =	vld [tilespmem:$0x80];
	[tilespmem:$0x1650] =	vst v3  }
0xb9: {  	v2 =	vld.idx.msk [tilespmem:v2+s21+$0x0], $0xffff;
	_ =	sdelay $0x3  }
0xba: {  	v3 =	vmul.f32 $1.442695020e+00, v53  }
0xbb: {  	v2 =	vadd.f32 $1.000000020e-16, v2  }
0xbc: {  	(erf) = vpow2.f32 v3  }
0xbd: {  	(erf) = vrcp.f32 v2;
	_ =	sdelay $0x2  }
0xbe: {  	v2 =	vld [tilespmem:$0x20];
	_ =	sdelay $0x4  }
0xbf: {  	v3 =	vpop (erf);
	v2 =	vshll.u32 v2, $0x4  }
0xc0: {  	v54 =	vpop (erf)  }
0xc1: {  	v3 =	vmul.f32 v54, v3;
	_ =	sdelay $0x1  }
0xc2: {  	v55 =	vld [tilespmem:$0x90];
	[tilespmem:$0x1660] =	vst v3  }
0xc3: {  	v2 =	vld.idx.msk [tilespmem:v2+s21+$0x0], $0xffff;
	_ =	sdelay $0x3  }
0xc4: {  	v3 =	vmul.f32 $1.442695020e+00, v55  }
0xc5: {  	v2 =	vadd.f32 $1.000000020e-16, v2  }
0xc6: {  	(erf) = vpow2.f32 v3  }
0xc7: {  	(erf) = vrcp.f32 v2;
	_ =	sdelay $0x2  }
0xc8: {  	v2 =	vld [tilespmem:$0x30];
	_ =	sdelay $0x4  }
0xc9: {  	v3 =	vpop (erf);
	v2 =	vshll.u32 v2, $0x4  }
0xca: {  	v56 =	vpop (erf)  }
0xcb: {  	v3 =	vmul.f32 v56, v3;
	_ =	sdelay $0x1  }
0xcc: {  	v57 =	vld [tilespmem:$0xA0];
	[tilespmem:$0x1670] =	vst v3  }
0xcd: {  	v2 =	vld.idx.msk [tilespmem:v2+s21+$0x0], $0xffff;
	_ =	sdelay $0x3  }
0xce: {  	v3 =	vmul.f32 $1.442695020e+00, v57  }
0xcf: {  	v2 =	vadd.f32 $1.000000020e-16, v2  }
0xd0: {  	(erf) = vpow2.f32 v3  }
0xd1: {  	(erf) = vrcp.f32 v2;
	_ =	sdelay $0x2  }
0xd2: {  	v2 =	vld [tilespmem:$0x40];
	_ =	sdelay $0x4  }
0xd3: {  	v3 =	vpop (erf);
	v2 =	vshll.u32 v2, $0x4  }
0xd4: {  	v58 =	vpop (erf)  }
0xd5: {  	v3 =	vmul.f32 v58, v3;
	_ =	sdelay $0x1  }
0xd6: {  	v59 =	vld [tilespmem:$0xB0];
	[tilespmem:$0x1680] =	vst v3  }
0xd7: {  	v2 =	vld.idx.msk [tilespmem:v2+s21+$0x0], $0xffff;
	_ =	sdelay $0x3  }
0xd8: {  	v3 =	vmul.f32 $1.442695020e+00, v59  }
0xd9: {  	v2 =	vadd.f32 $1.000000020e-16, v2  }
0xda: {  	(erf) = vpow2.f32 v3  }
0xdb: {  	(erf) = vrcp.f32 v2;
	_ =	sdelay $0x2  }
0xdc: {  	v2 =	vld [tilespmem:$0x50];
	_ =	sdelay $0x4  }
0xdd: {  	v3 =	vpop (erf);
	v2 =	vshll.u32 v2, $0x4  }
0xde: {  	v60 =	vpop (erf)  }
0xdf: {  	v3 =	vmul.f32 v60, v3;
	_ =	sdelay $0x1  }
0xe0: {  	v61 =	vld [tilespmem:$0xC0];
	[tilespmem:$0x1690] =	vst v3  }
0xe1: {  	v2 =	vld.idx.msk [tilespmem:v2+s21+$0x0], $0xffff;
	_ =	sdelay $0x3  }
0xe2: {  	v3 =	vmul.f32 $1.442695020e+00, v61  }
0xe3: {  	v2 =	vadd.f32 $1.000000020e-16, v2  }
0xe4: {  	(erf) = vpow2.f32 v3  }
0xe5: {  	(erf) = vrcp.f32 v2;
	_ =	sdelay $0x2  }
0xe6: {  	v2 =	vld [tilespmem:$0x60];
	_ =	sdelay $0x4  }
0xe7: {  	v3 =	vpop (erf);
	v2 =	vshll.u32 v2, $0x4  }
0xe8: {  	v62 =	vpop (erf)  }
0xe9: {  	v3 =	vmul.f32 v62, v3;
	_ =	sdelay $0x1  }
0xea: {  	v63 =	vld [tilespmem:$0xD0];
	[tilespmem:$0x16A0] =	vst v3  }
0xeb: {  	v2 =	vld.idx.msk [tilespmem:v2+s21+$0x0], $0xffff;
	_ =	sdelay $0x3  }
0xec: {  	v3 =	vmul.f32 $1.442695020e+00, v63  }
0xed: {  	v2 =	vadd.f32 $1.000000020e-16, v2  }
0xee: {  	(erf) = vpow2.f32 v3  }
0xef: {  	(erf) = vrcp.f32 v2;
	_ =	sdelay $0x7  }
0xf0: {  	v2 =	vpop (erf)  }
0xf1: {  	v3 =	vpop (erf)  }
0xf2: {  	v2 =	vmul.f32 v3, v2;
	_ =	sdelay $0x1  }
0xf3: {  	s31 =	sadd.s32 $0x0, s13;
	[tilespmem:$0x16B0] =	vst v2  }
0xf4: {  	[hbm4b:s31+s4] =	stream.linear.scatter [tilespmem:s22], [sflag:$0x1], $0x70, $0x38;
	[tilespmem:$0x62C0] =	vst v63  }
0xf5: {  	_ =	swait.ge [sflag:s17], $0x70  }
0xf6: {  	s29 =	simm.s32 $0x1C;
	s25 =	simm.s32 $0xE;
	[sflag:s17] =	ssyncset.done $0x0  }
.LBB2_8:
0xf7: {  	s30 =	sadd.s32 s25, s15  }
0xf8: {  	[sflag:s17] =	ssyncadd.s32 $0xFFFFFF90;
	s28 =	smov.u32 s29;
	s26 =	sadd.s32 $0xE, s29  }
0xf9: {  	[tilespmem:s18], [sflag:$0x1] =	stream.linear.gather [hbm4b:s30+s4], $0x70, $0x38;
	[tilespmem:$0x62C0] =	vst v63  }
0xfa: {  	p1 =	sne.s32 s29, $0xB6;
	_ =	swait.ge [sflag:s17], $0x70  }
0xfb: {  	[sflag:s17] =	ssyncset.done $0x0  }
0xfc: {  	s29 =	sadd.s32 s25, s14;
	[sflag:s17] =	ssyncadd.s32 $0xFFFFFF90  }
0xfd: {  	[tilespmem:s4], [sflag:$0x1] =	stream.linear.gather [hbm4b:s29+s4], $0x70, $0x38;
	[tilespmem:$0x62C0] =	vst v63  }
0xfe: {  	_ =	swait.ge [sflag:s17], $0x70  }
0xff: {  	[sflag:s17] =	ssyncset.done $0x0  }
0x100: {  	[sflag:s17] =	ssyncadd.s32 $0xFFFFFF90  }
0x101: {  	v2 =	vld [tilespmem:$0x0]  }
0x102: {  	v3 =	vld [tilespmem:$0x70]  }
0x103: {  	v6 =	vld [tilespmem:$0x10]  }
0x104: {  	v4 =	vld [tilespmem:$0x80]  }
0x105: {  	v7 =	vld [tilespmem:$0x20]  }
0x106: {  	v2 =	vshll.u32 v2, $0x4;
	v5 =	vld [tilespmem:$0x90]  }
0x107: {  	v8 =	vmul.f32 $1.442695020e+00, v3;
	v9 =	vld [tilespmem:$0x30]  }
0x108: {  	v3 =	vld [tilespmem:$0xA0]  }
0x109: {  	v10 =	vmul.f32 $1.442695020e+00, v4;
	v11 =	vld [tilespmem:$0x40]  }
0x10a: {  	v4 =	vld [tilespmem:$0xB0]  }
0x10b: {  	v2 =	vld.idx.msk [tilespmem:v2+s21+$0x0], $0xffff;
	v12 =	vmul.f32 $1.442695020e+00, v5  }
0x10c: {  	v5 =	vld [tilespmem:$0x50]  }
0x10d: {  	v13 =	vmul.f32 $1.442695020e+00, v3;
	v14 =	vld [tilespmem:$0xC0]  }
0x10e: {  	v3 =	vld [tilespmem:$0x60]  }
0x10f: {  	v15 =	vmul.f32 $1.442695020e+00, v4;
	v16 =	vld [tilespmem:$0xD0];
	_ =	sdelay $0x1  }
0x110: {  	v2 =	vadd.f32 $1.000000020e-16, v2  }
0x111: {  	v4 =	vmul.f32 $1.442695020e+00, v14;
	(erf) = vpow2.f32 v8  }
0x112: {  	(erf) = vrcp.f32 v2  }
0x113: {  	v2 =	vmul.f32 $1.442695020e+00, v16;
	_ =	sdelay $0x6  }
0x114: {  	v6 =	vshll.u32 v6, $0x4;
	v8 =	vpop (erf)  }
0x115: {  	v14 =	vpop (erf)  }
0x116: {  	v8 =	vmul.f32 v14, v8;
	_ =	sdelay $0x1  }
0x117: {  	[tilespmem:$0x1650] =	vst v8  }
0x118: {  	v6 =	vld.idx.msk [tilespmem:v6+s21+$0x0], $0xffff;
	_ =	sdelay $0x5  }
0x119: {  	v6 =	vadd.f32 $1.000000020e-16, v6  }
0x11a: {  	(erf) = vpow2.f32 v10  }
0x11b: {  	(erf) = vrcp.f32 v6;
	_ =	sdelay $0x7  }
0x11c: {  	v6 =	vshll.u32 v7, $0x4;
	v7 =	vpop (erf)  }
0x11d: {  	v8 =	vpop (erf)  }
0x11e: {  	v7 =	vmul.f32 v8, v7;
	_ =	sdelay $0x1  }
0x11f: {  	[tilespmem:$0x1660] =	vst v7  }
0x120: {  	v6 =	vld.idx.msk [tilespmem:v6+s21+$0x0], $0xffff;
	_ =	sdelay $0x5  }
0x121: {  	v6 =	vadd.f32 $1.000000020e-16, v6  }
0x122: {  	(erf) = vpow2.f32 v12  }
0x123: {  	(erf) = vrcp.f32 v6;
	_ =	sdelay $0x7  }
0x124: {  	v6 =	vshll.u32 v9, $0x4;
	v7 =	vpop (erf)  }
0x125: {  	v8 =	vpop (erf)  }
0x126: {  	v7 =	vmul.f32 v8, v7;
	_ =	sdelay $0x1  }
0x127: {  	[tilespmem:$0x1670] =	vst v7  }
0x128: {  	v6 =	vld.idx.msk [tilespmem:v6+s21+$0x0], $0xffff;
	_ =	sdelay $0x5  }
0x129: {  	v6 =	vadd.f32 $1.000000020e-16, v6  }
0x12a: {  	(erf) = vpow2.f32 v13  }
0x12b: {  	(erf) = vrcp.f32 v6;
	_ =	sdelay $0x7  }
0x12c: {  	v6 =	vshll.u32 v11, $0x4;
	v7 =	vpop (erf)  }
0x12d: {  	v8 =	vpop (erf)  }
0x12e: {  	v7 =	vmul.f32 v8, v7;
	_ =	sdelay $0x1  }
0x12f: {  	[tilespmem:$0x1680] =	vst v7  }
0x130: {  	v6 =	vld.idx.msk [tilespmem:v6+s21+$0x0], $0xffff;
	_ =	sdelay $0x5  }
0x131: {  	v6 =	vadd.f32 $1.000000020e-16, v6  }
0x132: {  	(erf) = vpow2.f32 v15  }
0x133: {  	(erf) = vrcp.f32 v6;
	_ =	sdelay $0x7  }
0x134: {  	v5 =	vshll.u32 v5, $0x4;
	v6 =	vpop (erf)  }
0x135: {  	v7 =	vpop (erf)  }
0x136: {  	v6 =	vmul.f32 v7, v6;
	_ =	sdelay $0x1  }
0x137: {  	[tilespmem:$0x1690] =	vst v6  }
0x138: {  	v5 =	vld.idx.msk [tilespmem:v5+s21+$0x0], $0xffff;
	_ =	sdelay $0x5  }
0x139: {  	v5 =	vadd.f32 $1.000000020e-16, v5  }
0x13a: {  	(erf) = vpow2.f32 v4  }
0x13b: {  	(erf) = vrcp.f32 v5;
	_ =	sdelay $0x7  }
0x13c: {  	v3 =	vshll.u32 v3, $0x4;
	v4 =	vpop (erf)  }
0x13d: {  	v5 =	vpop (erf)  }
0x13e: {  	v4 =	vmul.f32 v5, v4;
	_ =	sdelay $0x1  }
0x13f: {  	[tilespmem:$0x16A0] =	vst v4  }
0x140: {  	v3 =	vld.idx.msk [tilespmem:v3+s21+$0x0], $0xffff;
	_ =	sdelay $0x5  }
0x141: {  	v3 =	vadd.f32 $1.000000020e-16, v3  }
0x142: {  	(erf) = vpow2.f32 v2  }
0x143: {  	(erf) = vrcp.f32 v3;
	_ =	sdelay $0x7  }
0x144: {  	v2 =	vpop (erf)  }
0x145: {  	v3 =	vpop (erf)  }
0x146: {  	v2 =	vmul.f32 v3, v2  }
.Ltmp5:
0x147: {  	(pc) =	sbr.rel @p1 .LBB2_8-.Ltmp5, $4  }
0x148: {  	s29 =	sadd.s32 s25, s13;
	s25 =	smov.u32 s28;
	[tilespmem:$0x16B0] =	vst v2  }
0x149: {  	[hbm4b:s29+s4] =	stream.linear.scatter [tilespmem:s22], [sflag:$0x1], $0x70, $0x38;
	[tilespmem:$0x62C0] =	vst v63  }
0x14a: {  	_ =	swait.ge [sflag:s17], $0x70  }
0x14b: {  	s29 =	smov.u32 s26;
	[sflag:s17] =	ssyncset.done $0x0  }
0x14c: {  	s26 =	sadd.s32 s25, s15;
	[sflag:s17] =	ssyncadd.s32 $0xFFFFFF90  }
0x14d: {  	[tilespmem:s18], [sflag:$0x1] =	stream.linear.gather [hbm4b:s26+s4], $0x70, $0x38;
	[tilespmem:$0x62C0] =	vst v63  }
0x14e: {  	_ =	swait.ge [sflag:s17], $0x70  }
0x14f: {  	[sflag:s17] =	ssyncset.done $0x0  }
0x150: {  	s30 =	sadd.s32 s25, s14;
	[sflag:s17] =	ssyncadd.s32 $0xFFFFFF90  }
0x151: {  	[tilespmem:s4], [sflag:$0x1] =	stream.linear.gather [hbm4b:s30+s4], $0x70, $0x38;
	[tilespmem:$0x62C0] =	vst v63  }
0x152: {  	_ =	swait.ge [sflag:s17], $0x70  }
0x153: {  	[sflag:s17] =	ssyncset.done $0x0  }
0x154: {  	[sflag:s17] =	ssyncadd.s32 $0xFFFFFF90  }
0x155: {  	v2 =	vld [tilespmem:$0x0];
	_ =	sdelay $0x4  }
0x156: {  	v2 =	vshll.u32 v2, $0x4;
	_ =	sdelay $0x3  }
0x157: {  	v3 =	vld [tilespmem:$0x70]  }
0x158: {  	v2 =	vld.idx.msk [tilespmem:v2+s21+$0x0], $0xffff;
	_ =	sdelay $0x3  }
0x159: {  	v3 =	vmul.f32 $1.442695020e+00, v3  }
0x15a: {  	v2 =	vadd.f32 $1.000000020e-16, v2  }
0x15b: {  	(erf) = vpow2.f32 v3  }
0x15c: {  	(erf) = vrcp.f32 v2;
	_ =	sdelay $0x2  }
0x15d: {  	v2 =	vld [tilespmem:$0x10];
	_ =	sdelay $0x4  }
0x15e: {  	v3 =	vpop (erf);
	v2 =	vshll.u32 v2, $0x4  }
0x15f: {  	v4 =	vpop (erf)  }
0x160: {  	v3 =	vmul.f32 v4, v3;
	_ =	sdelay $0x1  }
0x161: {  	v53 =	vld [tilespmem:$0x80];
	[tilespmem:$0x1650] =	vst v3  }
0x162: {  	v2 =	vld.idx.msk [tilespmem:v2+s21+$0x0], $0xffff;
	_ =	sdelay $0x3  }
0x163: {  	v3 =	vmul.f32 $1.442695020e+00, v53  }
0x164: {  	v2 =	vadd.f32 $1.000000020e-16, v2  }
0x165: {  	(erf) = vpow2.f32 v3  }
0x166: {  	(erf) = vrcp.f32 v2;
	_ =	sdelay $0x2  }
0x167: {  	v2 =	vld [tilespmem:$0x20];
	_ =	sdelay $0x4  }
0x168: {  	v3 =	vpop (erf);
	v2 =	vshll.u32 v2, $0x4  }
0x169: {  	v54 =	vpop (erf)  }
0x16a: {  	v3 =	vmul.f32 v54, v3;
	_ =	sdelay $0x1  }
0x16b: {  	v55 =	vld [tilespmem:$0x90];
	[tilespmem:$0x1660] =	vst v3  }
0x16c: {  	v2 =	vld.idx.msk [tilespmem:v2+s21+$0x0], $0xffff;
	_ =	sdelay $0x3  }
0x16d: {  	v3 =	vmul.f32 $1.442695020e+00, v55  }
0x16e: {  	v2 =	vadd.f32 $1.000000020e-16, v2  }
0x16f: {  	(erf) = vpow2.f32 v3  }
0x170: {  	(erf) = vrcp.f32 v2;
	_ =	sdelay $0x2  }
0x171: {  	v2 =	vld [tilespmem:$0x30];
	_ =	sdelay $0x4  }
0x172: {  	v3 =	vpop (erf);
	v2 =	vshll.u32 v2, $0x4  }
0x173: {  	v56 =	vpop (erf)  }
0x174: {  	v3 =	vmul.f32 v56, v3;
	_ =	sdelay $0x1  }
0x175: {  	v57 =	vld [tilespmem:$0xA0];
	[tilespmem:$0x1670] =	vst v3  }
0x176: {  	v2 =	vld.idx.msk [tilespmem:v2+s21+$0x0], $0xffff;
	_ =	sdelay $0x3  }
0x177: {  	v3 =	vmul.f32 $1.442695020e+00, v57  }
0x178: {  	v2 =	vadd.f32 $1.000000020e-16, v2  }
0x179: {  	(erf) = vpow2.f32 v3  }
0x17a: {  	(erf) = vrcp.f32 v2;
	_ =	sdelay $0x2  }
0x17b: {  	v2 =	vld [tilespmem:$0x40];
	_ =	sdelay $0x4  }
0x17c: {  	v3 =	vpop (erf);
	v2 =	vshll.u32 v2, $0x4  }
0x17d: {  	v58 =	vpop (erf)  }
0x17e: {  	v3 =	vmul.f32 v58, v3;
	_ =	sdelay $0x1  }
0x17f: {  	v59 =	vld [tilespmem:$0xB0];
	[tilespmem:$0x1680] =	vst v3  }
0x180: {  	v2 =	vld.idx.msk [tilespmem:v2+s21+$0x0], $0xffff;
	_ =	sdelay $0x3  }
0x181: {  	v3 =	vmul.f32 $1.442695020e+00, v59  }
0x182: {  	v2 =	vadd.f32 $1.000000020e-16, v2  }
0x183: {  	(erf) = vpow2.f32 v3  }
0x184: {  	(erf) = vrcp.f32 v2;
	_ =	sdelay $0x2  }
0x185: {  	v2 =	vld [tilespmem:$0x50];
	_ =	sdelay $0x4  }
0x186: {  	v3 =	vpop (erf);
	v2 =	vshll.u32 v2, $0x4  }
0x187: {  	v60 =	vpop (erf)  }
0x188: {  	v3 =	vmul.f32 v60, v3;
	_ =	sdelay $0x1  }
0x189: {  	v61 =	vld [tilespmem:$0xC0];
	[tilespmem:$0x1690] =	vst v3  }
0x18a: {  	v2 =	vld.idx.msk [tilespmem:v2+s21+$0x0], $0xffff;
	_ =	sdelay $0x3  }
0x18b: {  	v3 =	vmul.f32 $1.442695020e+00, v61  }
0x18c: {  	v2 =	vadd.f32 $1.000000020e-16, v2  }
0x18d: {  	(erf) = vpow2.f32 v3  }
0x18e: {  	(erf) = vrcp.f32 v2;
	_ =	sdelay $0x2  }
0x18f: {  	v2 =	vld [tilespmem:$0x60];
	_ =	sdelay $0x4  }
0x190: {  	v3 =	vpop (erf);
	v2 =	vshll.u32 v2, $0x4  }
0x191: {  	v62 =	vpop (erf)  }
0x192: {  	v3 =	vmul.f32 v62, v3;
	_ =	sdelay $0x1  }
0x193: {  	v63 =	vld [tilespmem:$0xD0];
	[tilespmem:$0x16A0] =	vst v3  }
0x194: {  	v2 =	vld.idx.msk [tilespmem:v2+s21+$0x0], $0xffff;
	_ =	sdelay $0x3  }
0x195: {  	v3 =	vmul.f32 $1.442695020e+00, v63  }
0x196: {  	v2 =	vadd.f32 $1.000000020e-16, v2  }
0x197: {  	(erf) = vpow2.f32 v3  }
0x198: {  	(erf) = vrcp.f32 v2;
	_ =	sdelay $0x7  }
0x199: {  	v2 =	vpop (erf)  }
0x19a: {  	v3 =	vpop (erf)  }
0x19b: {  	v2 =	vmul.f32 v3, v2;
	_ =	sdelay $0x1  }
.Ltmp6:
0x19c: {  	s31 =	sadd.s32 s25, s13;
	[tilespmem:$0x16B0] =	vst v2;
	(pc) =	sbr.rel @p0 .LBB2_13-.Ltmp6, $4  }
0x19d: {  	[hbm4b:s31+s4] =	stream.linear.scatter [tilespmem:s22], [sflag:$0x1], $0x70, $0x38;
	[tilespmem:$0x62C0] =	vst v63  }
0x19e: {  	_ =	swait.ge [sflag:s17], $0x70  }
0x19f: {  	[sflag:s17] =	ssyncset.done $0x0  }
0x1a0: {  	[sflag:s17] =	ssyncadd.s32 $0xFFFFFF90  }
0x1a1: {  	[tilespmem:s23], [sflag:$0x1] =	stream.linear.gather [spmem:s8], $0x400, $0x38;
	[tilespmem:$0x62C0] =	vst v63  }
0x1a2: {  	_ =	swait.ge [sflag:s17], $0x400  }
0x1a3: {  	[sflag:s17] =	ssyncset.done $0x0  }
0x1a4: {  	s25 =	simm.s32 $0x0;
	s26 =	simm.s32 $0x40;
	[sflag:s17] =	ssyncadd.s32 $0xFFFFFC00  }
.LBB2_11:
0x1a5: {  	p1 =	sne.s32 s26, $0xFC0;
	v2 =	vld.idx.msk [tilespmem:v1+s25+$0x0 ss:$0x1], $0xffff;
	_ =	sdelay $0x5  }
0x1a6: {  	v2 =	vadd.f32 $1.000000020e-16, v2;
	_ =	sdelay $0x1  }
0x1a7: {  	v2 =	vbroadcast v2, $0x0;
	_ =	sdelay $0x1  }
0x1a8: {  	(erf) = vrcp.f32 v2;
	_ =	sdelay $0x4  }
0x1a9: {  	v2 =	vld [tilespmem:s25+$0x56C0];
	_ =	sdelay $0x2  }
.Ltmp7:
0x1aa: {  	(pc) =	sbr.rel @p1 .LBB2_11-.Ltmp7, $3  }
0x1ab: {  	v3 =	vpop (erf)  }
0x1ac: {  	v2 =	vmul.f32 v3, v2;
	_ =	sdelay $0x1  }
0x1ad: {  	[tilespmem:s25+$0x56C0] =	vst v2;
	s25 =	sshra.s32 s26, $0x2;
	s26 =	sadd.s32 $0x40, s26  }
0x1ae: {  	_ =	sdelay $0x3  }
0x1af: {  	v2 =	vld.idx.msk [tilespmem:v1+s25+$0x0 ss:$0x1], $0xffff;
	_ =	sdelay $0x4  }
0x1b0: {  	v2 =	vadd.f32 $1.000000020e-16, v2;
	_ =	sdelay $0x1  }
0x1b1: {  	v2 =	vbroadcast v2, $0x0;
	_ =	sdelay $0x1  }
0x1b2: {  	(erf) = vrcp.f32 v2;
	_ =	sdelay $0x4  }
0x1b3: {  	v2 =	vld [tilespmem:s25+$0x56C0];
	_ =	sdelay $0x3  }
0x1b4: {  	v3 =	vpop (erf)  }
0x1b5: {  	v2 =	vmul.f32 v3, v2;
	_ =	sdelay $0x1  }
.Ltmp8:
0x1b6: {  	[tilespmem:s25+$0x56C0] =	vst v2;
	(pc) =	sbr.rel .LBB2_13-.Ltmp8, $4  }
0x1b7: {  	[hbm4b:s11+s4] =	stream.linear.scatter [tilespmem:s23], [sflag:$0x1], $0x400, $0x38;
	[tilespmem:$0x62C0] =	vst v63  }
0x1b8: {  	_ =	swait.ge [sflag:s17], $0x400  }
0x1b9: {  	[sflag:s17] =	ssyncset.done $0x0  }
0x1ba: {  	[sflag:s17] =	ssyncadd.s32 $0xFFFFFC00  }
.LBB2_14:
0x1bb: {  	_ =	sfence.sel $0x180000  }
0x1bc: {  	[bflag:$0x0] =	sbarrier.arrive $0xFFFF  }
0x1bd: {  	p0 =	sne.s32 s3, $0x0;
	_ =	strace $0x9000004D  }
0x1be: {  	s0 =	sadd.s32 @!p0 $0x100000, s0;
	[bflag:$0x2] =	sbarrier.arrive $0xFFFF  }
0x1bf: {  	[sflag:s0] =	ssyncadd.tile.s32 @!p0 $0x1;
	_ =	shalt  }
.Lfunc_end2:
_tile_overlayer_lowered:
.L_overlay_start_2:
0x1c0: {  	(tag) =	ssettag $0x2  }
0x1c1: {  	s0 =	rddreg [dreg:$0x0];
	s2 =	stileid.u32  }
0x1c2: {  	s1 =	rddreg [dreg:$0x1];
	p0 =	sne.s32 s2, $0x0  }
0x1c3: {  	s3 =	rddreg [dreg:$0x2];
	[bflag:$0x3] =	sbarrier.arrive $0xFFFF;
	s2 =	simm.s32 @!p0 $0x1C01  }
0x1c4: {  	[timem:s3], [sflag:s2] =	dma.local @!p0 [hbm:s0], s1  }
0x1c5: {  	s0 =	simm.s32 @!p0 $0x1  }
0x1c6: {  	_ =	swait.ge @!p0 [sflag:s0], s1  }
0x1c7: {  	s1 =	ssub.s32 @!p0 $0x0, s1;
	[sflag:s0] =	ssyncset.done @!p0 $0x0  }
0x1c8: {  	[sflag:s0] =	ssyncadd.s32 @!p0 s1  }
0x1c9: {  	[bflag:$0x3] =	sbarrier.arrive $0xFFFF  }
0x1ca: {  	_ =	shalt  }

// kernel: kernel.9.cloned.1.call-start
scs
__scs_entry_jumppad:
0x0: {  	(pc) =	sbr.rel $0x88, $3  }
0x1: {  	(tag) =	ssettag $0x0;
	lr =	simm.s32 $0x1  }
0x2: {  	[smem:$0x3F81] =	sst lr;
	_ =	strace $0xD0000000  }
0x3: {  	_ = 	snop  }
0x4: {  	_ = 	snop  }
0x5: {  	_ = 	snop  }
0x6: {  	_ = 	snop  }
0x7: {  	_ = 	snop  }
__scs_overlays_trampoline_lowered:
0x8: {  	[smem:$0x3F90] =	sst s0  }
0x9: {  	[smem:$0x3F91] =	sst s1  }
0xa: {  	[smem:$0x3F92] =	sst s2  }
0xb: {  	[smem:$0x3F93] =	sst s3  }
0xc: {  	[smem:$0x3F94] =	sst s4  }
0xd: {  	[smem:$0x3F95] =	sst s5  }
0xe: {  	[smem:$0x3F96] =	sst s6  }
0xf: {  	[smem:$0x3F97] =	sst s7  }
0x10: {  	[smem:$0x3F98] =	sst s8  }
0x11: {  	[smem:$0x3F99] =	sst s9;
	s0 =	simm.s32 @!p0 $0x0  }
0x12: {  	s1 =	sld [smem:$0x3F7F];
	s0 =	simm.s32 @p0 $0x1  }
0x13: {  	[smem:$0x3F9A] =	sst s0;
	s0 =	simm.s32 @!p1 $0x0  }
0x14: {  	s2 =	sld [smem:$0x3F7E];
	s0 =	simm.s32 @p1 $0x1  }
0x15: {  	[smem:$0x3F9B] =	sst s0;
	s0 =	simm.s32 @!p2 $0x0  }
0x16: {  	s3 =	sld [smem:$0x3FDB];
	s0 =	simm.s32 @p2 $0x1  }
0x17: {  	s4 =	simm.s32 $0x1BF5;
	[smem:$0x3F9D] =	sst s0  }
0x18: {  	s0 =	sld [smem:$0x3F80];
	_ =	swait.ge [sflag:s4], $0x0  }
0x19: {  	s7 =	sld [smem:$0x3F81]  }
0x1a: {  	s8 =	sadd.s32 $0xFFFFE003, lr  }
0x1b: {  	s9 =	sadd.s32 $0xFFFFFEF7, lr;
	s5 =	simm.s32 $0xFFFFFFFF;
	p2 =	slt.u32 s8, $0xFFFFF086  }
0x1c: {  	p1 =	slt.u32 s9, $0xF7A;
	s5 =	simm.s32 @!p2 $0x0  }
0x1d: {  	s5 =	simm.s32 @p1 $0x1;
	p0 =	seq.s32 s7, s2  }
0x1e: {  	s7 =	smul.u32 @!p0 $0xF7A, s2;
	p2 =	seq.s32 @!p0 s5, $0x0  }
0x1f: {  	s9 =	smul.u32 $0xF7A, s1;
	s8 =	simm.s32 @!p0 $0x1BF5;
	p2 =	por !p2, p0  }
0x20: {  	[sflag:s8] =	ssyncset.s32 @!p0 $0xFFFFF086;
	s6 =	sadd.s32 @!p0 s3, s7;
	s7 =	simm.s32 @!p0 $0x108  }
0x21: {  	s3 =	sadd.s32 s3, s9;
	s6 =	sadd.s32 @!p0 $0x88, s6;
	s7 =	simm.s32 @p2 $0x1082  }
0x22: {  	[simem:s7], [sflag:s8] =	dma.local @!p0 [hbm:s6], $0xF7A  }
0x23: {  	s9 =	sor.u32 $0xD0000000, s2;
	s6 =	simm.s32 $0x108;
	_ =	swait.ge @!p0 [sflag:s8], $0x0  }
0x24: {  	s3 =	sadd.s32 $0x88, s3;
	s6 =	simm.s32 @!p1 $0x1082;
	[sflag:s4] =	ssyncset.s32 $0xFFFFF086  }
0x25: {  	[simem:s6], [sflag:s4] =	dma.local [hbm:s3], $0xF7A  }
0x26: {  	[smem:$0x3F81] =	sst s1;
	(tag) =	ssettag s2;
	_ =	strace s9  }
0x27: {  	s1 =	sld [smem:$0x3F91]  }
0x28: {  	s2 =	sld [smem:$0x3F92]  }
0x29: {  	s4 =	sld [smem:$0x3F94]  }
0x2a: {  	p0 =	seq.s32 s5, $0x0;
	s5 =	sld [smem:$0x3F95]  }
0x2b: {  	s6 =	sld [smem:$0x3F96]  }
0x2c: {  	s7 =	sld [smem:$0x3F97]  }
0x2d: {  	s3 =	simm.s32 $0x108;
	s8 =	sld [smem:$0x3F98]  }
0x2e: {  	s3 =	simm.s32 @!p0 $0x1082;
	s9 =	sld [smem:$0x3F99]  }
0x2f: {  	lr =	sadd.s32 s0, s3;
	s0 =	sld [smem:$0x3F90]  }
0x30: {  	s3 =	sld [smem:$0x3F93]  }
0x31: {  	[smem:$0x3F9C] =	sst s10  }
0x32: {  	s10 =	sld [smem:$0x3F9A];
	_ =	sdelay $0x3  }
0x33: {  	p0 =	seq.s32 s10, $0x1;
	s10 =	sld [smem:$0x3F9C];
	_ =	sdelay $0x3  }
0x34: {  	[smem:$0x3F9C] =	sst s10  }
0x35: {  	s10 =	sld [smem:$0x3F9B];
	_ =	sdelay $0x3  }
0x36: {  	p1 =	seq.s32 s10, $0x1;
	s10 =	sld [smem:$0x3F9C];
	_ =	sdelay $0x3  }
0x37: {  	[smem:$0x3F9C] =	sst s10  }
0x38: {  	s10 =	sld [smem:$0x3F9D]  }
0x39: {  	_ = 	snop;
	(pc) =	sbr.ind lr, $3  }
0x3a: {  	_ = 	snop  }
0x3b: {  	_ = 	snop  }
0x3c: {  	p2 =	seq.s32 s10, $0x1;
	s10 =	sld [smem:$0x3F9C]  }
0x3d: {  	_ =	shalt  }
0x3e: {  	_ =	shalt  }
0x3f: {  	_ =	shalt  }
0x40: {  	_ =	shalt  }
0x41: {  	_ =	shalt  }
0x42: {  	_ =	shalt  }
0x43: {  	_ =	shalt  }
0x44: {  	_ =	shalt  }
0x45: {  	_ =	shalt  }
0x46: {  	_ =	shalt  }
0x47: {  	_ =	shalt  }
0x48: {  	_ =	shalt  }
0x49: {  	_ =	shalt  }
0x4a: {  	_ =	shalt  }
0x4b: {  	_ =	shalt  }
0x4c: {  	_ =	shalt  }
0x4d: {  	_ =	shalt  }
0x4e: {  	_ =	shalt  }
0x4f: {  	_ =	shalt  }
0x50: {  	_ =	shalt  }
0x51: {  	_ =	shalt  }
0x52: {  	_ =	shalt  }
0x53: {  	_ =	shalt  }
0x54: {  	_ =	shalt  }
0x55: {  	_ =	shalt  }
0x56: {  	_ =	shalt  }
0x57: {  	_ =	shalt  }
0x58: {  	_ =	shalt  }
0x59: {  	_ =	shalt  }
0x5a: {  	_ =	shalt  }
0x5b: {  	_ =	shalt  }
0x5c: {  	_ =	shalt  }
0x5d: {  	_ =	shalt  }
0x5e: {  	_ =	shalt  }
0x5f: {  	_ =	shalt  }
0x60: {  	_ =	shalt  }
0x61: {  	_ =	shalt  }
0x62: {  	_ =	shalt  }
0x63: {  	_ =	shalt  }
0x64: {  	_ =	shalt  }
0x65: {  	_ =	shalt  }
0x66: {  	_ =	shalt  }
0x67: {  	_ =	shalt  }
0x68: {  	_ =	shalt  }
0x69: {  	_ =	shalt  }
0x6a: {  	_ =	shalt  }
0x6b: {  	_ =	shalt  }
0x6c: {  	_ =	shalt  }
0x6d: {  	_ =	shalt  }
0x6e: {  	_ =	shalt  }
0x6f: {  	_ =	shalt  }
0x70: {  	_ =	shalt  }
0x71: {  	_ =	shalt  }
0x72: {  	_ =	shalt  }
0x73: {  	_ =	shalt  }
0x74: {  	_ =	shalt  }
0x75: {  	_ =	shalt  }
0x76: {  	_ =	shalt  }
0x77: {  	_ =	shalt  }
0x78: {  	_ =	shalt  }
0x79: {  	_ =	shalt  }
0x7a: {  	_ =	shalt  }
0x7b: {  	_ =	shalt  }
0x7c: {  	_ =	shalt  }
0x7d: {  	_ =	shalt  }
0x7e: {  	_ =	shalt  }
0x7f: {  	_ =	shalt  }
0x80: {  	_ =	shalt  }
0x81: {  	_ =	shalt  }
0x82: {  	_ =	shalt  }
0x83: {  	_ =	shalt  }
0x84: {  	_ =	shalt  }
0x85: {  	_ =	shalt  }
0x86: {  	_ =	shalt  }
0x87: {  	_ =	shalt  }
.Lfunc_end0:
.L_simem_size_0:
called_computation_lowered:
.L_overlay_start_0:
0x88: {  	s2 =	sld [smem:$0x3FD9]  }
0x89: {  	s3 =	sld [smem:$0x3FFE];
	_ =	sdelay $0x1  }
0x8a: {  	s1 =	srdreg.scid  }
0x8b: {  	s0 =	sand.u32 $0x1, s1  }
0x8c: {  	s16 =	sshll.u32 s0, $0xA;
	s2 =	sadd.s32 s3, s2  }
0x8d: {  	s2 =	sadd.s32 s2, s16  }
0x8e: {  	[smem:$0x3FA8] =	sst s2  }
0x8f: {  	_ = 	snop  }
0x90: {  	(tm) =	ssettm $0x1  }
0x91: {  	s17 =	sld [smem:$0x3FFB];
	_ =	sdelay $0x3  }
0x92: {  	_ =	strace s17  }
0x93: {  	s2 =	sld [smem:$0x3FFC];
	_ =	sdelay $0x3  }
0x94: {  	_ =	strace s2  }
0x95: {  	s2 =	sld [smem:$0x3FFD];
	_ =	sdelay $0x3  }
0x96: {  	_ =	strace s2  }
0x97: {  	_ =	strace $0x8FFFFFFF  }
0x98: {  	s18 =	sld [smem:$0x3FDB];
	_ =	sdelay $0x1  }
0x99: {  	s19 =	simm.s32 $_scs_section_size  }
0x9a: {  	s4 =	simm.s32 $_size__tile_overlayer_lowered;
	s5 =	simm.s32 $_tile_overlayer_lowered  }
0x9b: {  	s22 =	simm.s32 $0x1BFF;
	s21 =	sshll.u32 s5, $0x1;
	s2 =	sadd.s32 s19, s18  }
0x9c: {  	s6 =	simm.s32 $0x0;
	s20 =	sshll.u32 s4, $0x1;
	s4 =	sadd.s32 s21, s2  }
0x9d: {  	[timem:s6], [sflag:s22] =	dma.local [hbm:s4], s20  }
0x9e: {  	_ =	swait.ge [sflag:s22], s20  }
0x9f: {  	s3 =	ssub.s32 $0x0, s20;
	[sflag:s22] =	ssyncset.done $0x0  }
0xa0: {  	[sflag:s22] =	ssyncadd.s32 s3;
	_ =	sdelay $0x1  }
0xa1: {  	s23 =	simm.s32 $0x1B8B  }
0xa2: {  	_ =	swait.ge [sflag:s23], $0x1  }
0xa3: {  	[sflag:s23] =	ssyncset.done $0x0  }
0xa4: {  	s25 =	simm.s32 $0x1B8E;
	s24 =	sld [smem:$0x3FFE];
	[sflag:s23] =	ssyncadd.s32 $0xFFFFFFFF  }
0xa5: {  	s26 =	simm.s32 $execute0_lowered;
	[smem:$0x3FD2] =	sst s25  }
0xa6: {  	s4 =	sshll.u32 s26, $0x1;
	_ =	strace $0x80000046;
	[dreg:$0x1] =	wrdreg $0xFFFFFFFF  }
0xa7: {  	s28 =	simm.s32 $_size_execute0_lowered;
	s2 =	sadd.s32 s2, s4;
	[dreg:$0x0] =	wrdreg $0x0  }
0xa8: {  	s4 =	sshll.u32 s28, $0x1;
	[dreg:$0x2] =	wrdreg s2  }
0xa9: {  	[dreg:$0x3] =	wrdreg s4  }
0xaa: {  	[dreg:$0x4] =	wrdreg $0xC0  }
0xab: {  	_ =	task [dreg:s6], $0x5FFFF  }
0xac: {  	[dreg:$0x1] =	wrdreg $0xFFFFFFFF  }
0xad: {  	[dreg:$0x0] =	wrdreg $0x60  }
0xae: {  	[dreg:$0x2] =	wrdreg s24  }
0xaf: {  	[dreg:$0x3] =	wrdreg $0x42000  }
0xb0: {  	[dreg:$0x4] =	wrdreg $0x9  }
0xb1: {  	_ =	task.clear_ibuf [dreg:s6], $0x5FFFF;
	_ =	strace $0x90000046  }
0xb2: {  	s29 =	simm.s32 $0x9;
	_ =	strace $0x80000048  }
0xb3: {  	_ =	swait.ge [sflag:s29], $0x1  }
0xb4: {  	[sflag:s29] =	ssyncadd.s32 $0xFFFFFFFF  }
0xb5: {  	_ =	strace $0x90000048  }
0xb6: {  	_ =	sfence  }
0xb7: {  	s30 =	sld [smem:$0x0];
	_ =	sdelay $0x2  }
0xb8: {  	s31 =	sshll.u32 s1, $0xD;
	s1 =	sshrl.u32 s1, $0x2  }
0xb9: {  	s3 =	sand.u32 $0x4000, s31;
	s1 =	sadd.s32 s1, s30  }
0xba: {  	s0 =	sor.u32 s3, s0;
	s1 =	sshll.u32 s1, $0x11  }
0xbb: {  	s0 =	sor.u32 s1, s0  }
0xbc: {  	s0 =	sadd.s32 $0x8F2B, s0  }
0xbd: {  	[sflag:s0] =	ssyncadd.remote.s32 $0x1  }
0xbe: {  	_ =	sfence.sel $0xFFFF  }
0xbf: {  	[dreg:$0x0] =	wrdreg $0xFFFFFFFF;
	(pc) =	sbr.abs _section_cstart, $3  }
0xc0: {  	[dreg:$0x1] =	wrdreg $0xFFFFFFFF  }
0xc1: {  	_ =	task.clear_ibuf [dreg:s6], $0x2FFFF;
	_ =	strace $0x9FFFFFFF  }
0xc2: {  	(tm) =	ssettm $0x7FFFFFFF  }
0xc3: {  	_ =	shalt  }
tec
execute0_lowered:
.L_overlay_start_1:
0x0: {  	(tag) =	ssettag $0x1  }
0x1: {  	s0 =	rddreg [dreg:$0x0]  }
0x2: {  	s1 =	rddreg [dreg:$0x1]  }
0x3: {  	s3 =	srdreg.scid;
	s2 =	simm.s32 $0x0;
	s11 =	stileid.u32  }
0x4: {  	s19 =	simm.s32 $0x2200;
	s20 =	simm.s32 $0x5;
	s8 =	smul.u32 $0x3100, s11  }
0x5: {  	s28 =	simm.s32 $0x2;
	s29 =	simm.s32 $0x1200;
	s9 =	smul.u32 $0x310, s11  }
0x6: {  	s30 =	simm.s32 $0x3200;
	s3 =	sand.u32 $0x1, s3;
	s25 =	smul.u32 $0x62000, s11  }
0x7: {  	s31 =	simm.s32 $0x3;
	[smem:$0x7FF] =	sst s2;
	s4 =	smul.u32 $0x620000, s3  }
0x8: {  	s5 =	sadd.s32 $0xCA000, s0;
	s7 =	smul.u32 $0x31000, s3;
	s3 =	ssub.s32 $0x2, s3  }
0x9: {  	_ =	strace $0x80000047;
	s21 =	sshrl.u32 s3, $0x1;
	s23 =	sadd.s32 s5, s8  }
0xa: {  	s24 =	sor.u32 $0x10, s8;
	s13 =	sor.u32 $0x1, s9;
	s14 =	sor.u32 $0x2, s9  }
0xb: {  	s15 =	sor.u32 $0x3, s9;
	[dreg:$0x7] =	wrdreg s25;
	s26 =	sshrl.u32 s25, $0x2  }
0xc: {  	s25 =	simm.s32 $0x1;
	s6 =	sadd.s32 s4, s0;
	s4 =	sadd.s32 $0xFB000, s0  }
0xd: {  	s0 =	sadd.s32 s7, s0;
	s3 =	ssub.s32 s3, s21;
	[dreg:$0x4] =	wrdreg s23  }
0xe: {  	s18 =	sadd.s32 s26, s1;
	s21 =	simm.s32 $0x100;
	s23 =	simm.s32 $0x180  }
0xf: {  	s26 =	simm.s32 $0x0;
	s22 =	sadd.s32 s8, s0;
	s10 =	sadd.s32 s4, s8  }
0x10: {  	s12 =	sadd.s32 s4, s24;
	s3 =	smax.u32 s3, $0x1;
	[dreg:$0x3] =	wrdreg s10  }
0x11: {  	[dreg:$0x5] =	wrdreg s12;
	s10 =	sadd.s32 s5, s24;
	s12 =	sadd.s32 $0x68000, s0  }
0x12: {  	s0 =	sadd.s32 $0x12C000, s0;
	[dreg:$0x8] =	wrdreg s3;
	s17 =	sadd.s32 $0x6000, s22  }
0x13: {  	s22 =	simm.s32 $0x80;
	s3 =	simm.s32 $0x0;
	[dreg:$0x6] =	wrdreg s10  }
0x14: {  	s10 =	sadd.s32 $0x31CA000, s6;
	s24 =	sadd.s32 s0, s8;
	s0 =	simm.s32 $0x4  }
.LBB2_1:
0x15: {  	s6 =	sadd.s32 $0x0, s17  }
0x16: {  	[tilespmem:s19], [sflag:$0x5] =	stream.linear.gather [hbm4b:s6+s2], $0xE00, $0x38;
	[tilespmem:$0x1CA00] =	vst v63  }
0x17: {  	_ =	swait.ge [sflag:s20], $0xE00  }
0x18: {  	[sflag:s20] =	ssyncset.done $0x0  }
0x19: {  	[sflag:s20] =	ssyncadd.s32 $0xFFFFF200  }
0x1a: {  	[spmem:s18] =	stream.linear.scatter [tilespmem:s19], [sflag:$0x5], $0xE00, $0x38;
	[tilespmem:$0x1CA00] =	vst v63  }
0x1b: {  	s7 =	simm.s32 $0x1C0;
	_ =	swait.ge [sflag:s20], $0xE00  }
0x1c: {  	s8 =	simm.s32 $0x380;
	s6 =	sadd.s32 $0xE00, s18;
	[sflag:s20] =	ssyncset.done $0x0  }
.LBB2_2:
0x1d: {  	s9 =	sadd.s32 s7, s17  }
0x1e: {  	[sflag:s20] =	ssyncadd.s32 $0xFFFFF200;
	s7 =	smov.u32 s8;
	s16 =	sadd.s32 $0x1C0, s8  }
0x1f: {  	[tilespmem:s19], [sflag:$0x5] =	stream.linear.gather [hbm4b:s9+s2], $0xE00, $0x38;
	[tilespmem:$0x1CA00] =	vst v63  }
0x20: {  	p0 =	sne.s32 s8, $0x2F40;
	_ =	swait.ge [sflag:s20], $0xE00  }
.Ltmp0:
0x21: {  	[sflag:s20] =	ssyncset.done $0x0;
	(pc) =	sbr.rel @p0 .LBB2_2-.Ltmp0, $4  }
0x22: {  	[sflag:s20] =	ssyncadd.s32 $0xFFFFF200  }
0x23: {  	[spmem:s6] =	stream.linear.scatter [tilespmem:s19], [sflag:$0x5], $0xE00, $0x38;
	[tilespmem:$0x1CA00] =	vst v63  }
0x24: {  	_ =	swait.ge [sflag:s20], $0xE00  }
0x25: {  	s8 =	smov.u32 s16;
	s6 =	sadd.s32 $0xE00, s6;
	[sflag:s20] =	ssyncset.done $0x0  }
0x26: {  	s7 =	sadd.s32 s7, s17;
	[sflag:s20] =	ssyncadd.s32 $0xFFFFF200  }
0x27: {  	[tilespmem:s19], [sflag:$0x5] =	stream.linear.gather [hbm4b:s7+s2], $0xE00, $0x38;
	[tilespmem:$0x1CA00] =	vst v63  }
0x28: {  	_ =	swait.ge [sflag:s20], $0xE00  }
0x29: {  	[sflag:s20] =	ssyncset.done $0x0  }
0x2a: {  	[sflag:s20] =	ssyncadd.s32 $0xFFFFF200  }
0x2b: {  	[spmem:s6] =	stream.linear.scatter [tilespmem:s19], [sflag:$0x5], $0xE00, $0x38;
	[tilespmem:$0x1CA00] =	vst v63  }
0x2c: {  	_ =	swait.ge [sflag:s20], $0xE00  }
0x2d: {  	[sflag:s20] =	ssyncset.done $0x0  }
0x2e: {  	[sflag:s20] =	ssyncadd.s32 $0xFFFFF200  }
0x2f: {  	[bflag:$0x0] =	sbarrier.arrive $0xFFFF  }
0x30: {  	s16 =	rddreg [dreg:$0x3]  }
0x31: {  	[tilespmem:s26], [sflag:$0x1] =	stream.linear.gather [hbm4b:s16+s26], $0x80, $0x38;
	[tilespmem:$0x1CA00] =	vst v63  }
0x32: {  	s7 =	rddreg [dreg:$0x4]  }
0x33: {  	[tilespmem:s21], [sflag:$0x1] =	stream.linear.gather [hbm4b:s7+s26], $0x80, $0x38;
	[tilespmem:$0x1CA00] =	vst v63  }
0x34: {  	s8 =	rddreg [dreg:$0x5]  }
0x35: {  	[tilespmem:s22], [sflag:$0x2] =	stream.linear.gather [hbm4b:s8+s26], $0x80, $0x38;
	[tilespmem:$0x1CA00] =	vst v63  }
0x36: {  	s9 =	rddreg [dreg:$0x6]  }
0x37: {  	[tilespmem:s23], [sflag:$0x2] =	stream.linear.gather [hbm4b:s9+s26], $0x80, $0x38;
	[tilespmem:$0x1CA00] =	vst v63  }
0x38: {  	_ =	swait.ge [sflag:s25], $0x80  }
0x39: {  	[sflag:s25] =	ssyncset.done $0x0  }
0x3a: {  	[sflag:s25] =	ssyncadd.s32 $0xFFFFFF80  }
0x3b: {  	_ =	swait.ge [sflag:s25], $0x80  }
0x3c: {  	[sflag:s25] =	ssyncset.done $0x0;
	s11 =	rddreg [dreg:$0x7]  }
0x3d: {  	s16 =	simm.s32 $0x200;
	[sflag:s25] =	ssyncadd.s32 $0xFFFFFF80;
	s6 =	sadd.s32 s11, s10  }
0x3e: {  	[tilespmem:s16], [sflag:$0x3] =	stream.linear.gather [hbm4b:s6+s26], $0x1000, $0x38;
	[tilespmem:$0x1CA00] =	vst v63  }
0x3f: {  	s6 =	simm.s32 $0x0  }
0x40: {  	[tilespmem:s19], [sflag:$0x3] =	stream.indirect.gather [hbm4b:s12+s22], $0x20, s26, s22, $0xb8;
	[tilespmem:$0x1CA00] =	vst v63  }
.LBB2_4:
0x41: {  	_ =	swait.ge [sflag:s28], $0x80  }
0x42: {  	[sflag:s28] =	ssyncset.done $0x0  }
0x43: {  	s7 =	sshll.u32 s6, $0x1;
	[sflag:s28] =	ssyncadd.s32 $0xFFFFFF80  }
0x44: {  	s8 =	sadd.s32 s7, s13;
	_ =	swait.ge [sflag:s28], $0x80  }
0x45: {  	s8 =	sshll.u32 s8, $0x9;
	[sflag:s28] =	ssyncset.done $0x0  }
0x46: {  	s8 =	sadd.s32 s10, s8;
	[sflag:s28] =	ssyncadd.s32 $0xFFFFFF80  }
0x47: {  	[tilespmem:s29], [sflag:$0x4] =	stream.linear.gather [hbm4b:s8+s26], $0x1000, $0x38;
	[tilespmem:$0x1CA00] =	vst v63  }
0x48: {  	_ = 	snop  }
0x49: {  	[tilespmem:s30], [sflag:$0x4] =	stream.indirect.gather [hbm4b:s12+s22], $0x20, s22, s22, $0xb8;
	[tilespmem:$0x1CA00] =	vst v63  }
0x4a: {  	_ =	swait.ge [sflag:s31], $0x1000  }
0x4b: {  	[sflag:s31] =	ssyncset.done $0x0  }
0x4c: {  	[sflag:s31] =	ssyncadd.s32 $0xFFFFF000  }
0x4d: {  	_ =	swait.ge [sflag:s31], $0x1000  }
0x4e: {  	[sflag:s31] =	ssyncset.done $0x0  }
0x4f: {  	s8 =	simm.s32 $0x0;
	[sflag:s31] =	ssyncadd.s32 $0xFFFFF000  }
0x50: {  	v0 =	vld [tilespmem:s8+$0x2F0]  }
0x51: {  	v1 =	vld [tilespmem:s8+$0x280]  }
0x52: {  	v2 =	vld [tilespmem:s8+$0x220]  }
0x53: {  	v3 =	vld [tilespmem:s8+$0x2B0]  }
0x54: {  	v4 =	vld [tilespmem:s8+$0x240]  }
0x55: {  	v5 =	vld [tilespmem:s8+$0x2A0]  }
0x56: {  	v6 =	vld [tilespmem:s8+$0x290]  }
0x57: {  	v7 =	vld [tilespmem:s8+$0x250]  }
0x58: {  	v8 =	vld [tilespmem:s8+$0x22B0]  }
0x59: {  	v9 =	vld [tilespmem:s8+$0x2240]  }
0x5a: {  	v10 =	vld [tilespmem:s8+$0x2C0]  }
0x5b: {  	v11 =	vld [tilespmem:s8+$0x260]  }
0x5c: {  	v13 =	vld [tilespmem:s8+$0x22A0]  }
0x5d: {  	v14 =	vld [tilespmem:s8+$0x270]  }
0x5e: {  	v15 =	vld [tilespmem:s8+$0x200]  }
0x5f: {  	v17 =	vld [tilespmem:s8+$0x2220];
	v3 =	vadd.f32 v3, v8  }
0x60: {  	v8 =	vld [tilespmem:s8+$0x2290]  }
0x61: {  	v4 =	vadd.f32 v4, v9;
	v9 =	vld [tilespmem:s8+$0x22F0];
	v3 =	vadd.f32 v3, v3  }
0x62: {  	v58 =	vld [tilespmem:s8+$0x2250]  }
0x63: {  	v16 =	vld [tilespmem:s8+$0x2260];
	v4 =	vadd.f32 v4, v4;
	v3 =	vmul.f32 $1.442695020e+00, v3  }
0x64: {  	v59 =	vld [tilespmem:s8+$0x210];
	v5 =	vadd.f32 v5, v13  }
0x65: {  	v60 =	vld [tilespmem:s8+$0x2210];
	v2 =	vadd.f32 v2, v17;
	v4 =	vmul.f32 $1.442695020e+00, v4;
	(erf) = vpow2.f32 v3  }
0x66: {  	v0 =	vadd.f32 v0, v9;
	v6 =	vadd.f32 v6, v8;
	v8 =	vld [tilespmem:s8+$0x2280]  }
0x67: {  	v7 =	vadd.f32 v7, v58;
	v5 =	vadd.f32 v5, v5;
	v9 =	vld [tilespmem:s8+$0x22C0];
	(erf) = vpow2.f32 v4  }
0x68: {  	v3 =	vld [tilespmem:s8+$0x2200];
	v0 =	vadd.f32 v0, v0;
	v6 =	vadd.f32 v6, v6  }
0x69: {  	v2 =	vadd.f32 v2, v2;
	v5 =	vmul.f32 $1.442695020e+00, v5;
	v4 =	vadd.f32 v11, v16;
	v11 =	vld [tilespmem:s8+$0x2270]  }
0x6a: {  	v61 =	vld [tilespmem:s8+$0x2230];
	v7 =	vadd.f32 v7, v7;
	v0 =	vmul.f32 $1.442695020e+00, v0;
	v6 =	vmul.f32 $1.442695020e+00, v6  }
0x6b: {  	v18 =	vld [tilespmem:s8+$0x230];
	v2 =	vmul.f32 $1.442695020e+00, v2;
	v4 =	vadd.f32 v4, v4;
	v8 =	vadd.f32 v1, v8  }
0x6c: {  	v12 =	vld [tilespmem:s8+$0x2E0];
	v9 =	vadd.f32 v10, v9;
	v1 =	vmul.f32 $1.442695020e+00, v7;
	(erf) = vpow2.f32 v6  }
0x6d: {  	v62 =	vld [tilespmem:s8+$0x22E0];
	v7 =	vadd.f32 v59, v60;
	v3 =	vadd.f32 v15, v3;
	(erf) = vpow2.f32 v0  }
0x6e: {  	v6 =	vadd.f32 v14, v11;
	v10 =	vadd.f32 v9, v9;
	v0 =	vpop (erf);
	(erf) = vpow2.f32 v5  }
0x6f: {  	v11 =	vadd.f32 v8, v8;
	v3 =	vadd.f32 v3, v3;
	(erf) = vpow2.f32 v2  }
0x70: {  	v4 =	vmul.f32 $1.442695020e+00, v4;
	v63 =	vmul.f32 $1.442695020e+00, v10;
	v10 =	vadd.f32 v18, v61;
	v5 =	vld [tilespmem:s8+$0x22D0];
	v2 =	vpop (erf)  }
0x71: {  	v11 =	vmul.f32 $1.442695020e+00, v11;
	v8 =	vmul.f32 $1.442695020e+00, v3;
	v9 =	vadd.f32 $1.000000000e+00, v2;
	v2 =	vld [tilespmem:s8+$0x2D0]  }
0x72: {  	s9 =	simm.s32 $0x400;
	v3 =	vadd.f32 $1.000000000e+00, v0;
	v0 =	vadd.f32 v12, v62;
	(erf) = vpow2.f32 v63  }
.LBB2_5:
0x73: {  	p0 =	sne.s32 s9, $0x3C00;
	v10 =	vadd.f32 v10, v10;
	v6 =	vadd.f32 v6, v6;
	(erf) = vrcp.f32 v9;
	s16 =	smov.u32 s9;
	s9 =	sadd.s32 $0x400, s9  }
0x74: {  	v7 =	vadd.f32 v7, v7;
	v0 =	vadd.f32 v0, v0;
	(erf) = vpow2.f32 v11  }
0x75: {  	v6 =	vmul.f32 $1.442695020e+00, v6;
	(erf) = vpow2.f32 v8;
	v8 =	vpop (erf)  }
0x76: {  	v2 =	vadd.f32 v2, v5;
	v0 =	vmul.f32 $1.442695020e+00, v0;
	(erf) = vpow2.f32 v4;
	v4 =	vpop (erf)  }
0x77: {  	v5 =	vmul.f32 $1.442695020e+00, v10;
	v8 =	vadd.f32 $1.000000000e+00, v8;
	(erf) = vpow2.f32 v1;
	v1 =	vpop (erf)  }
0x78: {  	v2 =	vadd.f32 v2, v2;
	v1 =	vadd.f32 $1.000000000e+00, v1;
	v9 =	vpop (erf);
	(erf) = vpow2.f32 v0  }
0x79: {  	v0 =	vmul.f32 $1.442695020e+00, v7;
	v7 =	vadd.f32 $1.000000000e+00, v9;
	(erf) = vpow2.f32 v5  }
0x7a: {  	v2 =	vmul.f32 $1.442695020e+00, v2;
	(erf) = vpow2.f32 v6  }
0x7b: {  	(erf) = vrcp.f32 v3;
	v3 =	vpop (erf)  }
0x7c: {  	v3 =	vadd.f32 $1.000000000e+00, v3;
	v5 =	vpop (erf);
	(erf) = vpow2.f32 v2  }
0x7d: {  	v2 =	vadd.f32 $1.000000000e+00, v4;
	v4 =	vpop (erf);
	(erf) = vrcp.f32 v1  }
0x7e: {  	v1 =	vadd.f32 $1.000000000e+00, v4;
	v4 =	vpop (erf);
	(erf) = vpow2.f32 v0  }
0x7f: {  	(erf) = vrcp.f32 v7;
	v0 =	vpop (erf)  }
0x80: {  	v6 =	vadd.f32 $1.000000000e+00, v4;
	v7 =	vadd.f32 $1.000000000e+00, v0;
	v9 =	vpop (erf);
	(erf) = vrcp.f32 v2  }
0x81: {  	s16 =	sshra.s32 s16, $0x2;
	(erf) = vrcp.f32 v3;
	v0 =	vpop (erf)  }
0x82: {  	v4 =	vld [tilespmem:s16+$0x2F0];
	v2 =	vadd.f32 $1.000000000e+00, v0;
	v0 =	vpop (erf);
	(erf) = vrcp.f32 v1  }
0x83: {  	v10 =	vadd.f32 v5, v5;
	v1 =	vld [tilespmem:s16+$0x280];
	v3 =	vadd.f32 $1.000000000e+00, v0;
	v5 =	vpop (erf);
	(erf) = vrcp.f32 v8  }
0x84: {  	v8 =	vadd.f32 $1.000000000e+00, v9;
	v0 =	vld [tilespmem:s16+$0x2E0];
	v9 =	vadd.f32 $1.000000000e+00, v5;
	(erf) = vrcp.f32 v6;
	v6 =	vpop (erf)  }
0x85: {  	v14 =	vsub.f32 $1.000000000e+00, v10;
	v5 =	vld [tilespmem:s16+$0x220];
	v6 =	vadd.f32 v6, v6;
	v11 =	vpop (erf);
	(erf) = vrcp.f32 v2  }
0x86: {  	v12 =	vld [tilespmem:s16+$0x2B0];
	v2 =	vadd.f32 $1.000000000e+00, v11;
	(erf) = vrcp.f32 v7;
	v7 =	vpop (erf)  }
0x87: {  	v11 =	vld [tilespmem:s16+$0x240];
	[tilespmem:s8+$0x2240] =	vst v14;
	v7 =	vadd.f32 v7, v7;
	v15 =	vsub.f32 $1.000000000e+00, v6;
	v10 =	vpop (erf);
	(erf) = vrcp.f32 v9  }
0x88: {  	v9 =	vld [tilespmem:s16+$0x2A0];
	v16 =	vadd.f32 $1.000000000e+00, v10;
	v13 =	vpop (erf);
	(erf) = vrcp.f32 v2  }
0x89: {  	v14 =	vld [tilespmem:s16+$0x290];
	v2 =	vadd.f32 v13, v13;
	v7 =	vsub.f32 $1.000000000e+00, v7;
	[tilespmem:s8+$0x22B0] =	vst v15;
	(erf) = vrcp.f32 v8;
	v6 =	vpop (erf)  }
0x8a: {  	v8 =	vld [tilespmem:s16+$0x250];
	v6 =	vadd.f32 v6, v6;
	(erf) = vrcp.f32 v3;
	v13 =	vpop (erf)  }
0x8b: {  	v3 =	vld [tilespmem:s16+$0x210];
	v2 =	vsub.f32 $1.000000000e+00, v2;
	[tilespmem:s8+$0x22A0] =	vst v7;
	v7 =	vadd.f32 v13, v13;
	(erf) = vrcp.f32 v16;
	v10 =	vpop (erf)  }
0x8c: {  	v13 =	vld [tilespmem:s16+$0x22B0];
	v10 =	vadd.f32 v10, v10;
	v18 =	vsub.f32 $1.000000000e+00, v6;
	v15 =	vpop (erf)  }
0x8d: {  	v16 =	vld [tilespmem:s16+$0x2240];
	[tilespmem:s8+$0x2220] =	vst v2;
	v2 =	vadd.f32 v15, v15;
	v20 =	vsub.f32 $1.000000000e+00, v7;
	v15 =	vpop (erf)  }
0x8e: {  	v17 =	vld [tilespmem:s16+$0x2C0];
	v15 =	vadd.f32 v15, v15;
	v21 =	vsub.f32 $1.000000000e+00, v10;
	[tilespmem:s8+$0x22F0] =	vst v18;
	v6 =	vpop (erf)  }
0x8f: {  	v18 =	vld [tilespmem:s16+$0x260];
	v22 =	vsub.f32 $1.000000000e+00, v2;
	[tilespmem:s8+$0x22C0] =	vst v20;
	v6 =	vadd.f32 v6, v6;
	v7 =	vpop (erf)  }
0x90: {  	v2 =	vld [tilespmem:s16+$0x2D0];
	v15 =	vsub.f32 $1.000000000e+00, v15;
	v7 =	vadd.f32 v7, v7;
	[tilespmem:s8+$0x2280] =	vst v21;
	v10 =	vpop (erf)  }
0x91: {  	v20 =	vld [tilespmem:s16+$0x22A0];
	v10 =	vadd.f32 v10, v10;
	[tilespmem:s8+$0x2290] =	vst v22;
	v22 =	vsub.f32 $1.000000000e+00, v6;
	v19 =	vpop (erf)  }
0x92: {  	v12 =	vadd.f32 v12, v13;
	v21 =	vld [tilespmem:s16+$0x270];
	[tilespmem:s8+$0x2200] =	vst v15;
	v23 =	vsub.f32 $1.000000000e+00, v7;
	v13 =	vpop (erf)  }
0x93: {  	v11 =	vadd.f32 v11, v16;
	v15 =	vld [tilespmem:s16+$0x2290];
	v13 =	vadd.f32 v13, v13;
	[tilespmem:s8+$0x22E0] =	vst v22;
	v6 =	vpop (erf)  }
0x94: {  	v12 =	vadd.f32 v12, v12;
	v16 =	vld [tilespmem:s16+$0x22F0];
	v6 =	vadd.f32 v6, v6;
	[tilespmem:s8+$0x2260] =	vst v23;
	v7 =	vpop (erf)  }
0x95: {  	v11 =	vadd.f32 v11, v11;
	v22 =	vld [tilespmem:s16+$0x200];
	v13 =	vsub.f32 $1.000000000e+00, v13  }
0x96: {  	v19 =	vadd.f32 v19, v19;
	v12 =	vmul.f32 $1.442695020e+00, v12;
	v23 =	vld [tilespmem:s16+$0x2260];
	v9 =	vadd.f32 v9, v20  }
0x97: {  	v7 =	vadd.f32 v7, v7;
	v11 =	vmul.f32 $1.442695020e+00, v11;
	v6 =	vsub.f32 $1.000000000e+00, v6;
	v20 =	vld [tilespmem:s16+$0x2220];
	[tilespmem:s8+$0x2250] =	vst v13  }
0x98: {  	v10 =	vsub.f32 $1.000000000e+00, v10;
	v13 =	vld [tilespmem:s16+$0x2250];
	v9 =	vadd.f32 v9, v9;
	(erf) = vpow2.f32 v12  }
0x99: {  	v14 =	vadd.f32 v14, v15;
	v12 =	vld [tilespmem:s16+$0x2200];
	v4 =	vadd.f32 v4, v16  }
0x9a: {  	v7 =	vsub.f32 $1.000000000e+00, v7;
	v15 =	vld [tilespmem:s16+$0x2280];
	(erf) = vpow2.f32 v11;
	[tilespmem:s8+$0x2230] =	vst v6;
	v6 =	vsub.f32 $1.000000000e+00, v19  }
0x9b: {  	v9 =	vmul.f32 $1.442695020e+00, v9;
	v11 =	vadd.f32 v18, v23;
	v16 =	vld [tilespmem:s16+$0x22C0];
	v4 =	vadd.f32 v4, v4;
	[tilespmem:s8+$0x2270] =	vst v10  }
0x9c: {  	v14 =	vadd.f32 v14, v14;
	v10 =	vadd.f32 v5, v20;
	v18 =	vld [tilespmem:s16+$0x2270];
	[tilespmem:s8+$0x22D0] =	vst v6  }
0x9d: {  	v6 =	vadd.f32 v8, v13;
	v8 =	vadd.f32 v11, v11;
	v5 =	vld [tilespmem:s16+$0x22D0];
	v11 =	vmul.f32 $1.442695020e+00, v4;
	[tilespmem:s8+$0x2210] =	vst v7;
	s8 =	smov.u32 s16  }
0x9e: {  	v13 =	vmul.f32 $1.442695020e+00, v14;
	v7 =	vld [tilespmem:s8+$0x2210];
	v10 =	vadd.f32 v10, v10  }
0x9f: {  	v14 =	vld [tilespmem:s8+$0x2230];
	v19 =	vadd.f32 v6, v6;
	v4 =	vmul.f32 $1.442695020e+00, v8;
	v8 =	vadd.f32 v1, v15  }
0xa0: {  	v10 =	vmul.f32 $1.442695020e+00, v10;
	v15 =	vld [tilespmem:s8+$0x230];
	v16 =	vadd.f32 v17, v16;
	(erf) = vpow2.f32 v13  }
0xa1: {  	v12 =	vadd.f32 v22, v12;
	v6 =	vadd.f32 v21, v18;
	v13 =	vld [tilespmem:s8+$0x22E0];
	v17 =	vpop (erf);
	(erf) = vpow2.f32 v11  }
.Ltmp1:
0xa2: {  	v1 =	vmul.f32 $1.442695020e+00, v19;
	v11 =	vadd.f32 v16, v16;
	(erf) = vpow2.f32 v9;
	(pc) =	sbr.rel @p0 .LBB2_5-.Ltmp1, $4  }
0xa3: {  	v12 =	vadd.f32 v12, v12;
	v16 =	vadd.f32 v8, v8;
	(erf) = vpow2.f32 v10;
	v8 =	vpop (erf)  }
0xa4: {  	v7 =	vadd.f32 v3, v7;
	v9 =	vadd.f32 $1.000000000e+00, v8;
	v18 =	vmul.f32 $1.442695020e+00, v11  }
0xa5: {  	v3 =	vadd.f32 $1.000000000e+00, v17;
	v8 =	vmul.f32 $1.442695020e+00, v12;
	v10 =	vadd.f32 v15, v14  }
0xa6: {  	v11 =	vmul.f32 $1.442695020e+00, v16;
	v0 =	vadd.f32 v0, v13;
	(erf) = vpow2.f32 v18  }
0xa7: {  	_ = 	snop  }
0xa8: {  	(erf) = vrcp.f32 v9;
	v0 =	vadd.f32 v0, v0  }
0xa9: {  	v6 =	vadd.f32 v6, v6;
	(erf) = vpow2.f32 v11  }
0xaa: {  	v9 =	vadd.f32 v10, v10;
	(erf) = vpow2.f32 v8;
	v0 =	vmul.f32 $1.442695020e+00, v0  }
0xab: {  	v2 =	vadd.f32 v2, v5;
	(erf) = vpow2.f32 v4  }
0xac: {  	v5 =	vmul.f32 $1.442695020e+00, v9;
	v4 =	vpop (erf);
	(erf) = vpow2.f32 v1  }
0xad: {  	v2 =	vadd.f32 v2, v2;
	v1 =	vmul.f32 $1.442695020e+00, v6;
	v6 =	vpop (erf);
	(erf) = vpow2.f32 v0  }
0xae: {  	v0 =	vpop (erf);
	(erf) = vpow2.f32 v5;
	v5 =	vadd.f32 v7, v7  }
0xaf: {  	v2 =	vmul.f32 $1.442695020e+00, v2;
	v7 =	vpop (erf);
	(erf) = vpow2.f32 v1  }
0xb0: {  	(erf) = vrcp.f32 v3  }
0xb1: {  	v0 =	vadd.f32 $1.000000000e+00, v0;
	v1 =	vpop (erf);
	(erf) = vpow2.f32 v2;
	v2 =	vadd.f32 $1.000000000e+00, v7  }
0xb2: {  	v3 =	vmul.f32 $1.442695020e+00, v5;
	v5 =	vpop (erf)  }
0xb3: {  	v1 =	vadd.f32 $1.000000000e+00, v1;
	(erf) = vrcp.f32 v0;
	v7 =	vpop (erf)  }
0xb4: {  	v0 =	vadd.f32 $1.000000000e+00, v6;
	(erf) = vpow2.f32 v3;
	v6 =	vpop (erf)  }
0xb5: {  	(erf) = vrcp.f32 v2;
	v3 =	vadd.f32 $1.000000000e+00, v7;
	v2 =	vpop (erf)  }
0xb6: {  	v7 =	vpop (erf);
	(erf) = vrcp.f32 v0  }
0xb7: {  	v0 =	vadd.f32 $1.000000000e+00, v4;
	v4 =	vadd.f32 $1.000000000e+00, v6;
	(erf) = vrcp.f32 v1;
	v1 =	vpop (erf)  }
0xb8: {  	v6 =	vpop (erf);
	(erf) = vrcp.f32 v3  }
0xb9: {  	v1 =	vadd.f32 $1.000000000e+00, v1;
	v3 =	vpop (erf);
	(erf) = vrcp.f32 v0;
	v0 =	vadd.f32 $1.000000000e+00, v2  }
0xba: {  	(erf) = vrcp.f32 v4;
	v2 =	vpop (erf)  }
0xbb: {  	v3 =	vadd.f32 $1.000000000e+00, v3;
	v4 =	vpop (erf);
	(erf) = vrcp.f32 v1;
	v2 =	vadd.f32 v2, v2  }
0xbc: {  	v1 =	vadd.f32 $1.000000000e+00, v4;
	(erf) = vrcp.f32 v0;
	v4 =	vadd.f32 v5, v5  }
0xbd: {  	v0 =	vpop (erf);
	(erf) = vrcp.f32 v3;
	v3 =	vadd.f32 $1.000000000e+00, v6  }
0xbe: {  	v5 =	vadd.f32 $1.000000000e+00, v7;
	v2 =	vsub.f32 $1.000000000e+00, v2;
	v7 =	vpop (erf)  }
0xbf: {  	(erf) = vrcp.f32 v1;
	v1 =	vsub.f32 $1.000000000e+00, v4;
	v0 =	vadd.f32 v0, v0;
	v6 =	vpop (erf)  }
0xc0: {  	(erf) = vrcp.f32 v5;
	v5 =	vadd.f32 $1.000000000e+00, v7;
	v4 =	vpop (erf);
	v6 =	vadd.f32 v6, v6  }
0xc1: {  	(erf) = vrcp.f32 v3;
	[tilespmem:s8+$0x2240] =	vst v1;
	v0 =	vsub.f32 $1.000000000e+00, v0;
	v3 =	vpop (erf);
	v1 =	vadd.f32 v4, v4  }
0xc2: {  	[tilespmem:s8+$0x22B0] =	vst v2;
	v7 =	vpop (erf);
	v2 =	vsub.f32 $1.000000000e+00, v6;
	v3 =	vadd.f32 v3, v3  }
0xc3: {  	[tilespmem:s8+$0x22A0] =	vst v0;
	v4 =	vpop (erf);
	v0 =	vadd.f32 v7, v7;
	v1 =	vsub.f32 $1.000000000e+00, v1  }
0xc4: {  	(erf) = vrcp.f32 v5;
	v5 =	vpop (erf);
	v3 =	vsub.f32 $1.000000000e+00, v3  }
0xc5: {  	[tilespmem:s8+$0x2220] =	vst v2;
	v2 =	vadd.f32 v4, v4;
	v6 =	vpop (erf);
	v0 =	vsub.f32 $1.000000000e+00, v0  }
0xc6: {  	v5 =	vadd.f32 v5, v5;
	v4 =	vpop (erf);
	[tilespmem:s8+$0x22C0] =	vst v3;
	v3 =	vadd.f32 v6, v6  }
0xc7: {  	[tilespmem:s8+$0x22F0] =	vst v1;
	v2 =	vsub.f32 $1.000000000e+00, v2;
	v1 =	vpop (erf)  }
0xc8: {  	v5 =	vsub.f32 $1.000000000e+00, v5;
	[tilespmem:s8+$0x2280] =	vst v0;
	v6 =	vpop (erf)  }
0xc9: {  	v4 =	vadd.f32 v4, v4;
	[tilespmem:s8+$0x2290] =	vst v2;
	v2 =	vsub.f32 $1.000000000e+00, v3;
	v0 =	vpop (erf)  }
0xca: {  	v0 =	vadd.f32 v0, v0;
	v3 =	vpop (erf)  }
0xcb: {  	[tilespmem:s8+$0x2200] =	vst v5;
	v4 =	vsub.f32 $1.000000000e+00, v4;
	v3 =	vadd.f32 v3, v3  }
0xcc: {  	v1 =	vadd.f32 v1, v1;
	[tilespmem:s8+$0x22E0] =	vst v2;
	v0 =	vsub.f32 $1.000000000e+00, v0  }
0xcd: {  	[tilespmem:s8+$0x2260] =	vst v4;
	v4 =	vadd.f32 v6, v6;
	v2 =	vpop (erf);
	v3 =	vsub.f32 $1.000000000e+00, v3  }
0xce: {  	v2 =	vadd.f32 v2, v2;
	[tilespmem:s8+$0x2250] =	vst v0;
	v0 =	vsub.f32 $1.000000000e+00, v1  }
0xcf: {  	v1 =	vsub.f32 $1.000000000e+00, v4;
	[tilespmem:s8+$0x2230] =	vst v3  }
0xd0: {  	v2 =	vsub.f32 $1.000000000e+00, v2;
	[tilespmem:s8+$0x2270] =	vst v0  }
0xd1: {  	[tilespmem:s8+$0x22D0] =	vst v1  }
0xd2: {  	p0 =	seq.s32 s6, $0x187;
	[tilespmem:s8+$0x2210] =	vst v2  }
0xd3: {  	[spmem:s1] =	stream.indirect.scatter.add.f32 [tilespmem:s19], [sflag:$0x5], $0x20, s21, s22, $0xb8;
	[tilespmem:$0x1CA00] =	vst v63  }
0xd4: {  	s8 =	sadd.s32 @!p0 s7, s14;
	_ =	swait.ge [sflag:s20], $0x1000  }
0xd5: {  	s9 =	sshll.u32 @!p0 s8, $0x4;
	[sflag:s20] =	ssyncset.done $0x0  }
0xd6: {  	s11 =	simm.s32 @!p0 $0x0;
	s16 =	sadd.s32 @!p0 s4, s9;
	[sflag:s20] =	ssyncadd.s32 $0xFFFFF000  }
0xd7: {  	[tilespmem:s11], [sflag:$0x1] =	stream.linear.gather @!p0 [hbm4b:s16+s11], $0x80, $0x38;
	[tilespmem:$0x1CA00] =	vst v63  }
0xd8: {  	s9 =	sadd.s32 @!p0 s5, s9;
	s16 =	simm.s32 @!p0 $0x100  }
0xd9: {  	[tilespmem:s16], [sflag:$0x1] =	stream.linear.gather @!p0 [hbm4b:s9+s11], $0x80, $0x38;
	[tilespmem:$0x1CA00] =	vst v63  }
0xda: {  	s9 =	simm.s32 @!p0 $0x1  }
0xdb: {  	_ =	swait.ge @!p0 [sflag:s9], $0x80  }
0xdc: {  	[sflag:s9] =	ssyncset.done @!p0 $0x0  }
0xdd: {  	[sflag:s9] =	ssyncadd.s32 @!p0 $0xFFFFFF80  }
0xde: {  	_ =	swait.ge @!p0 [sflag:s9], $0x80  }
0xdf: {  	s8 =	sshll.u32 @!p0 s8, $0x9;
	[sflag:s9] =	ssyncset.done @!p0 $0x0  }
0xe0: {  	s8 =	sadd.s32 @!p0 s10, s8;
	[sflag:s9] =	ssyncadd.s32 @!p0 $0xFFFFFF80;
	s9 =	simm.s32 @!p0 $0x200  }
0xe1: {  	[tilespmem:s9], [sflag:$0x3] =	stream.linear.gather @!p0 [hbm4b:s8+s11], $0x1000, $0x38;
	[tilespmem:$0x1CA00] =	vst v63  }
0xe2: {  	s8 =	simm.s32 @!p0 $0x80;
	s9 =	simm.s32 @!p0 $0x2200  }
0xe3: {  	[tilespmem:s9], [sflag:$0x3] =	stream.indirect.gather @!p0 [hbm4b:s12+s8], $0x20, s11, s8, $0xb8;
	[tilespmem:$0x1CA00] =	vst v63  }
0xe4: {  	_ =	swait.ge [sflag:s0], $0x1000  }
0xe5: {  	[sflag:s0] =	ssyncset.done $0x0  }
0xe6: {  	[sflag:s0] =	ssyncadd.s32 $0xFFFFF000  }
0xe7: {  	_ =	swait.ge [sflag:s0], $0x1000  }
0xe8: {  	[sflag:s0] =	ssyncset.done $0x0  }
0xe9: {  	s8 =	simm.s32 $0x0;
	[sflag:s0] =	ssyncadd.s32 $0xFFFFF000  }
0xea: {  	v0 =	vld [tilespmem:s8+$0x12F0]  }
0xeb: {  	v1 =	vld [tilespmem:s8+$0x1280]  }
0xec: {  	v2 =	vld [tilespmem:s8+$0x1220]  }
0xed: {  	v3 =	vld [tilespmem:s8+$0x12B0]  }
0xee: {  	v4 =	vld [tilespmem:s8+$0x1240]  }
0xef: {  	v5 =	vld [tilespmem:s8+$0x12A0]  }
0xf0: {  	v6 =	vld [tilespmem:s8+$0x1290]  }
0xf1: {  	v7 =	vld [tilespmem:s8+$0x1250]  }
0xf2: {  	v8 =	vld [tilespmem:s8+$0x32B0]  }
0xf3: {  	v9 =	vld [tilespmem:s8+$0x3240]  }
0xf4: {  	v10 =	vld [tilespmem:s8+$0x12C0]  }
0xf5: {  	v11 =	vld [tilespmem:s8+$0x1260]  }
0xf6: {  	v13 =	vld [tilespmem:s8+$0x32A0]  }
0xf7: {  	v14 =	vld [tilespmem:s8+$0x1270]  }
0xf8: {  	v15 =	vld [tilespmem:s8+$0x1200]  }
0xf9: {  	v17 =	vld [tilespmem:s8+$0x3220]  }
0xfa: {  	v58 =	vld [tilespmem:s8+$0x3250];
	v3 =	vadd.f32 v3, v8  }
0xfb: {  	v8 =	vld [tilespmem:s8+$0x3290];
	v4 =	vadd.f32 v4, v9  }
0xfc: {  	v9 =	vld [tilespmem:s8+$0x32F0];
	v3 =	vadd.f32 v3, v3  }
0xfd: {  	v16 =	vld [tilespmem:s8+$0x3260];
	v4 =	vadd.f32 v4, v4  }
0xfe: {  	v59 =	vld [tilespmem:s8+$0x1210];
	v3 =	vmul.f32 $1.442695020e+00, v3  }
0xff: {  	v60 =	vld [tilespmem:s8+$0x3210];
	v5 =	vadd.f32 v5, v13;
	v2 =	vadd.f32 v2, v17;
	v4 =	vmul.f32 $1.442695020e+00, v4  }
0x100: {  	v7 =	vadd.f32 v7, v58;
	v6 =	vadd.f32 v6, v8;
	v8 =	vld [tilespmem:s8+$0x3280];
	(erf) = vpow2.f32 v3  }
0x101: {  	v5 =	vadd.f32 v5, v5;
	v0 =	vadd.f32 v0, v9;
	v9 =	vld [tilespmem:s8+$0x32C0];
	(erf) = vpow2.f32 v4  }
0x102: {  	v2 =	vadd.f32 v2, v2;
	v3 =	vld [tilespmem:s8+$0x3200];
	v6 =	vadd.f32 v6, v6  }
0x103: {  	v5 =	vmul.f32 $1.442695020e+00, v5;
	v4 =	vadd.f32 v11, v16;
	v0 =	vadd.f32 v0, v0;
	v11 =	vld [tilespmem:s8+$0x3270]  }
0x104: {  	v61 =	vld [tilespmem:s8+$0x3230];
	v7 =	vadd.f32 v7, v7;
	v2 =	vmul.f32 $1.442695020e+00, v2;
	v6 =	vmul.f32 $1.442695020e+00, v6  }
0x105: {  	v18 =	vld [tilespmem:s8+$0x1230];
	v4 =	vadd.f32 v4, v4;
	v0 =	vmul.f32 $1.442695020e+00, v0;
	v8 =	vadd.f32 v1, v8  }
0x106: {  	v12 =	vld [tilespmem:s8+$0x12E0];
	v9 =	vadd.f32 v10, v9;
	v1 =	vmul.f32 $1.442695020e+00, v7;
	(erf) = vpow2.f32 v6  }
0x107: {  	v62 =	vld [tilespmem:s8+$0x32E0];
	v7 =	vadd.f32 v59, v60;
	v3 =	vadd.f32 v15, v3;
	(erf) = vpow2.f32 v0  }
0x108: {  	v6 =	vadd.f32 v14, v11;
	v10 =	vadd.f32 v9, v9;
	(erf) = vpow2.f32 v5  }
0x109: {  	v11 =	vadd.f32 v8, v8;
	v3 =	vadd.f32 v3, v3;
	v0 =	vpop (erf);
	(erf) = vpow2.f32 v2  }
0x10a: {  	v4 =	vmul.f32 $1.442695020e+00, v4;
	v5 =	vld [tilespmem:s8+$0x32D0];
	v63 =	vmul.f32 $1.442695020e+00, v10;
	v10 =	vadd.f32 v18, v61;
	v2 =	vpop (erf)  }
0x10b: {  	v11 =	vmul.f32 $1.442695020e+00, v11;
	v8 =	vmul.f32 $1.442695020e+00, v3;
	v9 =	vadd.f32 $1.000000000e+00, v2;
	v2 =	vld [tilespmem:s8+$0x12D0]  }
0x10c: {  	s9 =	simm.s32 $0x400;
	v3 =	vadd.f32 $1.000000000e+00, v0;
	v0 =	vadd.f32 v12, v62;
	(erf) = vpow2.f32 v63  }
.LBB2_7:
0x10d: {  	p1 =	sne.s32 s9, $0x3C00;
	v10 =	vadd.f32 v10, v10;
	v6 =	vadd.f32 v6, v6;
	(erf) = vrcp.f32 v9;
	s11 =	smov.u32 s9;
	s9 =	sadd.s32 $0x400, s9  }
0x10e: {  	v7 =	vadd.f32 v7, v7;
	v0 =	vadd.f32 v0, v0;
	(erf) = vpow2.f32 v11  }
0x10f: {  	v6 =	vmul.f32 $1.442695020e+00, v6;
	(erf) = vpow2.f32 v8;
	v8 =	vpop (erf)  }
0x110: {  	v2 =	vadd.f32 v2, v5;
	v0 =	vmul.f32 $1.442695020e+00, v0;
	(erf) = vpow2.f32 v4;
	v4 =	vpop (erf)  }
0x111: {  	v5 =	vmul.f32 $1.442695020e+00, v10;
	v8 =	vadd.f32 $1.000000000e+00, v8;
	(erf) = vpow2.f32 v1;
	v1 =	vpop (erf)  }
0x112: {  	v2 =	vadd.f32 v2, v2;
	v1 =	vadd.f32 $1.000000000e+00, v1;
	v9 =	vpop (erf);
	(erf) = vpow2.f32 v0  }
0x113: {  	v0 =	vmul.f32 $1.442695020e+00, v7;
	v7 =	vadd.f32 $1.000000000e+00, v9;
	(erf) = vpow2.f32 v5  }
0x114: {  	v2 =	vmul.f32 $1.442695020e+00, v2;
	(erf) = vpow2.f32 v6  }
0x115: {  	(erf) = vrcp.f32 v3;
	v3 =	vpop (erf)  }
0x116: {  	v3 =	vadd.f32 $1.000000000e+00, v3;
	v5 =	vpop (erf);
	(erf) = vpow2.f32 v2  }
0x117: {  	v2 =	vadd.f32 $1.000000000e+00, v4;
	v4 =	vpop (erf);
	(erf) = vrcp.f32 v1  }
0x118: {  	v1 =	vadd.f32 $1.000000000e+00, v4;
	v4 =	vpop (erf);
	(erf) = vpow2.f32 v0  }
0x119: {  	(erf) = vrcp.f32 v7;
	v0 =	vpop (erf)  }
0x11a: {  	v6 =	vadd.f32 $1.000000000e+00, v4;
	v7 =	vadd.f32 $1.000000000e+00, v0;
	v9 =	vpop (erf);
	(erf) = vrcp.f32 v2  }
0x11b: {  	s16 =	sshra.s32 s11, $0x2;
	(erf) = vrcp.f32 v3;
	v0 =	vpop (erf)  }
0x11c: {  	v4 =	vld [tilespmem:s16+$0x12F0];
	v2 =	vadd.f32 $1.000000000e+00, v0;
	v0 =	vpop (erf);
	(erf) = vrcp.f32 v1  }
0x11d: {  	v10 =	vadd.f32 v5, v5;
	v1 =	vld [tilespmem:s16+$0x1280];
	v3 =	vadd.f32 $1.000000000e+00, v0;
	v5 =	vpop (erf);
	(erf) = vrcp.f32 v8  }
0x11e: {  	v8 =	vadd.f32 $1.000000000e+00, v9;
	v0 =	vld [tilespmem:s16+$0x12E0];
	v9 =	vadd.f32 $1.000000000e+00, v5;
	(erf) = vrcp.f32 v6;
	v6 =	vpop (erf)  }
0x11f: {  	v14 =	vsub.f32 $1.000000000e+00, v10;
	v5 =	vld [tilespmem:s16+$0x1220];
	v6 =	vadd.f32 v6, v6;
	v11 =	vpop (erf);
	(erf) = vrcp.f32 v2  }
0x120: {  	v12 =	vld [tilespmem:s16+$0x12B0];
	v2 =	vadd.f32 $1.000000000e+00, v11;
	(erf) = vrcp.f32 v7;
	v7 =	vpop (erf)  }
0x121: {  	v11 =	vld [tilespmem:s16+$0x1240];
	[tilespmem:s8+$0x3240] =	vst v14;
	v7 =	vadd.f32 v7, v7;
	v15 =	vsub.f32 $1.000000000e+00, v6;
	v10 =	vpop (erf);
	(erf) = vrcp.f32 v9  }
0x122: {  	v9 =	vld [tilespmem:s16+$0x12A0];
	v16 =	vadd.f32 $1.000000000e+00, v10;
	v13 =	vpop (erf);
	(erf) = vrcp.f32 v2  }
0x123: {  	v14 =	vld [tilespmem:s16+$0x1290];
	v2 =	vadd.f32 v13, v13;
	v7 =	vsub.f32 $1.000000000e+00, v7;
	[tilespmem:s8+$0x32B0] =	vst v15;
	(erf) = vrcp.f32 v8;
	v6 =	vpop (erf)  }
0x124: {  	v8 =	vld [tilespmem:s16+$0x1250];
	v6 =	vadd.f32 v6, v6;
	(erf) = vrcp.f32 v3;
	v13 =	vpop (erf)  }
0x125: {  	v3 =	vld [tilespmem:s16+$0x1210];
	v2 =	vsub.f32 $1.000000000e+00, v2;
	[tilespmem:s8+$0x32A0] =	vst v7;
	v7 =	vadd.f32 v13, v13;
	(erf) = vrcp.f32 v16;
	v10 =	vpop (erf)  }
0x126: {  	v13 =	vld [tilespmem:s16+$0x32B0];
	v10 =	vadd.f32 v10, v10;
	v18 =	vsub.f32 $1.000000000e+00, v6;
	v15 =	vpop (erf)  }
0x127: {  	v16 =	vld [tilespmem:s16+$0x3240];
	[tilespmem:s8+$0x3220] =	vst v2;
	v2 =	vadd.f32 v15, v15;
	v20 =	vsub.f32 $1.000000000e+00, v7;
	v15 =	vpop (erf)  }
0x128: {  	v17 =	vld [tilespmem:s16+$0x12C0];
	v15 =	vadd.f32 v15, v15;
	v21 =	vsub.f32 $1.000000000e+00, v10;
	[tilespmem:s8+$0x32F0] =	vst v18;
	v6 =	vpop (erf)  }
0x129: {  	v18 =	vld [tilespmem:s16+$0x1260];
	v22 =	vsub.f32 $1.000000000e+00, v2;
	[tilespmem:s8+$0x32C0] =	vst v20;
	v6 =	vadd.f32 v6, v6;
	v7 =	vpop (erf)  }
0x12a: {  	v2 =	vld [tilespmem:s16+$0x12D0];
	v15 =	vsub.f32 $1.000000000e+00, v15;
	v7 =	vadd.f32 v7, v7;
	[tilespmem:s8+$0x3280] =	vst v21;
	v10 =	vpop (erf)  }
0x12b: {  	v20 =	vld [tilespmem:s16+$0x32A0];
	v10 =	vadd.f32 v10, v10;
	[tilespmem:s8+$0x3290] =	vst v22;
	v22 =	vsub.f32 $1.000000000e+00, v6;
	v19 =	vpop (erf)  }
0x12c: {  	v12 =	vadd.f32 v12, v13;
	v21 =	vld [tilespmem:s16+$0x1270];
	[tilespmem:s8+$0x3200] =	vst v15;
	v23 =	vsub.f32 $1.000000000e+00, v7;
	v13 =	vpop (erf)  }
0x12d: {  	v11 =	vadd.f32 v11, v16;
	v15 =	vld [tilespmem:s16+$0x3290];
	v13 =	vadd.f32 v13, v13;
	[tilespmem:s8+$0x32E0] =	vst v22;
	v6 =	vpop (erf)  }
0x12e: {  	v12 =	vadd.f32 v12, v12;
	v16 =	vld [tilespmem:s16+$0x32F0];
	v6 =	vadd.f32 v6, v6;
	[tilespmem:s8+$0x3260] =	vst v23;
	v7 =	vpop (erf)  }
0x12f: {  	v11 =	vadd.f32 v11, v11;
	v22 =	vld [tilespmem:s16+$0x1200];
	v13 =	vsub.f32 $1.000000000e+00, v13  }
0x130: {  	v19 =	vadd.f32 v19, v19;
	v12 =	vmul.f32 $1.442695020e+00, v12;
	v23 =	vld [tilespmem:s16+$0x3260];
	v9 =	vadd.f32 v9, v20  }
0x131: {  	v7 =	vadd.f32 v7, v7;
	v11 =	vmul.f32 $1.442695020e+00, v11;
	v6 =	vsub.f32 $1.000000000e+00, v6;
	v20 =	vld [tilespmem:s16+$0x3220];
	[tilespmem:s8+$0x3250] =	vst v13  }
0x132: {  	v10 =	vsub.f32 $1.000000000e+00, v10;
	v13 =	vld [tilespmem:s16+$0x3250];
	v9 =	vadd.f32 v9, v9;
	(erf) = vpow2.f32 v12  }
0x133: {  	v14 =	vadd.f32 v14, v15;
	v12 =	vld [tilespmem:s16+$0x3200];
	v4 =	vadd.f32 v4, v16  }
0x134: {  	v7 =	vsub.f32 $1.000000000e+00, v7;
	v15 =	vld [tilespmem:s16+$0x3280];
	(erf) = vpow2.f32 v11;
	[tilespmem:s8+$0x3230] =	vst v6;
	v6 =	vsub.f32 $1.000000000e+00, v19  }
0x135: {  	v9 =	vmul.f32 $1.442695020e+00, v9;
	v11 =	vadd.f32 v18, v23;
	v16 =	vld [tilespmem:s16+$0x32C0];
	v4 =	vadd.f32 v4, v4;
	[tilespmem:s8+$0x3270] =	vst v10  }
0x136: {  	v14 =	vadd.f32 v14, v14;
	v10 =	vadd.f32 v5, v20;
	v18 =	vld [tilespmem:s16+$0x3270];
	[tilespmem:s8+$0x32D0] =	vst v6  }
0x137: {  	v6 =	vadd.f32 v8, v13;
	v8 =	vadd.f32 v11, v11;
	v5 =	vld [tilespmem:s16+$0x32D0];
	v11 =	vmul.f32 $1.442695020e+00, v4;
	[tilespmem:s8+$0x3210] =	vst v7;
	s8 =	smov.u32 s16  }
0x138: {  	v13 =	vmul.f32 $1.442695020e+00, v14;
	v7 =	vld [tilespmem:s8+$0x3210];
	v10 =	vadd.f32 v10, v10  }
0x139: {  	v14 =	vld [tilespmem:s8+$0x3230];
	v19 =	vadd.f32 v6, v6;
	v4 =	vmul.f32 $1.442695020e+00, v8;
	v8 =	vadd.f32 v1, v15  }
0x13a: {  	v10 =	vmul.f32 $1.442695020e+00, v10;
	v15 =	vld [tilespmem:s8+$0x1230];
	v16 =	vadd.f32 v17, v16;
	(erf) = vpow2.f32 v13  }
0x13b: {  	v12 =	vadd.f32 v22, v12;
	v6 =	vadd.f32 v21, v18;
	v13 =	vld [tilespmem:s8+$0x32E0];
	v17 =	vpop (erf);
	(erf) = vpow2.f32 v11  }
.Ltmp2:
0x13c: {  	v1 =	vmul.f32 $1.442695020e+00, v19;
	v11 =	vadd.f32 v16, v16;
	(erf) = vpow2.f32 v9;
	(pc) =	sbr.rel @p1 .LBB2_7-.Ltmp2, $4  }
0x13d: {  	v12 =	vadd.f32 v12, v12;
	v16 =	vadd.f32 v8, v8;
	(erf) = vpow2.f32 v10;
	v8 =	vpop (erf)  }
0x13e: {  	v7 =	vadd.f32 v3, v7;
	v9 =	vadd.f32 $1.000000000e+00, v8;
	v18 =	vmul.f32 $1.442695020e+00, v11  }
0x13f: {  	v3 =	vadd.f32 $1.000000000e+00, v17;
	v8 =	vmul.f32 $1.442695020e+00, v12;
	v10 =	vadd.f32 v15, v14  }
0x140: {  	v11 =	vmul.f32 $1.442695020e+00, v16;
	v0 =	vadd.f32 v0, v13;
	(erf) = vpow2.f32 v18  }
0x141: {  	(erf) = vrcp.f32 v9  }
0x142: {  	v0 =	vadd.f32 v0, v0;
	(erf) = vpow2.f32 v11  }
0x143: {  	v62 =	vadd.f32 v10, v10;
	v6 =	vadd.f32 v6, v6;
	(erf) = vpow2.f32 v8  }
0x144: {  	v2 =	vadd.f32 v2, v5;
	v0 =	vmul.f32 $1.442695020e+00, v0;
	(erf) = vpow2.f32 v4  }
0x145: {  	v63 =	vpop (erf);
	v10 =	vmul.f32 $1.442695020e+00, v62;
	(erf) = vpow2.f32 v1  }
0x146: {  	v11 =	vmul.f32 $1.442695020e+00, v6;
	v2 =	vadd.f32 v2, v2;
	v12 =	vpop (erf);
	(erf) = vpow2.f32 v0  }
0x147: {  	v13 =	vpop (erf);
	(erf) = vpow2.f32 v10  }
0x148: {  	v14 =	vadd.f32 v7, v7;
	v2 =	vmul.f32 $1.442695020e+00, v2;
	v15 =	vpop (erf);
	(erf) = vpow2.f32 v11  }
0x149: {  	v0 =	vadd.f32 $1.000000000e+00, v13;
	(erf) = vrcp.f32 v3;
	v16 =	vpop (erf)  }
0x14a: {  	v17 =	vmul.f32 $1.442695020e+00, v14;
	v18 =	vpop (erf);
	(erf) = vpow2.f32 v2  }
0x14b: {  	v19 =	vadd.f32 $1.000000000e+00, v15;
	v20 =	vpop (erf);
	(erf) = vrcp.f32 v0  }
0x14c: {  	v21 =	vadd.f32 $1.000000000e+00, v12;
	v22 =	vpop (erf);
	(erf) = vpow2.f32 v17  }
0x14d: {  	v1 =	vadd.f32 $1.000000000e+00, v16;
	(erf) = vrcp.f32 v19;
	v23 =	vpop (erf)  }
0x14e: {  	v24 =	vadd.f32 $1.000000000e+00, v20;
	v25 =	vpop (erf);
	(erf) = vrcp.f32 v21  }
0x14f: {  	v26 =	vadd.f32 $1.000000000e+00, v63;
	(erf) = vrcp.f32 v1;
	v27 =	vpop (erf)  }
0x150: {  	v28 =	vadd.f32 $1.000000000e+00, v22;
	v29 =	vpop (erf);
	(erf) = vrcp.f32 v24  }
0x151: {  	v36 =	vadd.f32 v18, v18;
	v1 =	vadd.f32 $1.000000000e+00, v27;
	v30 =	vpop (erf);
	(erf) = vrcp.f32 v26  }
0x152: {  	v31 =	vadd.f32 $1.000000000e+00, v23;
	(erf) = vrcp.f32 v28;
	v32 =	vpop (erf)  }
0x153: {  	v41 =	vsub.f32 $1.000000000e+00, v36;
	v3 =	vadd.f32 $1.000000000e+00, v30;
	v33 =	vpop (erf);
	(erf) = vrcp.f32 v1  }
0x154: {  	v2 =	vadd.f32 v32, v32;
	v34 =	vadd.f32 $1.000000000e+00, v33;
	(erf) = vrcp.f32 v31;
	v35 =	vpop (erf)  }
0x155: {  	v37 =	vadd.f32 $1.000000000e+00, v25;
	v39 =	vadd.f32 $1.000000000e+00, v29;
	v38 =	vpop (erf);
	(erf) = vrcp.f32 v3  }
0x156: {  	v0 =	vadd.f32 v35, v35;
	v2 =	vsub.f32 $1.000000000e+00, v2;
	v40 =	vpop (erf);
	(erf) = vrcp.f32 v34  }
0x157: {  	v44 =	vadd.f32 $1.000000000e+00, v38;
	(erf) = vrcp.f32 v37;
	v42 =	vpop (erf);
	v6 =	vadd.f32 v40, v40  }
0x158: {  	[tilespmem:s8+$0x3240] =	vst v41;
	v0 =	vsub.f32 $1.000000000e+00, v0;
	(erf) = vrcp.f32 v39;
	v43 =	vpop (erf);
	v46 =	vadd.f32 v42, v42  }
0x159: {  	[tilespmem:s8+$0x32B0] =	vst v2;
	v45 =	vpop (erf);
	v48 =	vsub.f32 $1.000000000e+00, v6;
	v3 =	vadd.f32 v43, v43;
	(erf) = vrcp.f32 v44  }
0x15a: {  	[tilespmem:s8+$0x32A0] =	vst v0;
	v47 =	vpop (erf);
	v50 =	vadd.f32 v45, v45;
	v1 =	vsub.f32 $1.000000000e+00, v46  }
0x15b: {  	v49 =	vpop (erf);
	[tilespmem:s8+$0x3220] =	vst v48;
	v52 =	vadd.f32 v47, v47;
	v3 =	vsub.f32 $1.000000000e+00, v3  }
0x15c: {  	v51 =	vpop (erf);
	v5 =	vadd.f32 v49, v49;
	v0 =	vsub.f32 $1.000000000e+00, v50;
	[tilespmem:s8+$0x32F0] =	vst v1  }
0x15d: {  	v53 =	vpop (erf);
	v2 =	vsub.f32 $1.000000000e+00, v52;
	[tilespmem:s8+$0x32C0] =	vst v3;
	v55 =	vadd.f32 v51, v51  }
0x15e: {  	v54 =	vpop (erf);
	v5 =	vsub.f32 $1.000000000e+00, v5;
	v4 =	vadd.f32 v53, v53;
	[tilespmem:s8+$0x3280] =	vst v0  }
0x15f: {  	v56 =	vpop (erf);
	[tilespmem:s8+$0x3290] =	vst v2;
	v58 =	vsub.f32 $1.000000000e+00, v55;
	v1 =	vadd.f32 v54, v54  }
0x160: {  	v57 =	vpop (erf);
	[tilespmem:s8+$0x3200] =	vst v5;
	v4 =	vsub.f32 $1.000000000e+00, v4;
	v61 =	vadd.f32 v56, v56  }
0x161: {  	v0 =	vadd.f32 v57, v57;
	v59 =	vpop (erf);
	[tilespmem:s8+$0x32E0] =	vst v58;
	v62 =	vsub.f32 $1.000000000e+00, v1  }
0x162: {  	v3 =	vadd.f32 v59, v59;
	[tilespmem:s8+$0x3260] =	vst v4;
	v60 =	vpop (erf);
	v63 =	vsub.f32 $1.000000000e+00, v61  }
0x163: {  	v0 =	vsub.f32 $1.000000000e+00, v0;
	v2 =	vadd.f32 v60, v60;
	[tilespmem:s8+$0x3270] =	vst v62  }
0x164: {  	v3 =	vsub.f32 $1.000000000e+00, v3;
	[tilespmem:s8+$0x32D0] =	vst v63  }
0x165: {  	[tilespmem:s8+$0x3250] =	vst v0;
	v2 =	vsub.f32 $1.000000000e+00, v2  }
0x166: {  	[tilespmem:s8+$0x3230] =	vst v3  }
.Ltmp3:
0x167: {  	[tilespmem:s8+$0x3210] =	vst v2;
	(pc) =	sbr.rel @p0 .LBB2_10-.Ltmp3, $4  }
0x168: {  	[spmem:s1] =	stream.indirect.scatter.add.f32 [tilespmem:s30], [sflag:$0x5], $0x20, s23, s22, $0xb8;
	[tilespmem:$0x1CA00] =	vst v63  }
0x169: {  	_ =	swait.ge [sflag:s20], $0x1000  }
0x16a: {  	[sflag:s20] =	ssyncset.done $0x0  }
0x16b: {  	[sflag:s20] =	ssyncadd.s32 $0xFFFFF000  }
0x16c: {  	s7 =	sadd.s32 s7, s15  }
.Ltmp4:
0x16d: {  	s7 =	sshll.u32 s7, $0x4;
	(pc) =	sbr.rel .LBB2_4-.Ltmp4, $4  }
0x16e: {  	s8 =	sadd.s32 s4, s7  }
0x16f: {  	[tilespmem:s22], [sflag:$0x2] =	stream.linear.gather [hbm4b:s8+s2], $0x80, $0x38;
	[tilespmem:$0x1CA00] =	vst v63  }
0x170: {  	s6 =	sadd.s32 $0x1, s6;
	s7 =	sadd.s32 s5, s7  }
0x171: {  	[tilespmem:s23], [sflag:$0x2] =	stream.linear.gather [hbm4b:s7+s2], $0x80, $0x38;
	[tilespmem:$0x1CA00] =	vst v63  }
.LBB2_10:
0x172: {  	[bflag:$0x0] =	sbarrier.arrive $0xFFFF  }
0x173: {  	[tilespmem:s19], [sflag:$0x5] =	stream.linear.gather [spmem:s18], $0xE00, $0x38;
	[tilespmem:$0x1CA00] =	vst v63  }
0x174: {  	_ =	swait.ge [sflag:s20], $0xE00  }
0x175: {  	[sflag:s20] =	ssyncset.done $0x0  }
0x176: {  	s6 =	sadd.s32 $0x0, s24;
	[sflag:s20] =	ssyncadd.s32 $0xFFFFF200  }
0x177: {  	[hbm4b:s6+s2] =	stream.linear.scatter [tilespmem:s19], [sflag:$0x5], $0xE00, $0x38;
	[tilespmem:$0x1CA00] =	vst v63  }
0x178: {  	_ =	swait.ge [sflag:s20], $0xE00  }
0x179: {  	s7 =	smov.u32 s18;
	s6 =	simm.s32 $0x1C0;
	[sflag:s20] =	ssyncset.done $0x0  }
.LBB2_11:
0x17a: {  	p0 =	sne.s32 s6, $0x2F40;
	[sflag:s20] =	ssyncadd.s32 $0xFFFFF200;
	s7 =	sadd.s32 $0xE00, s7  }
0x17b: {  	[tilespmem:s19], [sflag:$0x5] =	stream.linear.gather [spmem:s7], $0xE00, $0x38;
	[tilespmem:$0x1CA00] =	vst v63  }
0x17c: {  	s8 =	smov.u32 s6;
	s6 =	sadd.s32 $0x1C0, s6;
	_ =	swait.ge [sflag:s20], $0xE00  }
.Ltmp5:
0x17d: {  	[sflag:s20] =	ssyncset.done $0x0;
	(pc) =	sbr.rel @p0 .LBB2_11-.Ltmp5, $4  }
0x17e: {  	s8 =	sadd.s32 s8, s24;
	[sflag:s20] =	ssyncadd.s32 $0xFFFFF200  }
0x17f: {  	[hbm4b:s8+s2] =	stream.linear.scatter [tilespmem:s19], [sflag:$0x5], $0xE00, $0x38;
	[tilespmem:$0x1CA00] =	vst v63  }
0x180: {  	_ =	swait.ge [sflag:s20], $0xE00  }
0x181: {  	[sflag:s20] =	ssyncset.done $0x0  }
0x182: {  	s3 =	sadd.s32 $0x1, s3;
	s6 =	rddreg [dreg:$0x8]  }
0x183: {  	p0 =	sne.s32 s3, s6  }
.Ltmp6:
0x184: {  	_ = 	snop;
	(pc) =	sbr.rel @p0 .LBB2_1-.Ltmp6, $2  }
0x185: {  	_ =	sdelay $0x2  }
0x186: {  	[sflag:s20] =	ssyncadd.s32 $0xFFFFF200  }
0x187: {  	_ =	sfence.sel $0x180000  }
0x188: {  	[bflag:$0x0] =	sbarrier.arrive $0xFFFF  }
0x189: {  	_ =	strace $0x90000047  }
0x18a: {  	s0 =	stileid.u32;
	[bflag:$0x2] =	sbarrier.arrive $0xFFFF  }
0x18b: {  	p0 =	sne.s32 s0, $0x0;
	s0 =	rddreg [dreg:$0x2]  }
0x18c: {  	s0 =	sadd.s32 @!p0 $0x100000, s0  }
0x18d: {  	[sflag:s0] =	ssyncadd.tile.s32 @!p0 $0x1;
	_ =	shalt  }
.Lfunc_end2:
_tile_overlayer_lowered:
.L_overlay_start_2:
0x18e: {  	(tag) =	ssettag $0x2  }
0x18f: {  	s0 =	rddreg [dreg:$0x0];
	s2 =	stileid.u32  }
0x190: {  	s1 =	rddreg [dreg:$0x1];
	p0 =	sne.s32 s2, $0x0  }
0x191: {  	s3 =	rddreg [dreg:$0x2];
	[bflag:$0x3] =	sbarrier.arrive $0xFFFF;
	s2 =	simm.s32 @!p0 $0x1C05  }
0x192: {  	[timem:s3], [sflag:s2] =	dma.local @!p0 [hbm:s0], s1  }
0x193: {  	s0 =	simm.s32 @!p0 $0x5  }
0x194: {  	_ =	swait.ge @!p0 [sflag:s0], s1  }
0x195: {  	s1 =	ssub.s32 @!p0 $0x0, s1;
	[sflag:s0] =	ssyncset.done @!p0 $0x0  }
0x196: {  	[sflag:s0] =	ssyncadd.s32 @!p0 s1  }
0x197: {  	[bflag:$0x3] =	sbarrier.arrive $0xFFFF  }
0x198: {  	_ =	shalt  }

</sc_bundles>
